<compile_context>
chip_gen: v7x
topology: tpu7x:2x2x1
jax: 0.10.2.dev20260603
libtpu: 0.0.44.dev20260713+nightly
codegen_flags: <defaults>
</compile_context>

<pallas_src>
import functools

import jax
import jax.numpy as jnp
from jax import lax
from jax.experimental import pallas as pl
from jax.experimental.pallas import tpu as pltpu
from jax.experimental.pallas import tpu_sc as plsc

N = 10000
E = 320000
D = 128
ED = 16
HID = 128

NC = 2
NS = 16
NW = NC * NS
EPT = E // NW
BE = 80
NB = EPT // BE
ROWW = 152
NPAD = 10240
RPT = NPAD // NS
INV_SQRT = float(1.0 / (HID ** 0.5))

_mesh = plsc.VectorSubcoreMesh(
    core_axis_name="c", subcore_axis_name="s", num_cores=NC, num_subcores=NS)


BN = 2000
BEB = 4000


def _proj_tail(h, Wq, bq, Wk, bk, Wv, bv, We, Ws, bs, q_o, k_o, v_o, qe_o, s_o):
    q = jnp.dot(h, Wq[...], preferred_element_type=jnp.float32) + bq[...]
    q_o[...] = q
    k_o[...] = jnp.dot(h, Wk[...], preferred_element_type=jnp.float32) + bk[...]
    v_o[...] = jnp.dot(h, Wv[...], preferred_element_type=jnp.float32) + bv[...]
    qe_o[...] = lax.dot_general(q, We[...], (((1,), (1,)), ((), ())),
                                preferred_element_type=jnp.float32)
    s_o[...] = jnp.dot(h, Ws[...], preferred_element_type=jnp.float32) + bs[...]


def _enc_proj_body(x, encW, encb, Wq, bq, Wk, bk, Wv, bv, We, Ws, bs,
                   q_o, k_o, v_o, qe_o, s_o):
    h = jnp.maximum(
        jnp.dot(x[...], encW[...], preferred_element_type=jnp.float32) + encb[...],
        0.0)
    _proj_tail(h, Wq, bq, Wk, bk, Wv, bv, We, Ws, bs, q_o, k_o, v_o, qe_o, s_o)


def _combine_h(p0, p1, Wep, sout):
    accv = p0[:, :HID] + p1[:, :HID]
    accz = p0[:, HID:HID + ED] + p1[:, HID:HID + ED]
    den = p0[:, HID + ED:HID + ED + 1] + p1[:, HID + ED:HID + ED + 1] + 1e-16
    zw = jnp.dot(accz, Wep[...], preferred_element_type=jnp.float32)
    return (accv + zw) / den + sout[...]


def _mid_proj_body(p0, p1, Wep, sout, Wq, bq, Wk, bk, Wv, bv, We, Ws, bs,
                   q_o, k_o, v_o, qe_o, s_o):
    h = _combine_h(p0[...], p1[...], Wep, sout)
    _proj_tail(h, Wq, bq, Wk, bk, Wv, bv, We, Ws, bs, q_o, k_o, v_o, qe_o, s_o)


def _fin_proj_body(p0, p1, Wep, sout, A, B, qb1, hA_o, hB_o):
    h = _combine_h(p0[...], p1[...], Wep, sout)
    hA_o[...] = jnp.dot(h, A[...], preferred_element_type=jnp.float32)
    hB_o[...] = jnp.dot(h, B[...], preferred_element_type=jnp.float32) + qb1[...]


def _cf_body(ef, C, cf_o):
    cf_o[...] = jnp.dot(ef[...], C[...], preferred_element_type=jnp.float32)


def _w_spec(shape):
    return pl.BlockSpec(shape, lambda i: tuple(0 for _ in shape))


def _row_spec(bn, w):
    return pl.BlockSpec((bn, w), lambda i: (i, 0))


_LAYER_W_SPECS = [
    _w_spec((HID, HID)), _w_spec((HID,)),
    _w_spec((HID, HID)), _w_spec((HID,)),
    _w_spec((HID, HID)), _w_spec((HID,)),
    _w_spec((ED, HID)),
    _w_spec((HID, HID)), _w_spec((HID,)),
]

_PROJ_OUT = (
    [jax.ShapeDtypeStruct((N, HID), jnp.float32)] * 3
    + [jax.ShapeDtypeStruct((N, ED), jnp.float32)]
    + [jax.ShapeDtypeStruct((N, HID), jnp.float32)]
)

_PROJ_OUT_SPECS = [
    _row_spec(BN, HID), _row_spec(BN, HID), _row_spec(BN, HID),
    _row_spec(BN, ED), _row_spec(BN, HID),
]

_enc_proj = pl.pallas_call(
    _enc_proj_body,
    grid=(N // BN,),
    in_specs=[_row_spec(BN, D), _w_spec((D, HID)), _w_spec((HID,))] + _LAYER_W_SPECS,
    out_specs=_PROJ_OUT_SPECS,
    out_shape=_PROJ_OUT,
)

_mid_proj = pl.pallas_call(
    _mid_proj_body,
    grid=(N // BN,),
    in_specs=[_row_spec(BN, ROWW), _row_spec(BN, ROWW), _w_spec((ED, HID)),
              _row_spec(BN, HID)] + _LAYER_W_SPECS,
    out_specs=_PROJ_OUT_SPECS,
    out_shape=_PROJ_OUT,
)

_fin_proj = pl.pallas_call(
    _fin_proj_body,
    grid=(N // BN,),
    in_specs=[_row_spec(BN, ROWW), _row_spec(BN, ROWW), _w_spec((ED, HID)),
              _row_spec(BN, HID), _w_spec((HID, HID)), _w_spec((HID, HID)),
              _w_spec((HID,))],
    out_specs=[_row_spec(BN, HID), _row_spec(BN, HID)],
    out_shape=[jax.ShapeDtypeStruct((N, HID), jnp.float32)] * 2,
)

_cf_proj = pl.pallas_call(
    _cf_body,
    grid=(E // BEB,),
    in_specs=[_row_spec(BEB, ED), _w_spec((ED, HID))],
    out_specs=_row_spec(BEB, HID),
    out_shape=jax.ShapeDtypeStruct((E, HID), jnp.float32),
)



@functools.partial(
    pl.kernel,
    out_type=jax.ShapeDtypeStruct((E,), jnp.float32),
    mesh=_mesh,
    compiler_params=pltpu.CompilerParams(use_tc_tiling_on_sc=False, needs_layout_passes=False),
    scratch_types=[
        pltpu.VMEM((BE,), jnp.int32),
        pltpu.VMEM((BE,), jnp.int32),
        pltpu.VMEM((BE, HID), jnp.float32),
        pltpu.VMEM((BE, HID), jnp.float32),
        pltpu.VMEM((BE, ED), jnp.float32),
        pltpu.VMEM((BE, ED), jnp.float32),
        pltpu.VMEM((BE,), jnp.float32),
        pltpu.SemaphoreType.DMA,
        pltpu.SemaphoreType.DMA,
        pltpu.SemaphoreType.DMA,
    ],
)
def _sc_alpha(q_hbm, k_hbm, qe_hbm, src_hbm, dst_hbm, ef_hbm, ex_hbm,
              srcv, dstv, qrows, krows, qerows, efrows, exv,
              sem_q, sem_k, sem_qe):
    c = lax.axis_index("c")
    s = lax.axis_index("s")
    wid = c * NS + s
    base0 = wid * EPT

    def _block(b, carry):
        base = base0 + b * BE
        pltpu.sync_copy(src_hbm.at[pl.ds(base, BE)], srcv)
        pltpu.sync_copy(dst_hbm.at[pl.ds(base, BE)], dstv)
        cq = pltpu.async_copy(q_hbm.at[dstv], qrows, sem_q)
        ck = pltpu.async_copy(k_hbm.at[srcv], krows, sem_k)
        ce = pltpu.async_copy(qe_hbm.at[dstv], qerows, sem_qe)
        pltpu.sync_copy(ef_hbm.at[pl.ds(base, BE)], efrows)
        cq.wait()
        ck.wait()
        ce.wait()

        def _group(g, carry2):
            rows = g * 16 + lax.iota(jnp.int32, 16)

            def _dchunk(t, al):
                for u in range(8):
                    dcol = jnp.full((16,), t * 8 + u, jnp.int32)
                    al = al + (plsc.load_gather(qrows, [rows, dcol])
                               * plsc.load_gather(krows, [rows, dcol]))
                return al
            al = lax.fori_loop(0, HID // 8, _dchunk, jnp.zeros((16,), jnp.float32))
            for d in range(ED):
                dcol = jnp.full((16,), d, jnp.int32)
                al = al + (plsc.load_gather(qerows, [rows, dcol])
                           * plsc.load_gather(efrows, [rows, dcol]))
            exv[pl.ds(g * 16, 16)] = jnp.exp(al * INV_SQRT)
            return carry2
        lax.fori_loop(0, BE // 16, _group, 0)

        pltpu.sync_copy(exv, ex_hbm.at[pl.ds(base, BE)])
        return carry
    lax.fori_loop(0, NB, _block, 0)


@functools.partial(
    pl.kernel,
    out_type=jax.ShapeDtypeStruct((NC, NPAD, ROWW), jnp.float32),
    mesh=_mesh,
    compiler_params=pltpu.CompilerParams(use_tc_tiling_on_sc=False, needs_layout_passes=False),
    scratch_types=[
        pltpu.VMEM((BE,), jnp.int32),
        pltpu.VMEM((BE,), jnp.int32),
        pltpu.VMEM((BE, HID), jnp.float32),
        pltpu.VMEM((BE, ED), jnp.float32),
        pltpu.VMEM((BE,), jnp.float32),
        pltpu.VMEM((BE, ROWW), jnp.float32),
        pltpu.VMEM_SHARED((NPAD, ROWW), jnp.float32),
        pltpu.SemaphoreType.DMA,
    ],
)
def _sc_msg(v_hbm, src_hbm, dst_hbm, ef_hbm, ex_hbm, zrows_hbm, part_hbm,
            srcv, dstv, vrows, efrows, exv, msg, acc_sh, sem_v):
    c = lax.axis_index("c")
    s = lax.axis_index("s")
    wid = c * NS + s

    pltpu.sync_copy(zrows_hbm, acc_sh.at[pl.ds(s * RPT, RPT)])

    def _padz(i, carry):
        msg[i, pl.ds(ROWW - 16, 16)] = jnp.zeros((16,), jnp.float32)
        return carry
    lax.fori_loop(0, BE, _padz, 0)

    plsc.subcore_barrier()

    base0 = wid * EPT

    def _block(b, carry):
        base = base0 + b * BE
        pltpu.sync_copy(src_hbm.at[pl.ds(base, BE)], srcv)
        pltpu.sync_copy(dst_hbm.at[pl.ds(base, BE)], dstv)
        cv = pltpu.async_copy(v_hbm.at[srcv], vrows, sem_v)
        pltpu.sync_copy(ef_hbm.at[pl.ds(base, BE)], efrows)
        pltpu.sync_copy(ex_hbm.at[pl.ds(base, BE)], exv)
        cv.wait()

        def _group(g, carry2):
            rows = g * 16 + lax.iota(jnp.int32, 16)
            ex = exv[pl.ds(g * 16, 16)]
            plsc.store_scatter(msg, [rows, jnp.full((16,), HID + ED, jnp.int32)], ex)

            def _vchunk(t, carry3):
                for u in range(8):
                    dcol = jnp.full((16,), t * 8 + u, jnp.int32)
                    vd = plsc.load_gather(vrows, [rows, dcol]) * ex
                    plsc.store_scatter(msg, [rows, dcol], vd)
                return carry3
            lax.fori_loop(0, HID // 8, _vchunk, 0)
            for d in range(ED):
                dcol = jnp.full((16,), d, jnp.int32)
                ed = plsc.load_gather(efrows, [rows, dcol]) * ex
                plsc.store_scatter(msg, [rows, jnp.full((16,), HID + d, jnp.int32)], ed)
            return carry2
        lax.fori_loop(0, BE // 16, _group, 0)

        pltpu.sync_copy(msg, acc_sh.at[dstv], add=True)
        return carry
    lax.fori_loop(0, NB, _block, 0)

    plsc.subcore_barrier()
    pltpu.sync_copy(acc_sh.at[pl.ds(s * RPT, RPT)],
                    part_hbm.at[c, pl.ds(s * RPT, RPT)])


@functools.partial(
    pl.kernel,
    out_type=jax.ShapeDtypeStruct((E,), jnp.float32),
    mesh=_mesh,
    compiler_params=pltpu.CompilerParams(use_tc_tiling_on_sc=False, needs_layout_passes=False),
    scratch_types=[
        pltpu.VMEM((BE,), jnp.int32),
        pltpu.VMEM((BE,), jnp.int32),
        pltpu.VMEM((BE, HID), jnp.float32),
        pltpu.VMEM((BE, HID), jnp.float32),
        pltpu.VMEM((BE, HID), jnp.float32),
        pltpu.VMEM((144,), jnp.float32),
        pltpu.VMEM((BE,), jnp.float32),
        pltpu.SemaphoreType.DMA,
        pltpu.SemaphoreType.DMA,
    ],
)
def _sc_final(hA_hbm, hB_hbm, cf_hbm, src_hbm, dst_hbm, w2b_hbm, adv_hbm,
              srcv, dstv, harows, hbrows, cfrows, w2v, advs, sem_a, sem_b):
    c = lax.axis_index("c")
    s = lax.axis_index("s")
    wid = c * NS + s
    pltpu.sync_copy(w2b_hbm, w2v)
    base0 = wid * EPT

    def _block(b, carry):
        base = base0 + b * BE
        pltpu.sync_copy(src_hbm.at[pl.ds(base, BE)], srcv)
        pltpu.sync_copy(dst_hbm.at[pl.ds(base, BE)], dstv)
        ca = pltpu.async_copy(hA_hbm.at[srcv], harows, sem_a)
        cb = pltpu.async_copy(hB_hbm.at[dstv], hbrows, sem_b)
        pltpu.sync_copy(cf_hbm.at[pl.ds(base, BE)], cfrows)
        ca.wait()
        cb.wait()

        def _group(g, carry2):
            rows = g * 16 + lax.iota(jnp.int32, 16)

            def _dchunk(t, acc):
                w2c = w2v[pl.ds(t * 8, 16)]
                for u in range(8):
                    dcol = jnp.full((16,), t * 8 + u, jnp.int32)
                    td = (plsc.load_gather(harows, [rows, dcol])
                          + plsc.load_gather(hbrows, [rows, dcol])
                          + plsc.load_gather(cfrows, [rows, dcol]))
                    acc = acc + jnp.maximum(td, 0.0) * w2c[u]
                return acc
            acc = lax.fori_loop(0, HID // 8, _dchunk, jnp.zeros((16,), jnp.float32))
            bias = w2v[pl.ds(HID, 16)]
            advs[pl.ds(g * 16, 16)] = acc + bias[0]
            return carry2
        lax.fori_loop(0, BE // 16, _group, 0)

        pltpu.sync_copy(advs, adv_hbm.at[pl.ds(base, BE)])
        return carry
    lax.fori_loop(0, NB, _block, 0)




@jax.jit
def kernel(node_features, edge_index, edge_features, enc_W, enc_b,
           Wq0, bq0, Wk0, bk0, Wv0, bv0, We0, Ws0, bs0,
           Wq1, bq1, Wk1, bk1, Wv1, bv1, We1, Ws1, bs1,
           qW1, qb1, qW2, qb2):
    src = edge_index[0]
    dst = edge_index[1]
    ef = edge_features
    zrows = jnp.zeros((RPT, ROWW), jnp.float32)

    q0, k0, v0, qe0, s0 = _enc_proj(
        node_features, enc_W, enc_b,
        Wq0, bq0, Wk0, bk0, Wv0, bv0, We0, Ws0, bs0)
    ex0 = _sc_alpha(q0, k0, qe0, src, dst, ef)
    part0 = _sc_msg(v0, src, dst, ef, ex0, zrows)

    q1, k1, v1, qe1, s1 = _mid_proj(
        part0[0], part0[1], We0, s0,
        Wq1, bq1, Wk1, bk1, Wv1, bv1, We1, Ws1, bs1)
    ex1 = _sc_alpha(q1, k1, qe1, src, dst, ef)
    part1 = _sc_msg(v1, src, dst, ef, ex1, zrows)

    hA, hB = _fin_proj(part1[0], part1[1], We1, s1,
                       qW1[:HID], qW1[HID:2 * HID], qb1)
    cf = _cf_proj(ef, qW1[2 * HID:])

    w2b = jnp.zeros((144,), jnp.float32)
    w2b = w2b.at[:HID].set(qW2[:, 0]).at[HID].set(qb2[0])

    adv = _sc_final(hA, hB, cf, src, dst, w2b)
    return adv

# --- scband reference (transcript-rebuilt; emitter-appended) ---
"""Pipeline reference for scband-edge-qgnn-8787503087807 (READ-ONLY COPY).

The authoritative reference and input builder live on the scoring server;
editing this copy changes nothing except your own understanding.
"""

import jax, jax.numpy as jnp
import numpy as np

N = 10000
E = 320000
D = 128
ED = 16
HID = 128

def _lin(k, fi, fo):
    s = 1.0 / np.sqrt(fi)
    return jax.random.uniform(k, (fi, fo), jnp.float32, -s, s)

def _vec(k, fi, fo):
    s = 1.0 / np.sqrt(fi)
    return jax.random.uniform(k, (fo,), jnp.float32, -s, s)

def setup_inputs(seed: int = 0):
    key = jax.random.key(seed)
    ks = jax.random.split(key, 32)
    inp = {}
    inp["node_features"] = jax.random.normal(ks[0], (N, D), dtype=jnp.float32)
    inp["edge_index"] = jax.random.randint(ks[1], (2, E), 0, N, dtype=jnp.int32)
    inp["edge_features"] = jax.random.normal(ks[2], (E, ED), dtype=jnp.float32)
    inp["enc_W"] = _lin(ks[3], D, HID)
    inp["enc_b"] = _vec(ks[4], D, HID)
    i = 5
    for l in range(2):
        inp["Wq%d" % l] = _lin(ks[i], HID, HID); i += 1
        inp["bq%d" % l] = _vec(ks[i], HID, HID); i += 1
        inp["Wk%d" % l] = _lin(ks[i], HID, HID); i += 1
        inp["bk%d" % l] = _vec(ks[i], HID, HID); i += 1
        inp["Wv%d" % l] = _lin(ks[i], HID, HID); i += 1
        inp["bv%d" % l] = _vec(ks[i], HID, HID); i += 1
        inp["We%d" % l] = _lin(ks[i], ED, HID); i += 1
        inp["Ws%d" % l] = _lin(ks[i], HID, HID); i += 1
        inp["bs%d" % l] = _vec(ks[i], HID, HID); i += 1
    inp["qW1"] = _lin(ks[i], 2 * HID + ED, HID); i += 1
    inp["qb1"] = _vec(ks[i], 2 * HID + ED, HID); i += 1
    inp["qW2"] = _lin(ks[i], HID, 1); i += 1
    inp["qb2"] = _vec(ks[i], HID, 1); i += 1
    return inp

def reference(node_features, edge_index, edge_features, enc_W, enc_b,
              Wq0, bq0, Wk0, bk0, Wv0, bv0, We0, Ws0, bs0,
              Wq1, bq1, Wk1, bk1, Wv1, bv1, We1, Ws1, bs1,
              qW1, qb1, qW2, qb2):
    src = edge_index[0]
    dst = edge_index[1]

    def conv(h, Wq, bq, Wk, bk, Wv, bv, We, Ws, bs):
        # PyG TransformerConv, heads=1, concat=False, root_weight=True, beta=False
        q = h @ Wq + bq
        k = h @ Wk + bk
        v = h @ Wv + bv
        e = edge_features @ We  # lin_edge, bias=False
        qi = jnp.take(q, dst, axis=0)
        kj = jnp.take(k, src, axis=0) + e
        alpha = jnp.sum(qi * kj, axis=-1) / jnp.sqrt(jnp.float32(HID))
        amax = jax.ops.segment_max(alpha, dst, num_segments=N)
        amax = jnp.where(jnp.isfinite(amax), amax, 0.0)
        ex = jnp.exp(alpha - jnp.take(amax, dst, axis=0))
        denom = jax.ops.segment_sum(ex, dst, num_segments=N) + 1e-16
        a = ex / jnp.take(denom, dst, axis=0)
        msg = (jnp.take(v, src, axis=0) + e) * a[:, None]
        out = jax.ops.segment_sum(msg, dst, num_segments=N)
        return out + h @ Ws + bs

    h = jax.nn.relu(node_features @ enc_W + enc_b)
    h = conv(h, Wq0, bq0, Wk0, bk0, Wv0, bv0, We0, Ws0, bs0)
    h = conv(h, Wq1, bq1, Wk1, bk1, Wv1, bv1, We1, Ws1, bs1)
    feats = jnp.concatenate([jnp.take(h, src, axis=0), jnp.take(h, dst, axis=0), edge_features], axis=-1)
    adv = jax.nn.relu(feats @ qW1 + qb1) @ qW2 + qb2
    return jnp.squeeze(adv, -1)

if __name__ == "__main__":
    import jax
    _d = setup_inputs()
    print(jax.jit(kernel)(*tuple(_d.values())))

</pallas_src>

<mosaic_0001>
#map = affine_map<(d0, d1) -> (0, 0)>
#map1 = affine_map<(d0, d1) -> (0)>
module attributes {stable_mosaic.version = 14 : i64} {
  func.func @_sc_alpha(%arg0: i32, %arg1: i32, %arg2: memref<10000x128xf32, #tpu.memory_space<hbm>>, %arg3: memref<10000x128xf32, #tpu.memory_space<hbm>>, %arg4: memref<10000x16xf32, #tpu.memory_space<hbm>>, %arg5: memref<320000xi32, #tpu.memory_space<hbm>>, %arg6: memref<320000xi32, #tpu.memory_space<hbm>>, %arg7: memref<320000x16xf32, #tpu.memory_space<hbm>>, %arg8: memref<320000xf32, #tpu.memory_space<hbm>>, %arg9: memref<80xi32, #tpu.memory_space<vmem>>, %arg10: memref<80xi32, #tpu.memory_space<vmem>>, %arg11: memref<80x128xf32, #tpu.memory_space<vmem>>, %arg12: memref<80x128xf32, #tpu.memory_space<vmem>>, %arg13: memref<80x16xf32, #tpu.memory_space<vmem>>, %arg14: memref<80x16xf32, #tpu.memory_space<vmem>>, %arg15: memref<80xf32, #tpu.memory_space<vmem>>, %arg16: memref<!tpu.dma_semaphore, #tpu.memory_space<semaphore_mem>>, %arg17: memref<!tpu.dma_semaphore, #tpu.memory_space<semaphore_mem>>, %arg18: memref<!tpu.dma_semaphore, #tpu.memory_space<semaphore_mem>>) attributes {dimension_semantics = [#tpu.dimension_semantics<core_parallel>, #tpu.dimension_semantics<subcore_parallel>], iteration_bounds = array<i64: 2, 16>, scalar_prefetch = 0 : i64, scratch_operands = 10 : i64, tpu.core_type = #tpu.core_type<sc_vector_subcore>, window_params = [{transform_indices = #map}, {transform_indices = #map}, {transform_indices = #map}, {transform_indices = #map1}, {transform_indices = #map1}, {transform_indices = #map}, {transform_indices = #map1}]} {
    %mul3A = arith.constant 16 : i32
    %mul3A_0 = arith.muli %arg0, %mul3A : i32
    %add3A = arith.addi %mul3A_0, %arg1 : i32
    %mul3A_1 = arith.constant 10000 : i32
    %mul3A_2 = arith.muli %add3A, %mul3A_1 : i32
    %scan3A = arith.constant 0 : i32
    %scan3A_3 = arith.constant 0 : i32
    %scan3A_4 = arith.constant 125 : i32
    %scan3A_5 = arith.addi %scan3A_3, %scan3A_4 : i32
    %scan3A_6 = arith.constant 1 : i32
    scf.for %scan3A_8 = %scan3A_3 to %scan3A_5 step %scan3A_6  : i32 {
      %mul3A_9 = arith.constant 80 : i32
      %mul3A_10 = arith.muli %scan3A_8, %mul3A_9 : i32
      %add3A_11 = arith.addi %mul3A_2, %mul3A_10 : i32
      "tpu.region"() ({
        %run_scoped3A = tpu.sem_alloc : memref<!tpu.dma_semaphore, #tpu.memory_space<semaphore_mem>>
        %dma_start3A_34 = tpu.memref_slice %arg5[%add3A_11] : memref<320000xi32, #tpu.memory_space<hbm>> -> memref<80xi32, #tpu.memory_space<hbm>>
        %dma_start3A_35 = tpu.memref_slice %arg5[%add3A_11] : memref<320000xi32, #tpu.memory_space<hbm>> -> memref<80xi32, #tpu.memory_space<hbm>>
        tpu.enqueue_dma source(%dma_start3A_35 : memref<80xi32, #tpu.memory_space<hbm>>) target(%arg9 : memref<80xi32, #tpu.memory_space<vmem>>) target_semaphore(%run_scoped3A : memref<!tpu.dma_semaphore, #tpu.memory_space<semaphore_mem>>)
        %dma_wait3A_36 = tpu.memref_slice %arg5[%add3A_11] : memref<320000xi32, #tpu.memory_space<hbm>> -> memref<80xi32, #tpu.memory_space<hbm>>
        %dma_wait3A_37 = tpu.memref_slice %arg5[%add3A_11] : memref<320000xi32, #tpu.memory_space<hbm>> -> memref<80xi32, #tpu.memory_space<hbm>>
        tpu.wait_dma2 semaphore(%run_scoped3A : memref<!tpu.dma_semaphore, #tpu.memory_space<semaphore_mem>>) src(%dma_wait3A_37 : memref<80xi32, #tpu.memory_space<hbm>>) dst(%arg9 : memref<80xi32, #tpu.memory_space<vmem>>)
        tpu.yield
      }) : () -> ()
      "tpu.region"() ({
        %run_scoped3A = tpu.sem_alloc : memref<!tpu.dma_semaphore, #tpu.memory_space<semaphore_mem>>
        %dma_start3A_34 = tpu.memref_slice %arg6[%add3A_11] : memref<320000xi32, #tpu.memory_space<hbm>> -> memref<80xi32, #tpu.memory_space<hbm>>
        %dma_start3A_35 = tpu.memref_slice %arg6[%add3A_11] : memref<320000xi32, #tpu.memory_space<hbm>> -> memref<80xi32, #tpu.memory_space<hbm>>
        tpu.enqueue_dma source(%dma_start3A_35 : memref<80xi32, #tpu.memory_space<hbm>>) target(%arg10 : memref<80xi32, #tpu.memory_space<vmem>>) target_semaphore(%run_scoped3A : memref<!tpu.dma_semaphore, #tpu.memory_space<semaphore_mem>>)
        %dma_wait3A_36 = tpu.memref_slice %arg6[%add3A_11] : memref<320000xi32, #tpu.memory_space<hbm>> -> memref<80xi32, #tpu.memory_space<hbm>>
        %dma_wait3A_37 = tpu.memref_slice %arg6[%add3A_11] : memref<320000xi32, #tpu.memory_space<hbm>> -> memref<80xi32, #tpu.memory_space<hbm>>
        tpu.wait_dma2 semaphore(%run_scoped3A : memref<!tpu.dma_semaphore, #tpu.memory_space<semaphore_mem>>) src(%dma_wait3A_37 : memref<80xi32, #tpu.memory_space<hbm>>) dst(%arg10 : memref<80xi32, #tpu.memory_space<vmem>>)
        tpu.yield
      }) : () -> ()
      %dma_start3A = arith.constant 0 : i32
      %dma_start3A_12 = arith.constant 0 : i32
      %dma_start3A_13 = tpu.memref_slice %arg2[%dma_start3A, %dma_start3A_12] : memref<10000x128xf32, #tpu.memory_space<hbm>> -> memref<10000x128xf32, #tpu.memory_space<hbm>>
      tpu.enqueue_indirect_dma source(%dma_start3A_13 : memref<10000x128xf32, #tpu.memory_space<hbm>>) target(%arg11 : memref<80x128xf32, #tpu.memory_space<vmem>>) offsets(%arg10 : memref<80xi32, #tpu.memory_space<vmem>>) semaphore(%arg16 : memref<!tpu.dma_semaphore, #tpu.memory_space<semaphore_mem>>)
      %dma_start3A_14 = arith.constant 0 : i32
      %dma_start3A_15 = arith.constant 0 : i32
      %dma_start3A_16 = tpu.memref_slice %arg3[%dma_start3A_14, %dma_start3A_15] : memref<10000x128xf32, #tpu.memory_space<hbm>> -> memref<10000x128xf32, #tpu.memory_space<hbm>>
      tpu.enqueue_indirect_dma source(%dma_start3A_16 : memref<10000x128xf32, #tpu.memory_space<hbm>>) target(%arg12 : memref<80x128xf32, #tpu.memory_space<vmem>>) offsets(%arg9 : memref<80xi32, #tpu.memory_space<vmem>>) semaphore(%arg17 : memref<!tpu.dma_semaphore, #tpu.memory_space<semaphore_mem>>)
      %dma_start3A_17 = arith.constant 0 : i32
      %dma_start3A_18 = arith.constant 0 : i32
      %dma_start3A_19 = tpu.memref_slice %arg4[%dma_start3A_17, %dma_start3A_18] : memref<10000x16xf32, #tpu.memory_space<hbm>> -> memref<10000x16xf32, #tpu.memory_space<hbm>>
      tpu.enqueue_indirect_dma source(%dma_start3A_19 : memref<10000x16xf32, #tpu.memory_space<hbm>>) target(%arg13 : memref<80x16xf32, #tpu.memory_space<vmem>>) offsets(%arg10 : memref<80xi32, #tpu.memory_space<vmem>>) semaphore(%arg18 : memref<!tpu.dma_semaphore, #tpu.memory_space<semaphore_mem>>)
      "tpu.region"() ({
        %run_scoped3A = tpu.sem_alloc : memref<!tpu.dma_semaphore, #tpu.memory_space<semaphore_mem>>
        %dma_start3A_34 = arith.constant 0 : i32
        %dma_start3A_35 = tpu.memref_slice %arg7[%add3A_11, %dma_start3A_34] : memref<320000x16xf32, #tpu.memory_space<hbm>> -> memref<80x16xf32, #tpu.memory_space<hbm>>
        %dma_start3A_36 = arith.constant 0 : i32
        %dma_start3A_37 = tpu.memref_slice %arg7[%add3A_11, %dma_start3A_36] : memref<320000x16xf32, #tpu.memory_space<hbm>> -> memref<80x16xf32, #tpu.memory_space<hbm>>
        tpu.enqueue_dma source(%dma_start3A_37 : memref<80x16xf32, #tpu.memory_space<hbm>>) target(%arg14 : memref<80x16xf32, #tpu.memory_space<vmem>>) target_semaphore(%run_scoped3A : memref<!tpu.dma_semaphore, #tpu.memory_space<semaphore_mem>>)
        %dma_wait3A_38 = arith.constant 0 : i32
        %dma_wait3A_39 = tpu.memref_slice %arg7[%add3A_11, %dma_wait3A_38] : memref<320000x16xf32, #tpu.memory_space<hbm>> -> memref<80x16xf32, #tpu.memory_space<hbm>>
        %dma_wait3A_40 = arith.constant 0 : i32
        %dma_wait3A_41 = tpu.memref_slice %arg7[%add3A_11, %dma_wait3A_40] : memref<320000x16xf32, #tpu.memory_space<hbm>> -> memref<80x16xf32, #tpu.memory_space<hbm>>
        tpu.wait_dma2 semaphore(%run_scoped3A : memref<!tpu.dma_semaphore, #tpu.memory_space<semaphore_mem>>) src(%dma_wait3A_41 : memref<80x16xf32, #tpu.memory_space<hbm>>) dst(%arg14 : memref<80x16xf32, #tpu.memory_space<vmem>>)
        tpu.yield
      }) : () -> ()
      %dma_wait3A = arith.constant 0 : i32
      %dma_wait3A_20 = arith.constant 0 : i32
      %dma_wait3A_21 = tpu.memref_slice %arg2[%dma_wait3A, %dma_wait3A_20] : memref<10000x128xf32, #tpu.memory_space<hbm>> -> memref<10000x128xf32, #tpu.memory_space<hbm>>
      tpu.wait_indirect_dma semaphore(%arg16 : memref<!tpu.dma_semaphore, #tpu.memory_space<semaphore_mem>>) src(%dma_wait3A_21 : memref<10000x128xf32, #tpu.memory_space<hbm>>) dst(%arg11 : memref<80x128xf32, #tpu.memory_space<vmem>>)
      %dma_wait3A_22 = arith.constant 0 : i32
      %dma_wait3A_23 = arith.constant 0 : i32
      %dma_wait3A_24 = tpu.memref_slice %arg3[%dma_wait3A_22, %dma_wait3A_23] : memref<10000x128xf32, #tpu.memory_space<hbm>> -> memref<10000x128xf32, #tpu.memory_space<hbm>>
      tpu.wait_indirect_dma semaphore(%arg17 : memref<!tpu.dma_semaphore, #tpu.memory_space<semaphore_mem>>) src(%dma_wait3A_24 : memref<10000x128xf32, #tpu.memory_space<hbm>>) dst(%arg12 : memref<80x128xf32, #tpu.memory_space<vmem>>)
      %dma_wait3A_25 = arith.constant 0 : i32
      %dma_wait3A_26 = arith.constant 0 : i32
      %dma_wait3A_27 = tpu.memref_slice %arg4[%dma_wait3A_25, %dma_wait3A_26] : memref<10000x16xf32, #tpu.memory_space<hbm>> -> memref<10000x16xf32, #tpu.memory_space<hbm>>
      tpu.wait_indirect_dma semaphore(%arg18 : memref<!tpu.dma_semaphore, #tpu.memory_space<semaphore_mem>>) src(%dma_wait3A_27 : memref<10000x16xf32, #tpu.memory_space<hbm>>) dst(%arg13 : memref<80x16xf32, #tpu.memory_space<vmem>>)
      %scan3A_28 = arith.constant 0 : i32
      %scan3A_29 = arith.constant 0 : i32
      %scan3A_30 = arith.constant 5 : i32
      %scan3A_31 = arith.addi %scan3A_29, %scan3A_30 : i32
      %scan3A_32 = arith.constant 1 : i32
      scf.for %scan3A_34 = %scan3A_29 to %scan3A_31 step %scan3A_32  : i32 {
        %mul3A_35 = arith.constant 16 : i32
        %mul3A_36 = arith.muli %scan3A_34, %mul3A_35 : i32
        %iota3A = tpu.iota {dimensions = array<i32: 0>} : vector<16xi32>
        %add3A_37 = vector.broadcast %mul3A_36 : i32 to vector<16xi32>
        %add3A_38 = arith.addi %add3A_37, %iota3A : vector<16xi32>
        %broadcast_in_dim3A = arith.constant 0.000000e+00 : f32
        %broadcast_in_dim3A_39 = vector.broadcast %broadcast_in_dim3A : f32 to vector<16xf32>
        %scan3A_40 = arith.constant 0 : i32
        %scan3A_41 = arith.constant 16 : i32
        %scan3A_42 = arith.addi %scan3A_40, %scan3A_41 : i32
        %scan3A_43 = arith.constant 1 : i32
        %scan3A_44 = scf.for %scan3A_147 = %scan3A_40 to %scan3A_42 step %scan3A_43 iter_args(%scan3A_148 = %broadcast_in_dim3A_39) -> (vector<16xf32>)  : i32 {
          %mul3A_149 = arith.constant 8 : i32
          %mul3A_150 = arith.muli %scan3A_147, %mul3A_149 : i32
          %add3A_151 = arith.constant 0 : i32
          %add3A_152 = arith.addi %mul3A_150, %add3A_151 : i32
          %broadcast_in_dim3A_153 = vector.broadcast %add3A_152 : i32 to vector<16xi32>
          %gather3A_154 = tpu.vector_load_idx %arg11[%add3A_38, %broadcast_in_dim3A_153] : memref<80x128xf32, #tpu.memory_space<vmem>>[vector<16xi32>, vector<16xi32>], vector<16xf32>,
          %gather3A_155 = tpu.vector_load_idx %arg12[%add3A_38, %broadcast_in_dim3A_153] : memref<80x128xf32, #tpu.memory_space<vmem>>[vector<16xi32>, vector<16xi32>], vector<16xf32>,
          %mul3A_156 = arith.mulf %gather3A_154, %gather3A_155 : vector<16xf32>
          %add3A_157 = arith.addf %scan3A_148, %mul3A_156 : vector<16xf32>
          %mul3A_158 = arith.constant 8 : i32
          %mul3A_159 = arith.muli %scan3A_147, %mul3A_158 : i32
          %add3A_160 = arith.constant 1 : i32
          %add3A_161 = arith.addi %mul3A_159, %add3A_160 : i32
          %broadcast_in_dim3A_162 = vector.broadcast %add3A_161 : i32 to vector<16xi32>
          %gather3A_163 = tpu.vector_load_idx %arg11[%add3A_38, %broadcast_in_dim3A_162] : memref<80x128xf32, #tpu.memory_space<vmem>>[vector<16xi32>, vector<16xi32>], vector<16xf32>,
          %gather3A_164 = tpu.vector_load_idx %arg12[%add3A_38, %broadcast_in_dim3A_162] : memref<80x128xf32, #tpu.memory_space<vmem>>[vector<16xi32>, vector<16xi32>], vector<16xf32>,
          %mul3A_165 = arith.mulf %gather3A_163, %gather3A_164 : vector<16xf32>
          %add3A_166 = arith.addf %add3A_157, %mul3A_165 : vector<16xf32>
          %mul3A_167 = arith.constant 8 : i32
          %mul3A_168 = arith.muli %scan3A_147, %mul3A_167 : i32
          %add3A_169 = arith.constant 2 : i32
          %add3A_170 = arith.addi %mul3A_168, %add3A_169 : i32
          %broadcast_in_dim3A_171 = vector.broadcast %add3A_170 : i32 to vector<16xi32>
          %gather3A_172 = tpu.vector_load_idx %arg11[%add3A_38, %broadcast_in_dim3A_171] : memref<80x128xf32, #tpu.memory_space<vmem>>[vector<16xi32>, vector<16xi32>], vector<16xf32>,
          %gather3A_173 = tpu.vector_load_idx %arg12[%add3A_38, %broadcast_in_dim3A_171] : memref<80x128xf32, #tpu.memory_space<vmem>>[vector<16xi32>, vector<16xi32>], vector<16xf32>,
          %mul3A_174 = arith.mulf %gather3A_172, %gather3A_173 : vector<16xf32>
          %add3A_175 = arith.addf %add3A_166, %mul3A_174 : vector<16xf32>
          %mul3A_176 = arith.constant 8 : i32
          %mul3A_177 = arith.muli %scan3A_147, %mul3A_176 : i32
          %add3A_178 = arith.constant 3 : i32
          %add3A_179 = arith.addi %mul3A_177, %add3A_178 : i32
          %broadcast_in_dim3A_180 = vector.broadcast %add3A_179 : i32 to vector<16xi32>
          %gather3A_181 = tpu.vector_load_idx %arg11[%add3A_38, %broadcast_in_dim3A_180] : memref<80x128xf32, #tpu.memory_space<vmem>>[vector<16xi32>, vector<16xi32>], vector<16xf32>,
          %gather3A_182 = tpu.vector_load_idx %arg12[%add3A_38, %broadcast_in_dim3A_180] : memref<80x128xf32, #tpu.memory_space<vmem>>[vector<16xi32>, vector<16xi32>], vector<16xf32>,
          %mul3A_183 = arith.mulf %gather3A_181, %gather3A_182 : vector<16xf32>
          %add3A_184 = arith.addf %add3A_175, %mul3A_183 : vector<16xf32>
          %mul3A_185 = arith.constant 8 : i32
          %mul3A_186 = arith.muli %scan3A_147, %mul3A_185 : i32
          %add3A_187 = arith.constant 4 : i32
          %add3A_188 = arith.addi %mul3A_186, %add3A_187 : i32
          %broadcast_in_dim3A_189 = vector.broadcast %add3A_188 : i32 to vector<16xi32>
          %gather3A_190 = tpu.vector_load_idx %arg11[%add3A_38, %broadcast_in_dim3A_189] : memref<80x128xf32, #tpu.memory_space<vmem>>[vector<16xi32>, vector<16xi32>], vector<16xf32>,
          %gather3A_191 = tpu.vector_load_idx %arg12[%add3A_38, %broadcast_in_dim3A_189] : memref<80x128xf32, #tpu.memory_space<vmem>>[vector<16xi32>, vector<16xi32>], vector<16xf32>,
          %mul3A_192 = arith.mulf %gather3A_190, %gather3A_191 : vector<16xf32>
          %add3A_193 = arith.addf %add3A_184, %mul3A_192 : vector<16xf32>
          %mul3A_194 = arith.constant 8 : i32
          %mul3A_195 = arith.muli %scan3A_147, %mul3A_194 : i32
          %add3A_196 = arith.constant 5 : i32
          %add3A_197 = arith.addi %mul3A_195, %add3A_196 : i32
          %broadcast_in_dim3A_198 = vector.broadcast %add3A_197 : i32 to vector<16xi32>
          %gather3A_199 = tpu.vector_load_idx %arg11[%add3A_38, %broadcast_in_dim3A_198] : memref<80x128xf32, #tpu.memory_space<vmem>>[vector<16xi32>, vector<16xi32>], vector<16xf32>,
          %gather3A_200 = tpu.vector_load_idx %arg12[%add3A_38, %broadcast_in_dim3A_198] : memref<80x128xf32, #tpu.memory_space<vmem>>[vector<16xi32>, vector<16xi32>], vector<16xf32>,
          %mul3A_201 = arith.mulf %gather3A_199, %gather3A_200 : vector<16xf32>
          %add3A_202 = arith.addf %add3A_193, %mul3A_201 : vector<16xf32>
          %mul3A_203 = arith.constant 8 : i32
          %mul3A_204 = arith.muli %scan3A_147, %mul3A_203 : i32
          %add3A_205 = arith.constant 6 : i32
          %add3A_206 = arith.addi %mul3A_204, %add3A_205 : i32
          %broadcast_in_dim3A_207 = vector.broadcast %add3A_206 : i32 to vector<16xi32>
          %gather3A_208 = tpu.vector_load_idx %arg11[%add3A_38, %broadcast_in_dim3A_207] : memref<80x128xf32, #tpu.memory_space<vmem>>[vector<16xi32>, vector<16xi32>], vector<16xf32>,
          %gather3A_209 = tpu.vector_load_idx %arg12[%add3A_38, %broadcast_in_dim3A_207] : memref<80x128xf32, #tpu.memory_space<vmem>>[vector<16xi32>, vector<16xi32>], vector<16xf32>,
          %mul3A_210 = arith.mulf %gather3A_208, %gather3A_209 : vector<16xf32>
          %add3A_211 = arith.addf %add3A_202, %mul3A_210 : vector<16xf32>
          %mul3A_212 = arith.constant 8 : i32
          %mul3A_213 = arith.muli %scan3A_147, %mul3A_212 : i32
          %add3A_214 = arith.constant 7 : i32
          %add3A_215 = arith.addi %mul3A_213, %add3A_214 : i32
          %broadcast_in_dim3A_216 = vector.broadcast %add3A_215 : i32 to vector<16xi32>
          %gather3A_217 = tpu.vector_load_idx %arg11[%add3A_38, %broadcast_in_dim3A_216] : memref<80x128xf32, #tpu.memory_space<vmem>>[vector<16xi32>, vector<16xi32>], vector<16xf32>,
          %gather3A_218 = tpu.vector_load_idx %arg12[%add3A_38, %broadcast_in_dim3A_216] : memref<80x128xf32, #tpu.memory_space<vmem>>[vector<16xi32>, vector<16xi32>], vector<16xf32>,
          %mul3A_219 = arith.mulf %gather3A_217, %gather3A_218 : vector<16xf32>
          %add3A_220 = arith.addf %add3A_211, %mul3A_219 : vector<16xf32>
          scf.yield %add3A_220 : vector<16xf32>
        }
        %scan3A_45 = arith.constant 16 : i32
        %broadcast_in_dim3A_46 = arith.constant 0 : i32
        %broadcast_in_dim3A_47 = vector.broadcast %broadcast_in_dim3A_46 : i32 to vector<16xi32>
        %gather3A = tpu.vector_load_idx %arg13[%add3A_38, %broadcast_in_dim3A_47] : memref<80x16xf32, #tpu.memory_space<vmem>>[vector<16xi32>, vector<16xi32>], vector<16xf32>,
        %gather3A_48 = tpu.vector_load_idx %arg14[%add3A_38, %broadcast_in_dim3A_47] : memref<80x16xf32, #tpu.memory_space<vmem>>[vector<16xi32>, vector<16xi32>], vector<16xf32>,
        %mul3A_49 = arith.mulf %gather3A, %gather3A_48 : vector<16xf32>
        %add3A_50 = arith.addf %scan3A_44, %mul3A_49 : vector<16xf32>
        %broadcast_in_dim3A_51 = arith.constant 1 : i32
        %broadcast_in_dim3A_52 = vector.broadcast %broadcast_in_dim3A_51 : i32 to vector<16xi32>
        %gather3A_53 = tpu.vector_load_idx %arg13[%add3A_38, %broadcast_in_dim3A_52] : memref<80x16xf32, #tpu.memory_space<vmem>>[vector<16xi32>, vector<16xi32>], vector<16xf32>,
        %gather3A_54 = tpu.vector_load_idx %arg14[%add3A_38, %broadcast_in_dim3A_52] : memref<80x16xf32, #tpu.memory_space<vmem>>[vector<16xi32>, vector<16xi32>], vector<16xf32>,
        %mul3A_55 = arith.mulf %gather3A_53, %gather3A_54 : vector<16xf32>
        %add3A_56 = arith.addf %add3A_50, %mul3A_55 : vector<16xf32>
        %broadcast_in_dim3A_57 = arith.constant 2 : i32
        %broadcast_in_dim3A_58 = vector.broadcast %broadcast_in_dim3A_57 : i32 to vector<16xi32>
        %gather3A_59 = tpu.vector_load_idx %arg13[%add3A_38, %broadcast_in_dim3A_58] : memref<80x16xf32, #tpu.memory_space<vmem>>[vector<16xi32>, vector<16xi32>], vector<16xf32>,
        %gather3A_60 = tpu.vector_load_idx %arg14[%add3A_38, %broadcast_in_dim3A_58] : memref<80x16xf32, #tpu.memory_space<vmem>>[vector<16xi32>, vector<16xi32>], vector<16xf32>,
        %mul3A_61 = arith.mulf %gather3A_59, %gather3A_60 : vector<16xf32>
        %add3A_62 = arith.addf %add3A_56, %mul3A_61 : vector<16xf32>
        %broadcast_in_dim3A_63 = arith.constant 3 : i32
        %broadcast_in_dim3A_64 = vector.broadcast %broadcast_in_dim3A_63 : i32 to vector<16xi32>
        %gather3A_65 = tpu.vector_load_idx %arg13[%add3A_38, %broadcast_in_dim3A_64] : memref<80x16xf32, #tpu.memory_space<vmem>>[vector<16xi32>, vector<16xi32>], vector<16xf32>,
        %gather3A_66 = tpu.vector_load_idx %arg14[%add3A_38, %broadcast_in_dim3A_64] : memref<80x16xf32, #tpu.memory_space<vmem>>[vector<16xi32>, vector<16xi32>], vector<16xf32>,
        %mul3A_67 = arith.mulf %gather3A_65, %gather3A_66 : vector<16xf32>
        %add3A_68 = arith.addf %add3A_62, %mul3A_67 : vector<16xf32>
        %broadcast_in_dim3A_69 = arith.constant 4 : i32
        %broadcast_in_dim3A_70 = vector.broadcast %broadcast_in_dim3A_69 : i32 to vector<16xi32>
        %gather3A_71 = tpu.vector_load_idx %arg13[%add3A_38, %broadcast_in_dim3A_70] : memref<80x16xf32, #tpu.memory_space<vmem>>[vector<16xi32>, vector<16xi32>], vector<16xf32>,
        %gather3A_72 = tpu.vector_load_idx %arg14[%add3A_38, %broadcast_in_dim3A_70] : memref<80x16xf32, #tpu.memory_space<vmem>>[vector<16xi32>, vector<16xi32>], vector<16xf32>,
        %mul3A_73 = arith.mulf %gather3A_71, %gather3A_72 : vector<16xf32>
        %add3A_74 = arith.addf %add3A_68, %mul3A_73 : vector<16xf32>
        %broadcast_in_dim3A_75 = arith.constant 5 : i32
        %broadcast_in_dim3A_76 = vector.broadcast %broadcast_in_dim3A_75 : i32 to vector<16xi32>
        %gather3A_77 = tpu.vector_load_idx %arg13[%add3A_38, %broadcast_in_dim3A_76] : memref<80x16xf32, #tpu.memory_space<vmem>>[vector<16xi32>, vector<16xi32>], vector<16xf32>,
        %gather3A_78 = tpu.vector_load_idx %arg14[%add3A_38, %broadcast_in_dim3A_76] : memref<80x16xf32, #tpu.memory_space<vmem>>[vector<16xi32>, vector<16xi32>], vector<16xf32>,
        %mul3A_79 = arith.mulf %gather3A_77, %gather3A_78 : vector<16xf32>
        %add3A_80 = arith.addf %add3A_74, %mul3A_79 : vector<16xf32>
        %broadcast_in_dim3A_81 = arith.constant 6 : i32
        %broadcast_in_dim3A_82 = vector.broadcast %broadcast_in_dim3A_81 : i32 to vector<16xi32>
        %gather3A_83 = tpu.vector_load_idx %arg13[%add3A_38, %broadcast_in_dim3A_82] : memref<80x16xf32, #tpu.memory_space<vmem>>[vector<16xi32>, vector<16xi32>], vector<16xf32>,
        %gather3A_84 = tpu.vector_load_idx %arg14[%add3A_38, %broadcast_in_dim3A_82] : memref<80x16xf32, #tpu.memory_space<vmem>>[vector<16xi32>, vector<16xi32>], vector<16xf32>,
        %mul3A_85 = arith.mulf %gather3A_83, %gather3A_84 : vector<16xf32>
        %add3A_86 = arith.addf %add3A_80, %mul3A_85 : vector<16xf32>
        %broadcast_in_dim3A_87 = arith.constant 7 : i32
        %broadcast_in_dim3A_88 = vector.broadcast %broadcast_in_dim3A_87 : i32 to vector<16xi32>
        %gather3A_89 = tpu.vector_load_idx %arg13[%add3A_38, %broadcast_in_dim3A_88] : memref<80x16xf32, #tpu.memory_space<vmem>>[vector<16xi32>, vector<16xi32>], vector<16xf32>,
        %gather3A_90 = tpu.vector_load_idx %arg14[%add3A_38, %broadcast_in_dim3A_88] : memref<80x16xf32, #tpu.memory_space<vmem>>[vector<16xi32>, vector<16xi32>], vector<16xf32>,
        %mul3A_91 = arith.mulf %gather3A_89, %gather3A_90 : vector<16xf32>
        %add3A_92 = arith.addf %add3A_86, %mul3A_91 : vector<16xf32>
        %broadcast_in_dim3A_93 = arith.constant 8 : i32
        %broadcast_in_dim3A_94 = vector.broadcast %broadcast_in_dim3A_93 : i32 to vector<16xi32>
        %gather3A_95 = tpu.vector_load_idx %arg13[%add3A_38, %broadcast_in_dim3A_94] : memref<80x16xf32, #tpu.memory_space<vmem>>[vector<16xi32>, vector<16xi32>], vector<16xf32>,
        %gather3A_96 = tpu.vector_load_idx %arg14[%add3A_38, %broadcast_in_dim3A_94] : memref<80x16xf32, #tpu.memory_space<vmem>>[vector<16xi32>, vector<16xi32>], vector<16xf32>,
        %mul3A_97 = arith.mulf %gather3A_95, %gather3A_96 : vector<16xf32>
        %add3A_98 = arith.addf %add3A_92, %mul3A_97 : vector<16xf32>
        %broadcast_in_dim3A_99 = arith.constant 9 : i32
        %broadcast_in_dim3A_100 = vector.broadcast %broadcast_in_dim3A_99 : i32 to vector<16xi32>
        %gather3A_101 = tpu.vector_load_idx %arg13[%add3A_38, %broadcast_in_dim3A_100] : memref<80x16xf32, #tpu.memory_space<vmem>>[vector<16xi32>, vector<16xi32>], vector<16xf32>,
        %gather3A_102 = tpu.vector_load_idx %arg14[%add3A_38, %broadcast_in_dim3A_100] : memref<80x16xf32, #tpu.memory_space<vmem>>[vector<16xi32>, vector<16xi32>], vector<16xf32>,
        %mul3A_103 = arith.mulf %gather3A_101, %gather3A_102 : vector<16xf32>
        %add3A_104 = arith.addf %add3A_98, %mul3A_103 : vector<16xf32>
        %broadcast_in_dim3A_105 = arith.constant 10 : i32
        %broadcast_in_dim3A_106 = vector.broadcast %broadcast_in_dim3A_105 : i32 to vector<16xi32>
        %gather3A_107 = tpu.vector_load_idx %arg13[%add3A_38, %broadcast_in_dim3A_106] : memref<80x16xf32, #tpu.memory_space<vmem>>[vector<16xi32>, vector<16xi32>], vector<16xf32>,
        %gather3A_108 = tpu.vector_load_idx %arg14[%add3A_38, %broadcast_in_dim3A_106] : memref<80x16xf32, #tpu.memory_space<vmem>>[vector<16xi32>, vector<16xi32>], vector<16xf32>,
        %mul3A_109 = arith.mulf %gather3A_107, %gather3A_108 : vector<16xf32>
        %add3A_110 = arith.addf %add3A_104, %mul3A_109 : vector<16xf32>
        %broadcast_in_dim3A_111 = arith.constant 11 : i32
        %broadcast_in_dim3A_112 = vector.broadcast %broadcast_in_dim3A_111 : i32 to vector<16xi32>
        %gather3A_113 = tpu.vector_load_idx %arg13[%add3A_38, %broadcast_in_dim3A_112] : memref<80x16xf32, #tpu.memory_space<vmem>>[vector<16xi32>, vector<16xi32>], vector<16xf32>,
        %gather3A_114 = tpu.vector_load_idx %arg14[%add3A_38, %broadcast_in_dim3A_112] : memref<80x16xf32, #tpu.memory_space<vmem>>[vector<16xi32>, vector<16xi32>], vector<16xf32>,
        %mul3A_115 = arith.mulf %gather3A_113, %gather3A_114 : vector<16xf32>
        %add3A_116 = arith.addf %add3A_110, %mul3A_115 : vector<16xf32>
        %broadcast_in_dim3A_117 = arith.constant 12 : i32
        %broadcast_in_dim3A_118 = vector.broadcast %broadcast_in_dim3A_117 : i32 to vector<16xi32>
        %gather3A_119 = tpu.vector_load_idx %arg13[%add3A_38, %broadcast_in_dim3A_118] : memref<80x16xf32, #tpu.memory_space<vmem>>[vector<16xi32>, vector<16xi32>], vector<16xf32>,
        %gather3A_120 = tpu.vector_load_idx %arg14[%add3A_38, %broadcast_in_dim3A_118] : memref<80x16xf32, #tpu.memory_space<vmem>>[vector<16xi32>, vector<16xi32>], vector<16xf32>,
        %mul3A_121 = arith.mulf %gather3A_119, %gather3A_120 : vector<16xf32>
        %add3A_122 = arith.addf %add3A_116, %mul3A_121 : vector<16xf32>
        %broadcast_in_dim3A_123 = arith.constant 13 : i32
        %broadcast_in_dim3A_124 = vector.broadcast %broadcast_in_dim3A_123 : i32 to vector<16xi32>
        %gather3A_125 = tpu.vector_load_idx %arg13[%add3A_38, %broadcast_in_dim3A_124] : memref<80x16xf32, #tpu.memory_space<vmem>>[vector<16xi32>, vector<16xi32>], vector<16xf32>,
        %gather3A_126 = tpu.vector_load_idx %arg14[%add3A_38, %broadcast_in_dim3A_124] : memref<80x16xf32, #tpu.memory_space<vmem>>[vector<16xi32>, vector<16xi32>], vector<16xf32>,
        %mul3A_127 = arith.mulf %gather3A_125, %gather3A_126 : vector<16xf32>
        %add3A_128 = arith.addf %add3A_122, %mul3A_127 : vector<16xf32>
        %broadcast_in_dim3A_129 = arith.constant 14 : i32
        %broadcast_in_dim3A_130 = vector.broadcast %broadcast_in_dim3A_129 : i32 to vector<16xi32>
        %gather3A_131 = tpu.vector_load_idx %arg13[%add3A_38, %broadcast_in_dim3A_130] : memref<80x16xf32, #tpu.memory_space<vmem>>[vector<16xi32>, vector<16xi32>], vector<16xf32>,
        %gather3A_132 = tpu.vector_load_idx %arg14[%add3A_38, %broadcast_in_dim3A_130] : memref<80x16xf32, #tpu.memory_space<vmem>>[vector<16xi32>, vector<16xi32>], vector<16xf32>,
        %mul3A_133 = arith.mulf %gather3A_131, %gather3A_132 : vector<16xf32>
        %add3A_134 = arith.addf %add3A_128, %mul3A_133 : vector<16xf32>
        %broadcast_in_dim3A_135 = arith.constant 15 : i32
        %broadcast_in_dim3A_136 = vector.broadcast %broadcast_in_dim3A_135 : i32 to vector<16xi32>
        %gather3A_137 = tpu.vector_load_idx %arg13[%add3A_38, %broadcast_in_dim3A_136] : memref<80x16xf32, #tpu.memory_space<vmem>>[vector<16xi32>, vector<16xi32>], vector<16xf32>,
        %gather3A_138 = tpu.vector_load_idx %arg14[%add3A_38, %broadcast_in_dim3A_136] : memref<80x16xf32, #tpu.memory_space<vmem>>[vector<16xi32>, vector<16xi32>], vector<16xf32>,
        %mul3A_139 = arith.mulf %gather3A_137, %gather3A_138 : vector<16xf32>
        %add3A_140 = arith.addf %add3A_134, %mul3A_139 : vector<16xf32>
        %mul3A_141 = arith.constant 0.0883883461 : f32
        %mul3A_142 = vector.broadcast %mul3A_141 : f32 to vector<16xf32>
        %mul3A_143 = arith.mulf %add3A_140, %mul3A_142 : vector<16xf32>
        %exp3A = math.exp %mul3A_143 : vector<16xf32>
        %mul3A_144 = arith.constant 16 : i32
        %mul3A_145 = arith.muli %scan3A_34, %mul3A_144 : i32
        %swap3A = arith.index_cast %mul3A_145 : i32 to index
        %swap3A_146 = tpu.vector_load %arg15[%swap3A] {strides = array<i32>} : memref<80xf32, #tpu.memory_space<vmem>>, vector<16xf32>,
        tpu.vector_store %arg15[%swap3A], %exp3A {strides = array<i32>} : memref<80xf32, #tpu.memory_space<vmem>>, vector<16xf32>,
      }
      %scan3A_33 = arith.constant 5 : i32
      "tpu.region"() ({
        %run_scoped3A = tpu.sem_alloc : memref<!tpu.dma_semaphore, #tpu.memory_space<semaphore_mem>>
        %dma_start3A_34 = tpu.memref_slice %arg8[%add3A_11] : memref<320000xf32, #tpu.memory_space<hbm>> -> memref<80xf32, #tpu.memory_space<hbm>>
        %dma_start3A_35 = tpu.memref_slice %arg8[%add3A_11] : memref<320000xf32, #tpu.memory_space<hbm>> -> memref<80xf32, #tpu.memory_space<hbm>>
        tpu.enqueue_dma source(%arg15 : memref<80xf32, #tpu.memory_space<vmem>>) target(%dma_start3A_35 : memref<80xf32, #tpu.memory_space<hbm>>) target_semaphore(%run_scoped3A : memref<!tpu.dma_semaphore, #tpu.memory_space<semaphore_mem>>)
        %dma_wait3A_36 = tpu.memref_slice %arg8[%add3A_11] : memref<320000xf32, #tpu.memory_space<hbm>> -> memref<80xf32, #tpu.memory_space<hbm>>
        %dma_wait3A_37 = tpu.memref_slice %arg8[%add3A_11] : memref<320000xf32, #tpu.memory_space<hbm>> -> memref<80xf32, #tpu.memory_space<hbm>>
        tpu.wait_dma2 semaphore(%run_scoped3A : memref<!tpu.dma_semaphore, #tpu.memory_space<semaphore_mem>>) src(%arg15 : memref<80xf32, #tpu.memory_space<vmem>>) dst(%dma_wait3A_37 : memref<80xf32, #tpu.memory_space<hbm>>)
        tpu.yield
      }) : () -> ()
    }
    %scan3A_7 = arith.constant 125 : i32
    return
  }
}

#map = affine_map<(d0, d1) -> (0, 0)>
#map1 = affine_map<(d0, d1) -> (0)>
#map2 = affine_map<(d0, d1) -> (0, 0, 0)>
module attributes {stable_mosaic.version = 14 : i64} {
  func.func @_sc_msg(%arg0: i32, %arg1: i32, %arg2: memref<10000x128xf32, #tpu.memory_space<hbm>>, %arg3: memref<320000xi32, #tpu.memory_space<hbm>>, %arg4: memref<320000xi32, #tpu.memory_space<hbm>>, %arg5: memref<320000x16xf32, #tpu.memory_space<hbm>>, %arg6: memref<320000xf32, #tpu.memory_space<hbm>>, %arg7: memref<640x152xf32, #tpu.memory_space<hbm>>, %arg8: memref<2x10240x152xf32, #tpu.memory_space<hbm>>, %arg9: memref<80xi32, #tpu.memory_space<vmem>>, %arg10: memref<80xi32, #tpu.memory_space<vmem>>, %arg11: memref<80x128xf32, #tpu.memory_space<vmem>>, %arg12: memref<80x16xf32, #tpu.memory_space<vmem>>, %arg13: memref<80xf32, #tpu.memory_space<vmem>>, %arg14: memref<80x152xf32, #tpu.memory_space<vmem>>, %arg15: memref<10240x152xf32, #tpu.memory_space<vmem_shared>>, %arg16: memref<!tpu.dma_semaphore, #tpu.memory_space<semaphore_mem>>) attributes {dimension_semantics = [#tpu.dimension_semantics<core_parallel>, #tpu.dimension_semantics<subcore_parallel>], iteration_bounds = array<i64: 2, 16>, scalar_prefetch = 0 : i64, scratch_operands = 8 : i64, tpu.core_type = #tpu.core_type<sc_vector_subcore>, window_params = [{transform_indices = #map}, {transform_indices = #map1}, {transform_indices = #map1}, {transform_indices = #map}, {transform_indices = #map1}, {transform_indices = #map}, {transform_indices = #map2}]} {
    %mul3A = arith.constant 16 : i32
    %mul3A_0 = arith.muli %arg0, %mul3A : i32
    %add3A = arith.addi %mul3A_0, %arg1 : i32
    %mul3A_1 = arith.constant 640 : i32
    %mul3A_2 = arith.muli %arg1, %mul3A_1 : i32
    "tpu.region"() ({
      %run_scoped3A = tpu.sem_alloc : memref<!tpu.dma_semaphore, #tpu.memory_space<semaphore_mem>>
      %dma_start3A = arith.constant 0 : i32
      %dma_start3A_21 = tpu.memref_slice %arg15[%mul3A_2, %dma_start3A] : memref<10240x152xf32, #tpu.memory_space<vmem_shared>> -> memref<640x152xf32, #tpu.memory_space<vmem_shared>>
      tpu.enqueue_dma source(%arg7 : memref<640x152xf32, #tpu.memory_space<hbm>>) target(%dma_start3A_21 : memref<640x152xf32, #tpu.memory_space<vmem_shared>>) target_semaphore(%run_scoped3A : memref<!tpu.dma_semaphore, #tpu.memory_space<semaphore_mem>>)
      %dma_wait3A = arith.constant 0 : i32
      %dma_wait3A_22 = tpu.memref_slice %arg15[%mul3A_2, %dma_wait3A] : memref<10240x152xf32, #tpu.memory_space<vmem_shared>> -> memref<640x152xf32, #tpu.memory_space<vmem_shared>>
      tpu.wait_dma2 semaphore(%run_scoped3A : memref<!tpu.dma_semaphore, #tpu.memory_space<semaphore_mem>>) src(%arg7 : memref<640x152xf32, #tpu.memory_space<hbm>>) dst(%dma_wait3A_22 : memref<640x152xf32, #tpu.memory_space<vmem_shared>>)
      tpu.yield
    }) : () -> ()
    %scan3A = arith.constant 0 : i32
    %scan3A_3 = arith.constant 0 : i32
    %scan3A_4 = arith.constant 80 : i32
    %scan3A_5 = arith.addi %scan3A_3, %scan3A_4 : i32
    %scan3A_6 = arith.constant 1 : i32
    scf.for %scan3A_21 = %scan3A_3 to %scan3A_5 step %scan3A_6  : i32 {
      %broadcast_in_dim3A = arith.constant 0.000000e+00 : f32
      %broadcast_in_dim3A_22 = vector.broadcast %broadcast_in_dim3A : f32 to vector<16xf32>
      %swap3A = arith.index_cast %scan3A_21 : i32 to index
      %swap3A_23 = arith.constant 136 : index
      %swap3A_24 = tpu.vector_load %arg14[%swap3A, %swap3A_23] {strides = array<i32>} : memref<80x152xf32, #tpu.memory_space<vmem>>, vector<16xf32>,
      tpu.vector_store %arg14[%swap3A, %swap3A_23], %broadcast_in_dim3A_22 {strides = array<i32>} : memref<80x152xf32, #tpu.memory_space<vmem>>, vector<16xf32>,
    }
    %scan3A_7 = arith.constant 80 : i32
    %barrier3A = arith.constant 0 : index
    tpu.barrier barrier_id(%barrier3A)
    %mul3A_8 = arith.constant 10000 : i32
    %mul3A_9 = arith.muli %add3A, %mul3A_8 : i32
    %scan3A_10 = arith.constant 0 : i32
    %scan3A_11 = arith.constant 0 : i32
    %scan3A_12 = arith.constant 125 : i32
    %scan3A_13 = arith.addi %scan3A_11, %scan3A_12 : i32
    %scan3A_14 = arith.constant 1 : i32
    scf.for %scan3A_21 = %scan3A_11 to %scan3A_13 step %scan3A_14  : i32 {
      %mul3A_22 = arith.constant 80 : i32
      %mul3A_23 = arith.muli %scan3A_21, %mul3A_22 : i32
      %add3A_24 = arith.addi %mul3A_9, %mul3A_23 : i32
      "tpu.region"() ({
        %run_scoped3A = tpu.sem_alloc : memref<!tpu.dma_semaphore, #tpu.memory_space<semaphore_mem>>
        %dma_start3A_35 = tpu.memref_slice %arg3[%add3A_24] : memref<320000xi32, #tpu.memory_space<hbm>> -> memref<80xi32, #tpu.memory_space<hbm>>
        %dma_start3A_36 = tpu.memref_slice %arg3[%add3A_24] : memref<320000xi32, #tpu.memory_space<hbm>> -> memref<80xi32, #tpu.memory_space<hbm>>
        tpu.enqueue_dma source(%dma_start3A_36 : memref<80xi32, #tpu.memory_space<hbm>>) target(%arg9 : memref<80xi32, #tpu.memory_space<vmem>>) target_semaphore(%run_scoped3A : memref<!tpu.dma_semaphore, #tpu.memory_space<semaphore_mem>>)
        %dma_wait3A_37 = tpu.memref_slice %arg3[%add3A_24] : memref<320000xi32, #tpu.memory_space<hbm>> -> memref<80xi32, #tpu.memory_space<hbm>>
        %dma_wait3A_38 = tpu.memref_slice %arg3[%add3A_24] : memref<320000xi32, #tpu.memory_space<hbm>> -> memref<80xi32, #tpu.memory_space<hbm>>
        tpu.wait_dma2 semaphore(%run_scoped3A : memref<!tpu.dma_semaphore, #tpu.memory_space<semaphore_mem>>) src(%dma_wait3A_38 : memref<80xi32, #tpu.memory_space<hbm>>) dst(%arg9 : memref<80xi32, #tpu.memory_space<vmem>>)
        tpu.yield
      }) : () -> ()
      "tpu.region"() ({
        %run_scoped3A = tpu.sem_alloc : memref<!tpu.dma_semaphore, #tpu.memory_space<semaphore_mem>>
        %dma_start3A_35 = tpu.memref_slice %arg4[%add3A_24] : memref<320000xi32, #tpu.memory_space<hbm>> -> memref<80xi32, #tpu.memory_space<hbm>>
        %dma_start3A_36 = tpu.memref_slice %arg4[%add3A_24] : memref<320000xi32, #tpu.memory_space<hbm>> -> memref<80xi32, #tpu.memory_space<hbm>>
        tpu.enqueue_dma source(%dma_start3A_36 : memref<80xi32, #tpu.memory_space<hbm>>) target(%arg10 : memref<80xi32, #tpu.memory_space<vmem>>) target_semaphore(%run_scoped3A : memref<!tpu.dma_semaphore, #tpu.memory_space<semaphore_mem>>)
        %dma_wait3A_37 = tpu.memref_slice %arg4[%add3A_24] : memref<320000xi32, #tpu.memory_space<hbm>> -> memref<80xi32, #tpu.memory_space<hbm>>
        %dma_wait3A_38 = tpu.memref_slice %arg4[%add3A_24] : memref<320000xi32, #tpu.memory_space<hbm>> -> memref<80xi32, #tpu.memory_space<hbm>>
        tpu.wait_dma2 semaphore(%run_scoped3A : memref<!tpu.dma_semaphore, #tpu.memory_space<semaphore_mem>>) src(%dma_wait3A_38 : memref<80xi32, #tpu.memory_space<hbm>>) dst(%arg10 : memref<80xi32, #tpu.memory_space<vmem>>)
        tpu.yield
      }) : () -> ()
      %dma_start3A = arith.constant 0 : i32
      %dma_start3A_25 = arith.constant 0 : i32
      %dma_start3A_26 = tpu.memref_slice %arg2[%dma_start3A, %dma_start3A_25] : memref<10000x128xf32, #tpu.memory_space<hbm>> -> memref<10000x128xf32, #tpu.memory_space<hbm>>
      tpu.enqueue_indirect_dma source(%dma_start3A_26 : memref<10000x128xf32, #tpu.memory_space<hbm>>) target(%arg11 : memref<80x128xf32, #tpu.memory_space<vmem>>) offsets(%arg9 : memref<80xi32, #tpu.memory_space<vmem>>) semaphore(%arg16 : memref<!tpu.dma_semaphore, #tpu.memory_space<semaphore_mem>>)
      "tpu.region"() ({
        %run_scoped3A = tpu.sem_alloc : memref<!tpu.dma_semaphore, #tpu.memory_space<semaphore_mem>>
        %dma_start3A_35 = arith.constant 0 : i32
        %dma_start3A_36 = tpu.memref_slice %arg5[%add3A_24, %dma_start3A_35] : memref<320000x16xf32, #tpu.memory_space<hbm>> -> memref<80x16xf32, #tpu.memory_space<hbm>>
        %dma_start3A_37 = arith.constant 0 : i32
        %dma_start3A_38 = tpu.memref_slice %arg5[%add3A_24, %dma_start3A_37] : memref<320000x16xf32, #tpu.memory_space<hbm>> -> memref<80x16xf32, #tpu.memory_space<hbm>>
        tpu.enqueue_dma source(%dma_start3A_38 : memref<80x16xf32, #tpu.memory_space<hbm>>) target(%arg12 : memref<80x16xf32, #tpu.memory_space<vmem>>) target_semaphore(%run_scoped3A : memref<!tpu.dma_semaphore, #tpu.memory_space<semaphore_mem>>)
        %dma_wait3A_39 = arith.constant 0 : i32
        %dma_wait3A_40 = tpu.memref_slice %arg5[%add3A_24, %dma_wait3A_39] : memref<320000x16xf32, #tpu.memory_space<hbm>> -> memref<80x16xf32, #tpu.memory_space<hbm>>
        %dma_wait3A_41 = arith.constant 0 : i32
        %dma_wait3A_42 = tpu.memref_slice %arg5[%add3A_24, %dma_wait3A_41] : memref<320000x16xf32, #tpu.memory_space<hbm>> -> memref<80x16xf32, #tpu.memory_space<hbm>>
        tpu.wait_dma2 semaphore(%run_scoped3A : memref<!tpu.dma_semaphore, #tpu.memory_space<semaphore_mem>>) src(%dma_wait3A_42 : memref<80x16xf32, #tpu.memory_space<hbm>>) dst(%arg12 : memref<80x16xf32, #tpu.memory_space<vmem>>)
        tpu.yield
      }) : () -> ()
      "tpu.region"() ({
        %run_scoped3A = tpu.sem_alloc : memref<!tpu.dma_semaphore, #tpu.memory_space<semaphore_mem>>
        %dma_start3A_35 = tpu.memref_slice %arg6[%add3A_24] : memref<320000xf32, #tpu.memory_space<hbm>> -> memref<80xf32, #tpu.memory_space<hbm>>
        %dma_start3A_36 = tpu.memref_slice %arg6[%add3A_24] : memref<320000xf32, #tpu.memory_space<hbm>> -> memref<80xf32, #tpu.memory_space<hbm>>
        tpu.enqueue_dma source(%dma_start3A_36 : memref<80xf32, #tpu.memory_space<hbm>>) target(%arg13 : memref<80xf32, #tpu.memory_space<vmem>>) target_semaphore(%run_scoped3A : memref<!tpu.dma_semaphore, #tpu.memory_space<semaphore_mem>>)
        %dma_wait3A_37 = tpu.memref_slice %arg6[%add3A_24] : memref<320000xf32, #tpu.memory_space<hbm>> -> memref<80xf32, #tpu.memory_space<hbm>>
        %dma_wait3A_38 = tpu.memref_slice %arg6[%add3A_24] : memref<320000xf32, #tpu.memory_space<hbm>> -> memref<80xf32, #tpu.memory_space<hbm>>
        tpu.wait_dma2 semaphore(%run_scoped3A : memref<!tpu.dma_semaphore, #tpu.memory_space<semaphore_mem>>) src(%dma_wait3A_38 : memref<80xf32, #tpu.memory_space<hbm>>) dst(%arg13 : memref<80xf32, #tpu.memory_space<vmem>>)
        tpu.yield
      }) : () -> ()
      %dma_wait3A = arith.constant 0 : i32
      %dma_wait3A_27 = arith.constant 0 : i32
      %dma_wait3A_28 = tpu.memref_slice %arg2[%dma_wait3A, %dma_wait3A_27] : memref<10000x128xf32, #tpu.memory_space<hbm>> -> memref<10000x128xf32, #tpu.memory_space<hbm>>
      tpu.wait_indirect_dma semaphore(%arg16 : memref<!tpu.dma_semaphore, #tpu.memory_space<semaphore_mem>>) src(%dma_wait3A_28 : memref<10000x128xf32, #tpu.memory_space<hbm>>) dst(%arg11 : memref<80x128xf32, #tpu.memory_space<vmem>>)
      %scan3A_29 = arith.constant 0 : i32
      %scan3A_30 = arith.constant 0 : i32
      %scan3A_31 = arith.constant 5 : i32
      %scan3A_32 = arith.addi %scan3A_30, %scan3A_31 : i32
      %scan3A_33 = arith.constant 1 : i32
      scf.for %scan3A_35 = %scan3A_30 to %scan3A_32 step %scan3A_33  : i32 {
        %mul3A_36 = arith.constant 16 : i32
        %mul3A_37 = arith.muli %scan3A_35, %mul3A_36 : i32
        %iota3A = tpu.iota {dimensions = array<i32: 0>} : vector<16xi32>
        %add3A_38 = vector.broadcast %mul3A_37 : i32 to vector<16xi32>
        %add3A_39 = arith.addi %add3A_38, %iota3A : vector<16xi32>
        %mul3A_40 = arith.constant 16 : i32
        %mul3A_41 = arith.muli %scan3A_35, %mul3A_40 : i32
        %get3A = arith.index_cast %mul3A_41 : i32 to index
        %get3A_42 = tpu.vector_load %arg13[%get3A] {strides = array<i32>} : memref<80xf32, #tpu.memory_space<vmem>>, vector<16xf32>,
        %broadcast_in_dim3A = arith.constant 144 : i32
        %broadcast_in_dim3A_43 = vector.broadcast %broadcast_in_dim3A : i32 to vector<16xi32>
        tpu.vector_store_idx %arg14[%add3A_39, %broadcast_in_dim3A_43], %get3A_42 : memref<80x152xf32, #tpu.memory_space<vmem>>[vector<16xi32>, vector<16xi32>], vector<16xf32>,
        %scan3A_44 = arith.constant 0 : i32
        %scan3A_45 = arith.constant 0 : i32
        %scan3A_46 = arith.constant 16 : i32
        %scan3A_47 = arith.addi %scan3A_45, %scan3A_46 : i32
        %scan3A_48 = arith.constant 1 : i32
        scf.for %scan3A_145 = %scan3A_45 to %scan3A_47 step %scan3A_48  : i32 {
          %mul3A_146 = arith.constant 8 : i32
          %mul3A_147 = arith.muli %scan3A_145, %mul3A_146 : i32
          %add3A_148 = arith.constant 0 : i32
          %add3A_149 = arith.addi %mul3A_147, %add3A_148 : i32
          %broadcast_in_dim3A_150 = vector.broadcast %add3A_149 : i32 to vector<16xi32>
          %gather3A_151 = tpu.vector_load_idx %arg11[%add3A_39, %broadcast_in_dim3A_150] : memref<80x128xf32, #tpu.memory_space<vmem>>[vector<16xi32>, vector<16xi32>], vector<16xf32>,
          %mul3A_152 = arith.mulf %gather3A_151, %get3A_42 : vector<16xf32>
          tpu.vector_store_idx %arg14[%add3A_39, %broadcast_in_dim3A_150], %mul3A_152 : memref<80x152xf32, #tpu.memory_space<vmem>>[vector<16xi32>, vector<16xi32>], vector<16xf32>,
          %mul3A_153 = arith.constant 8 : i32
          %mul3A_154 = arith.muli %scan3A_145, %mul3A_153 : i32
          %add3A_155 = arith.constant 1 : i32
          %add3A_156 = arith.addi %mul3A_154, %add3A_155 : i32
          %broadcast_in_dim3A_157 = vector.broadcast %add3A_156 : i32 to vector<16xi32>
          %gather3A_158 = tpu.vector_load_idx %arg11[%add3A_39, %broadcast_in_dim3A_157] : memref<80x128xf32, #tpu.memory_space<vmem>>[vector<16xi32>, vector<16xi32>], vector<16xf32>,
          %mul3A_159 = arith.mulf %gather3A_158, %get3A_42 : vector<16xf32>
          tpu.vector_store_idx %arg14[%add3A_39, %broadcast_in_dim3A_157], %mul3A_159 : memref<80x152xf32, #tpu.memory_space<vmem>>[vector<16xi32>, vector<16xi32>], vector<16xf32>,
          %mul3A_160 = arith.constant 8 : i32
          %mul3A_161 = arith.muli %scan3A_145, %mul3A_160 : i32
          %add3A_162 = arith.constant 2 : i32
          %add3A_163 = arith.addi %mul3A_161, %add3A_162 : i32
          %broadcast_in_dim3A_164 = vector.broadcast %add3A_163 : i32 to vector<16xi32>
          %gather3A_165 = tpu.vector_load_idx %arg11[%add3A_39, %broadcast_in_dim3A_164] : memref<80x128xf32, #tpu.memory_space<vmem>>[vector<16xi32>, vector<16xi32>], vector<16xf32>,
          %mul3A_166 = arith.mulf %gather3A_165, %get3A_42 : vector<16xf32>
          tpu.vector_store_idx %arg14[%add3A_39, %broadcast_in_dim3A_164], %mul3A_166 : memref<80x152xf32, #tpu.memory_space<vmem>>[vector<16xi32>, vector<16xi32>], vector<16xf32>,
          %mul3A_167 = arith.constant 8 : i32
          %mul3A_168 = arith.muli %scan3A_145, %mul3A_167 : i32
          %add3A_169 = arith.constant 3 : i32
          %add3A_170 = arith.addi %mul3A_168, %add3A_169 : i32
          %broadcast_in_dim3A_171 = vector.broadcast %add3A_170 : i32 to vector<16xi32>
          %gather3A_172 = tpu.vector_load_idx %arg11[%add3A_39, %broadcast_in_dim3A_171] : memref<80x128xf32, #tpu.memory_space<vmem>>[vector<16xi32>, vector<16xi32>], vector<16xf32>,
          %mul3A_173 = arith.mulf %gather3A_172, %get3A_42 : vector<16xf32>
          tpu.vector_store_idx %arg14[%add3A_39, %broadcast_in_dim3A_171], %mul3A_173 : memref<80x152xf32, #tpu.memory_space<vmem>>[vector<16xi32>, vector<16xi32>], vector<16xf32>,
          %mul3A_174 = arith.constant 8 : i32
          %mul3A_175 = arith.muli %scan3A_145, %mul3A_174 : i32
          %add3A_176 = arith.constant 4 : i32
          %add3A_177 = arith.addi %mul3A_175, %add3A_176 : i32
          %broadcast_in_dim3A_178 = vector.broadcast %add3A_177 : i32 to vector<16xi32>
          %gather3A_179 = tpu.vector_load_idx %arg11[%add3A_39, %broadcast_in_dim3A_178] : memref<80x128xf32, #tpu.memory_space<vmem>>[vector<16xi32>, vector<16xi32>], vector<16xf32>,
          %mul3A_180 = arith.mulf %gather3A_179, %get3A_42 : vector<16xf32>
          tpu.vector_store_idx %arg14[%add3A_39, %broadcast_in_dim3A_178], %mul3A_180 : memref<80x152xf32, #tpu.memory_space<vmem>>[vector<16xi32>, vector<16xi32>], vector<16xf32>,
          %mul3A_181 = arith.constant 8 : i32
          %mul3A_182 = arith.muli %scan3A_145, %mul3A_181 : i32
          %add3A_183 = arith.constant 5 : i32
          %add3A_184 = arith.addi %mul3A_182, %add3A_183 : i32
          %broadcast_in_dim3A_185 = vector.broadcast %add3A_184 : i32 to vector<16xi32>
          %gather3A_186 = tpu.vector_load_idx %arg11[%add3A_39, %broadcast_in_dim3A_185] : memref<80x128xf32, #tpu.memory_space<vmem>>[vector<16xi32>, vector<16xi32>], vector<16xf32>,
          %mul3A_187 = arith.mulf %gather3A_186, %get3A_42 : vector<16xf32>
          tpu.vector_store_idx %arg14[%add3A_39, %broadcast_in_dim3A_185], %mul3A_187 : memref<80x152xf32, #tpu.memory_space<vmem>>[vector<16xi32>, vector<16xi32>], vector<16xf32>,
          %mul3A_188 = arith.constant 8 : i32
          %mul3A_189 = arith.muli %scan3A_145, %mul3A_188 : i32
          %add3A_190 = arith.constant 6 : i32
          %add3A_191 = arith.addi %mul3A_189, %add3A_190 : i32
          %broadcast_in_dim3A_192 = vector.broadcast %add3A_191 : i32 to vector<16xi32>
          %gather3A_193 = tpu.vector_load_idx %arg11[%add3A_39, %broadcast_in_dim3A_192] : memref<80x128xf32, #tpu.memory_space<vmem>>[vector<16xi32>, vector<16xi32>], vector<16xf32>,
          %mul3A_194 = arith.mulf %gather3A_193, %get3A_42 : vector<16xf32>
          tpu.vector_store_idx %arg14[%add3A_39, %broadcast_in_dim3A_192], %mul3A_194 : memref<80x152xf32, #tpu.memory_space<vmem>>[vector<16xi32>, vector<16xi32>], vector<16xf32>,
          %mul3A_195 = arith.constant 8 : i32
          %mul3A_196 = arith.muli %scan3A_145, %mul3A_195 : i32
          %add3A_197 = arith.constant 7 : i32
          %add3A_198 = arith.addi %mul3A_196, %add3A_197 : i32
          %broadcast_in_dim3A_199 = vector.broadcast %add3A_198 : i32 to vector<16xi32>
          %gather3A_200 = tpu.vector_load_idx %arg11[%add3A_39, %broadcast_in_dim3A_199] : memref<80x128xf32, #tpu.memory_space<vmem>>[vector<16xi32>, vector<16xi32>], vector<16xf32>,
          %mul3A_201 = arith.mulf %gather3A_200, %get3A_42 : vector<16xf32>
          tpu.vector_store_idx %arg14[%add3A_39, %broadcast_in_dim3A_199], %mul3A_201 : memref<80x152xf32, #tpu.memory_space<vmem>>[vector<16xi32>, vector<16xi32>], vector<16xf32>,
        }
        %scan3A_49 = arith.constant 16 : i32
        %broadcast_in_dim3A_50 = arith.constant 0 : i32
        %broadcast_in_dim3A_51 = vector.broadcast %broadcast_in_dim3A_50 : i32 to vector<16xi32>
        %gather3A = tpu.vector_load_idx %arg12[%add3A_39, %broadcast_in_dim3A_51] : memref<80x16xf32, #tpu.memory_space<vmem>>[vector<16xi32>, vector<16xi32>], vector<16xf32>,
        %mul3A_52 = arith.mulf %gather3A, %get3A_42 : vector<16xf32>
        %broadcast_in_dim3A_53 = arith.constant 128 : i32
        %broadcast_in_dim3A_54 = vector.broadcast %broadcast_in_dim3A_53 : i32 to vector<16xi32>
        tpu.vector_store_idx %arg14[%add3A_39, %broadcast_in_dim3A_54], %mul3A_52 : memref<80x152xf32, #tpu.memory_space<vmem>>[vector<16xi32>, vector<16xi32>], vector<16xf32>,
        %broadcast_in_dim3A_55 = arith.constant 1 : i32
        %broadcast_in_dim3A_56 = vector.broadcast %broadcast_in_dim3A_55 : i32 to vector<16xi32>
        %gather3A_57 = tpu.vector_load_idx %arg12[%add3A_39, %broadcast_in_dim3A_56] : memref<80x16xf32, #tpu.memory_space<vmem>>[vector<16xi32>, vector<16xi32>], vector<16xf32>,
        %mul3A_58 = arith.mulf %gather3A_57, %get3A_42 : vector<16xf32>
        %broadcast_in_dim3A_59 = arith.constant 129 : i32
        %broadcast_in_dim3A_60 = vector.broadcast %broadcast_in_dim3A_59 : i32 to vector<16xi32>
        tpu.vector_store_idx %arg14[%add3A_39, %broadcast_in_dim3A_60], %mul3A_58 : memref<80x152xf32, #tpu.memory_space<vmem>>[vector<16xi32>, vector<16xi32>], vector<16xf32>,
        %broadcast_in_dim3A_61 = arith.constant 2 : i32
        %broadcast_in_dim3A_62 = vector.broadcast %broadcast_in_dim3A_61 : i32 to vector<16xi32>
        %gather3A_63 = tpu.vector_load_idx %arg12[%add3A_39, %broadcast_in_dim3A_62] : memref<80x16xf32, #tpu.memory_space<vmem>>[vector<16xi32>, vector<16xi32>], vector<16xf32>,
        %mul3A_64 = arith.mulf %gather3A_63, %get3A_42 : vector<16xf32>
        %broadcast_in_dim3A_65 = arith.constant 130 : i32
        %broadcast_in_dim3A_66 = vector.broadcast %broadcast_in_dim3A_65 : i32 to vector<16xi32>
        tpu.vector_store_idx %arg14[%add3A_39, %broadcast_in_dim3A_66], %mul3A_64 : memref<80x152xf32, #tpu.memory_space<vmem>>[vector<16xi32>, vector<16xi32>], vector<16xf32>,
        %broadcast_in_dim3A_67 = arith.constant 3 : i32
        %broadcast_in_dim3A_68 = vector.broadcast %broadcast_in_dim3A_67 : i32 to vector<16xi32>
        %gather3A_69 = tpu.vector_load_idx %arg12[%add3A_39, %broadcast_in_dim3A_68] : memref<80x16xf32, #tpu.memory_space<vmem>>[vector<16xi32>, vector<16xi32>], vector<16xf32>,
        %mul3A_70 = arith.mulf %gather3A_69, %get3A_42 : vector<16xf32>
        %broadcast_in_dim3A_71 = arith.constant 131 : i32
        %broadcast_in_dim3A_72 = vector.broadcast %broadcast_in_dim3A_71 : i32 to vector<16xi32>
        tpu.vector_store_idx %arg14[%add3A_39, %broadcast_in_dim3A_72], %mul3A_70 : memref<80x152xf32, #tpu.memory_space<vmem>>[vector<16xi32>, vector<16xi32>], vector<16xf32>,
        %broadcast_in_dim3A_73 = arith.constant 4 : i32
        %broadcast_in_dim3A_74 = vector.broadcast %broadcast_in_dim3A_73 : i32 to vector<16xi32>
        %gather3A_75 = tpu.vector_load_idx %arg12[%add3A_39, %broadcast_in_dim3A_74] : memref<80x16xf32, #tpu.memory_space<vmem>>[vector<16xi32>, vector<16xi32>], vector<16xf32>,
        %mul3A_76 = arith.mulf %gather3A_75, %get3A_42 : vector<16xf32>
        %broadcast_in_dim3A_77 = arith.constant 132 : i32
        %broadcast_in_dim3A_78 = vector.broadcast %broadcast_in_dim3A_77 : i32 to vector<16xi32>
        tpu.vector_store_idx %arg14[%add3A_39, %broadcast_in_dim3A_78], %mul3A_76 : memref<80x152xf32, #tpu.memory_space<vmem>>[vector<16xi32>, vector<16xi32>], vector<16xf32>,
        %broadcast_in_dim3A_79 = arith.constant 5 : i32
        %broadcast_in_dim3A_80 = vector.broadcast %broadcast_in_dim3A_79 : i32 to vector<16xi32>
        %gather3A_81 = tpu.vector_load_idx %arg12[%add3A_39, %broadcast_in_dim3A_80] : memref<80x16xf32, #tpu.memory_space<vmem>>[vector<16xi32>, vector<16xi32>], vector<16xf32>,
        %mul3A_82 = arith.mulf %gather3A_81, %get3A_42 : vector<16xf32>
        %broadcast_in_dim3A_83 = arith.constant 133 : i32
        %broadcast_in_dim3A_84 = vector.broadcast %broadcast_in_dim3A_83 : i32 to vector<16xi32>
        tpu.vector_store_idx %arg14[%add3A_39, %broadcast_in_dim3A_84], %mul3A_82 : memref<80x152xf32, #tpu.memory_space<vmem>>[vector<16xi32>, vector<16xi32>], vector<16xf32>,
        %broadcast_in_dim3A_85 = arith.constant 6 : i32
        %broadcast_in_dim3A_86 = vector.broadcast %broadcast_in_dim3A_85 : i32 to vector<16xi32>
        %gather3A_87 = tpu.vector_load_idx %arg12[%add3A_39, %broadcast_in_dim3A_86] : memref<80x16xf32, #tpu.memory_space<vmem>>[vector<16xi32>, vector<16xi32>], vector<16xf32>,
        %mul3A_88 = arith.mulf %gather3A_87, %get3A_42 : vector<16xf32>
        %broadcast_in_dim3A_89 = arith.constant 134 : i32
        %broadcast_in_dim3A_90 = vector.broadcast %broadcast_in_dim3A_89 : i32 to vector<16xi32>
        tpu.vector_store_idx %arg14[%add3A_39, %broadcast_in_dim3A_90], %mul3A_88 : memref<80x152xf32, #tpu.memory_space<vmem>>[vector<16xi32>, vector<16xi32>], vector<16xf32>,
        %broadcast_in_dim3A_91 = arith.constant 7 : i32
        %broadcast_in_dim3A_92 = vector.broadcast %broadcast_in_dim3A_91 : i32 to vector<16xi32>
        %gather3A_93 = tpu.vector_load_idx %arg12[%add3A_39, %broadcast_in_dim3A_92] : memref<80x16xf32, #tpu.memory_space<vmem>>[vector<16xi32>, vector<16xi32>], vector<16xf32>,
        %mul3A_94 = arith.mulf %gather3A_93, %get3A_42 : vector<16xf32>
        %broadcast_in_dim3A_95 = arith.constant 135 : i32
        %broadcast_in_dim3A_96 = vector.broadcast %broadcast_in_dim3A_95 : i32 to vector<16xi32>
        tpu.vector_store_idx %arg14[%add3A_39, %broadcast_in_dim3A_96], %mul3A_94 : memref<80x152xf32, #tpu.memory_space<vmem>>[vector<16xi32>, vector<16xi32>], vector<16xf32>,
        %broadcast_in_dim3A_97 = arith.constant 8 : i32
        %broadcast_in_dim3A_98 = vector.broadcast %broadcast_in_dim3A_97 : i32 to vector<16xi32>
        %gather3A_99 = tpu.vector_load_idx %arg12[%add3A_39, %broadcast_in_dim3A_98] : memref<80x16xf32, #tpu.memory_space<vmem>>[vector<16xi32>, vector<16xi32>], vector<16xf32>,
        %mul3A_100 = arith.mulf %gather3A_99, %get3A_42 : vector<16xf32>
        %broadcast_in_dim3A_101 = arith.constant 136 : i32
        %broadcast_in_dim3A_102 = vector.broadcast %broadcast_in_dim3A_101 : i32 to vector<16xi32>
        tpu.vector_store_idx %arg14[%add3A_39, %broadcast_in_dim3A_102], %mul3A_100 : memref<80x152xf32, #tpu.memory_space<vmem>>[vector<16xi32>, vector<16xi32>], vector<16xf32>,
        %broadcast_in_dim3A_103 = arith.constant 9 : i32
        %broadcast_in_dim3A_104 = vector.broadcast %broadcast_in_dim3A_103 : i32 to vector<16xi32>
        %gather3A_105 = tpu.vector_load_idx %arg12[%add3A_39, %broadcast_in_dim3A_104] : memref<80x16xf32, #tpu.memory_space<vmem>>[vector<16xi32>, vector<16xi32>], vector<16xf32>,
        %mul3A_106 = arith.mulf %gather3A_105, %get3A_42 : vector<16xf32>
        %broadcast_in_dim3A_107 = arith.constant 137 : i32
        %broadcast_in_dim3A_108 = vector.broadcast %broadcast_in_dim3A_107 : i32 to vector<16xi32>
        tpu.vector_store_idx %arg14[%add3A_39, %broadcast_in_dim3A_108], %mul3A_106 : memref<80x152xf32, #tpu.memory_space<vmem>>[vector<16xi32>, vector<16xi32>], vector<16xf32>,
        %broadcast_in_dim3A_109 = arith.constant 10 : i32
        %broadcast_in_dim3A_110 = vector.broadcast %broadcast_in_dim3A_109 : i32 to vector<16xi32>
        %gather3A_111 = tpu.vector_load_idx %arg12[%add3A_39, %broadcast_in_dim3A_110] : memref<80x16xf32, #tpu.memory_space<vmem>>[vector<16xi32>, vector<16xi32>], vector<16xf32>,
        %mul3A_112 = arith.mulf %gather3A_111, %get3A_42 : vector<16xf32>
        %broadcast_in_dim3A_113 = arith.constant 138 : i32
        %broadcast_in_dim3A_114 = vector.broadcast %broadcast_in_dim3A_113 : i32 to vector<16xi32>
        tpu.vector_store_idx %arg14[%add3A_39, %broadcast_in_dim3A_114], %mul3A_112 : memref<80x152xf32, #tpu.memory_space<vmem>>[vector<16xi32>, vector<16xi32>], vector<16xf32>,
        %broadcast_in_dim3A_115 = arith.constant 11 : i32
        %broadcast_in_dim3A_116 = vector.broadcast %broadcast_in_dim3A_115 : i32 to vector<16xi32>
        %gather3A_117 = tpu.vector_load_idx %arg12[%add3A_39, %broadcast_in_dim3A_116] : memref<80x16xf32, #tpu.memory_space<vmem>>[vector<16xi32>, vector<16xi32>], vector<16xf32>,
        %mul3A_118 = arith.mulf %gather3A_117, %get3A_42 : vector<16xf32>
        %broadcast_in_dim3A_119 = arith.constant 139 : i32
        %broadcast_in_dim3A_120 = vector.broadcast %broadcast_in_dim3A_119 : i32 to vector<16xi32>
        tpu.vector_store_idx %arg14[%add3A_39, %broadcast_in_dim3A_120], %mul3A_118 : memref<80x152xf32, #tpu.memory_space<vmem>>[vector<16xi32>, vector<16xi32>], vector<16xf32>,
        %broadcast_in_dim3A_121 = arith.constant 12 : i32
        %broadcast_in_dim3A_122 = vector.broadcast %broadcast_in_dim3A_121 : i32 to vector<16xi32>
        %gather3A_123 = tpu.vector_load_idx %arg12[%add3A_39, %broadcast_in_dim3A_122] : memref<80x16xf32, #tpu.memory_space<vmem>>[vector<16xi32>, vector<16xi32>], vector<16xf32>,
        %mul3A_124 = arith.mulf %gather3A_123, %get3A_42 : vector<16xf32>
        %broadcast_in_dim3A_125 = arith.constant 140 : i32
        %broadcast_in_dim3A_126 = vector.broadcast %broadcast_in_dim3A_125 : i32 to vector<16xi32>
        tpu.vector_store_idx %arg14[%add3A_39, %broadcast_in_dim3A_126], %mul3A_124 : memref<80x152xf32, #tpu.memory_space<vmem>>[vector<16xi32>, vector<16xi32>], vector<16xf32>,
        %broadcast_in_dim3A_127 = arith.constant 13 : i32
        %broadcast_in_dim3A_128 = vector.broadcast %broadcast_in_dim3A_127 : i32 to vector<16xi32>
        %gather3A_129 = tpu.vector_load_idx %arg12[%add3A_39, %broadcast_in_dim3A_128] : memref<80x16xf32, #tpu.memory_space<vmem>>[vector<16xi32>, vector<16xi32>], vector<16xf32>,
        %mul3A_130 = arith.mulf %gather3A_129, %get3A_42 : vector<16xf32>
        %broadcast_in_dim3A_131 = arith.constant 141 : i32
        %broadcast_in_dim3A_132 = vector.broadcast %broadcast_in_dim3A_131 : i32 to vector<16xi32>
        tpu.vector_store_idx %arg14[%add3A_39, %broadcast_in_dim3A_132], %mul3A_130 : memref<80x152xf32, #tpu.memory_space<vmem>>[vector<16xi32>, vector<16xi32>], vector<16xf32>,
        %broadcast_in_dim3A_133 = arith.constant 14 : i32
        %broadcast_in_dim3A_134 = vector.broadcast %broadcast_in_dim3A_133 : i32 to vector<16xi32>
        %gather3A_135 = tpu.vector_load_idx %arg12[%add3A_39, %broadcast_in_dim3A_134] : memref<80x16xf32, #tpu.memory_space<vmem>>[vector<16xi32>, vector<16xi32>], vector<16xf32>,
        %mul3A_136 = arith.mulf %gather3A_135, %get3A_42 : vector<16xf32>
        %broadcast_in_dim3A_137 = arith.constant 142 : i32
        %broadcast_in_dim3A_138 = vector.broadcast %broadcast_in_dim3A_137 : i32 to vector<16xi32>
        tpu.vector_store_idx %arg14[%add3A_39, %broadcast_in_dim3A_138], %mul3A_136 : memref<80x152xf32, #tpu.memory_space<vmem>>[vector<16xi32>, vector<16xi32>], vector<16xf32>,
        %broadcast_in_dim3A_139 = arith.constant 15 : i32
        %broadcast_in_dim3A_140 = vector.broadcast %broadcast_in_dim3A_139 : i32 to vector<16xi32>
        %gather3A_141 = tpu.vector_load_idx %arg12[%add3A_39, %broadcast_in_dim3A_140] : memref<80x16xf32, #tpu.memory_space<vmem>>[vector<16xi32>, vector<16xi32>], vector<16xf32>,
        %mul3A_142 = arith.mulf %gather3A_141, %get3A_42 : vector<16xf32>
        %broadcast_in_dim3A_143 = arith.constant 143 : i32
        %broadcast_in_dim3A_144 = vector.broadcast %broadcast_in_dim3A_143 : i32 to vector<16xi32>
        tpu.vector_store_idx %arg14[%add3A_39, %broadcast_in_dim3A_144], %mul3A_142 : memref<80x152xf32, #tpu.memory_space<vmem>>[vector<16xi32>, vector<16xi32>], vector<16xf32>,
      }
      %scan3A_34 = arith.constant 5 : i32
      "tpu.region"() ({
        %run_scoped3A = tpu.sem_alloc : memref<!tpu.dma_semaphore, #tpu.memory_space<semaphore_mem>>
        %dma_start3A_35 = arith.constant 0 : i32
        %dma_start3A_36 = arith.constant 0 : i32
        %dma_start3A_37 = tpu.memref_slice %arg15[%dma_start3A_35, %dma_start3A_36] : memref<10240x152xf32, #tpu.memory_space<vmem_shared>> -> memref<10240x152xf32, #tpu.memory_space<vmem_shared>>
        tpu.enqueue_indirect_dma source(%arg14 : memref<80x152xf32, #tpu.memory_space<vmem>>) target(%dma_start3A_37 : memref<10240x152xf32, #tpu.memory_space<vmem_shared>>) offsets(%arg10 : memref<80xi32, #tpu.memory_space<vmem>>) semaphore(%run_scoped3A : memref<!tpu.dma_semaphore, #tpu.memory_space<semaphore_mem>>) {add = true}
        %dma_wait3A_38 = arith.constant 0 : i32
        %dma_wait3A_39 = arith.constant 0 : i32
        %dma_wait3A_40 = tpu.memref_slice %arg15[%dma_wait3A_38, %dma_wait3A_39] : memref<10240x152xf32, #tpu.memory_space<vmem_shared>> -> memref<10240x152xf32, #tpu.memory_space<vmem_shared>>
        tpu.wait_indirect_dma semaphore(%run_scoped3A : memref<!tpu.dma_semaphore, #tpu.memory_space<semaphore_mem>>) src(%arg14 : memref<80x152xf32, #tpu.memory_space<vmem>>) dst(%dma_wait3A_40 : memref<10240x152xf32, #tpu.memory_space<vmem_shared>>)
        tpu.yield
      }) : () -> ()
    }
    %scan3A_15 = arith.constant 125 : i32
    %barrier3A_16 = arith.constant 0 : index
    tpu.barrier barrier_id(%barrier3A_16)
    %mul3A_17 = arith.constant 640 : i32
    %mul3A_18 = arith.muli %arg1, %mul3A_17 : i32
    %mul3A_19 = arith.constant 640 : i32
    %mul3A_20 = arith.muli %arg1, %mul3A_19 : i32
    "tpu.region"() ({
      %run_scoped3A = tpu.sem_alloc : memref<!tpu.dma_semaphore, #tpu.memory_space<semaphore_mem>>
      %dma_start3A = arith.constant 0 : i32
      %dma_start3A_21 = tpu.memref_slice %arg8[%arg0, %mul3A_20, %dma_start3A] : memref<2x10240x152xf32, #tpu.memory_space<hbm>> -> memref<1x640x152xf32, #tpu.memory_space<hbm>>
      %dma_start3A_22 = tpu.memref_squeeze %dma_start3A_21 : memref<1x640x152xf32, #tpu.memory_space<hbm>> -> memref<640x152xf32, #tpu.memory_space<hbm>>
      %dma_start3A_23 = arith.constant 0 : i32
      %dma_start3A_24 = tpu.memref_slice %arg15[%mul3A_18, %dma_start3A_23] : memref<10240x152xf32, #tpu.memory_space<vmem_shared>> -> memref<640x152xf32, #tpu.memory_space<vmem_shared>>
      tpu.enqueue_dma source(%dma_start3A_24 : memref<640x152xf32, #tpu.memory_space<vmem_shared>>) target(%dma_start3A_22 : memref<640x152xf32, #tpu.memory_space<hbm>>) target_semaphore(%run_scoped3A : memref<!tpu.dma_semaphore, #tpu.memory_space<semaphore_mem>>)
      %dma_wait3A = arith.constant 0 : i32
      %dma_wait3A_25 = tpu.memref_slice %arg8[%arg0, %mul3A_20, %dma_wait3A] : memref<2x10240x152xf32, #tpu.memory_space<hbm>> -> memref<1x640x152xf32, #tpu.memory_space<hbm>>
      %dma_wait3A_26 = tpu.memref_squeeze %dma_wait3A_25 : memref<1x640x152xf32, #tpu.memory_space<hbm>> -> memref<640x152xf32, #tpu.memory_space<hbm>>
      %dma_wait3A_27 = arith.constant 0 : i32
      %dma_wait3A_28 = tpu.memref_slice %arg15[%mul3A_18, %dma_wait3A_27] : memref<10240x152xf32, #tpu.memory_space<vmem_shared>> -> memref<640x152xf32, #tpu.memory_space<vmem_shared>>
      tpu.wait_dma2 semaphore(%run_scoped3A : memref<!tpu.dma_semaphore, #tpu.memory_space<semaphore_mem>>) src(%dma_wait3A_28 : memref<640x152xf32, #tpu.memory_space<vmem_shared>>) dst(%dma_wait3A_26 : memref<640x152xf32, #tpu.memory_space<hbm>>)
      tpu.yield
    }) : () -> ()
    return
  }
}

#map = affine_map<(d0, d1) -> (0, 0)>
#map1 = affine_map<(d0, d1) -> (0)>
#map2 = affine_map<(d0, d1) -> (0, 0, 0)>
module attributes {stable_mosaic.version = 14 : i64} {
  func.func @_sc_msg(%arg0: i32, %arg1: i32, %arg2: memref<10000x128xf32, #tpu.memory_space<hbm>>, %arg3: memref<320000xi32, #tpu.memory_space<hbm>>, %arg4: memref<320000xi32, #tpu.memory_space<hbm>>, %arg5: memref<320000x16xf32, #tpu.memory_space<hbm>>, %arg6: memref<320000xf32, #tpu.memory_space<hbm>>, %arg7: memref<640x152xf32, #tpu.memory_space<hbm>>, %arg8: memref<2x10240x152xf32, #tpu.memory_space<hbm>>, %arg9: memref<80xi32, #tpu.memory_space<vmem>>, %arg10: memref<80xi32, #tpu.memory_space<vmem>>, %arg11: memref<80x128xf32, #tpu.memory_space<vmem>>, %arg12: memref<80x16xf32, #tpu.memory_space<vmem>>, %arg13: memref<80xf32, #tpu.memory_space<vmem>>, %arg14: memref<80x152xf32, #tpu.memory_space<vmem>>, %arg15: memref<10240x152xf32, #tpu.memory_space<vmem_shared>>, %arg16: memref<!tpu.dma_semaphore, #tpu.memory_space<semaphore_mem>>) attributes {dimension_semantics = [#tpu.dimension_semantics<core_parallel>, #tpu.dimension_semantics<subcore_parallel>], iteration_bounds = array<i64: 2, 16>, scalar_prefetch = 0 : i64, scratch_operands = 8 : i64, tpu.core_type = #tpu.core_type<sc_vector_subcore>, window_params = [{transform_indices = #map}, {transform_indices = #map1}, {transform_indices = #map1}, {transform_indices = #map}, {transform_indices = #map1}, {transform_indices = #map}, {transform_indices = #map2}]} {
    %mul3A = arith.constant 16 : i32
    %mul3A_0 = arith.muli %arg0, %mul3A : i32
    %add3A = arith.addi %mul3A_0, %arg1 : i32
    %mul3A_1 = arith.constant 640 : i32
    %mul3A_2 = arith.muli %arg1, %mul3A_1 : i32
    "tpu.region"() ({
      %run_scoped3A = tpu.sem_alloc : memref<!tpu.dma_semaphore, #tpu.memory_space<semaphore_mem>>
      %dma_start3A = arith.constant 0 : i32
      %dma_start3A_21 = tpu.memref_slice %arg15[%mul3A_2, %dma_start3A] : memref<10240x152xf32, #tpu.memory_space<vmem_shared>> -> memref<640x152xf32, #tpu.memory_space<vmem_shared>>
      tpu.enqueue_dma source(%arg7 : memref<640x152xf32, #tpu.memory_space<hbm>>) target(%dma_start3A_21 : memref<640x152xf32, #tpu.memory_space<vmem_shared>>) target_semaphore(%run_scoped3A : memref<!tpu.dma_semaphore, #tpu.memory_space<semaphore_mem>>)
      %dma_wait3A = arith.constant 0 : i32
      %dma_wait3A_22 = tpu.memref_slice %arg15[%mul3A_2, %dma_wait3A] : memref<10240x152xf32, #tpu.memory_space<vmem_shared>> -> memref<640x152xf32, #tpu.memory_space<vmem_shared>>
      tpu.wait_dma2 semaphore(%run_scoped3A : memref<!tpu.dma_semaphore, #tpu.memory_space<semaphore_mem>>) src(%arg7 : memref<640x152xf32, #tpu.memory_space<hbm>>) dst(%dma_wait3A_22 : memref<640x152xf32, #tpu.memory_space<vmem_shared>>)
      tpu.yield
    }) : () -> ()
    %scan3A = arith.constant 0 : i32
    %scan3A_3 = arith.constant 0 : i32
    %scan3A_4 = arith.constant 80 : i32
    %scan3A_5 = arith.addi %scan3A_3, %scan3A_4 : i32
    %scan3A_6 = arith.constant 1 : i32
    scf.for %scan3A_21 = %scan3A_3 to %scan3A_5 step %scan3A_6  : i32 {
      %broadcast_in_dim3A = arith.constant 0.000000e+00 : f32
      %broadcast_in_dim3A_22 = vector.broadcast %broadcast_in_dim3A : f32 to vector<16xf32>
      %swap3A = arith.index_cast %scan3A_21 : i32 to index
      %swap3A_23 = arith.constant 136 : index
      %swap3A_24 = tpu.vector_load %arg14[%swap3A, %swap3A_23] {strides = array<i32>} : memref<80x152xf32, #tpu.memory_space<vmem>>, vector<16xf32>,
      tpu.vector_store %arg14[%swap3A, %swap3A_23], %broadcast_in_dim3A_22 {strides = array<i32>} : memref<80x152xf32, #tpu.memory_space<vmem>>, vector<16xf32>,
    }
    %scan3A_7 = arith.constant 80 : i32
    %barrier3A = arith.constant 0 : index
    tpu.barrier barrier_id(%barrier3A)
    %mul3A_8 = arith.constant 10000 : i32
    %mul3A_9 = arith.muli %add3A, %mul3A_8 : i32
    %scan3A_10 = arith.constant 0 : i32
    %scan3A_11 = arith.constant 0 : i32
    %scan3A_12 = arith.constant 125 : i32
    %scan3A_13 = arith.addi %scan3A_11, %scan3A_12 : i32
    %scan3A_14 = arith.constant 1 : i32
    scf.for %scan3A_21 = %scan3A_11 to %scan3A_13 step %scan3A_14  : i32 {
      %mul3A_22 = arith.constant 80 : i32
      %mul3A_23 = arith.muli %scan3A_21, %mul3A_22 : i32
      %add3A_24 = arith.addi %mul3A_9, %mul3A_23 : i32
      "tpu.region"() ({
        %run_scoped3A = tpu.sem_alloc : memref<!tpu.dma_semaphore, #tpu.memory_space<semaphore_mem>>
        %dma_start3A_35 = tpu.memref_slice %arg3[%add3A_24] : memref<320000xi32, #tpu.memory_space<hbm>> -> memref<80xi32, #tpu.memory_space<hbm>>
        %dma_start3A_36 = tpu.memref_slice %arg3[%add3A_24] : memref<320000xi32, #tpu.memory_space<hbm>> -> memref<80xi32, #tpu.memory_space<hbm>>
        tpu.enqueue_dma source(%dma_start3A_36 : memref<80xi32, #tpu.memory_space<hbm>>) target(%arg9 : memref<80xi32, #tpu.memory_space<vmem>>) target_semaphore(%run_scoped3A : memref<!tpu.dma_semaphore, #tpu.memory_space<semaphore_mem>>)
        %dma_wait3A_37 = tpu.memref_slice %arg3[%add3A_24] : memref<320000xi32, #tpu.memory_space<hbm>> -> memref<80xi32, #tpu.memory_space<hbm>>
        %dma_wait3A_38 = tpu.memref_slice %arg3[%add3A_24] : memref<320000xi32, #tpu.memory_space<hbm>> -> memref<80xi32, #tpu.memory_space<hbm>>
        tpu.wait_dma2 semaphore(%run_scoped3A : memref<!tpu.dma_semaphore, #tpu.memory_space<semaphore_mem>>) src(%dma_wait3A_38 : memref<80xi32, #tpu.memory_space<hbm>>) dst(%arg9 : memref<80xi32, #tpu.memory_space<vmem>>)
        tpu.yield
      }) : () -> ()
      "tpu.region"() ({
        %run_scoped3A = tpu.sem_alloc : memref<!tpu.dma_semaphore, #tpu.memory_space<semaphore_mem>>
        %dma_start3A_35 = tpu.memref_slice %arg4[%add3A_24] : memref<320000xi32, #tpu.memory_space<hbm>> -> memref<80xi32, #tpu.memory_space<hbm>>
        %dma_start3A_36 = tpu.memref_slice %arg4[%add3A_24] : memref<320000xi32, #tpu.memory_space<hbm>> -> memref<80xi32, #tpu.memory_space<hbm>>
        tpu.enqueue_dma source(%dma_start3A_36 : memref<80xi32, #tpu.memory_space<hbm>>) target(%arg10 : memref<80xi32, #tpu.memory_space<vmem>>) target_semaphore(%run_scoped3A : memref<!tpu.dma_semaphore, #tpu.memory_space<semaphore_mem>>)
        %dma_wait3A_37 = tpu.memref_slice %arg4[%add3A_24] : memref<320000xi32, #tpu.memory_space<hbm>> -> memref<80xi32, #tpu.memory_space<hbm>>
        %dma_wait3A_38 = tpu.memref_slice %arg4[%add3A_24] : memref<320000xi32, #tpu.memory_space<hbm>> -> memref<80xi32, #tpu.memory_space<hbm>>
        tpu.wait_dma2 semaphore(%run_scoped3A : memref<!tpu.dma_semaphore, #tpu.memory_space<semaphore_mem>>) src(%dma_wait3A_38 : memref<80xi32, #tpu.memory_space<hbm>>) dst(%arg10 : memref<80xi32, #tpu.memory_space<vmem>>)
        tpu.yield
      }) : () -> ()
      %dma_start3A = arith.constant 0 : i32
      %dma_start3A_25 = arith.constant 0 : i32
      %dma_start3A_26 = tpu.memref_slice %arg2[%dma_start3A, %dma_start3A_25] : memref<10000x128xf32, #tpu.memory_space<hbm>> -> memref<10000x128xf32, #tpu.memory_space<hbm>>
      tpu.enqueue_indirect_dma source(%dma_start3A_26 : memref<10000x128xf32, #tpu.memory_space<hbm>>) target(%arg11 : memref<80x128xf32, #tpu.memory_space<vmem>>) offsets(%arg9 : memref<80xi32, #tpu.memory_space<vmem>>) semaphore(%arg16 : memref<!tpu.dma_semaphore, #tpu.memory_space<semaphore_mem>>)
      "tpu.region"() ({
        %run_scoped3A = tpu.sem_alloc : memref<!tpu.dma_semaphore, #tpu.memory_space<semaphore_mem>>
        %dma_start3A_35 = arith.constant 0 : i32
        %dma_start3A_36 = tpu.memref_slice %arg5[%add3A_24, %dma_start3A_35] : memref<320000x16xf32, #tpu.memory_space<hbm>> -> memref<80x16xf32, #tpu.memory_space<hbm>>
        %dma_start3A_37 = arith.constant 0 : i32
        %dma_start3A_38 = tpu.memref_slice %arg5[%add3A_24, %dma_start3A_37] : memref<320000x16xf32, #tpu.memory_space<hbm>> -> memref<80x16xf32, #tpu.memory_space<hbm>>
        tpu.enqueue_dma source(%dma_start3A_38 : memref<80x16xf32, #tpu.memory_space<hbm>>) target(%arg12 : memref<80x16xf32, #tpu.memory_space<vmem>>) target_semaphore(%run_scoped3A : memref<!tpu.dma_semaphore, #tpu.memory_space<semaphore_mem>>)
        %dma_wait3A_39 = arith.constant 0 : i32
        %dma_wait3A_40 = tpu.memref_slice %arg5[%add3A_24, %dma_wait3A_39] : memref<320000x16xf32, #tpu.memory_space<hbm>> -> memref<80x16xf32, #tpu.memory_space<hbm>>
        %dma_wait3A_41 = arith.constant 0 : i32
        %dma_wait3A_42 = tpu.memref_slice %arg5[%add3A_24, %dma_wait3A_41] : memref<320000x16xf32, #tpu.memory_space<hbm>> -> memref<80x16xf32, #tpu.memory_space<hbm>>
        tpu.wait_dma2 semaphore(%run_scoped3A : memref<!tpu.dma_semaphore, #tpu.memory_space<semaphore_mem>>) src(%dma_wait3A_42 : memref<80x16xf32, #tpu.memory_space<hbm>>) dst(%arg12 : memref<80x16xf32, #tpu.memory_space<vmem>>)
        tpu.yield
      }) : () -> ()
      "tpu.region"() ({
        %run_scoped3A = tpu.sem_alloc : memref<!tpu.dma_semaphore, #tpu.memory_space<semaphore_mem>>
        %dma_start3A_35 = tpu.memref_slice %arg6[%add3A_24] : memref<320000xf32, #tpu.memory_space<hbm>> -> memref<80xf32, #tpu.memory_space<hbm>>
        %dma_start3A_36 = tpu.memref_slice %arg6[%add3A_24] : memref<320000xf32, #tpu.memory_space<hbm>> -> memref<80xf32, #tpu.memory_space<hbm>>
        tpu.enqueue_dma source(%dma_start3A_36 : memref<80xf32, #tpu.memory_space<hbm>>) target(%arg13 : memref<80xf32, #tpu.memory_space<vmem>>) target_semaphore(%run_scoped3A : memref<!tpu.dma_semaphore, #tpu.memory_space<semaphore_mem>>)
        %dma_wait3A_37 = tpu.memref_slice %arg6[%add3A_24] : memref<320000xf32, #tpu.memory_space<hbm>> -> memref<80xf32, #tpu.memory_space<hbm>>
        %dma_wait3A_38 = tpu.memref_slice %arg6[%add3A_24] : memref<320000xf32, #tpu.memory_space<hbm>> -> memref<80xf32, #tpu.memory_space<hbm>>
        tpu.wait_dma2 semaphore(%run_scoped3A : memref<!tpu.dma_semaphore, #tpu.memory_space<semaphore_mem>>) src(%dma_wait3A_38 : memref<80xf32, #tpu.memory_space<hbm>>) dst(%arg13 : memref<80xf32, #tpu.memory_space<vmem>>)
        tpu.yield
      }) : () -> ()
      %dma_wait3A = arith.constant 0 : i32
      %dma_wait3A_27 = arith.constant 0 : i32
      %dma_wait3A_28 = tpu.memref_slice %arg2[%dma_wait3A, %dma_wait3A_27] : memref<10000x128xf32, #tpu.memory_space<hbm>> -> memref<10000x128xf32, #tpu.memory_space<hbm>>
      tpu.wait_indirect_dma semaphore(%arg16 : memref<!tpu.dma_semaphore, #tpu.memory_space<semaphore_mem>>) src(%dma_wait3A_28 : memref<10000x128xf32, #tpu.memory_space<hbm>>) dst(%arg11 : memref<80x128xf32, #tpu.memory_space<vmem>>)
      %scan3A_29 = arith.constant 0 : i32
      %scan3A_30 = arith.constant 0 : i32
      %scan3A_31 = arith.constant 5 : i32
      %scan3A_32 = arith.addi %scan3A_30, %scan3A_31 : i32
      %scan3A_33 = arith.constant 1 : i32
      scf.for %scan3A_35 = %scan3A_30 to %scan3A_32 step %scan3A_33  : i32 {
        %mul3A_36 = arith.constant 16 : i32
        %mul3A_37 = arith.muli %scan3A_35, %mul3A_36 : i32
        %iota3A = tpu.iota {dimensions = array<i32: 0>} : vector<16xi32>
        %add3A_38 = vector.broadcast %mul3A_37 : i32 to vector<16xi32>
        %add3A_39 = arith.addi %add3A_38, %iota3A : vector<16xi32>
        %mul3A_40 = arith.constant 16 : i32
        %mul3A_41 = arith.muli %scan3A_35, %mul3A_40 : i32
        %get3A = arith.index_cast %mul3A_41 : i32 to index
        %get3A_42 = tpu.vector_load %arg13[%get3A] {strides = array<i32>} : memref<80xf32, #tpu.memory_space<vmem>>, vector<16xf32>,
        %broadcast_in_dim3A = arith.constant 144 : i32
        %broadcast_in_dim3A_43 = vector.broadcast %broadcast_in_dim3A : i32 to vector<16xi32>
        tpu.vector_store_idx %arg14[%add3A_39, %broadcast_in_dim3A_43], %get3A_42 : memref<80x152xf32, #tpu.memory_space<vmem>>[vector<16xi32>, vector<16xi32>], vector<16xf32>,
        %scan3A_44 = arith.constant 0 : i32
        %scan3A_45 = arith.constant 0 : i32
        %scan3A_46 = arith.constant 16 : i32
        %scan3A_47 = arith.addi %scan3A_45, %scan3A_46 : i32
        %scan3A_48 = arith.constant 1 : i32
        scf.for %scan3A_145 = %scan3A_45 to %scan3A_47 step %scan3A_48  : i32 {
          %mul3A_146 = arith.constant 8 : i32
          %mul3A_147 = arith.muli %scan3A_145, %mul3A_146 : i32
          %add3A_148 = arith.constant 0 : i32
          %add3A_149 = arith.addi %mul3A_147, %add3A_148 : i32
          %broadcast_in_dim3A_150 = vector.broadcast %add3A_149 : i32 to vector<16xi32>
          %gather3A_151 = tpu.vector_load_idx %arg11[%add3A_39, %broadcast_in_dim3A_150] : memref<80x128xf32, #tpu.memory_space<vmem>>[vector<16xi32>, vector<16xi32>], vector<16xf32>,
          %mul3A_152 = arith.mulf %gather3A_151, %get3A_42 : vector<16xf32>
          tpu.vector_store_idx %arg14[%add3A_39, %broadcast_in_dim3A_150], %mul3A_152 : memref<80x152xf32, #tpu.memory_space<vmem>>[vector<16xi32>, vector<16xi32>], vector<16xf32>,
          %mul3A_153 = arith.constant 8 : i32
          %mul3A_154 = arith.muli %scan3A_145, %mul3A_153 : i32
          %add3A_155 = arith.constant 1 : i32
          %add3A_156 = arith.addi %mul3A_154, %add3A_155 : i32
          %broadcast_in_dim3A_157 = vector.broadcast %add3A_156 : i32 to vector<16xi32>
          %gather3A_158 = tpu.vector_load_idx %arg11[%add3A_39, %broadcast_in_dim3A_157] : memref<80x128xf32, #tpu.memory_space<vmem>>[vector<16xi32>, vector<16xi32>], vector<16xf32>,
          %mul3A_159 = arith.mulf %gather3A_158, %get3A_42 : vector<16xf32>
          tpu.vector_store_idx %arg14[%add3A_39, %broadcast_in_dim3A_157], %mul3A_159 : memref<80x152xf32, #tpu.memory_space<vmem>>[vector<16xi32>, vector<16xi32>], vector<16xf32>,
          %mul3A_160 = arith.constant 8 : i32
          %mul3A_161 = arith.muli %scan3A_145, %mul3A_160 : i32
          %add3A_162 = arith.constant 2 : i32
          %add3A_163 = arith.addi %mul3A_161, %add3A_162 : i32
          %broadcast_in_dim3A_164 = vector.broadcast %add3A_163 : i32 to vector<16xi32>
          %gather3A_165 = tpu.vector_load_idx %arg11[%add3A_39, %broadcast_in_dim3A_164] : memref<80x128xf32, #tpu.memory_space<vmem>>[vector<16xi32>, vector<16xi32>], vector<16xf32>,
          %mul3A_166 = arith.mulf %gather3A_165, %get3A_42 : vector<16xf32>
          tpu.vector_store_idx %arg14[%add3A_39, %broadcast_in_dim3A_164], %mul3A_166 : memref<80x152xf32, #tpu.memory_space<vmem>>[vector<16xi32>, vector<16xi32>], vector<16xf32>,
          %mul3A_167 = arith.constant 8 : i32
          %mul3A_168 = arith.muli %scan3A_145, %mul3A_167 : i32
          %add3A_169 = arith.constant 3 : i32
          %add3A_170 = arith.addi %mul3A_168, %add3A_169 : i32
          %broadcast_in_dim3A_171 = vector.broadcast %add3A_170 : i32 to vector<16xi32>
          %gather3A_172 = tpu.vector_load_idx %arg11[%add3A_39, %broadcast_in_dim3A_171] : memref<80x128xf32, #tpu.memory_space<vmem>>[vector<16xi32>, vector<16xi32>], vector<16xf32>,
          %mul3A_173 = arith.mulf %gather3A_172, %get3A_42 : vector<16xf32>
          tpu.vector_store_idx %arg14[%add3A_39, %broadcast_in_dim3A_171], %mul3A_173 : memref<80x152xf32, #tpu.memory_space<vmem>>[vector<16xi32>, vector<16xi32>], vector<16xf32>,
          %mul3A_174 = arith.constant 8 : i32
          %mul3A_175 = arith.muli %scan3A_145, %mul3A_174 : i32
          %add3A_176 = arith.constant 4 : i32
          %add3A_177 = arith.addi %mul3A_175, %add3A_176 : i32
          %broadcast_in_dim3A_178 = vector.broadcast %add3A_177 : i32 to vector<16xi32>
          %gather3A_179 = tpu.vector_load_idx %arg11[%add3A_39, %broadcast_in_dim3A_178] : memref<80x128xf32, #tpu.memory_space<vmem>>[vector<16xi32>, vector<16xi32>], vector<16xf32>,
          %mul3A_180 = arith.mulf %gather3A_179, %get3A_42 : vector<16xf32>
          tpu.vector_store_idx %arg14[%add3A_39, %broadcast_in_dim3A_178], %mul3A_180 : memref<80x152xf32, #tpu.memory_space<vmem>>[vector<16xi32>, vector<16xi32>], vector<16xf32>,
          %mul3A_181 = arith.constant 8 : i32
          %mul3A_182 = arith.muli %scan3A_145, %mul3A_181 : i32
          %add3A_183 = arith.constant 5 : i32
          %add3A_184 = arith.addi %mul3A_182, %add3A_183 : i32
          %broadcast_in_dim3A_185 = vector.broadcast %add3A_184 : i32 to vector<16xi32>
          %gather3A_186 = tpu.vector_load_idx %arg11[%add3A_39, %broadcast_in_dim3A_185] : memref<80x128xf32, #tpu.memory_space<vmem>>[vector<16xi32>, vector<16xi32>], vector<16xf32>,
          %mul3A_187 = arith.mulf %gather3A_186, %get3A_42 : vector<16xf32>
          tpu.vector_store_idx %arg14[%add3A_39, %broadcast_in_dim3A_185], %mul3A_187 : memref<80x152xf32, #tpu.memory_space<vmem>>[vector<16xi32>, vector<16xi32>], vector<16xf32>,
          %mul3A_188 = arith.constant 8 : i32
          %mul3A_189 = arith.muli %scan3A_145, %mul3A_188 : i32
          %add3A_190 = arith.constant 6 : i32
          %add3A_191 = arith.addi %mul3A_189, %add3A_190 : i32
          %broadcast_in_dim3A_192 = vector.broadcast %add3A_191 : i32 to vector<16xi32>
          %gather3A_193 = tpu.vector_load_idx %arg11[%add3A_39, %broadcast_in_dim3A_192] : memref<80x128xf32, #tpu.memory_space<vmem>>[vector<16xi32>, vector<16xi32>], vector<16xf32>,
          %mul3A_194 = arith.mulf %gather3A_193, %get3A_42 : vector<16xf32>
          tpu.vector_store_idx %arg14[%add3A_39, %broadcast_in_dim3A_192], %mul3A_194 : memref<80x152xf32, #tpu.memory_space<vmem>>[vector<16xi32>, vector<16xi32>], vector<16xf32>,
          %mul3A_195 = arith.constant 8 : i32
          %mul3A_196 = arith.muli %scan3A_145, %mul3A_195 : i32
          %add3A_197 = arith.constant 7 : i32
          %add3A_198 = arith.addi %mul3A_196, %add3A_197 : i32
          %broadcast_in_dim3A_199 = vector.broadcast %add3A_198 : i32 to vector<16xi32>
          %gather3A_200 = tpu.vector_load_idx %arg11[%add3A_39, %broadcast_in_dim3A_199] : memref<80x128xf32, #tpu.memory_space<vmem>>[vector<16xi32>, vector<16xi32>], vector<16xf32>,
          %mul3A_201 = arith.mulf %gather3A_200, %get3A_42 : vector<16xf32>
          tpu.vector_store_idx %arg14[%add3A_39, %broadcast_in_dim3A_199], %mul3A_201 : memref<80x152xf32, #tpu.memory_space<vmem>>[vector<16xi32>, vector<16xi32>], vector<16xf32>,
        }
        %scan3A_49 = arith.constant 16 : i32
        %broadcast_in_dim3A_50 = arith.constant 0 : i32
        %broadcast_in_dim3A_51 = vector.broadcast %broadcast_in_dim3A_50 : i32 to vector<16xi32>
        %gather3A = tpu.vector_load_idx %arg12[%add3A_39, %broadcast_in_dim3A_51] : memref<80x16xf32, #tpu.memory_space<vmem>>[vector<16xi32>, vector<16xi32>], vector<16xf32>,
        %mul3A_52 = arith.mulf %gather3A, %get3A_42 : vector<16xf32>
        %broadcast_in_dim3A_53 = arith.constant 128 : i32
        %broadcast_in_dim3A_54 = vector.broadcast %broadcast_in_dim3A_53 : i32 to vector<16xi32>
        tpu.vector_store_idx %arg14[%add3A_39, %broadcast_in_dim3A_54], %mul3A_52 : memref<80x152xf32, #tpu.memory_space<vmem>>[vector<16xi32>, vector<16xi32>], vector<16xf32>,
        %broadcast_in_dim3A_55 = arith.constant 1 : i32
        %broadcast_in_dim3A_56 = vector.broadcast %broadcast_in_dim3A_55 : i32 to vector<16xi32>
        %gather3A_57 = tpu.vector_load_idx %arg12[%add3A_39, %broadcast_in_dim3A_56] : memref<80x16xf32, #tpu.memory_space<vmem>>[vector<16xi32>, vector<16xi32>], vector<16xf32>,
        %mul3A_58 = arith.mulf %gather3A_57, %get3A_42 : vector<16xf32>
        %broadcast_in_dim3A_59 = arith.constant 129 : i32
        %broadcast_in_dim3A_60 = vector.broadcast %broadcast_in_dim3A_59 : i32 to vector<16xi32>
        tpu.vector_store_idx %arg14[%add3A_39, %broadcast_in_dim3A_60], %mul3A_58 : memref<80x152xf32, #tpu.memory_space<vmem>>[vector<16xi32>, vector<16xi32>], vector<16xf32>,
        %broadcast_in_dim3A_61 = arith.constant 2 : i32
        %broadcast_in_dim3A_62 = vector.broadcast %broadcast_in_dim3A_61 : i32 to vector<16xi32>
        %gather3A_63 = tpu.vector_load_idx %arg12[%add3A_39, %broadcast_in_dim3A_62] : memref<80x16xf32, #tpu.memory_space<vmem>>[vector<16xi32>, vector<16xi32>], vector<16xf32>,
        %mul3A_64 = arith.mulf %gather3A_63, %get3A_42 : vector<16xf32>
        %broadcast_in_dim3A_65 = arith.constant 130 : i32
        %broadcast_in_dim3A_66 = vector.broadcast %broadcast_in_dim3A_65 : i32 to vector<16xi32>
        tpu.vector_store_idx %arg14[%add3A_39, %broadcast_in_dim3A_66], %mul3A_64 : memref<80x152xf32, #tpu.memory_space<vmem>>[vector<16xi32>, vector<16xi32>], vector<16xf32>,
        %broadcast_in_dim3A_67 = arith.constant 3 : i32
        %broadcast_in_dim3A_68 = vector.broadcast %broadcast_in_dim3A_67 : i32 to vector<16xi32>
        %gather3A_69 = tpu.vector_load_idx %arg12[%add3A_39, %broadcast_in_dim3A_68] : memref<80x16xf32, #tpu.memory_space<vmem>>[vector<16xi32>, vector<16xi32>], vector<16xf32>,
        %mul3A_70 = arith.mulf %gather3A_69, %get3A_42 : vector<16xf32>
        %broadcast_in_dim3A_71 = arith.constant 131 : i32
        %broadcast_in_dim3A_72 = vector.broadcast %broadcast_in_dim3A_71 : i32 to vector<16xi32>
        tpu.vector_store_idx %arg14[%add3A_39, %broadcast_in_dim3A_72], %mul3A_70 : memref<80x152xf32, #tpu.memory_space<vmem>>[vector<16xi32>, vector<16xi32>], vector<16xf32>,
        %broadcast_in_dim3A_73 = arith.constant 4 : i32
        %broadcast_in_dim3A_74 = vector.broadcast %broadcast_in_dim3A_73 : i32 to vector<16xi32>
        %gather3A_75 = tpu.vector_load_idx %arg12[%add3A_39, %broadcast_in_dim3A_74] : memref<80x16xf32, #tpu.memory_space<vmem>>[vector<16xi32>, vector<16xi32>], vector<16xf32>,
        %mul3A_76 = arith.mulf %gather3A_75, %get3A_42 : vector<16xf32>
        %broadcast_in_dim3A_77 = arith.constant 132 : i32
        %broadcast_in_dim3A_78 = vector.broadcast %broadcast_in_dim3A_77 : i32 to vector<16xi32>
        tpu.vector_store_idx %arg14[%add3A_39, %broadcast_in_dim3A_78], %mul3A_76 : memref<80x152xf32, #tpu.memory_space<vmem>>[vector<16xi32>, vector<16xi32>], vector<16xf32>,
        %broadcast_in_dim3A_79 = arith.constant 5 : i32
        %broadcast_in_dim3A_80 = vector.broadcast %broadcast_in_dim3A_79 : i32 to vector<16xi32>
        %gather3A_81 = tpu.vector_load_idx %arg12[%add3A_39, %broadcast_in_dim3A_80] : memref<80x16xf32, #tpu.memory_space<vmem>>[vector<16xi32>, vector<16xi32>], vector<16xf32>,
        %mul3A_82 = arith.mulf %gather3A_81, %get3A_42 : vector<16xf32>
        %broadcast_in_dim3A_83 = arith.constant 133 : i32
        %broadcast_in_dim3A_84 = vector.broadcast %broadcast_in_dim3A_83 : i32 to vector<16xi32>
        tpu.vector_store_idx %arg14[%add3A_39, %broadcast_in_dim3A_84], %mul3A_82 : memref<80x152xf32, #tpu.memory_space<vmem>>[vector<16xi32>, vector<16xi32>], vector<16xf32>,
        %broadcast_in_dim3A_85 = arith.constant 6 : i32
        %broadcast_in_dim3A_86 = vector.broadcast %broadcast_in_dim3A_85 : i32 to vector<16xi32>
        %gather3A_87 = tpu.vector_load_idx %arg12[%add3A_39, %broadcast_in_dim3A_86] : memref<80x16xf32, #tpu.memory_space<vmem>>[vector<16xi32>, vector<16xi32>], vector<16xf32>,
        %mul3A_88 = arith.mulf %gather3A_87, %get3A_42 : vector<16xf32>
        %broadcast_in_dim3A_89 = arith.constant 134 : i32
        %broadcast_in_dim3A_90 = vector.broadcast %broadcast_in_dim3A_89 : i32 to vector<16xi32>
        tpu.vector_store_idx %arg14[%add3A_39, %broadcast_in_dim3A_90], %mul3A_88 : memref<80x152xf32, #tpu.memory_space<vmem>>[vector<16xi32>, vector<16xi32>], vector<16xf32>,
        %broadcast_in_dim3A_91 = arith.constant 7 : i32
        %broadcast_in_dim3A_92 = vector.broadcast %broadcast_in_dim3A_91 : i32 to vector<16xi32>
        %gather3A_93 = tpu.vector_load_idx %arg12[%add3A_39, %broadcast_in_dim3A_92] : memref<80x16xf32, #tpu.memory_space<vmem>>[vector<16xi32>, vector<16xi32>], vector<16xf32>,
        %mul3A_94 = arith.mulf %gather3A_93, %get3A_42 : vector<16xf32>
        %broadcast_in_dim3A_95 = arith.constant 135 : i32
        %broadcast_in_dim3A_96 = vector.broadcast %broadcast_in_dim3A_95 : i32 to vector<16xi32>
        tpu.vector_store_idx %arg14[%add3A_39, %broadcast_in_dim3A_96], %mul3A_94 : memref<80x152xf32, #tpu.memory_space<vmem>>[vector<16xi32>, vector<16xi32>], vector<16xf32>,
        %broadcast_in_dim3A_97 = arith.constant 8 : i32
        %broadcast_in_dim3A_98 = vector.broadcast %broadcast_in_dim3A_97 : i32 to vector<16xi32>
        %gather3A_99 = tpu.vector_load_idx %arg12[%add3A_39, %broadcast_in_dim3A_98] : memref<80x16xf32, #tpu.memory_space<vmem>>[vector<16xi32>, vector<16xi32>], vector<16xf32>,
        %mul3A_100 = arith.mulf %gather3A_99, %get3A_42 : vector<16xf32>
        %broadcast_in_dim3A_101 = arith.constant 136 : i32
        %broadcast_in_dim3A_102 = vector.broadcast %broadcast_in_dim3A_101 : i32 to vector<16xi32>
        tpu.vector_store_idx %arg14[%add3A_39, %broadcast_in_dim3A_102], %mul3A_100 : memref<80x152xf32, #tpu.memory_space<vmem>>[vector<16xi32>, vector<16xi32>], vector<16xf32>,
        %broadcast_in_dim3A_103 = arith.constant 9 : i32
        %broadcast_in_dim3A_104 = vector.broadcast %broadcast_in_dim3A_103 : i32 to vector<16xi32>
        %gather3A_105 = tpu.vector_load_idx %arg12[%add3A_39, %broadcast_in_dim3A_104] : memref<80x16xf32, #tpu.memory_space<vmem>>[vector<16xi32>, vector<16xi32>], vector<16xf32>,
        %mul3A_106 = arith.mulf %gather3A_105, %get3A_42 : vector<16xf32>
        %broadcast_in_dim3A_107 = arith.constant 137 : i32
        %broadcast_in_dim3A_108 = vector.broadcast %broadcast_in_dim3A_107 : i32 to vector<16xi32>
        tpu.vector_store_idx %arg14[%add3A_39, %broadcast_in_dim3A_108], %mul3A_106 : memref<80x152xf32, #tpu.memory_space<vmem>>[vector<16xi32>, vector<16xi32>], vector<16xf32>,
        %broadcast_in_dim3A_109 = arith.constant 10 : i32
        %broadcast_in_dim3A_110 = vector.broadcast %broadcast_in_dim3A_109 : i32 to vector<16xi32>
        %gather3A_111 = tpu.vector_load_idx %arg12[%add3A_39, %broadcast_in_dim3A_110] : memref<80x16xf32, #tpu.memory_space<vmem>>[vector<16xi32>, vector<16xi32>], vector<16xf32>,
        %mul3A_112 = arith.mulf %gather3A_111, %get3A_42 : vector<16xf32>
        %broadcast_in_dim3A_113 = arith.constant 138 : i32
        %broadcast_in_dim3A_114 = vector.broadcast %broadcast_in_dim3A_113 : i32 to vector<16xi32>
        tpu.vector_store_idx %arg14[%add3A_39, %broadcast_in_dim3A_114], %mul3A_112 : memref<80x152xf32, #tpu.memory_space<vmem>>[vector<16xi32>, vector<16xi32>], vector<16xf32>,
        %broadcast_in_dim3A_115 = arith.constant 11 : i32
        %broadcast_in_dim3A_116 = vector.broadcast %broadcast_in_dim3A_115 : i32 to vector<16xi32>
        %gather3A_117 = tpu.vector_load_idx %arg12[%add3A_39, %broadcast_in_dim3A_116] : memref<80x16xf32, #tpu.memory_space<vmem>>[vector<16xi32>, vector<16xi32>], vector<16xf32>,
        %mul3A_118 = arith.mulf %gather3A_117, %get3A_42 : vector<16xf32>
        %broadcast_in_dim3A_119 = arith.constant 139 : i32
        %broadcast_in_dim3A_120 = vector.broadcast %broadcast_in_dim3A_119 : i32 to vector<16xi32>
        tpu.vector_store_idx %arg14[%add3A_39, %broadcast_in_dim3A_120], %mul3A_118 : memref<80x152xf32, #tpu.memory_space<vmem>>[vector<16xi32>, vector<16xi32>], vector<16xf32>,
        %broadcast_in_dim3A_121 = arith.constant 12 : i32
        %broadcast_in_dim3A_122 = vector.broadcast %broadcast_in_dim3A_121 : i32 to vector<16xi32>
        %gather3A_123 = tpu.vector_load_idx %arg12[%add3A_39, %broadcast_in_dim3A_122] : memref<80x16xf32, #tpu.memory_space<vmem>>[vector<16xi32>, vector<16xi32>], vector<16xf32>,
        %mul3A_124 = arith.mulf %gather3A_123, %get3A_42 : vector<16xf32>
        %broadcast_in_dim3A_125 = arith.constant 140 : i32
        %broadcast_in_dim3A_126 = vector.broadcast %broadcast_in_dim3A_125 : i32 to vector<16xi32>
        tpu.vector_store_idx %arg14[%add3A_39, %broadcast_in_dim3A_126], %mul3A_124 : memref<80x152xf32, #tpu.memory_space<vmem>>[vector<16xi32>, vector<16xi32>], vector<16xf32>,
        %broadcast_in_dim3A_127 = arith.constant 13 : i32
        %broadcast_in_dim3A_128 = vector.broadcast %broadcast_in_dim3A_127 : i32 to vector<16xi32>
        %gather3A_129 = tpu.vector_load_idx %arg12[%add3A_39, %broadcast_in_dim3A_128] : memref<80x16xf32, #tpu.memory_space<vmem>>[vector<16xi32>, vector<16xi32>], vector<16xf32>,
        %mul3A_130 = arith.mulf %gather3A_129, %get3A_42 : vector<16xf32>
        %broadcast_in_dim3A_131 = arith.constant 141 : i32
        %broadcast_in_dim3A_132 = vector.broadcast %broadcast_in_dim3A_131 : i32 to vector<16xi32>
        tpu.vector_store_idx %arg14[%add3A_39, %broadcast_in_dim3A_132], %mul3A_130 : memref<80x152xf32, #tpu.memory_space<vmem>>[vector<16xi32>, vector<16xi32>], vector<16xf32>,
        %broadcast_in_dim3A_133 = arith.constant 14 : i32
        %broadcast_in_dim3A_134 = vector.broadcast %broadcast_in_dim3A_133 : i32 to vector<16xi32>
        %gather3A_135 = tpu.vector_load_idx %arg12[%add3A_39, %broadcast_in_dim3A_134] : memref<80x16xf32, #tpu.memory_space<vmem>>[vector<16xi32>, vector<16xi32>], vector<16xf32>,
        %mul3A_136 = arith.mulf %gather3A_135, %get3A_42 : vector<16xf32>
        %broadcast_in_dim3A_137 = arith.constant 142 : i32
        %broadcast_in_dim3A_138 = vector.broadcast %broadcast_in_dim3A_137 : i32 to vector<16xi32>
        tpu.vector_store_idx %arg14[%add3A_39, %broadcast_in_dim3A_138], %mul3A_136 : memref<80x152xf32, #tpu.memory_space<vmem>>[vector<16xi32>, vector<16xi32>], vector<16xf32>,
        %broadcast_in_dim3A_139 = arith.constant 15 : i32
        %broadcast_in_dim3A_140 = vector.broadcast %broadcast_in_dim3A_139 : i32 to vector<16xi32>
        %gather3A_141 = tpu.vector_load_idx %arg12[%add3A_39, %broadcast_in_dim3A_140] : memref<80x16xf32, #tpu.memory_space<vmem>>[vector<16xi32>, vector<16xi32>], vector<16xf32>,
        %mul3A_142 = arith.mulf %gather3A_141, %get3A_42 : vector<16xf32>
        %broadcast_in_dim3A_143 = arith.constant 143 : i32
        %broadcast_in_dim3A_144 = vector.broadcast %broadcast_in_dim3A_143 : i32 to vector<16xi32>
        tpu.vector_store_idx %arg14[%add3A_39, %broadcast_in_dim3A_144], %mul3A_142 : memref<80x152xf32, #tpu.memory_space<vmem>>[vector<16xi32>, vector<16xi32>], vector<16xf32>,
      }
      %scan3A_34 = arith.constant 5 : i32
      "tpu.region"() ({
        %run_scoped3A = tpu.sem_alloc : memref<!tpu.dma_semaphore, #tpu.memory_space<semaphore_mem>>
        %dma_start3A_35 = arith.constant 0 : i32
        %dma_start3A_36 = arith.constant 0 : i32
        %dma_start3A_37 = tpu.memref_slice %arg15[%dma_start3A_35, %dma_start3A_36] : memref<10240x152xf32, #tpu.memory_space<vmem_shared>> -> memref<10240x152xf32, #tpu.memory_space<vmem_shared>>
        tpu.enqueue_indirect_dma source(%arg14 : memref<80x152xf32, #tpu.memory_space<vmem>>) target(%dma_start3A_37 : memref<10240x152xf32, #tpu.memory_space<vmem_shared>>) offsets(%arg10 : memref<80xi32, #tpu.memory_space<vmem>>) semaphore(%run_scoped3A : memref<!tpu.dma_semaphore, #tpu.memory_space<semaphore_mem>>) {add = true}
        %dma_wait3A_38 = arith.constant 0 : i32
        %dma_wait3A_39 = arith.constant 0 : i32
        %dma_wait3A_40 = tpu.memref_slice %arg15[%dma_wait3A_38, %dma_wait3A_39] : memref<10240x152xf32, #tpu.memory_space<vmem_shared>> -> memref<10240x152xf32, #tpu.memory_space<vmem_shared>>
        tpu.wait_indirect_dma semaphore(%run_scoped3A : memref<!tpu.dma_semaphore, #tpu.memory_space<semaphore_mem>>) src(%arg14 : memref<80x152xf32, #tpu.memory_space<vmem>>) dst(%dma_wait3A_40 : memref<10240x152xf32, #tpu.memory_space<vmem_shared>>)
        tpu.yield
      }) : () -> ()
    }
    %scan3A_15 = arith.constant 125 : i32
    %barrier3A_16 = arith.constant 0 : index
    tpu.barrier barrier_id(%barrier3A_16)
    %mul3A_17 = arith.constant 640 : i32
    %mul3A_18 = arith.muli %arg1, %mul3A_17 : i32
    %mul3A_19 = arith.constant 640 : i32
    %mul3A_20 = arith.muli %arg1, %mul3A_19 : i32
    "tpu.region"() ({
      %run_scoped3A = tpu.sem_alloc : memref<!tpu.dma_semaphore, #tpu.memory_space<semaphore_mem>>
      %dma_start3A = arith.constant 0 : i32
      %dma_start3A_21 = tpu.memref_slice %arg8[%arg0, %mul3A_20, %dma_start3A] : memref<2x10240x152xf32, #tpu.memory_space<hbm>> -> memref<1x640x152xf32, #tpu.memory_space<hbm>>
      %dma_start3A_22 = tpu.memref_squeeze %dma_start3A_21 : memref<1x640x152xf32, #tpu.memory_space<hbm>> -> memref<640x152xf32, #tpu.memory_space<hbm>>
      %dma_start3A_23 = arith.constant 0 : i32
      %dma_start3A_24 = tpu.memref_slice %arg15[%mul3A_18, %dma_start3A_23] : memref<10240x152xf32, #tpu.memory_space<vmem_shared>> -> memref<640x152xf32, #tpu.memory_space<vmem_shared>>
      tpu.enqueue_dma source(%dma_start3A_24 : memref<640x152xf32, #tpu.memory_space<vmem_shared>>) target(%dma_start3A_22 : memref<640x152xf32, #tpu.memory_space<hbm>>) target_semaphore(%run_scoped3A : memref<!tpu.dma_semaphore, #tpu.memory_space<semaphore_mem>>)
      %dma_wait3A = arith.constant 0 : i32
      %dma_wait3A_25 = tpu.memref_slice %arg8[%arg0, %mul3A_20, %dma_wait3A] : memref<2x10240x152xf32, #tpu.memory_space<hbm>> -> memref<1x640x152xf32, #tpu.memory_space<hbm>>
      %dma_wait3A_26 = tpu.memref_squeeze %dma_wait3A_25 : memref<1x640x152xf32, #tpu.memory_space<hbm>> -> memref<640x152xf32, #tpu.memory_space<hbm>>
      %dma_wait3A_27 = arith.constant 0 : i32
      %dma_wait3A_28 = tpu.memref_slice %arg15[%mul3A_18, %dma_wait3A_27] : memref<10240x152xf32, #tpu.memory_space<vmem_shared>> -> memref<640x152xf32, #tpu.memory_space<vmem_shared>>
      tpu.wait_dma2 semaphore(%run_scoped3A : memref<!tpu.dma_semaphore, #tpu.memory_space<semaphore_mem>>) src(%dma_wait3A_28 : memref<640x152xf32, #tpu.memory_space<vmem_shared>>) dst(%dma_wait3A_26 : memref<640x152xf32, #tpu.memory_space<hbm>>)
      tpu.yield
    }) : () -> ()
    return
  }
}

#map = affine_map<(d0, d1) -> (0, 0)>
#map1 = affine_map<(d0, d1) -> (0)>
module attributes {stable_mosaic.version = 14 : i64} {
  func.func @_sc_alpha(%arg0: i32, %arg1: i32, %arg2: memref<10000x128xf32, #tpu.memory_space<hbm>>, %arg3: memref<10000x128xf32, #tpu.memory_space<hbm>>, %arg4: memref<10000x16xf32, #tpu.memory_space<hbm>>, %arg5: memref<320000xi32, #tpu.memory_space<hbm>>, %arg6: memref<320000xi32, #tpu.memory_space<hbm>>, %arg7: memref<320000x16xf32, #tpu.memory_space<hbm>>, %arg8: memref<320000xf32, #tpu.memory_space<hbm>>, %arg9: memref<80xi32, #tpu.memory_space<vmem>>, %arg10: memref<80xi32, #tpu.memory_space<vmem>>, %arg11: memref<80x128xf32, #tpu.memory_space<vmem>>, %arg12: memref<80x128xf32, #tpu.memory_space<vmem>>, %arg13: memref<80x16xf32, #tpu.memory_space<vmem>>, %arg14: memref<80x16xf32, #tpu.memory_space<vmem>>, %arg15: memref<80xf32, #tpu.memory_space<vmem>>, %arg16: memref<!tpu.dma_semaphore, #tpu.memory_space<semaphore_mem>>, %arg17: memref<!tpu.dma_semaphore, #tpu.memory_space<semaphore_mem>>, %arg18: memref<!tpu.dma_semaphore, #tpu.memory_space<semaphore_mem>>) attributes {dimension_semantics = [#tpu.dimension_semantics<core_parallel>, #tpu.dimension_semantics<subcore_parallel>], iteration_bounds = array<i64: 2, 16>, scalar_prefetch = 0 : i64, scratch_operands = 10 : i64, tpu.core_type = #tpu.core_type<sc_vector_subcore>, window_params = [{transform_indices = #map}, {transform_indices = #map}, {transform_indices = #map}, {transform_indices = #map1}, {transform_indices = #map1}, {transform_indices = #map}, {transform_indices = #map1}]} {
    %mul3A = arith.constant 16 : i32
    %mul3A_0 = arith.muli %arg0, %mul3A : i32
    %add3A = arith.addi %mul3A_0, %arg1 : i32
    %mul3A_1 = arith.constant 10000 : i32
    %mul3A_2 = arith.muli %add3A, %mul3A_1 : i32
    %scan3A = arith.constant 0 : i32
    %scan3A_3 = arith.constant 0 : i32
    %scan3A_4 = arith.constant 125 : i32
    %scan3A_5 = arith.addi %scan3A_3, %scan3A_4 : i32
    %scan3A_6 = arith.constant 1 : i32
    scf.for %scan3A_8 = %scan3A_3 to %scan3A_5 step %scan3A_6  : i32 {
      %mul3A_9 = arith.constant 80 : i32
      %mul3A_10 = arith.muli %scan3A_8, %mul3A_9 : i32
      %add3A_11 = arith.addi %mul3A_2, %mul3A_10 : i32
      "tpu.region"() ({
        %run_scoped3A = tpu.sem_alloc : memref<!tpu.dma_semaphore, #tpu.memory_space<semaphore_mem>>
        %dma_start3A_34 = tpu.memref_slice %arg5[%add3A_11] : memref<320000xi32, #tpu.memory_space<hbm>> -> memref<80xi32, #tpu.memory_space<hbm>>
        %dma_start3A_35 = tpu.memref_slice %arg5[%add3A_11] : memref<320000xi32, #tpu.memory_space<hbm>> -> memref<80xi32, #tpu.memory_space<hbm>>
        tpu.enqueue_dma source(%dma_start3A_35 : memref<80xi32, #tpu.memory_space<hbm>>) target(%arg9 : memref<80xi32, #tpu.memory_space<vmem>>) target_semaphore(%run_scoped3A : memref<!tpu.dma_semaphore, #tpu.memory_space<semaphore_mem>>)
        %dma_wait3A_36 = tpu.memref_slice %arg5[%add3A_11] : memref<320000xi32, #tpu.memory_space<hbm>> -> memref<80xi32, #tpu.memory_space<hbm>>
        %dma_wait3A_37 = tpu.memref_slice %arg5[%add3A_11] : memref<320000xi32, #tpu.memory_space<hbm>> -> memref<80xi32, #tpu.memory_space<hbm>>
        tpu.wait_dma2 semaphore(%run_scoped3A : memref<!tpu.dma_semaphore, #tpu.memory_space<semaphore_mem>>) src(%dma_wait3A_37 : memref<80xi32, #tpu.memory_space<hbm>>) dst(%arg9 : memref<80xi32, #tpu.memory_space<vmem>>)
        tpu.yield
      }) : () -> ()
      "tpu.region"() ({
        %run_scoped3A = tpu.sem_alloc : memref<!tpu.dma_semaphore, #tpu.memory_space<semaphore_mem>>
        %dma_start3A_34 = tpu.memref_slice %arg6[%add3A_11] : memref<320000xi32, #tpu.memory_space<hbm>> -> memref<80xi32, #tpu.memory_space<hbm>>
        %dma_start3A_35 = tpu.memref_slice %arg6[%add3A_11] : memref<320000xi32, #tpu.memory_space<hbm>> -> memref<80xi32, #tpu.memory_space<hbm>>
        tpu.enqueue_dma source(%dma_start3A_35 : memref<80xi32, #tpu.memory_space<hbm>>) target(%arg10 : memref<80xi32, #tpu.memory_space<vmem>>) target_semaphore(%run_scoped3A : memref<!tpu.dma_semaphore, #tpu.memory_space<semaphore_mem>>)
        %dma_wait3A_36 = tpu.memref_slice %arg6[%add3A_11] : memref<320000xi32, #tpu.memory_space<hbm>> -> memref<80xi32, #tpu.memory_space<hbm>>
        %dma_wait3A_37 = tpu.memref_slice %arg6[%add3A_11] : memref<320000xi32, #tpu.memory_space<hbm>> -> memref<80xi32, #tpu.memory_space<hbm>>
        tpu.wait_dma2 semaphore(%run_scoped3A : memref<!tpu.dma_semaphore, #tpu.memory_space<semaphore_mem>>) src(%dma_wait3A_37 : memref<80xi32, #tpu.memory_space<hbm>>) dst(%arg10 : memref<80xi32, #tpu.memory_space<vmem>>)
        tpu.yield
      }) : () -> ()
      %dma_start3A = arith.constant 0 : i32
      %dma_start3A_12 = arith.constant 0 : i32
      %dma_start3A_13 = tpu.memref_slice %arg2[%dma_start3A, %dma_start3A_12] : memref<10000x128xf32, #tpu.memory_space<hbm>> -> memref<10000x128xf32, #tpu.memory_space<hbm>>
      tpu.enqueue_indirect_dma source(%dma_start3A_13 : memref<10000x128xf32, #tpu.memory_space<hbm>>) target(%arg11 : memref<80x128xf32, #tpu.memory_space<vmem>>) offsets(%arg10 : memref<80xi32, #tpu.memory_space<vmem>>) semaphore(%arg16 : memref<!tpu.dma_semaphore, #tpu.memory_space<semaphore_mem>>)
      %dma_start3A_14 = arith.constant 0 : i32
      %dma_start3A_15 = arith.constant 0 : i32
      %dma_start3A_16 = tpu.memref_slice %arg3[%dma_start3A_14, %dma_start3A_15] : memref<10000x128xf32, #tpu.memory_space<hbm>> -> memref<10000x128xf32, #tpu.memory_space<hbm>>
      tpu.enqueue_indirect_dma source(%dma_start3A_16 : memref<10000x128xf32, #tpu.memory_space<hbm>>) target(%arg12 : memref<80x128xf32, #tpu.memory_space<vmem>>) offsets(%arg9 : memref<80xi32, #tpu.memory_space<vmem>>) semaphore(%arg17 : memref<!tpu.dma_semaphore, #tpu.memory_space<semaphore_mem>>)
      %dma_start3A_17 = arith.constant 0 : i32
      %dma_start3A_18 = arith.constant 0 : i32
      %dma_start3A_19 = tpu.memref_slice %arg4[%dma_start3A_17, %dma_start3A_18] : memref<10000x16xf32, #tpu.memory_space<hbm>> -> memref<10000x16xf32, #tpu.memory_space<hbm>>
      tpu.enqueue_indirect_dma source(%dma_start3A_19 : memref<10000x16xf32, #tpu.memory_space<hbm>>) target(%arg13 : memref<80x16xf32, #tpu.memory_space<vmem>>) offsets(%arg10 : memref<80xi32, #tpu.memory_space<vmem>>) semaphore(%arg18 : memref<!tpu.dma_semaphore, #tpu.memory_space<semaphore_mem>>)
      "tpu.region"() ({
        %run_scoped3A = tpu.sem_alloc : memref<!tpu.dma_semaphore, #tpu.memory_space<semaphore_mem>>
        %dma_start3A_34 = arith.constant 0 : i32
        %dma_start3A_35 = tpu.memref_slice %arg7[%add3A_11, %dma_start3A_34] : memref<320000x16xf32, #tpu.memory_space<hbm>> -> memref<80x16xf32, #tpu.memory_space<hbm>>
        %dma_start3A_36 = arith.constant 0 : i32
        %dma_start3A_37 = tpu.memref_slice %arg7[%add3A_11, %dma_start3A_36] : memref<320000x16xf32, #tpu.memory_space<hbm>> -> memref<80x16xf32, #tpu.memory_space<hbm>>
        tpu.enqueue_dma source(%dma_start3A_37 : memref<80x16xf32, #tpu.memory_space<hbm>>) target(%arg14 : memref<80x16xf32, #tpu.memory_space<vmem>>) target_semaphore(%run_scoped3A : memref<!tpu.dma_semaphore, #tpu.memory_space<semaphore_mem>>)
        %dma_wait3A_38 = arith.constant 0 : i32
        %dma_wait3A_39 = tpu.memref_slice %arg7[%add3A_11, %dma_wait3A_38] : memref<320000x16xf32, #tpu.memory_space<hbm>> -> memref<80x16xf32, #tpu.memory_space<hbm>>
        %dma_wait3A_40 = arith.constant 0 : i32
        %dma_wait3A_41 = tpu.memref_slice %arg7[%add3A_11, %dma_wait3A_40] : memref<320000x16xf32, #tpu.memory_space<hbm>> -> memref<80x16xf32, #tpu.memory_space<hbm>>
        tpu.wait_dma2 semaphore(%run_scoped3A : memref<!tpu.dma_semaphore, #tpu.memory_space<semaphore_mem>>) src(%dma_wait3A_41 : memref<80x16xf32, #tpu.memory_space<hbm>>) dst(%arg14 : memref<80x16xf32, #tpu.memory_space<vmem>>)
        tpu.yield
      }) : () -> ()
      %dma_wait3A = arith.constant 0 : i32
      %dma_wait3A_20 = arith.constant 0 : i32
      %dma_wait3A_21 = tpu.memref_slice %arg2[%dma_wait3A, %dma_wait3A_20] : memref<10000x128xf32, #tpu.memory_space<hbm>> -> memref<10000x128xf32, #tpu.memory_space<hbm>>
      tpu.wait_indirect_dma semaphore(%arg16 : memref<!tpu.dma_semaphore, #tpu.memory_space<semaphore_mem>>) src(%dma_wait3A_21 : memref<10000x128xf32, #tpu.memory_space<hbm>>) dst(%arg11 : memref<80x128xf32, #tpu.memory_space<vmem>>)
      %dma_wait3A_22 = arith.constant 0 : i32
      %dma_wait3A_23 = arith.constant 0 : i32
      %dma_wait3A_24 = tpu.memref_slice %arg3[%dma_wait3A_22, %dma_wait3A_23] : memref<10000x128xf32, #tpu.memory_space<hbm>> -> memref<10000x128xf32, #tpu.memory_space<hbm>>
      tpu.wait_indirect_dma semaphore(%arg17 : memref<!tpu.dma_semaphore, #tpu.memory_space<semaphore_mem>>) src(%dma_wait3A_24 : memref<10000x128xf32, #tpu.memory_space<hbm>>) dst(%arg12 : memref<80x128xf32, #tpu.memory_space<vmem>>)
      %dma_wait3A_25 = arith.constant 0 : i32
      %dma_wait3A_26 = arith.constant 0 : i32
      %dma_wait3A_27 = tpu.memref_slice %arg4[%dma_wait3A_25, %dma_wait3A_26] : memref<10000x16xf32, #tpu.memory_space<hbm>> -> memref<10000x16xf32, #tpu.memory_space<hbm>>
      tpu.wait_indirect_dma semaphore(%arg18 : memref<!tpu.dma_semaphore, #tpu.memory_space<semaphore_mem>>) src(%dma_wait3A_27 : memref<10000x16xf32, #tpu.memory_space<hbm>>) dst(%arg13 : memref<80x16xf32, #tpu.memory_space<vmem>>)
      %scan3A_28 = arith.constant 0 : i32
      %scan3A_29 = arith.constant 0 : i32
      %scan3A_30 = arith.constant 5 : i32
      %scan3A_31 = arith.addi %scan3A_29, %scan3A_30 : i32
      %scan3A_32 = arith.constant 1 : i32
      scf.for %scan3A_34 = %scan3A_29 to %scan3A_31 step %scan3A_32  : i32 {
        %mul3A_35 = arith.constant 16 : i32
        %mul3A_36 = arith.muli %scan3A_34, %mul3A_35 : i32
        %iota3A = tpu.iota {dimensions = array<i32: 0>} : vector<16xi32>
        %add3A_37 = vector.broadcast %mul3A_36 : i32 to vector<16xi32>
        %add3A_38 = arith.addi %add3A_37, %iota3A : vector<16xi32>
        %broadcast_in_dim3A = arith.constant 0.000000e+00 : f32
        %broadcast_in_dim3A_39 = vector.broadcast %broadcast_in_dim3A : f32 to vector<16xf32>
        %scan3A_40 = arith.constant 0 : i32
        %scan3A_41 = arith.constant 16 : i32
        %scan3A_42 = arith.addi %scan3A_40, %scan3A_41 : i32
        %scan3A_43 = arith.constant 1 : i32
        %scan3A_44 = scf.for %scan3A_147 = %scan3A_40 to %scan3A_42 step %scan3A_43 iter_args(%scan3A_148 = %broadcast_in_dim3A_39) -> (vector<16xf32>)  : i32 {
          %mul3A_149 = arith.constant 8 : i32
          %mul3A_150 = arith.muli %scan3A_147, %mul3A_149 : i32
          %add3A_151 = arith.constant 0 : i32
          %add3A_152 = arith.addi %mul3A_150, %add3A_151 : i32
          %broadcast_in_dim3A_153 = vector.broadcast %add3A_152 : i32 to vector<16xi32>
          %gather3A_154 = tpu.vector_load_idx %arg11[%add3A_38, %broadcast_in_dim3A_153] : memref<80x128xf32, #tpu.memory_space<vmem>>[vector<16xi32>, vector<16xi32>], vector<16xf32>,
          %gather3A_155 = tpu.vector_load_idx %arg12[%add3A_38, %broadcast_in_dim3A_153] : memref<80x128xf32, #tpu.memory_space<vmem>>[vector<16xi32>, vector<16xi32>], vector<16xf32>,
          %mul3A_156 = arith.mulf %gather3A_154, %gather3A_155 : vector<16xf32>
          %add3A_157 = arith.addf %scan3A_148, %mul3A_156 : vector<16xf32>
          %mul3A_158 = arith.constant 8 : i32
          %mul3A_159 = arith.muli %scan3A_147, %mul3A_158 : i32
          %add3A_160 = arith.constant 1 : i32
          %add3A_161 = arith.addi %mul3A_159, %add3A_160 : i32
          %broadcast_in_dim3A_162 = vector.broadcast %add3A_161 : i32 to vector<16xi32>
          %gather3A_163 = tpu.vector_load_idx %arg11[%add3A_38, %broadcast_in_dim3A_162] : memref<80x128xf32, #tpu.memory_space<vmem>>[vector<16xi32>, vector<16xi32>], vector<16xf32>,
          %gather3A_164 = tpu.vector_load_idx %arg12[%add3A_38, %broadcast_in_dim3A_162] : memref<80x128xf32, #tpu.memory_space<vmem>>[vector<16xi32>, vector<16xi32>], vector<16xf32>,
          %mul3A_165 = arith.mulf %gather3A_163, %gather3A_164 : vector<16xf32>
          %add3A_166 = arith.addf %add3A_157, %mul3A_165 : vector<16xf32>
          %mul3A_167 = arith.constant 8 : i32
          %mul3A_168 = arith.muli %scan3A_147, %mul3A_167 : i32
          %add3A_169 = arith.constant 2 : i32
          %add3A_170 = arith.addi %mul3A_168, %add3A_169 : i32
          %broadcast_in_dim3A_171 = vector.broadcast %add3A_170 : i32 to vector<16xi32>
          %gather3A_172 = tpu.vector_load_idx %arg11[%add3A_38, %broadcast_in_dim3A_171] : memref<80x128xf32, #tpu.memory_space<vmem>>[vector<16xi32>, vector<16xi32>], vector<16xf32>,
          %gather3A_173 = tpu.vector_load_idx %arg12[%add3A_38, %broadcast_in_dim3A_171] : memref<80x128xf32, #tpu.memory_space<vmem>>[vector<16xi32>, vector<16xi32>], vector<16xf32>,
          %mul3A_174 = arith.mulf %gather3A_172, %gather3A_173 : vector<16xf32>
          %add3A_175 = arith.addf %add3A_166, %mul3A_174 : vector<16xf32>
          %mul3A_176 = arith.constant 8 : i32
          %mul3A_177 = arith.muli %scan3A_147, %mul3A_176 : i32
          %add3A_178 = arith.constant 3 : i32
          %add3A_179 = arith.addi %mul3A_177, %add3A_178 : i32
          %broadcast_in_dim3A_180 = vector.broadcast %add3A_179 : i32 to vector<16xi32>
          %gather3A_181 = tpu.vector_load_idx %arg11[%add3A_38, %broadcast_in_dim3A_180] : memref<80x128xf32, #tpu.memory_space<vmem>>[vector<16xi32>, vector<16xi32>], vector<16xf32>,
          %gather3A_182 = tpu.vector_load_idx %arg12[%add3A_38, %broadcast_in_dim3A_180] : memref<80x128xf32, #tpu.memory_space<vmem>>[vector<16xi32>, vector<16xi32>], vector<16xf32>,
          %mul3A_183 = arith.mulf %gather3A_181, %gather3A_182 : vector<16xf32>
          %add3A_184 = arith.addf %add3A_175, %mul3A_183 : vector<16xf32>
          %mul3A_185 = arith.constant 8 : i32
          %mul3A_186 = arith.muli %scan3A_147, %mul3A_185 : i32
          %add3A_187 = arith.constant 4 : i32
          %add3A_188 = arith.addi %mul3A_186, %add3A_187 : i32
          %broadcast_in_dim3A_189 = vector.broadcast %add3A_188 : i32 to vector<16xi32>
          %gather3A_190 = tpu.vector_load_idx %arg11[%add3A_38, %broadcast_in_dim3A_189] : memref<80x128xf32, #tpu.memory_space<vmem>>[vector<16xi32>, vector<16xi32>], vector<16xf32>,
          %gather3A_191 = tpu.vector_load_idx %arg12[%add3A_38, %broadcast_in_dim3A_189] : memref<80x128xf32, #tpu.memory_space<vmem>>[vector<16xi32>, vector<16xi32>], vector<16xf32>,
          %mul3A_192 = arith.mulf %gather3A_190, %gather3A_191 : vector<16xf32>
          %add3A_193 = arith.addf %add3A_184, %mul3A_192 : vector<16xf32>
          %mul3A_194 = arith.constant 8 : i32
          %mul3A_195 = arith.muli %scan3A_147, %mul3A_194 : i32
          %add3A_196 = arith.constant 5 : i32
          %add3A_197 = arith.addi %mul3A_195, %add3A_196 : i32
          %broadcast_in_dim3A_198 = vector.broadcast %add3A_197 : i32 to vector<16xi32>
          %gather3A_199 = tpu.vector_load_idx %arg11[%add3A_38, %broadcast_in_dim3A_198] : memref<80x128xf32, #tpu.memory_space<vmem>>[vector<16xi32>, vector<16xi32>], vector<16xf32>,
          %gather3A_200 = tpu.vector_load_idx %arg12[%add3A_38, %broadcast_in_dim3A_198] : memref<80x128xf32, #tpu.memory_space<vmem>>[vector<16xi32>, vector<16xi32>], vector<16xf32>,
          %mul3A_201 = arith.mulf %gather3A_199, %gather3A_200 : vector<16xf32>
          %add3A_202 = arith.addf %add3A_193, %mul3A_201 : vector<16xf32>
          %mul3A_203 = arith.constant 8 : i32
          %mul3A_204 = arith.muli %scan3A_147, %mul3A_203 : i32
          %add3A_205 = arith.constant 6 : i32
          %add3A_206 = arith.addi %mul3A_204, %add3A_205 : i32
          %broadcast_in_dim3A_207 = vector.broadcast %add3A_206 : i32 to vector<16xi32>
          %gather3A_208 = tpu.vector_load_idx %arg11[%add3A_38, %broadcast_in_dim3A_207] : memref<80x128xf32, #tpu.memory_space<vmem>>[vector<16xi32>, vector<16xi32>], vector<16xf32>,
          %gather3A_209 = tpu.vector_load_idx %arg12[%add3A_38, %broadcast_in_dim3A_207] : memref<80x128xf32, #tpu.memory_space<vmem>>[vector<16xi32>, vector<16xi32>], vector<16xf32>,
          %mul3A_210 = arith.mulf %gather3A_208, %gather3A_209 : vector<16xf32>
          %add3A_211 = arith.addf %add3A_202, %mul3A_210 : vector<16xf32>
          %mul3A_212 = arith.constant 8 : i32
          %mul3A_213 = arith.muli %scan3A_147, %mul3A_212 : i32
          %add3A_214 = arith.constant 7 : i32
          %add3A_215 = arith.addi %mul3A_213, %add3A_214 : i32
          %broadcast_in_dim3A_216 = vector.broadcast %add3A_215 : i32 to vector<16xi32>
          %gather3A_217 = tpu.vector_load_idx %arg11[%add3A_38, %broadcast_in_dim3A_216] : memref<80x128xf32, #tpu.memory_space<vmem>>[vector<16xi32>, vector<16xi32>], vector<16xf32>,
          %gather3A_218 = tpu.vector_load_idx %arg12[%add3A_38, %broadcast_in_dim3A_216] : memref<80x128xf32, #tpu.memory_space<vmem>>[vector<16xi32>, vector<16xi32>], vector<16xf32>,
          %mul3A_219 = arith.mulf %gather3A_217, %gather3A_218 : vector<16xf32>
          %add3A_220 = arith.addf %add3A_211, %mul3A_219 : vector<16xf32>
          scf.yield %add3A_220 : vector<16xf32>
        }
        %scan3A_45 = arith.constant 16 : i32
        %broadcast_in_dim3A_46 = arith.constant 0 : i32
        %broadcast_in_dim3A_47 = vector.broadcast %broadcast_in_dim3A_46 : i32 to vector<16xi32>
        %gather3A = tpu.vector_load_idx %arg13[%add3A_38, %broadcast_in_dim3A_47] : memref<80x16xf32, #tpu.memory_space<vmem>>[vector<16xi32>, vector<16xi32>], vector<16xf32>,
        %gather3A_48 = tpu.vector_load_idx %arg14[%add3A_38, %broadcast_in_dim3A_47] : memref<80x16xf32, #tpu.memory_space<vmem>>[vector<16xi32>, vector<16xi32>], vector<16xf32>,
        %mul3A_49 = arith.mulf %gather3A, %gather3A_48 : vector<16xf32>
        %add3A_50 = arith.addf %scan3A_44, %mul3A_49 : vector<16xf32>
        %broadcast_in_dim3A_51 = arith.constant 1 : i32
        %broadcast_in_dim3A_52 = vector.broadcast %broadcast_in_dim3A_51 : i32 to vector<16xi32>
        %gather3A_53 = tpu.vector_load_idx %arg13[%add3A_38, %broadcast_in_dim3A_52] : memref<80x16xf32, #tpu.memory_space<vmem>>[vector<16xi32>, vector<16xi32>], vector<16xf32>,
        %gather3A_54 = tpu.vector_load_idx %arg14[%add3A_38, %broadcast_in_dim3A_52] : memref<80x16xf32, #tpu.memory_space<vmem>>[vector<16xi32>, vector<16xi32>], vector<16xf32>,
        %mul3A_55 = arith.mulf %gather3A_53, %gather3A_54 : vector<16xf32>
        %add3A_56 = arith.addf %add3A_50, %mul3A_55 : vector<16xf32>
        %broadcast_in_dim3A_57 = arith.constant 2 : i32
        %broadcast_in_dim3A_58 = vector.broadcast %broadcast_in_dim3A_57 : i32 to vector<16xi32>
        %gather3A_59 = tpu.vector_load_idx %arg13[%add3A_38, %broadcast_in_dim3A_58] : memref<80x16xf32, #tpu.memory_space<vmem>>[vector<16xi32>, vector<16xi32>], vector<16xf32>,
        %gather3A_60 = tpu.vector_load_idx %arg14[%add3A_38, %broadcast_in_dim3A_58] : memref<80x16xf32, #tpu.memory_space<vmem>>[vector<16xi32>, vector<16xi32>], vector<16xf32>,
        %mul3A_61 = arith.mulf %gather3A_59, %gather3A_60 : vector<16xf32>
        %add3A_62 = arith.addf %add3A_56, %mul3A_61 : vector<16xf32>
        %broadcast_in_dim3A_63 = arith.constant 3 : i32
        %broadcast_in_dim3A_64 = vector.broadcast %broadcast_in_dim3A_63 : i32 to vector<16xi32>
        %gather3A_65 = tpu.vector_load_idx %arg13[%add3A_38, %broadcast_in_dim3A_64] : memref<80x16xf32, #tpu.memory_space<vmem>>[vector<16xi32>, vector<16xi32>], vector<16xf32>,
        %gather3A_66 = tpu.vector_load_idx %arg14[%add3A_38, %broadcast_in_dim3A_64] : memref<80x16xf32, #tpu.memory_space<vmem>>[vector<16xi32>, vector<16xi32>], vector<16xf32>,
        %mul3A_67 = arith.mulf %gather3A_65, %gather3A_66 : vector<16xf32>
        %add3A_68 = arith.addf %add3A_62, %mul3A_67 : vector<16xf32>
        %broadcast_in_dim3A_69 = arith.constant 4 : i32
        %broadcast_in_dim3A_70 = vector.broadcast %broadcast_in_dim3A_69 : i32 to vector<16xi32>
        %gather3A_71 = tpu.vector_load_idx %arg13[%add3A_38, %broadcast_in_dim3A_70] : memref<80x16xf32, #tpu.memory_space<vmem>>[vector<16xi32>, vector<16xi32>], vector<16xf32>,
        %gather3A_72 = tpu.vector_load_idx %arg14[%add3A_38, %broadcast_in_dim3A_70] : memref<80x16xf32, #tpu.memory_space<vmem>>[vector<16xi32>, vector<16xi32>], vector<16xf32>,
        %mul3A_73 = arith.mulf %gather3A_71, %gather3A_72 : vector<16xf32>
        %add3A_74 = arith.addf %add3A_68, %mul3A_73 : vector<16xf32>
        %broadcast_in_dim3A_75 = arith.constant 5 : i32
        %broadcast_in_dim3A_76 = vector.broadcast %broadcast_in_dim3A_75 : i32 to vector<16xi32>
        %gather3A_77 = tpu.vector_load_idx %arg13[%add3A_38, %broadcast_in_dim3A_76] : memref<80x16xf32, #tpu.memory_space<vmem>>[vector<16xi32>, vector<16xi32>], vector<16xf32>,
        %gather3A_78 = tpu.vector_load_idx %arg14[%add3A_38, %broadcast_in_dim3A_76] : memref<80x16xf32, #tpu.memory_space<vmem>>[vector<16xi32>, vector<16xi32>], vector<16xf32>,
        %mul3A_79 = arith.mulf %gather3A_77, %gather3A_78 : vector<16xf32>
        %add3A_80 = arith.addf %add3A_74, %mul3A_79 : vector<16xf32>
        %broadcast_in_dim3A_81 = arith.constant 6 : i32
        %broadcast_in_dim3A_82 = vector.broadcast %broadcast_in_dim3A_81 : i32 to vector<16xi32>
        %gather3A_83 = tpu.vector_load_idx %arg13[%add3A_38, %broadcast_in_dim3A_82] : memref<80x16xf32, #tpu.memory_space<vmem>>[vector<16xi32>, vector<16xi32>], vector<16xf32>,
        %gather3A_84 = tpu.vector_load_idx %arg14[%add3A_38, %broadcast_in_dim3A_82] : memref<80x16xf32, #tpu.memory_space<vmem>>[vector<16xi32>, vector<16xi32>], vector<16xf32>,
        %mul3A_85 = arith.mulf %gather3A_83, %gather3A_84 : vector<16xf32>
        %add3A_86 = arith.addf %add3A_80, %mul3A_85 : vector<16xf32>
        %broadcast_in_dim3A_87 = arith.constant 7 : i32
        %broadcast_in_dim3A_88 = vector.broadcast %broadcast_in_dim3A_87 : i32 to vector<16xi32>
        %gather3A_89 = tpu.vector_load_idx %arg13[%add3A_38, %broadcast_in_dim3A_88] : memref<80x16xf32, #tpu.memory_space<vmem>>[vector<16xi32>, vector<16xi32>], vector<16xf32>,
        %gather3A_90 = tpu.vector_load_idx %arg14[%add3A_38, %broadcast_in_dim3A_88] : memref<80x16xf32, #tpu.memory_space<vmem>>[vector<16xi32>, vector<16xi32>], vector<16xf32>,
        %mul3A_91 = arith.mulf %gather3A_89, %gather3A_90 : vector<16xf32>
        %add3A_92 = arith.addf %add3A_86, %mul3A_91 : vector<16xf32>
        %broadcast_in_dim3A_93 = arith.constant 8 : i32
        %broadcast_in_dim3A_94 = vector.broadcast %broadcast_in_dim3A_93 : i32 to vector<16xi32>
        %gather3A_95 = tpu.vector_load_idx %arg13[%add3A_38, %broadcast_in_dim3A_94] : memref<80x16xf32, #tpu.memory_space<vmem>>[vector<16xi32>, vector<16xi32>], vector<16xf32>,
        %gather3A_96 = tpu.vector_load_idx %arg14[%add3A_38, %broadcast_in_dim3A_94] : memref<80x16xf32, #tpu.memory_space<vmem>>[vector<16xi32>, vector<16xi32>], vector<16xf32>,
        %mul3A_97 = arith.mulf %gather3A_95, %gather3A_96 : vector<16xf32>
        %add3A_98 = arith.addf %add3A_92, %mul3A_97 : vector<16xf32>
        %broadcast_in_dim3A_99 = arith.constant 9 : i32
        %broadcast_in_dim3A_100 = vector.broadcast %broadcast_in_dim3A_99 : i32 to vector<16xi32>
        %gather3A_101 = tpu.vector_load_idx %arg13[%add3A_38, %broadcast_in_dim3A_100] : memref<80x16xf32, #tpu.memory_space<vmem>>[vector<16xi32>, vector<16xi32>], vector<16xf32>,
        %gather3A_102 = tpu.vector_load_idx %arg14[%add3A_38, %broadcast_in_dim3A_100] : memref<80x16xf32, #tpu.memory_space<vmem>>[vector<16xi32>, vector<16xi32>], vector<16xf32>,
        %mul3A_103 = arith.mulf %gather3A_101, %gather3A_102 : vector<16xf32>
        %add3A_104 = arith.addf %add3A_98, %mul3A_103 : vector<16xf32>
        %broadcast_in_dim3A_105 = arith.constant 10 : i32
        %broadcast_in_dim3A_106 = vector.broadcast %broadcast_in_dim3A_105 : i32 to vector<16xi32>
        %gather3A_107 = tpu.vector_load_idx %arg13[%add3A_38, %broadcast_in_dim3A_106] : memref<80x16xf32, #tpu.memory_space<vmem>>[vector<16xi32>, vector<16xi32>], vector<16xf32>,
        %gather3A_108 = tpu.vector_load_idx %arg14[%add3A_38, %broadcast_in_dim3A_106] : memref<80x16xf32, #tpu.memory_space<vmem>>[vector<16xi32>, vector<16xi32>], vector<16xf32>,
        %mul3A_109 = arith.mulf %gather3A_107, %gather3A_108 : vector<16xf32>
        %add3A_110 = arith.addf %add3A_104, %mul3A_109 : vector<16xf32>
        %broadcast_in_dim3A_111 = arith.constant 11 : i32
        %broadcast_in_dim3A_112 = vector.broadcast %broadcast_in_dim3A_111 : i32 to vector<16xi32>
        %gather3A_113 = tpu.vector_load_idx %arg13[%add3A_38, %broadcast_in_dim3A_112] : memref<80x16xf32, #tpu.memory_space<vmem>>[vector<16xi32>, vector<16xi32>], vector<16xf32>,
        %gather3A_114 = tpu.vector_load_idx %arg14[%add3A_38, %broadcast_in_dim3A_112] : memref<80x16xf32, #tpu.memory_space<vmem>>[vector<16xi32>, vector<16xi32>], vector<16xf32>,
        %mul3A_115 = arith.mulf %gather3A_113, %gather3A_114 : vector<16xf32>
        %add3A_116 = arith.addf %add3A_110, %mul3A_115 : vector<16xf32>
        %broadcast_in_dim3A_117 = arith.constant 12 : i32
        %broadcast_in_dim3A_118 = vector.broadcast %broadcast_in_dim3A_117 : i32 to vector<16xi32>
        %gather3A_119 = tpu.vector_load_idx %arg13[%add3A_38, %broadcast_in_dim3A_118] : memref<80x16xf32, #tpu.memory_space<vmem>>[vector<16xi32>, vector<16xi32>], vector<16xf32>,
        %gather3A_120 = tpu.vector_load_idx %arg14[%add3A_38, %broadcast_in_dim3A_118] : memref<80x16xf32, #tpu.memory_space<vmem>>[vector<16xi32>, vector<16xi32>], vector<16xf32>,
        %mul3A_121 = arith.mulf %gather3A_119, %gather3A_120 : vector<16xf32>
        %add3A_122 = arith.addf %add3A_116, %mul3A_121 : vector<16xf32>
        %broadcast_in_dim3A_123 = arith.constant 13 : i32
        %broadcast_in_dim3A_124 = vector.broadcast %broadcast_in_dim3A_123 : i32 to vector<16xi32>
        %gather3A_125 = tpu.vector_load_idx %arg13[%add3A_38, %broadcast_in_dim3A_124] : memref<80x16xf32, #tpu.memory_space<vmem>>[vector<16xi32>, vector<16xi32>], vector<16xf32>,
        %gather3A_126 = tpu.vector_load_idx %arg14[%add3A_38, %broadcast_in_dim3A_124] : memref<80x16xf32, #tpu.memory_space<vmem>>[vector<16xi32>, vector<16xi32>], vector<16xf32>,
        %mul3A_127 = arith.mulf %gather3A_125, %gather3A_126 : vector<16xf32>
        %add3A_128 = arith.addf %add3A_122, %mul3A_127 : vector<16xf32>
        %broadcast_in_dim3A_129 = arith.constant 14 : i32
        %broadcast_in_dim3A_130 = vector.broadcast %broadcast_in_dim3A_129 : i32 to vector<16xi32>
        %gather3A_131 = tpu.vector_load_idx %arg13[%add3A_38, %broadcast_in_dim3A_130] : memref<80x16xf32, #tpu.memory_space<vmem>>[vector<16xi32>, vector<16xi32>], vector<16xf32>,
        %gather3A_132 = tpu.vector_load_idx %arg14[%add3A_38, %broadcast_in_dim3A_130] : memref<80x16xf32, #tpu.memory_space<vmem>>[vector<16xi32>, vector<16xi32>], vector<16xf32>,
        %mul3A_133 = arith.mulf %gather3A_131, %gather3A_132 : vector<16xf32>
        %add3A_134 = arith.addf %add3A_128, %mul3A_133 : vector<16xf32>
        %broadcast_in_dim3A_135 = arith.constant 15 : i32
        %broadcast_in_dim3A_136 = vector.broadcast %broadcast_in_dim3A_135 : i32 to vector<16xi32>
        %gather3A_137 = tpu.vector_load_idx %arg13[%add3A_38, %broadcast_in_dim3A_136] : memref<80x16xf32, #tpu.memory_space<vmem>>[vector<16xi32>, vector<16xi32>], vector<16xf32>,
        %gather3A_138 = tpu.vector_load_idx %arg14[%add3A_38, %broadcast_in_dim3A_136] : memref<80x16xf32, #tpu.memory_space<vmem>>[vector<16xi32>, vector<16xi32>], vector<16xf32>,
        %mul3A_139 = arith.mulf %gather3A_137, %gather3A_138 : vector<16xf32>
        %add3A_140 = arith.addf %add3A_134, %mul3A_139 : vector<16xf32>
        %mul3A_141 = arith.constant 0.0883883461 : f32
        %mul3A_142 = vector.broadcast %mul3A_141 : f32 to vector<16xf32>
        %mul3A_143 = arith.mulf %add3A_140, %mul3A_142 : vector<16xf32>
        %exp3A = math.exp %mul3A_143 : vector<16xf32>
        %mul3A_144 = arith.constant 16 : i32
        %mul3A_145 = arith.muli %scan3A_34, %mul3A_144 : i32
        %swap3A = arith.index_cast %mul3A_145 : i32 to index
        %swap3A_146 = tpu.vector_load %arg15[%swap3A] {strides = array<i32>} : memref<80xf32, #tpu.memory_space<vmem>>, vector<16xf32>,
        tpu.vector_store %arg15[%swap3A], %exp3A {strides = array<i32>} : memref<80xf32, #tpu.memory_space<vmem>>, vector<16xf32>,
      }
      %scan3A_33 = arith.constant 5 : i32
      "tpu.region"() ({
        %run_scoped3A = tpu.sem_alloc : memref<!tpu.dma_semaphore, #tpu.memory_space<semaphore_mem>>
        %dma_start3A_34 = tpu.memref_slice %arg8[%add3A_11] : memref<320000xf32, #tpu.memory_space<hbm>> -> memref<80xf32, #tpu.memory_space<hbm>>
        %dma_start3A_35 = tpu.memref_slice %arg8[%add3A_11] : memref<320000xf32, #tpu.memory_space<hbm>> -> memref<80xf32, #tpu.memory_space<hbm>>
        tpu.enqueue_dma source(%arg15 : memref<80xf32, #tpu.memory_space<vmem>>) target(%dma_start3A_35 : memref<80xf32, #tpu.memory_space<hbm>>) target_semaphore(%run_scoped3A : memref<!tpu.dma_semaphore, #tpu.memory_space<semaphore_mem>>)
        %dma_wait3A_36 = tpu.memref_slice %arg8[%add3A_11] : memref<320000xf32, #tpu.memory_space<hbm>> -> memref<80xf32, #tpu.memory_space<hbm>>
        %dma_wait3A_37 = tpu.memref_slice %arg8[%add3A_11] : memref<320000xf32, #tpu.memory_space<hbm>> -> memref<80xf32, #tpu.memory_space<hbm>>
        tpu.wait_dma2 semaphore(%run_scoped3A : memref<!tpu.dma_semaphore, #tpu.memory_space<semaphore_mem>>) src(%arg15 : memref<80xf32, #tpu.memory_space<vmem>>) dst(%dma_wait3A_37 : memref<80xf32, #tpu.memory_space<hbm>>)
        tpu.yield
      }) : () -> ()
    }
    %scan3A_7 = arith.constant 125 : i32
    return
  }
}

#map = affine_map<(d0, d1) -> (0, 0)>
#map1 = affine_map<(d0, d1) -> (0)>
module attributes {stable_mosaic.version = 14 : i64} {
  func.func @_sc_final(%arg0: i32, %arg1: i32, %arg2: memref<10000x128xf32, #tpu.memory_space<hbm>>, %arg3: memref<10000x128xf32, #tpu.memory_space<hbm>>, %arg4: memref<320000x128xf32, #tpu.memory_space<hbm>>, %arg5: memref<320000xi32, #tpu.memory_space<hbm>>, %arg6: memref<320000xi32, #tpu.memory_space<hbm>>, %arg7: memref<144xf32, #tpu.memory_space<hbm>>, %arg8: memref<320000xf32, #tpu.memory_space<hbm>>, %arg9: memref<80xi32, #tpu.memory_space<vmem>>, %arg10: memref<80xi32, #tpu.memory_space<vmem>>, %arg11: memref<80x128xf32, #tpu.memory_space<vmem>>, %arg12: memref<80x128xf32, #tpu.memory_space<vmem>>, %arg13: memref<80x128xf32, #tpu.memory_space<vmem>>, %arg14: memref<144xf32, #tpu.memory_space<vmem>>, %arg15: memref<80xf32, #tpu.memory_space<vmem>>, %arg16: memref<!tpu.dma_semaphore, #tpu.memory_space<semaphore_mem>>, %arg17: memref<!tpu.dma_semaphore, #tpu.memory_space<semaphore_mem>>) attributes {dimension_semantics = [#tpu.dimension_semantics<core_parallel>, #tpu.dimension_semantics<subcore_parallel>], iteration_bounds = array<i64: 2, 16>, scalar_prefetch = 0 : i64, scratch_operands = 9 : i64, tpu.core_type = #tpu.core_type<sc_vector_subcore>, window_params = [{transform_indices = #map}, {transform_indices = #map}, {transform_indices = #map}, {transform_indices = #map1}, {transform_indices = #map1}, {transform_indices = #map1}, {transform_indices = #map1}]} {
    %mul3A = arith.constant 16 : i32
    %mul3A_0 = arith.muli %arg0, %mul3A : i32
    %add3A = arith.addi %mul3A_0, %arg1 : i32
    "tpu.region"() ({
      %run_scoped3A = tpu.sem_alloc : memref<!tpu.dma_semaphore, #tpu.memory_space<semaphore_mem>>
      tpu.enqueue_dma source(%arg7 : memref<144xf32, #tpu.memory_space<hbm>>) target(%arg14 : memref<144xf32, #tpu.memory_space<vmem>>) target_semaphore(%run_scoped3A : memref<!tpu.dma_semaphore, #tpu.memory_space<semaphore_mem>>)
      tpu.wait_dma2 semaphore(%run_scoped3A : memref<!tpu.dma_semaphore, #tpu.memory_space<semaphore_mem>>) src(%arg7 : memref<144xf32, #tpu.memory_space<hbm>>) dst(%arg14 : memref<144xf32, #tpu.memory_space<vmem>>)
      tpu.yield
    }) : () -> ()
    %mul3A_1 = arith.constant 10000 : i32
    %mul3A_2 = arith.muli %add3A, %mul3A_1 : i32
    %scan3A = arith.constant 0 : i32
    %scan3A_3 = arith.constant 0 : i32
    %scan3A_4 = arith.constant 125 : i32
    %scan3A_5 = arith.addi %scan3A_3, %scan3A_4 : i32
    %scan3A_6 = arith.constant 1 : i32
    scf.for %scan3A_8 = %scan3A_3 to %scan3A_5 step %scan3A_6  : i32 {
      %mul3A_9 = arith.constant 80 : i32
      %mul3A_10 = arith.muli %scan3A_8, %mul3A_9 : i32
      %add3A_11 = arith.addi %mul3A_2, %mul3A_10 : i32
      "tpu.region"() ({
        %run_scoped3A = tpu.sem_alloc : memref<!tpu.dma_semaphore, #tpu.memory_space<semaphore_mem>>
        %dma_start3A_28 = tpu.memref_slice %arg5[%add3A_11] : memref<320000xi32, #tpu.memory_space<hbm>> -> memref<80xi32, #tpu.memory_space<hbm>>
        %dma_start3A_29 = tpu.memref_slice %arg5[%add3A_11] : memref<320000xi32, #tpu.memory_space<hbm>> -> memref<80xi32, #tpu.memory_space<hbm>>
        tpu.enqueue_dma source(%dma_start3A_29 : memref<80xi32, #tpu.memory_space<hbm>>) target(%arg9 : memref<80xi32, #tpu.memory_space<vmem>>) target_semaphore(%run_scoped3A : memref<!tpu.dma_semaphore, #tpu.memory_space<semaphore_mem>>)
        %dma_wait3A_30 = tpu.memref_slice %arg5[%add3A_11] : memref<320000xi32, #tpu.memory_space<hbm>> -> memref<80xi32, #tpu.memory_space<hbm>>
        %dma_wait3A_31 = tpu.memref_slice %arg5[%add3A_11] : memref<320000xi32, #tpu.memory_space<hbm>> -> memref<80xi32, #tpu.memory_space<hbm>>
        tpu.wait_dma2 semaphore(%run_scoped3A : memref<!tpu.dma_semaphore, #tpu.memory_space<semaphore_mem>>) src(%dma_wait3A_31 : memref<80xi32, #tpu.memory_space<hbm>>) dst(%arg9 : memref<80xi32, #tpu.memory_space<vmem>>)
        tpu.yield
      }) : () -> ()
      "tpu.region"() ({
        %run_scoped3A = tpu.sem_alloc : memref<!tpu.dma_semaphore, #tpu.memory_space<semaphore_mem>>
        %dma_start3A_28 = tpu.memref_slice %arg6[%add3A_11] : memref<320000xi32, #tpu.memory_space<hbm>> -> memref<80xi32, #tpu.memory_space<hbm>>
        %dma_start3A_29 = tpu.memref_slice %arg6[%add3A_11] : memref<320000xi32, #tpu.memory_space<hbm>> -> memref<80xi32, #tpu.memory_space<hbm>>
        tpu.enqueue_dma source(%dma_start3A_29 : memref<80xi32, #tpu.memory_space<hbm>>) target(%arg10 : memref<80xi32, #tpu.memory_space<vmem>>) target_semaphore(%run_scoped3A : memref<!tpu.dma_semaphore, #tpu.memory_space<semaphore_mem>>)
        %dma_wait3A_30 = tpu.memref_slice %arg6[%add3A_11] : memref<320000xi32, #tpu.memory_space<hbm>> -> memref<80xi32, #tpu.memory_space<hbm>>
        %dma_wait3A_31 = tpu.memref_slice %arg6[%add3A_11] : memref<320000xi32, #tpu.memory_space<hbm>> -> memref<80xi32, #tpu.memory_space<hbm>>
        tpu.wait_dma2 semaphore(%run_scoped3A : memref<!tpu.dma_semaphore, #tpu.memory_space<semaphore_mem>>) src(%dma_wait3A_31 : memref<80xi32, #tpu.memory_space<hbm>>) dst(%arg10 : memref<80xi32, #tpu.memory_space<vmem>>)
        tpu.yield
      }) : () -> ()
      %dma_start3A = arith.constant 0 : i32
      %dma_start3A_12 = arith.constant 0 : i32
      %dma_start3A_13 = tpu.memref_slice %arg2[%dma_start3A, %dma_start3A_12] : memref<10000x128xf32, #tpu.memory_space<hbm>> -> memref<10000x128xf32, #tpu.memory_space<hbm>>
      tpu.enqueue_indirect_dma source(%dma_start3A_13 : memref<10000x128xf32, #tpu.memory_space<hbm>>) target(%arg11 : memref<80x128xf32, #tpu.memory_space<vmem>>) offsets(%arg9 : memref<80xi32, #tpu.memory_space<vmem>>) semaphore(%arg16 : memref<!tpu.dma_semaphore, #tpu.memory_space<semaphore_mem>>)
      %dma_start3A_14 = arith.constant 0 : i32
      %dma_start3A_15 = arith.constant 0 : i32
      %dma_start3A_16 = tpu.memref_slice %arg3[%dma_start3A_14, %dma_start3A_15] : memref<10000x128xf32, #tpu.memory_space<hbm>> -> memref<10000x128xf32, #tpu.memory_space<hbm>>
      tpu.enqueue_indirect_dma source(%dma_start3A_16 : memref<10000x128xf32, #tpu.memory_space<hbm>>) target(%arg12 : memref<80x128xf32, #tpu.memory_space<vmem>>) offsets(%arg10 : memref<80xi32, #tpu.memory_space<vmem>>) semaphore(%arg17 : memref<!tpu.dma_semaphore, #tpu.memory_space<semaphore_mem>>)
      "tpu.region"() ({
        %run_scoped3A = tpu.sem_alloc : memref<!tpu.dma_semaphore, #tpu.memory_space<semaphore_mem>>
        %dma_start3A_28 = arith.constant 0 : i32
        %dma_start3A_29 = tpu.memref_slice %arg4[%add3A_11, %dma_start3A_28] : memref<320000x128xf32, #tpu.memory_space<hbm>> -> memref<80x128xf32, #tpu.memory_space<hbm>>
        %dma_start3A_30 = arith.constant 0 : i32
        %dma_start3A_31 = tpu.memref_slice %arg4[%add3A_11, %dma_start3A_30] : memref<320000x128xf32, #tpu.memory_space<hbm>> -> memref<80x128xf32, #tpu.memory_space<hbm>>
        tpu.enqueue_dma source(%dma_start3A_31 : memref<80x128xf32, #tpu.memory_space<hbm>>) target(%arg13 : memref<80x128xf32, #tpu.memory_space<vmem>>) target_semaphore(%run_scoped3A : memref<!tpu.dma_semaphore, #tpu.memory_space<semaphore_mem>>)
        %dma_wait3A_32 = arith.constant 0 : i32
        %dma_wait3A_33 = tpu.memref_slice %arg4[%add3A_11, %dma_wait3A_32] : memref<320000x128xf32, #tpu.memory_space<hbm>> -> memref<80x128xf32, #tpu.memory_space<hbm>>
        %dma_wait3A_34 = arith.constant 0 : i32
        %dma_wait3A_35 = tpu.memref_slice %arg4[%add3A_11, %dma_wait3A_34] : memref<320000x128xf32, #tpu.memory_space<hbm>> -> memref<80x128xf32, #tpu.memory_space<hbm>>
        tpu.wait_dma2 semaphore(%run_scoped3A : memref<!tpu.dma_semaphore, #tpu.memory_space<semaphore_mem>>) src(%dma_wait3A_35 : memref<80x128xf32, #tpu.memory_space<hbm>>) dst(%arg13 : memref<80x128xf32, #tpu.memory_space<vmem>>)
        tpu.yield
      }) : () -> ()
      %dma_wait3A = arith.constant 0 : i32
      %dma_wait3A_17 = arith.constant 0 : i32
      %dma_wait3A_18 = tpu.memref_slice %arg2[%dma_wait3A, %dma_wait3A_17] : memref<10000x128xf32, #tpu.memory_space<hbm>> -> memref<10000x128xf32, #tpu.memory_space<hbm>>
      tpu.wait_indirect_dma semaphore(%arg16 : memref<!tpu.dma_semaphore, #tpu.memory_space<semaphore_mem>>) src(%dma_wait3A_18 : memref<10000x128xf32, #tpu.memory_space<hbm>>) dst(%arg11 : memref<80x128xf32, #tpu.memory_space<vmem>>)
      %dma_wait3A_19 = arith.constant 0 : i32
      %dma_wait3A_20 = arith.constant 0 : i32
      %dma_wait3A_21 = tpu.memref_slice %arg3[%dma_wait3A_19, %dma_wait3A_20] : memref<10000x128xf32, #tpu.memory_space<hbm>> -> memref<10000x128xf32, #tpu.memory_space<hbm>>
      tpu.wait_indirect_dma semaphore(%arg17 : memref<!tpu.dma_semaphore, #tpu.memory_space<semaphore_mem>>) src(%dma_wait3A_21 : memref<10000x128xf32, #tpu.memory_space<hbm>>) dst(%arg12 : memref<80x128xf32, #tpu.memory_space<vmem>>)
      %scan3A_22 = arith.constant 0 : i32
      %scan3A_23 = arith.constant 0 : i32
      %scan3A_24 = arith.constant 5 : i32
      %scan3A_25 = arith.addi %scan3A_23, %scan3A_24 : i32
      %scan3A_26 = arith.constant 1 : i32
      scf.for %scan3A_28 = %scan3A_23 to %scan3A_25 step %scan3A_26  : i32 {
        %mul3A_29 = arith.constant 16 : i32
        %mul3A_30 = arith.muli %scan3A_28, %mul3A_29 : i32
        %iota3A = tpu.iota {dimensions = array<i32: 0>} : vector<16xi32>
        %add3A_31 = vector.broadcast %mul3A_30 : i32 to vector<16xi32>
        %add3A_32 = arith.addi %add3A_31, %iota3A : vector<16xi32>
        %broadcast_in_dim3A = arith.constant 0.000000e+00 : f32
        %broadcast_in_dim3A_33 = vector.broadcast %broadcast_in_dim3A : f32 to vector<16xf32>
        %scan3A_34 = arith.constant 0 : i32
        %scan3A_35 = arith.constant 16 : i32
        %scan3A_36 = arith.addi %scan3A_34, %scan3A_35 : i32
        %scan3A_37 = arith.constant 1 : i32
        %scan3A_38 = scf.for %scan3A_46 = %scan3A_34 to %scan3A_36 step %scan3A_37 iter_args(%scan3A_47 = %broadcast_in_dim3A_33) -> (vector<16xf32>)  : i32 {
          %mul3A_48 = arith.constant 8 : i32
          %mul3A_49 = arith.muli %scan3A_46, %mul3A_48 : i32
          %get3A_50 = arith.index_cast %mul3A_49 : i32 to index
          %get3A_51 = tpu.vector_load %arg14[%get3A_50] {strides = array<i32>} : memref<144xf32, #tpu.memory_space<vmem>>, vector<16xf32>,
          %mul3A_52 = arith.constant 8 : i32
          %mul3A_53 = arith.muli %scan3A_46, %mul3A_52 : i32
          %add3A_54 = arith.constant 0 : i32
          %add3A_55 = arith.addi %mul3A_53, %add3A_54 : i32
          %broadcast_in_dim3A_56 = vector.broadcast %add3A_55 : i32 to vector<16xi32>
          %gather3A = tpu.vector_load_idx %arg11[%add3A_32, %broadcast_in_dim3A_56] : memref<80x128xf32, #tpu.memory_space<vmem>>[vector<16xi32>, vector<16xi32>], vector<16xf32>,
          %gather3A_57 = tpu.vector_load_idx %arg12[%add3A_32, %broadcast_in_dim3A_56] : memref<80x128xf32, #tpu.memory_space<vmem>>[vector<16xi32>, vector<16xi32>], vector<16xf32>,
          %add3A_58 = arith.addf %gather3A, %gather3A_57 : vector<16xf32>
          %gather3A_59 = tpu.vector_load_idx %arg13[%add3A_32, %broadcast_in_dim3A_56] : memref<80x128xf32, #tpu.memory_space<vmem>>[vector<16xi32>, vector<16xi32>], vector<16xf32>,
          %add3A_60 = arith.addf %add3A_58, %gather3A_59 : vector<16xf32>
          %max3A = arith.constant 0.000000e+00 : f32
          %max3A_61 = vector.broadcast %max3A : f32 to vector<16xf32>
          %max3A_62 = arith.maximumf %add3A_60, %max3A_61 : vector<16xf32>
          %slice3A_63 = vector.extract_strided_slice %get3A_51 {offsets = [0], sizes = [1], strides = [1]} : vector<16xf32> to vector<1xf32>
          %squeeze3A_64 = vector.extract %slice3A_63[0] : f32 from vector<1xf32>
          %mul3A_65 = vector.broadcast %squeeze3A_64 : f32 to vector<16xf32>
          %mul3A_66 = arith.mulf %max3A_62, %mul3A_65 : vector<16xf32>
          %add3A_67 = arith.addf %scan3A_47, %mul3A_66 : vector<16xf32>
          %mul3A_68 = arith.constant 8 : i32
          %mul3A_69 = arith.muli %scan3A_46, %mul3A_68 : i32
          %add3A_70 = arith.constant 1 : i32
          %add3A_71 = arith.addi %mul3A_69, %add3A_70 : i32
          %broadcast_in_dim3A_72 = vector.broadcast %add3A_71 : i32 to vector<16xi32>
          %gather3A_73 = tpu.vector_load_idx %arg11[%add3A_32, %broadcast_in_dim3A_72] : memref<80x128xf32, #tpu.memory_space<vmem>>[vector<16xi32>, vector<16xi32>], vector<16xf32>,
          %gather3A_74 = tpu.vector_load_idx %arg12[%add3A_32, %broadcast_in_dim3A_72] : memref<80x128xf32, #tpu.memory_space<vmem>>[vector<16xi32>, vector<16xi32>], vector<16xf32>,
          %add3A_75 = arith.addf %gather3A_73, %gather3A_74 : vector<16xf32>
          %gather3A_76 = tpu.vector_load_idx %arg13[%add3A_32, %broadcast_in_dim3A_72] : memref<80x128xf32, #tpu.memory_space<vmem>>[vector<16xi32>, vector<16xi32>], vector<16xf32>,
          %add3A_77 = arith.addf %add3A_75, %gather3A_76 : vector<16xf32>
          %max3A_78 = arith.constant 0.000000e+00 : f32
          %max3A_79 = vector.broadcast %max3A_78 : f32 to vector<16xf32>
          %max3A_80 = arith.maximumf %add3A_77, %max3A_79 : vector<16xf32>
          %slice3A_81 = vector.extract_strided_slice %get3A_51 {offsets = [1], sizes = [1], strides = [1]} : vector<16xf32> to vector<1xf32>
          %squeeze3A_82 = vector.extract %slice3A_81[0] : f32 from vector<1xf32>
          %mul3A_83 = vector.broadcast %squeeze3A_82 : f32 to vector<16xf32>
          %mul3A_84 = arith.mulf %max3A_80, %mul3A_83 : vector<16xf32>
          %add3A_85 = arith.addf %add3A_67, %mul3A_84 : vector<16xf32>
          %mul3A_86 = arith.constant 8 : i32
          %mul3A_87 = arith.muli %scan3A_46, %mul3A_86 : i32
          %add3A_88 = arith.constant 2 : i32
          %add3A_89 = arith.addi %mul3A_87, %add3A_88 : i32
          %broadcast_in_dim3A_90 = vector.broadcast %add3A_89 : i32 to vector<16xi32>
          %gather3A_91 = tpu.vector_load_idx %arg11[%add3A_32, %broadcast_in_dim3A_90] : memref<80x128xf32, #tpu.memory_space<vmem>>[vector<16xi32>, vector<16xi32>], vector<16xf32>,
          %gather3A_92 = tpu.vector_load_idx %arg12[%add3A_32, %broadcast_in_dim3A_90] : memref<80x128xf32, #tpu.memory_space<vmem>>[vector<16xi32>, vector<16xi32>], vector<16xf32>,
          %add3A_93 = arith.addf %gather3A_91, %gather3A_92 : vector<16xf32>
          %gather3A_94 = tpu.vector_load_idx %arg13[%add3A_32, %broadcast_in_dim3A_90] : memref<80x128xf32, #tpu.memory_space<vmem>>[vector<16xi32>, vector<16xi32>], vector<16xf32>,
          %add3A_95 = arith.addf %add3A_93, %gather3A_94 : vector<16xf32>
          %max3A_96 = arith.constant 0.000000e+00 : f32
          %max3A_97 = vector.broadcast %max3A_96 : f32 to vector<16xf32>
          %max3A_98 = arith.maximumf %add3A_95, %max3A_97 : vector<16xf32>
          %slice3A_99 = vector.extract_strided_slice %get3A_51 {offsets = [2], sizes = [1], strides = [1]} : vector<16xf32> to vector<1xf32>
          %squeeze3A_100 = vector.extract %slice3A_99[0] : f32 from vector<1xf32>
          %mul3A_101 = vector.broadcast %squeeze3A_100 : f32 to vector<16xf32>
          %mul3A_102 = arith.mulf %max3A_98, %mul3A_101 : vector<16xf32>
          %add3A_103 = arith.addf %add3A_85, %mul3A_102 : vector<16xf32>
          %mul3A_104 = arith.constant 8 : i32
          %mul3A_105 = arith.muli %scan3A_46, %mul3A_104 : i32
          %add3A_106 = arith.constant 3 : i32
          %add3A_107 = arith.addi %mul3A_105, %add3A_106 : i32
          %broadcast_in_dim3A_108 = vector.broadcast %add3A_107 : i32 to vector<16xi32>
          %gather3A_109 = tpu.vector_load_idx %arg11[%add3A_32, %broadcast_in_dim3A_108] : memref<80x128xf32, #tpu.memory_space<vmem>>[vector<16xi32>, vector<16xi32>], vector<16xf32>,
          %gather3A_110 = tpu.vector_load_idx %arg12[%add3A_32, %broadcast_in_dim3A_108] : memref<80x128xf32, #tpu.memory_space<vmem>>[vector<16xi32>, vector<16xi32>], vector<16xf32>,
          %add3A_111 = arith.addf %gather3A_109, %gather3A_110 : vector<16xf32>
          %gather3A_112 = tpu.vector_load_idx %arg13[%add3A_32, %broadcast_in_dim3A_108] : memref<80x128xf32, #tpu.memory_space<vmem>>[vector<16xi32>, vector<16xi32>], vector<16xf32>,
          %add3A_113 = arith.addf %add3A_111, %gather3A_112 : vector<16xf32>
          %max3A_114 = arith.constant 0.000000e+00 : f32
          %max3A_115 = vector.broadcast %max3A_114 : f32 to vector<16xf32>
          %max3A_116 = arith.maximumf %add3A_113, %max3A_115 : vector<16xf32>
          %slice3A_117 = vector.extract_strided_slice %get3A_51 {offsets = [3], sizes = [1], strides = [1]} : vector<16xf32> to vector<1xf32>
          %squeeze3A_118 = vector.extract %slice3A_117[0] : f32 from vector<1xf32>
          %mul3A_119 = vector.broadcast %squeeze3A_118 : f32 to vector<16xf32>
          %mul3A_120 = arith.mulf %max3A_116, %mul3A_119 : vector<16xf32>
          %add3A_121 = arith.addf %add3A_103, %mul3A_120 : vector<16xf32>
          %mul3A_122 = arith.constant 8 : i32
          %mul3A_123 = arith.muli %scan3A_46, %mul3A_122 : i32
          %add3A_124 = arith.constant 4 : i32
          %add3A_125 = arith.addi %mul3A_123, %add3A_124 : i32
          %broadcast_in_dim3A_126 = vector.broadcast %add3A_125 : i32 to vector<16xi32>
          %gather3A_127 = tpu.vector_load_idx %arg11[%add3A_32, %broadcast_in_dim3A_126] : memref<80x128xf32, #tpu.memory_space<vmem>>[vector<16xi32>, vector<16xi32>], vector<16xf32>,
          %gather3A_128 = tpu.vector_load_idx %arg12[%add3A_32, %broadcast_in_dim3A_126] : memref<80x128xf32, #tpu.memory_space<vmem>>[vector<16xi32>, vector<16xi32>], vector<16xf32>,
          %add3A_129 = arith.addf %gather3A_127, %gather3A_128 : vector<16xf32>
          %gather3A_130 = tpu.vector_load_idx %arg13[%add3A_32, %broadcast_in_dim3A_126] : memref<80x128xf32, #tpu.memory_space<vmem>>[vector<16xi32>, vector<16xi32>], vector<16xf32>,
          %add3A_131 = arith.addf %add3A_129, %gather3A_130 : vector<16xf32>
          %max3A_132 = arith.constant 0.000000e+00 : f32
          %max3A_133 = vector.broadcast %max3A_132 : f32 to vector<16xf32>
          %max3A_134 = arith.maximumf %add3A_131, %max3A_133 : vector<16xf32>
          %slice3A_135 = vector.extract_strided_slice %get3A_51 {offsets = [4], sizes = [1], strides = [1]} : vector<16xf32> to vector<1xf32>
          %squeeze3A_136 = vector.extract %slice3A_135[0] : f32 from vector<1xf32>
          %mul3A_137 = vector.broadcast %squeeze3A_136 : f32 to vector<16xf32>
          %mul3A_138 = arith.mulf %max3A_134, %mul3A_137 : vector<16xf32>
          %add3A_139 = arith.addf %add3A_121, %mul3A_138 : vector<16xf32>
          %mul3A_140 = arith.constant 8 : i32
          %mul3A_141 = arith.muli %scan3A_46, %mul3A_140 : i32
          %add3A_142 = arith.constant 5 : i32
          %add3A_143 = arith.addi %mul3A_141, %add3A_142 : i32
          %broadcast_in_dim3A_144 = vector.broadcast %add3A_143 : i32 to vector<16xi32>
          %gather3A_145 = tpu.vector_load_idx %arg11[%add3A_32, %broadcast_in_dim3A_144] : memref<80x128xf32, #tpu.memory_space<vmem>>[vector<16xi32>, vector<16xi32>], vector<16xf32>,
          %gather3A_146 = tpu.vector_load_idx %arg12[%add3A_32, %broadcast_in_dim3A_144] : memref<80x128xf32, #tpu.memory_space<vmem>>[vector<16xi32>, vector<16xi32>], vector<16xf32>,
          %add3A_147 = arith.addf %gather3A_145, %gather3A_146 : vector<16xf32>
          %gather3A_148 = tpu.vector_load_idx %arg13[%add3A_32, %broadcast_in_dim3A_144] : memref<80x128xf32, #tpu.memory_space<vmem>>[vector<16xi32>, vector<16xi32>], vector<16xf32>,
          %add3A_149 = arith.addf %add3A_147, %gather3A_148 : vector<16xf32>
          %max3A_150 = arith.constant 0.000000e+00 : f32
          %max3A_151 = vector.broadcast %max3A_150 : f32 to vector<16xf32>
          %max3A_152 = arith.maximumf %add3A_149, %max3A_151 : vector<16xf32>
          %slice3A_153 = vector.extract_strided_slice %get3A_51 {offsets = [5], sizes = [1], strides = [1]} : vector<16xf32> to vector<1xf32>
          %squeeze3A_154 = vector.extract %slice3A_153[0] : f32 from vector<1xf32>
          %mul3A_155 = vector.broadcast %squeeze3A_154 : f32 to vector<16xf32>
          %mul3A_156 = arith.mulf %max3A_152, %mul3A_155 : vector<16xf32>
          %add3A_157 = arith.addf %add3A_139, %mul3A_156 : vector<16xf32>
          %mul3A_158 = arith.constant 8 : i32
          %mul3A_159 = arith.muli %scan3A_46, %mul3A_158 : i32
          %add3A_160 = arith.constant 6 : i32
          %add3A_161 = arith.addi %mul3A_159, %add3A_160 : i32
          %broadcast_in_dim3A_162 = vector.broadcast %add3A_161 : i32 to vector<16xi32>
          %gather3A_163 = tpu.vector_load_idx %arg11[%add3A_32, %broadcast_in_dim3A_162] : memref<80x128xf32, #tpu.memory_space<vmem>>[vector<16xi32>, vector<16xi32>], vector<16xf32>,
          %gather3A_164 = tpu.vector_load_idx %arg12[%add3A_32, %broadcast_in_dim3A_162] : memref<80x128xf32, #tpu.memory_space<vmem>>[vector<16xi32>, vector<16xi32>], vector<16xf32>,
          %add3A_165 = arith.addf %gather3A_163, %gather3A_164 : vector<16xf32>
          %gather3A_166 = tpu.vector_load_idx %arg13[%add3A_32, %broadcast_in_dim3A_162] : memref<80x128xf32, #tpu.memory_space<vmem>>[vector<16xi32>, vector<16xi32>], vector<16xf32>,
          %add3A_167 = arith.addf %add3A_165, %gather3A_166 : vector<16xf32>
          %max3A_168 = arith.constant 0.000000e+00 : f32
          %max3A_169 = vector.broadcast %max3A_168 : f32 to vector<16xf32>
          %max3A_170 = arith.maximumf %add3A_167, %max3A_169 : vector<16xf32>
          %slice3A_171 = vector.extract_strided_slice %get3A_51 {offsets = [6], sizes = [1], strides = [1]} : vector<16xf32> to vector<1xf32>
          %squeeze3A_172 = vector.extract %slice3A_171[0] : f32 from vector<1xf32>
          %mul3A_173 = vector.broadcast %squeeze3A_172 : f32 to vector<16xf32>
          %mul3A_174 = arith.mulf %max3A_170, %mul3A_173 : vector<16xf32>
          %add3A_175 = arith.addf %add3A_157, %mul3A_174 : vector<16xf32>
          %mul3A_176 = arith.constant 8 : i32
          %mul3A_177 = arith.muli %scan3A_46, %mul3A_176 : i32
          %add3A_178 = arith.constant 7 : i32
          %add3A_179 = arith.addi %mul3A_177, %add3A_178 : i32
          %broadcast_in_dim3A_180 = vector.broadcast %add3A_179 : i32 to vector<16xi32>
          %gather3A_181 = tpu.vector_load_idx %arg11[%add3A_32, %broadcast_in_dim3A_180] : memref<80x128xf32, #tpu.memory_space<vmem>>[vector<16xi32>, vector<16xi32>], vector<16xf32>,
          %gather3A_182 = tpu.vector_load_idx %arg12[%add3A_32, %broadcast_in_dim3A_180] : memref<80x128xf32, #tpu.memory_space<vmem>>[vector<16xi32>, vector<16xi32>], vector<16xf32>,
          %add3A_183 = arith.addf %gather3A_181, %gather3A_182 : vector<16xf32>
          %gather3A_184 = tpu.vector_load_idx %arg13[%add3A_32, %broadcast_in_dim3A_180] : memref<80x128xf32, #tpu.memory_space<vmem>>[vector<16xi32>, vector<16xi32>], vector<16xf32>,
          %add3A_185 = arith.addf %add3A_183, %gather3A_184 : vector<16xf32>
          %max3A_186 = arith.constant 0.000000e+00 : f32
          %max3A_187 = vector.broadcast %max3A_186 : f32 to vector<16xf32>
          %max3A_188 = arith.maximumf %add3A_185, %max3A_187 : vector<16xf32>
          %slice3A_189 = vector.extract_strided_slice %get3A_51 {offsets = [7], sizes = [1], strides = [1]} : vector<16xf32> to vector<1xf32>
          %squeeze3A_190 = vector.extract %slice3A_189[0] : f32 from vector<1xf32>
          %mul3A_191 = vector.broadcast %squeeze3A_190 : f32 to vector<16xf32>
          %mul3A_192 = arith.mulf %max3A_188, %mul3A_191 : vector<16xf32>
          %add3A_193 = arith.addf %add3A_175, %mul3A_192 : vector<16xf32>
          scf.yield %add3A_193 : vector<16xf32>
        }
        %scan3A_39 = arith.constant 16 : i32
        %get3A = arith.constant 128 : index
        %get3A_40 = tpu.vector_load %arg14[%get3A] {strides = array<i32>} : memref<144xf32, #tpu.memory_space<vmem>>, vector<16xf32>,
        %slice3A = vector.extract_strided_slice %get3A_40 {offsets = [0], sizes = [1], strides = [1]} : vector<16xf32> to vector<1xf32>
        %squeeze3A = vector.extract %slice3A[0] : f32 from vector<1xf32>
        %add3A_41 = vector.broadcast %squeeze3A : f32 to vector<16xf32>
        %add3A_42 = arith.addf %scan3A_38, %add3A_41 : vector<16xf32>
        %mul3A_43 = arith.constant 16 : i32
        %mul3A_44 = arith.muli %scan3A_28, %mul3A_43 : i32
        %swap3A = arith.index_cast %mul3A_44 : i32 to index
        %swap3A_45 = tpu.vector_load %arg15[%swap3A] {strides = array<i32>} : memref<80xf32, #tpu.memory_space<vmem>>, vector<16xf32>,
        tpu.vector_store %arg15[%swap3A], %add3A_42 {strides = array<i32>} : memref<80xf32, #tpu.memory_space<vmem>>, vector<16xf32>,
      }
      %scan3A_27 = arith.constant 5 : i32
      "tpu.region"() ({
        %run_scoped3A = tpu.sem_alloc : memref<!tpu.dma_semaphore, #tpu.memory_space<semaphore_mem>>
        %dma_start3A_28 = tpu.memref_slice %arg8[%add3A_11] : memref<320000xf32, #tpu.memory_space<hbm>> -> memref<80xf32, #tpu.memory_space<hbm>>
        %dma_start3A_29 = tpu.memref_slice %arg8[%add3A_11] : memref<320000xf32, #tpu.memory_space<hbm>> -> memref<80xf32, #tpu.memory_space<hbm>>
        tpu.enqueue_dma source(%arg15 : memref<80xf32, #tpu.memory_space<vmem>>) target(%dma_start3A_29 : memref<80xf32, #tpu.memory_space<hbm>>) target_semaphore(%run_scoped3A : memref<!tpu.dma_semaphore, #tpu.memory_space<semaphore_mem>>)
        %dma_wait3A_30 = tpu.memref_slice %arg8[%add3A_11] : memref<320000xf32, #tpu.memory_space<hbm>> -> memref<80xf32, #tpu.memory_space<hbm>>
        %dma_wait3A_31 = tpu.memref_slice %arg8[%add3A_11] : memref<320000xf32, #tpu.memory_space<hbm>> -> memref<80xf32, #tpu.memory_space<hbm>>
        tpu.wait_dma2 semaphore(%run_scoped3A : memref<!tpu.dma_semaphore, #tpu.memory_space<semaphore_mem>>) src(%arg15 : memref<80xf32, #tpu.memory_space<vmem>>) dst(%dma_wait3A_31 : memref<80xf32, #tpu.memory_space<hbm>>)
        tpu.yield
      }) : () -> ()
    }
    %scan3A_7 = arith.constant 125 : i32
    return
  }
}

module attributes {stable_mosaic.version = 14 : i64} {
  func.func @_enc_proj_body(%arg0: i32, %arg1: memref<2000x128xf32, #tpu.memory_space<vmem>>, %arg2: memref<128x128xf32, #tpu.memory_space<vmem>>, %arg3: memref<128xf32, #tpu.memory_space<vmem>>, %arg4: memref<128x128xf32, #tpu.memory_space<vmem>>, %arg5: memref<128xf32, #tpu.memory_space<vmem>>, %arg6: memref<128x128xf32, #tpu.memory_space<vmem>>, %arg7: memref<128xf32, #tpu.memory_space<vmem>>, %arg8: memref<128x128xf32, #tpu.memory_space<vmem>>, %arg9: memref<128xf32, #tpu.memory_space<vmem>>, %arg10: memref<16x128xf32, #tpu.memory_space<vmem>>, %arg11: memref<128x128xf32, #tpu.memory_space<vmem>>, %arg12: memref<128xf32, #tpu.memory_space<vmem>>, %arg13: memref<2000x128xf32, #tpu.memory_space<vmem>>, %arg14: memref<2000x128xf32, #tpu.memory_space<vmem>>, %arg15: memref<2000x128xf32, #tpu.memory_space<vmem>>, %arg16: memref<2000x16xf32, #tpu.memory_space<vmem>>, %arg17: memref<2000x128xf32, #tpu.memory_space<vmem>>) attributes {dimension_semantics = [#tpu.dimension_semantics<arbitrary>], iteration_bounds = array<i64: 5>, scalar_prefetch = 0 : i64, scratch_operands = 0 : i64, tpu.core_type = #tpu.core_type<tc>, window_params = [{transform_indices = @transform_0, window_bounds = array<i64: 2000, 128>}, {pipeline_mode = #tpu.pipeline_mode<synchronous>, transform_indices = @transform_1, window_bounds = array<i64: 128, 128>}, {pipeline_mode = #tpu.pipeline_mode<synchronous>, transform_indices = @transform_2, window_bounds = array<i64: 128>}, {pipeline_mode = #tpu.pipeline_mode<synchronous>, transform_indices = @transform_3, window_bounds = array<i64: 128, 128>}, {pipeline_mode = #tpu.pipeline_mode<synchronous>, transform_indices = @transform_4, window_bounds = array<i64: 128>}, {pipeline_mode = #tpu.pipeline_mode<synchronous>, transform_indices = @transform_5, window_bounds = array<i64: 128, 128>}, {pipeline_mode = #tpu.pipeline_mode<synchronous>, transform_indices = @transform_6, window_bounds = array<i64: 128>}, {pipeline_mode = #tpu.pipeline_mode<synchronous>, transform_indices = @transform_7, window_bounds = array<i64: 128, 128>}, {pipeline_mode = #tpu.pipeline_mode<synchronous>, transform_indices = @transform_8, window_bounds = array<i64: 128>}, {pipeline_mode = #tpu.pipeline_mode<synchronous>, transform_indices = @transform_9, window_bounds = array<i64: 16, 128>}, {pipeline_mode = #tpu.pipeline_mode<synchronous>, transform_indices = @transform_10, window_bounds = array<i64: 128, 128>}, {pipeline_mode = #tpu.pipeline_mode<synchronous>, transform_indices = @transform_11, window_bounds = array<i64: 128>}, {transform_indices = @transform_12, window_bounds = array<i64: 2000, 128>}, {transform_indices = @transform_13, window_bounds = array<i64: 2000, 128>}, {transform_indices = @transform_14, window_bounds = array<i64: 2000, 128>}, {transform_indices = @transform_15, window_bounds = array<i64: 2000, 16>}, {transform_indices = @transform_16, window_bounds = array<i64: 2000, 128>}]} {
    %get3A = arith.constant 0 : index
    %get3A_0 = arith.constant 0 : index
    %get3A_1 = vector.load %arg1[%get3A, %get3A_0] : memref<2000x128xf32, #tpu.memory_space<vmem>>, vector<2000x128xf32>
    %get3A_2 = arith.constant 0 : index
    %get3A_3 = arith.constant 0 : index
    %get3A_4 = vector.load %arg2[%get3A_2, %get3A_3] : memref<128x128xf32, #tpu.memory_space<vmem>>, vector<128x128xf32>
    %dot_general3A = arith.constant dense<0.000000e+00> : vector<2000x128xf32>
    %dot_general3A_5 = tpu.matmul %get3A_1, %get3A_4, %dot_general3A {dimension_numbers = #tpu.dot_dimension_numbers<[1], [0], [0], [1], [0, 0, 1, 1], [], []>, transpose_lhs_hint = false} : vector<2000x128xf32>, vector<128x128xf32>, vector<2000x128xf32> -> vector<2000x128xf32>
    %get3A_6 = arith.constant 0 : index
    %get3A_7 = vector.load %arg3[%get3A_6] : memref<128xf32, #tpu.memory_space<vmem>>, vector<128xf32>
    %broadcast_in_dim3A = vector.shape_cast %get3A_7 : vector<128xf32> to vector<1x128xf32>
    %add3A = vector.broadcast %broadcast_in_dim3A : vector<1x128xf32> to vector<2000x128xf32>
    %add3A_8 = arith.addf %dot_general3A_5, %add3A : vector<2000x128xf32>
    %max3A = arith.constant 0.000000e+00 : f32
    %max3A_9 = vector.broadcast %max3A : f32 to vector<2000x128xf32>
    %max3A_10 = arith.maximumf %add3A_8, %max3A_9 : vector<2000x128xf32>
    %get3A_11 = arith.constant 0 : index
    %get3A_12 = arith.constant 0 : index
    %get3A_13 = vector.load %arg4[%get3A_11, %get3A_12] : memref<128x128xf32, #tpu.memory_space<vmem>>, vector<128x128xf32>
    %dot_general3A_14 = arith.constant dense<0.000000e+00> : vector<2000x128xf32>
    %dot_general3A_15 = tpu.matmul %max3A_10, %get3A_13, %dot_general3A_14 {dimension_numbers = #tpu.dot_dimension_numbers<[1], [0], [0], [1], [0, 0, 1, 1], [], []>, transpose_lhs_hint = false} : vector<2000x128xf32>, vector<128x128xf32>, vector<2000x128xf32> -> vector<2000x128xf32>
    %get3A_16 = arith.constant 0 : index
    %get3A_17 = vector.load %arg5[%get3A_16] : memref<128xf32, #tpu.memory_space<vmem>>, vector<128xf32>
    %broadcast_in_dim3A_18 = vector.shape_cast %get3A_17 : vector<128xf32> to vector<1x128xf32>
    %add3A_19 = vector.broadcast %broadcast_in_dim3A_18 : vector<1x128xf32> to vector<2000x128xf32>
    %add3A_20 = arith.addf %dot_general3A_15, %add3A_19 : vector<2000x128xf32>
    %swap3A = arith.constant 0 : index
    %swap3A_21 = arith.constant 0 : index
    %swap3A_22 = vector.load %arg13[%swap3A, %swap3A_21] : memref<2000x128xf32, #tpu.memory_space<vmem>>, vector<2000x128xf32>
    tpu.vector_store %arg13[%swap3A, %swap3A_21], %add3A_20 {strides = array<i32>} : memref<2000x128xf32, #tpu.memory_space<vmem>>, vector<2000x128xf32>,
    %get3A_23 = arith.constant 0 : index
    %get3A_24 = arith.constant 0 : index
    %get3A_25 = vector.load %arg6[%get3A_23, %get3A_24] : memref<128x128xf32, #tpu.memory_space<vmem>>, vector<128x128xf32>
    %dot_general3A_26 = arith.constant dense<0.000000e+00> : vector<2000x128xf32>
    %dot_general3A_27 = tpu.matmul %max3A_10, %get3A_25, %dot_general3A_26 {dimension_numbers = #tpu.dot_dimension_numbers<[1], [0], [0], [1], [0, 0, 1, 1], [], []>, transpose_lhs_hint = false} : vector<2000x128xf32>, vector<128x128xf32>, vector<2000x128xf32> -> vector<2000x128xf32>
    %get3A_28 = arith.constant 0 : index
    %get3A_29 = vector.load %arg7[%get3A_28] : memref<128xf32, #tpu.memory_space<vmem>>, vector<128xf32>
    %broadcast_in_dim3A_30 = vector.shape_cast %get3A_29 : vector<128xf32> to vector<1x128xf32>
    %add3A_31 = vector.broadcast %broadcast_in_dim3A_30 : vector<1x128xf32> to vector<2000x128xf32>
    %add3A_32 = arith.addf %dot_general3A_27, %add3A_31 : vector<2000x128xf32>
    %swap3A_33 = arith.constant 0 : index
    %swap3A_34 = arith.constant 0 : index
    %swap3A_35 = vector.load %arg14[%swap3A_33, %swap3A_34] : memref<2000x128xf32, #tpu.memory_space<vmem>>, vector<2000x128xf32>
    tpu.vector_store %arg14[%swap3A_33, %swap3A_34], %add3A_32 {strides = array<i32>} : memref<2000x128xf32, #tpu.memory_space<vmem>>, vector<2000x128xf32>,
    %get3A_36 = arith.constant 0 : index
    %get3A_37 = arith.constant 0 : index
    %get3A_38 = vector.load %arg8[%get3A_36, %get3A_37] : memref<128x128xf32, #tpu.memory_space<vmem>>, vector<128x128xf32>
    %dot_general3A_39 = arith.constant dense<0.000000e+00> : vector<2000x128xf32>
    %dot_general3A_40 = tpu.matmul %max3A_10, %get3A_38, %dot_general3A_39 {dimension_numbers = #tpu.dot_dimension_numbers<[1], [0], [0], [1], [0, 0, 1, 1], [], []>, transpose_lhs_hint = false} : vector<2000x128xf32>, vector<128x128xf32>, vector<2000x128xf32> -> vector<2000x128xf32>
    %get3A_41 = arith.constant 0 : index
    %get3A_42 = vector.load %arg9[%get3A_41] : memref<128xf32, #tpu.memory_space<vmem>>, vector<128xf32>
    %broadcast_in_dim3A_43 = vector.shape_cast %get3A_42 : vector<128xf32> to vector<1x128xf32>
    %add3A_44 = vector.broadcast %broadcast_in_dim3A_43 : vector<1x128xf32> to vector<2000x128xf32>
    %add3A_45 = arith.addf %dot_general3A_40, %add3A_44 : vector<2000x128xf32>
    %swap3A_46 = arith.constant 0 : index
    %swap3A_47 = arith.constant 0 : index
    %swap3A_48 = vector.load %arg15[%swap3A_46, %swap3A_47] : memref<2000x128xf32, #tpu.memory_space<vmem>>, vector<2000x128xf32>
    tpu.vector_store %arg15[%swap3A_46, %swap3A_47], %add3A_45 {strides = array<i32>} : memref<2000x128xf32, #tpu.memory_space<vmem>>, vector<2000x128xf32>,
    %get3A_49 = arith.constant 0 : index
    %get3A_50 = arith.constant 0 : index
    %get3A_51 = vector.load %arg10[%get3A_49, %get3A_50] : memref<16x128xf32, #tpu.memory_space<vmem>>, vector<16x128xf32>
    %dot_general3A_52 = arith.constant dense<0.000000e+00> : vector<2000x16xf32>
    %dot_general3A_53 = tpu.matmul %add3A_20, %get3A_51, %dot_general3A_52 {dimension_numbers = #tpu.dot_dimension_numbers<[1], [1], [0], [0], [0, 0, 1, 0], [], []>, transpose_lhs_hint = false} : vector<2000x128xf32>, vector<16x128xf32>, vector<2000x16xf32> -> vector<2000x16xf32>
    %swap3A_54 = arith.constant 0 : index
    %swap3A_55 = arith.constant 0 : index
    %swap3A_56 = vector.load %arg16[%swap3A_54, %swap3A_55] : memref<2000x16xf32, #tpu.memory_space<vmem>>, vector<2000x16xf32>
    tpu.vector_store %arg16[%swap3A_54, %swap3A_55], %dot_general3A_53 {strides = array<i32>} : memref<2000x16xf32, #tpu.memory_space<vmem>>, vector<2000x16xf32>,
    %get3A_57 = arith.constant 0 : index
    %get3A_58 = arith.constant 0 : index
    %get3A_59 = vector.load %arg11[%get3A_57, %get3A_58] : memref<128x128xf32, #tpu.memory_space<vmem>>, vector<128x128xf32>
    %dot_general3A_60 = arith.constant dense<0.000000e+00> : vector<2000x128xf32>
    %dot_general3A_61 = tpu.matmul %max3A_10, %get3A_59, %dot_general3A_60 {dimension_numbers = #tpu.dot_dimension_numbers<[1], [0], [0], [1], [0, 0, 1, 1], [], []>, transpose_lhs_hint = false} : vector<2000x128xf32>, vector<128x128xf32>, vector<2000x128xf32> -> vector<2000x128xf32>
    %get3A_62 = arith.constant 0 : index
    %get3A_63 = vector.load %arg12[%get3A_62] : memref<128xf32, #tpu.memory_space<vmem>>, vector<128xf32>
    %broadcast_in_dim3A_64 = vector.shape_cast %get3A_63 : vector<128xf32> to vector<1x128xf32>
    %add3A_65 = vector.broadcast %broadcast_in_dim3A_64 : vector<1x128xf32> to vector<2000x128xf32>
    %add3A_66 = arith.addf %dot_general3A_61, %add3A_65 : vector<2000x128xf32>
    %swap3A_67 = arith.constant 0 : index
    %swap3A_68 = arith.constant 0 : index
    %swap3A_69 = vector.load %arg17[%swap3A_67, %swap3A_68] : memref<2000x128xf32, #tpu.memory_space<vmem>>, vector<2000x128xf32>
    tpu.vector_store %arg17[%swap3A_67, %swap3A_68], %add3A_66 {strides = array<i32>} : memref<2000x128xf32, #tpu.memory_space<vmem>>, vector<2000x128xf32>,
    return
  }
  func.func @transform_0(%arg0: i32) -> (i32, i32) {
    %c0_i32 = arith.constant 0 : i32
    %c0_i32_0 = arith.constant 0 : i32
    return %arg0, %c0_i32 : i32, i32
  }
  func.func @transform_1(%arg0: i32) -> (i32, i32) {
    %c0_i32 = arith.constant 0 : i32
    %c0_i32_0 = arith.constant 0 : i32
    %c0_i32_1 = arith.constant 0 : i32
    return %c0_i32, %c0_i32_0 : i32, i32
  }
  func.func @transform_2(%arg0: i32) -> i32 {
    %c0_i32 = arith.constant 0 : i32
    %c0_i32_0 = arith.constant 0 : i32
    return %c0_i32 : i32
  }
  func.func @transform_3(%arg0: i32) -> (i32, i32) {
    %c0_i32 = arith.constant 0 : i32
    %c0_i32_0 = arith.constant 0 : i32
    %c0_i32_1 = arith.constant 0 : i32
    return %c0_i32, %c0_i32_0 : i32, i32
  }
  func.func @transform_4(%arg0: i32) -> i32 {
    %c0_i32 = arith.constant 0 : i32
    %c0_i32_0 = arith.constant 0 : i32
    return %c0_i32 : i32
  }
  func.func @transform_5(%arg0: i32) -> (i32, i32) {
    %c0_i32 = arith.constant 0 : i32
    %c0_i32_0 = arith.constant 0 : i32
    %c0_i32_1 = arith.constant 0 : i32
    return %c0_i32, %c0_i32_0 : i32, i32
  }
  func.func @transform_6(%arg0: i32) -> i32 {
    %c0_i32 = arith.constant 0 : i32
    %c0_i32_0 = arith.constant 0 : i32
    return %c0_i32 : i32
  }
  func.func @transform_7(%arg0: i32) -> (i32, i32) {
    %c0_i32 = arith.constant 0 : i32
    %c0_i32_0 = arith.constant 0 : i32
    %c0_i32_1 = arith.constant 0 : i32
    return %c0_i32, %c0_i32_0 : i32, i32
  }
  func.func @transform_8(%arg0: i32) -> i32 {
    %c0_i32 = arith.constant 0 : i32
    %c0_i32_0 = arith.constant 0 : i32
    return %c0_i32 : i32
  }
  func.func @transform_9(%arg0: i32) -> (i32, i32) {
    %c0_i32 = arith.constant 0 : i32
    %c0_i32_0 = arith.constant 0 : i32
    %c0_i32_1 = arith.constant 0 : i32
    return %c0_i32, %c0_i32_0 : i32, i32
  }
  func.func @transform_10(%arg0: i32) -> (i32, i32) {
    %c0_i32 = arith.constant 0 : i32
    %c0_i32_0 = arith.constant 0 : i32
    %c0_i32_1 = arith.constant 0 : i32
    return %c0_i32, %c0_i32_0 : i32, i32
  }
  func.func @transform_11(%arg0: i32) -> i32 {
    %c0_i32 = arith.constant 0 : i32
    %c0_i32_0 = arith.constant 0 : i32
    return %c0_i32 : i32
  }
  func.func @transform_12(%arg0: i32) -> (i32, i32) {
    %c0_i32 = arith.constant 0 : i32
    %c0_i32_0 = arith.constant 0 : i32
    return %arg0, %c0_i32 : i32, i32
  }
  func.func @transform_13(%arg0: i32) -> (i32, i32) {
    %c0_i32 = arith.constant 0 : i32
    %c0_i32_0 = arith.constant 0 : i32
    return %arg0, %c0_i32 : i32, i32
  }
  func.func @transform_14(%arg0: i32) -> (i32, i32) {
    %c0_i32 = arith.constant 0 : i32
    %c0_i32_0 = arith.constant 0 : i32
    return %arg0, %c0_i32 : i32, i32
  }
  func.func @transform_15(%arg0: i32) -> (i32, i32) {
    %c0_i32 = arith.constant 0 : i32
    %c0_i32_0 = arith.constant 0 : i32
    return %arg0, %c0_i32 : i32, i32
  }
  func.func @transform_16(%arg0: i32) -> (i32, i32) {
    %c0_i32 = arith.constant 0 : i32
    %c0_i32_0 = arith.constant 0 : i32
    return %arg0, %c0_i32 : i32, i32
  }
}

module attributes {stable_mosaic.version = 14 : i64} {
  func.func @_mid_proj_body(%arg0: i32, %arg1: memref<2000x152xf32, #tpu.memory_space<vmem>>, %arg2: memref<2000x152xf32, #tpu.memory_space<vmem>>, %arg3: memref<16x128xf32, #tpu.memory_space<vmem>>, %arg4: memref<2000x128xf32, #tpu.memory_space<vmem>>, %arg5: memref<128x128xf32, #tpu.memory_space<vmem>>, %arg6: memref<128xf32, #tpu.memory_space<vmem>>, %arg7: memref<128x128xf32, #tpu.memory_space<vmem>>, %arg8: memref<128xf32, #tpu.memory_space<vmem>>, %arg9: memref<128x128xf32, #tpu.memory_space<vmem>>, %arg10: memref<128xf32, #tpu.memory_space<vmem>>, %arg11: memref<16x128xf32, #tpu.memory_space<vmem>>, %arg12: memref<128x128xf32, #tpu.memory_space<vmem>>, %arg13: memref<128xf32, #tpu.memory_space<vmem>>, %arg14: memref<2000x128xf32, #tpu.memory_space<vmem>>, %arg15: memref<2000x128xf32, #tpu.memory_space<vmem>>, %arg16: memref<2000x128xf32, #tpu.memory_space<vmem>>, %arg17: memref<2000x16xf32, #tpu.memory_space<vmem>>, %arg18: memref<2000x128xf32, #tpu.memory_space<vmem>>) attributes {dimension_semantics = [#tpu.dimension_semantics<arbitrary>], iteration_bounds = array<i64: 5>, scalar_prefetch = 0 : i64, scratch_operands = 0 : i64, tpu.core_type = #tpu.core_type<tc>, window_params = [{transform_indices = @transform_0, window_bounds = array<i64: 2000, 152>}, {transform_indices = @transform_1, window_bounds = array<i64: 2000, 152>}, {pipeline_mode = #tpu.pipeline_mode<synchronous>, transform_indices = @transform_2, window_bounds = array<i64: 16, 128>}, {transform_indices = @transform_3, window_bounds = array<i64: 2000, 128>}, {pipeline_mode = #tpu.pipeline_mode<synchronous>, transform_indices = @transform_4, window_bounds = array<i64: 128, 128>}, {pipeline_mode = #tpu.pipeline_mode<synchronous>, transform_indices = @transform_5, window_bounds = array<i64: 128>}, {pipeline_mode = #tpu.pipeline_mode<synchronous>, transform_indices = @transform_6, window_bounds = array<i64: 128, 128>}, {pipeline_mode = #tpu.pipeline_mode<synchronous>, transform_indices = @transform_7, window_bounds = array<i64: 128>}, {pipeline_mode = #tpu.pipeline_mode<synchronous>, transform_indices = @transform_8, window_bounds = array<i64: 128, 128>}, {pipeline_mode = #tpu.pipeline_mode<synchronous>, transform_indices = @transform_9, window_bounds = array<i64: 128>}, {pipeline_mode = #tpu.pipeline_mode<synchronous>, transform_indices = @transform_10, window_bounds = array<i64: 16, 128>}, {pipeline_mode = #tpu.pipeline_mode<synchronous>, transform_indices = @transform_11, window_bounds = array<i64: 128, 128>}, {pipeline_mode = #tpu.pipeline_mode<synchronous>, transform_indices = @transform_12, window_bounds = array<i64: 128>}, {transform_indices = @transform_13, window_bounds = array<i64: 2000, 128>}, {transform_indices = @transform_14, window_bounds = array<i64: 2000, 128>}, {transform_indices = @transform_15, window_bounds = array<i64: 2000, 128>}, {transform_indices = @transform_16, window_bounds = array<i64: 2000, 16>}, {transform_indices = @transform_17, window_bounds = array<i64: 2000, 128>}]} {
    %get3A = arith.constant 0 : index
    %get3A_0 = arith.constant 0 : index
    %get3A_1 = vector.load %arg1[%get3A, %get3A_0] : memref<2000x152xf32, #tpu.memory_space<vmem>>, vector<2000x152xf32>
    %get3A_2 = arith.constant 0 : index
    %get3A_3 = arith.constant 0 : index
    %get3A_4 = vector.load %arg2[%get3A_2, %get3A_3] : memref<2000x152xf32, #tpu.memory_space<vmem>>, vector<2000x152xf32>
    %slice3A = vector.extract_strided_slice %get3A_1 {offsets = [0, 0], sizes = [2000, 128], strides = [1, 1]} : vector<2000x152xf32> to vector<2000x128xf32>
    %slice3A_5 = vector.extract_strided_slice %get3A_4 {offsets = [0, 0], sizes = [2000, 128], strides = [1, 1]} : vector<2000x152xf32> to vector<2000x128xf32>
    %add3A = arith.addf %slice3A, %slice3A_5 : vector<2000x128xf32>
    %slice3A_6 = vector.extract_strided_slice %get3A_1 {offsets = [0, 128], sizes = [2000, 16], strides = [1, 1]} : vector<2000x152xf32> to vector<2000x16xf32>
    %slice3A_7 = vector.extract_strided_slice %get3A_4 {offsets = [0, 128], sizes = [2000, 16], strides = [1, 1]} : vector<2000x152xf32> to vector<2000x16xf32>
    %add3A_8 = arith.addf %slice3A_6, %slice3A_7 : vector<2000x16xf32>
    %slice3A_9 = vector.extract_strided_slice %get3A_1 {offsets = [0, 144], sizes = [2000, 1], strides = [1, 1]} : vector<2000x152xf32> to vector<2000x1xf32>
    %slice3A_10 = vector.extract_strided_slice %get3A_4 {offsets = [0, 144], sizes = [2000, 1], strides = [1, 1]} : vector<2000x152xf32> to vector<2000x1xf32>
    %add3A_11 = arith.addf %slice3A_9, %slice3A_10 : vector<2000x1xf32>
    %add3A_12 = arith.constant 1.000000e-16 : f32
    %add3A_13 = vector.broadcast %add3A_12 : f32 to vector<2000x1xf32>
    %add3A_14 = arith.addf %add3A_11, %add3A_13 : vector<2000x1xf32>
    %get3A_15 = arith.constant 0 : index
    %get3A_16 = arith.constant 0 : index
    %get3A_17 = vector.load %arg3[%get3A_15, %get3A_16] : memref<16x128xf32, #tpu.memory_space<vmem>>, vector<16x128xf32>
    %dot_general3A = arith.constant dense<0.000000e+00> : vector<2000x128xf32>
    %dot_general3A_18 = tpu.matmul %add3A_8, %get3A_17, %dot_general3A {dimension_numbers = #tpu.dot_dimension_numbers<[1], [0], [0], [1], [0, 0, 1, 1], [], []>, transpose_lhs_hint = false} : vector<2000x16xf32>, vector<16x128xf32>, vector<2000x128xf32> -> vector<2000x128xf32>
    %add3A_19 = arith.addf %add3A, %dot_general3A_18 : vector<2000x128xf32>
    %div3A = vector.broadcast %add3A_14 : vector<2000x1xf32> to vector<2000x128xf32>
    %div3A_20 = arith.divf %add3A_19, %div3A : vector<2000x128xf32>
    %get3A_21 = arith.constant 0 : index
    %get3A_22 = arith.constant 0 : index
    %get3A_23 = vector.load %arg4[%get3A_21, %get3A_22] : memref<2000x128xf32, #tpu.memory_space<vmem>>, vector<2000x128xf32>
    %add3A_24 = arith.addf %div3A_20, %get3A_23 : vector<2000x128xf32>
    %get3A_25 = arith.constant 0 : index
    %get3A_26 = arith.constant 0 : index
    %get3A_27 = vector.load %arg5[%get3A_25, %get3A_26] : memref<128x128xf32, #tpu.memory_space<vmem>>, vector<128x128xf32>
    %dot_general3A_28 = arith.constant dense<0.000000e+00> : vector<2000x128xf32>
    %dot_general3A_29 = tpu.matmul %add3A_24, %get3A_27, %dot_general3A_28 {dimension_numbers = #tpu.dot_dimension_numbers<[1], [0], [0], [1], [0, 0, 1, 1], [], []>, transpose_lhs_hint = false} : vector<2000x128xf32>, vector<128x128xf32>, vector<2000x128xf32> -> vector<2000x128xf32>
    %get3A_30 = arith.constant 0 : index
    %get3A_31 = vector.load %arg6[%get3A_30] : memref<128xf32, #tpu.memory_space<vmem>>, vector<128xf32>
    %broadcast_in_dim3A = vector.shape_cast %get3A_31 : vector<128xf32> to vector<1x128xf32>
    %add3A_32 = vector.broadcast %broadcast_in_dim3A : vector<1x128xf32> to vector<2000x128xf32>
    %add3A_33 = arith.addf %dot_general3A_29, %add3A_32 : vector<2000x128xf32>
    %swap3A = arith.constant 0 : index
    %swap3A_34 = arith.constant 0 : index
    %swap3A_35 = vector.load %arg14[%swap3A, %swap3A_34] : memref<2000x128xf32, #tpu.memory_space<vmem>>, vector<2000x128xf32>
    tpu.vector_store %arg14[%swap3A, %swap3A_34], %add3A_33 {strides = array<i32>} : memref<2000x128xf32, #tpu.memory_space<vmem>>, vector<2000x128xf32>,
    %get3A_36 = arith.constant 0 : index
    %get3A_37 = arith.constant 0 : index
    %get3A_38 = vector.load %arg7[%get3A_36, %get3A_37] : memref<128x128xf32, #tpu.memory_space<vmem>>, vector<128x128xf32>
    %dot_general3A_39 = arith.constant dense<0.000000e+00> : vector<2000x128xf32>
    %dot_general3A_40 = tpu.matmul %add3A_24, %get3A_38, %dot_general3A_39 {dimension_numbers = #tpu.dot_dimension_numbers<[1], [0], [0], [1], [0, 0, 1, 1], [], []>, transpose_lhs_hint = false} : vector<2000x128xf32>, vector<128x128xf32>, vector<2000x128xf32> -> vector<2000x128xf32>
    %get3A_41 = arith.constant 0 : index
    %get3A_42 = vector.load %arg8[%get3A_41] : memref<128xf32, #tpu.memory_space<vmem>>, vector<128xf32>
    %broadcast_in_dim3A_43 = vector.shape_cast %get3A_42 : vector<128xf32> to vector<1x128xf32>
    %add3A_44 = vector.broadcast %broadcast_in_dim3A_43 : vector<1x128xf32> to vector<2000x128xf32>
    %add3A_45 = arith.addf %dot_general3A_40, %add3A_44 : vector<2000x128xf32>
    %swap3A_46 = arith.constant 0 : index
    %swap3A_47 = arith.constant 0 : index
    %swap3A_48 = vector.load %arg15[%swap3A_46, %swap3A_47] : memref<2000x128xf32, #tpu.memory_space<vmem>>, vector<2000x128xf32>
    tpu.vector_store %arg15[%swap3A_46, %swap3A_47], %add3A_45 {strides = array<i32>} : memref<2000x128xf32, #tpu.memory_space<vmem>>, vector<2000x128xf32>,
    %get3A_49 = arith.constant 0 : index
    %get3A_50 = arith.constant 0 : index
    %get3A_51 = vector.load %arg9[%get3A_49, %get3A_50] : memref<128x128xf32, #tpu.memory_space<vmem>>, vector<128x128xf32>
    %dot_general3A_52 = arith.constant dense<0.000000e+00> : vector<2000x128xf32>
    %dot_general3A_53 = tpu.matmul %add3A_24, %get3A_51, %dot_general3A_52 {dimension_numbers = #tpu.dot_dimension_numbers<[1], [0], [0], [1], [0, 0, 1, 1], [], []>, transpose_lhs_hint = false} : vector<2000x128xf32>, vector<128x128xf32>, vector<2000x128xf32> -> vector<2000x128xf32>
    %get3A_54 = arith.constant 0 : index
    %get3A_55 = vector.load %arg10[%get3A_54] : memref<128xf32, #tpu.memory_space<vmem>>, vector<128xf32>
    %broadcast_in_dim3A_56 = vector.shape_cast %get3A_55 : vector<128xf32> to vector<1x128xf32>
    %add3A_57 = vector.broadcast %broadcast_in_dim3A_56 : vector<1x128xf32> to vector<2000x128xf32>
    %add3A_58 = arith.addf %dot_general3A_53, %add3A_57 : vector<2000x128xf32>
    %swap3A_59 = arith.constant 0 : index
    %swap3A_60 = arith.constant 0 : index
    %swap3A_61 = vector.load %arg16[%swap3A_59, %swap3A_60] : memref<2000x128xf32, #tpu.memory_space<vmem>>, vector<2000x128xf32>
    tpu.vector_store %arg16[%swap3A_59, %swap3A_60], %add3A_58 {strides = array<i32>} : memref<2000x128xf32, #tpu.memory_space<vmem>>, vector<2000x128xf32>,
    %get3A_62 = arith.constant 0 : index
    %get3A_63 = arith.constant 0 : index
    %get3A_64 = vector.load %arg11[%get3A_62, %get3A_63] : memref<16x128xf32, #tpu.memory_space<vmem>>, vector<16x128xf32>
    %dot_general3A_65 = arith.constant dense<0.000000e+00> : vector<2000x16xf32>
    %dot_general3A_66 = tpu.matmul %add3A_33, %get3A_64, %dot_general3A_65 {dimension_numbers = #tpu.dot_dimension_numbers<[1], [1], [0], [0], [0, 0, 1, 0], [], []>, transpose_lhs_hint = false} : vector<2000x128xf32>, vector<16x128xf32>, vector<2000x16xf32> -> vector<2000x16xf32>
    %swap3A_67 = arith.constant 0 : index
    %swap3A_68 = arith.constant 0 : index
    %swap3A_69 = vector.load %arg17[%swap3A_67, %swap3A_68] : memref<2000x16xf32, #tpu.memory_space<vmem>>, vector<2000x16xf32>
    tpu.vector_store %arg17[%swap3A_67, %swap3A_68], %dot_general3A_66 {strides = array<i32>} : memref<2000x16xf32, #tpu.memory_space<vmem>>, vector<2000x16xf32>,
    %get3A_70 = arith.constant 0 : index
    %get3A_71 = arith.constant 0 : index
    %get3A_72 = vector.load %arg12[%get3A_70, %get3A_71] : memref<128x128xf32, #tpu.memory_space<vmem>>, vector<128x128xf32>
    %dot_general3A_73 = arith.constant dense<0.000000e+00> : vector<2000x128xf32>
    %dot_general3A_74 = tpu.matmul %add3A_24, %get3A_72, %dot_general3A_73 {dimension_numbers = #tpu.dot_dimension_numbers<[1], [0], [0], [1], [0, 0, 1, 1], [], []>, transpose_lhs_hint = false} : vector<2000x128xf32>, vector<128x128xf32>, vector<2000x128xf32> -> vector<2000x128xf32>
    %get3A_75 = arith.constant 0 : index
    %get3A_76 = vector.load %arg13[%get3A_75] : memref<128xf32, #tpu.memory_space<vmem>>, vector<128xf32>
    %broadcast_in_dim3A_77 = vector.shape_cast %get3A_76 : vector<128xf32> to vector<1x128xf32>
    %add3A_78 = vector.broadcast %broadcast_in_dim3A_77 : vector<1x128xf32> to vector<2000x128xf32>
    %add3A_79 = arith.addf %dot_general3A_74, %add3A_78 : vector<2000x128xf32>
    %swap3A_80 = arith.constant 0 : index
    %swap3A_81 = arith.constant 0 : index
    %swap3A_82 = vector.load %arg18[%swap3A_80, %swap3A_81] : memref<2000x128xf32, #tpu.memory_space<vmem>>, vector<2000x128xf32>
    tpu.vector_store %arg18[%swap3A_80, %swap3A_81], %add3A_79 {strides = array<i32>} : memref<2000x128xf32, #tpu.memory_space<vmem>>, vector<2000x128xf32>,
    return
  }
  func.func @transform_0(%arg0: i32) -> (i32, i32) {
    %c0_i32 = arith.constant 0 : i32
    %c0_i32_0 = arith.constant 0 : i32
    return %arg0, %c0_i32 : i32, i32
  }
  func.func @transform_1(%arg0: i32) -> (i32, i32) {
    %c0_i32 = arith.constant 0 : i32
    %c0_i32_0 = arith.constant 0 : i32
    return %arg0, %c0_i32 : i32, i32
  }
  func.func @transform_2(%arg0: i32) -> (i32, i32) {
    %c0_i32 = arith.constant 0 : i32
    %c0_i32_0 = arith.constant 0 : i32
    %c0_i32_1 = arith.constant 0 : i32
    return %c0_i32, %c0_i32_0 : i32, i32
  }
  func.func @transform_3(%arg0: i32) -> (i32, i32) {
    %c0_i32 = arith.constant 0 : i32
    %c0_i32_0 = arith.constant 0 : i32
    return %arg0, %c0_i32 : i32, i32
  }
  func.func @transform_4(%arg0: i32) -> (i32, i32) {
    %c0_i32 = arith.constant 0 : i32
    %c0_i32_0 = arith.constant 0 : i32
    %c0_i32_1 = arith.constant 0 : i32
    return %c0_i32, %c0_i32_0 : i32, i32
  }
  func.func @transform_5(%arg0: i32) -> i32 {
    %c0_i32 = arith.constant 0 : i32
    %c0_i32_0 = arith.constant 0 : i32
    return %c0_i32 : i32
  }
  func.func @transform_6(%arg0: i32) -> (i32, i32) {
    %c0_i32 = arith.constant 0 : i32
    %c0_i32_0 = arith.constant 0 : i32
    %c0_i32_1 = arith.constant 0 : i32
    return %c0_i32, %c0_i32_0 : i32, i32
  }
  func.func @transform_7(%arg0: i32) -> i32 {
    %c0_i32 = arith.constant 0 : i32
    %c0_i32_0 = arith.constant 0 : i32
    return %c0_i32 : i32
  }
  func.func @transform_8(%arg0: i32) -> (i32, i32) {
    %c0_i32 = arith.constant 0 : i32
    %c0_i32_0 = arith.constant 0 : i32
    %c0_i32_1 = arith.constant 0 : i32
    return %c0_i32, %c0_i32_0 : i32, i32
  }
  func.func @transform_9(%arg0: i32) -> i32 {
    %c0_i32 = arith.constant 0 : i32
    %c0_i32_0 = arith.constant 0 : i32
    return %c0_i32 : i32
  }
  func.func @transform_10(%arg0: i32) -> (i32, i32) {
    %c0_i32 = arith.constant 0 : i32
    %c0_i32_0 = arith.constant 0 : i32
    %c0_i32_1 = arith.constant 0 : i32
    return %c0_i32, %c0_i32_0 : i32, i32
  }
  func.func @transform_11(%arg0: i32) -> (i32, i32) {
    %c0_i32 = arith.constant 0 : i32
    %c0_i32_0 = arith.constant 0 : i32
    %c0_i32_1 = arith.constant 0 : i32
    return %c0_i32, %c0_i32_0 : i32, i32
  }
  func.func @transform_12(%arg0: i32) -> i32 {
    %c0_i32 = arith.constant 0 : i32
    %c0_i32_0 = arith.constant 0 : i32
    return %c0_i32 : i32
  }
  func.func @transform_13(%arg0: i32) -> (i32, i32) {
    %c0_i32 = arith.constant 0 : i32
    %c0_i32_0 = arith.constant 0 : i32
    return %arg0, %c0_i32 : i32, i32
  }
  func.func @transform_14(%arg0: i32) -> (i32, i32) {
    %c0_i32 = arith.constant 0 : i32
    %c0_i32_0 = arith.constant 0 : i32
    return %arg0, %c0_i32 : i32, i32
  }
  func.func @transform_15(%arg0: i32) -> (i32, i32) {
    %c0_i32 = arith.constant 0 : i32
    %c0_i32_0 = arith.constant 0 : i32
    return %arg0, %c0_i32 : i32, i32
  }
  func.func @transform_16(%arg0: i32) -> (i32, i32) {
    %c0_i32 = arith.constant 0 : i32
    %c0_i32_0 = arith.constant 0 : i32
    return %arg0, %c0_i32 : i32, i32
  }
  func.func @transform_17(%arg0: i32) -> (i32, i32) {
    %c0_i32 = arith.constant 0 : i32
    %c0_i32_0 = arith.constant 0 : i32
    return %arg0, %c0_i32 : i32, i32
  }
}

module attributes {stable_mosaic.version = 14 : i64} {
  func.func @_cf_body(%arg0: i32, %arg1: memref<4000x16xf32, #tpu.memory_space<vmem>>, %arg2: memref<16x128xf32, #tpu.memory_space<vmem>>, %arg3: memref<4000x128xf32, #tpu.memory_space<vmem>>) attributes {dimension_semantics = [#tpu.dimension_semantics<arbitrary>], iteration_bounds = array<i64: 80>, scalar_prefetch = 0 : i64, scratch_operands = 0 : i64, tpu.core_type = #tpu.core_type<tc>, window_params = [{transform_indices = @transform_0, window_bounds = array<i64: 4000, 16>}, {pipeline_mode = #tpu.pipeline_mode<synchronous>, transform_indices = @transform_1, window_bounds = array<i64: 16, 128>}, {transform_indices = @transform_2, window_bounds = array<i64: 4000, 128>}]} {
    %get3A = arith.constant 0 : index
    %get3A_0 = arith.constant 0 : index
    %get3A_1 = vector.load %arg1[%get3A, %get3A_0] : memref<4000x16xf32, #tpu.memory_space<vmem>>, vector<4000x16xf32>
    %get3A_2 = arith.constant 0 : index
    %get3A_3 = arith.constant 0 : index
    %get3A_4 = vector.load %arg2[%get3A_2, %get3A_3] : memref<16x128xf32, #tpu.memory_space<vmem>>, vector<16x128xf32>
    %dot_general3A = arith.constant dense<0.000000e+00> : vector<4000x128xf32>
    %dot_general3A_5 = tpu.matmul %get3A_1, %get3A_4, %dot_general3A {dimension_numbers = #tpu.dot_dimension_numbers<[1], [0], [0], [1], [0, 0, 1, 1], [], []>, transpose_lhs_hint = false} : vector<4000x16xf32>, vector<16x128xf32>, vector<4000x128xf32> -> vector<4000x128xf32>
    %swap3A = arith.constant 0 : index
    %swap3A_6 = arith.constant 0 : index
    %swap3A_7 = vector.load %arg3[%swap3A, %swap3A_6] : memref<4000x128xf32, #tpu.memory_space<vmem>>, vector<4000x128xf32>
    tpu.vector_store %arg3[%swap3A, %swap3A_6], %dot_general3A_5 {strides = array<i32>} : memref<4000x128xf32, #tpu.memory_space<vmem>>, vector<4000x128xf32>,
    return
  }
  func.func @transform_0(%arg0: i32) -> (i32, i32) {
    %c0_i32 = arith.constant 0 : i32
    %c0_i32_0 = arith.constant 0 : i32
    return %arg0, %c0_i32 : i32, i32
  }
  func.func @transform_1(%arg0: i32) -> (i32, i32) {
    %c0_i32 = arith.constant 0 : i32
    %c0_i32_0 = arith.constant 0 : i32
    %c0_i32_1 = arith.constant 0 : i32
    return %c0_i32, %c0_i32_0 : i32, i32
  }
  func.func @transform_2(%arg0: i32) -> (i32, i32) {
    %c0_i32 = arith.constant 0 : i32
    %c0_i32_0 = arith.constant 0 : i32
    return %arg0, %c0_i32 : i32, i32
  }
}

module attributes {stable_mosaic.version = 14 : i64} {
  func.func @_fin_proj_body(%arg0: i32, %arg1: memref<2000x152xf32, #tpu.memory_space<vmem>>, %arg2: memref<2000x152xf32, #tpu.memory_space<vmem>>, %arg3: memref<16x128xf32, #tpu.memory_space<vmem>>, %arg4: memref<2000x128xf32, #tpu.memory_space<vmem>>, %arg5: memref<128x128xf32, #tpu.memory_space<vmem>>, %arg6: memref<128x128xf32, #tpu.memory_space<vmem>>, %arg7: memref<128xf32, #tpu.memory_space<vmem>>, %arg8: memref<2000x128xf32, #tpu.memory_space<vmem>>, %arg9: memref<2000x128xf32, #tpu.memory_space<vmem>>) attributes {dimension_semantics = [#tpu.dimension_semantics<arbitrary>], iteration_bounds = array<i64: 5>, scalar_prefetch = 0 : i64, scratch_operands = 0 : i64, tpu.core_type = #tpu.core_type<tc>, window_params = [{transform_indices = @transform_0, window_bounds = array<i64: 2000, 152>}, {transform_indices = @transform_1, window_bounds = array<i64: 2000, 152>}, {pipeline_mode = #tpu.pipeline_mode<synchronous>, transform_indices = @transform_2, window_bounds = array<i64: 16, 128>}, {transform_indices = @transform_3, window_bounds = array<i64: 2000, 128>}, {pipeline_mode = #tpu.pipeline_mode<synchronous>, transform_indices = @transform_4, window_bounds = array<i64: 128, 128>}, {pipeline_mode = #tpu.pipeline_mode<synchronous>, transform_indices = @transform_5, window_bounds = array<i64: 128, 128>}, {pipeline_mode = #tpu.pipeline_mode<synchronous>, transform_indices = @transform_6, window_bounds = array<i64: 128>}, {transform_indices = @transform_7, window_bounds = array<i64: 2000, 128>}, {transform_indices = @transform_8, window_bounds = array<i64: 2000, 128>}]} {
    %get3A = arith.constant 0 : index
    %get3A_0 = arith.constant 0 : index
    %get3A_1 = vector.load %arg1[%get3A, %get3A_0] : memref<2000x152xf32, #tpu.memory_space<vmem>>, vector<2000x152xf32>
    %get3A_2 = arith.constant 0 : index
    %get3A_3 = arith.constant 0 : index
    %get3A_4 = vector.load %arg2[%get3A_2, %get3A_3] : memref<2000x152xf32, #tpu.memory_space<vmem>>, vector<2000x152xf32>
    %slice3A = vector.extract_strided_slice %get3A_1 {offsets = [0, 0], sizes = [2000, 128], strides = [1, 1]} : vector<2000x152xf32> to vector<2000x128xf32>
    %slice3A_5 = vector.extract_strided_slice %get3A_4 {offsets = [0, 0], sizes = [2000, 128], strides = [1, 1]} : vector<2000x152xf32> to vector<2000x128xf32>
    %add3A = arith.addf %slice3A, %slice3A_5 : vector<2000x128xf32>
    %slice3A_6 = vector.extract_strided_slice %get3A_1 {offsets = [0, 128], sizes = [2000, 16], strides = [1, 1]} : vector<2000x152xf32> to vector<2000x16xf32>
    %slice3A_7 = vector.extract_strided_slice %get3A_4 {offsets = [0, 128], sizes = [2000, 16], strides = [1, 1]} : vector<2000x152xf32> to vector<2000x16xf32>
    %add3A_8 = arith.addf %slice3A_6, %slice3A_7 : vector<2000x16xf32>
    %slice3A_9 = vector.extract_strided_slice %get3A_1 {offsets = [0, 144], sizes = [2000, 1], strides = [1, 1]} : vector<2000x152xf32> to vector<2000x1xf32>
    %slice3A_10 = vector.extract_strided_slice %get3A_4 {offsets = [0, 144], sizes = [2000, 1], strides = [1, 1]} : vector<2000x152xf32> to vector<2000x1xf32>
    %add3A_11 = arith.addf %slice3A_9, %slice3A_10 : vector<2000x1xf32>
    %add3A_12 = arith.constant 1.000000e-16 : f32
    %add3A_13 = vector.broadcast %add3A_12 : f32 to vector<2000x1xf32>
    %add3A_14 = arith.addf %add3A_11, %add3A_13 : vector<2000x1xf32>
    %get3A_15 = arith.constant 0 : index
    %get3A_16 = arith.constant 0 : index
    %get3A_17 = vector.load %arg3[%get3A_15, %get3A_16] : memref<16x128xf32, #tpu.memory_space<vmem>>, vector<16x128xf32>
    %dot_general3A = arith.constant dense<0.000000e+00> : vector<2000x128xf32>
    %dot_general3A_18 = tpu.matmul %add3A_8, %get3A_17, %dot_general3A {dimension_numbers = #tpu.dot_dimension_numbers<[1], [0], [0], [1], [0, 0, 1, 1], [], []>, transpose_lhs_hint = false} : vector<2000x16xf32>, vector<16x128xf32>, vector<2000x128xf32> -> vector<2000x128xf32>
    %add3A_19 = arith.addf %add3A, %dot_general3A_18 : vector<2000x128xf32>
    %div3A = vector.broadcast %add3A_14 : vector<2000x1xf32> to vector<2000x128xf32>
    %div3A_20 = arith.divf %add3A_19, %div3A : vector<2000x128xf32>
    %get3A_21 = arith.constant 0 : index
    %get3A_22 = arith.constant 0 : index
    %get3A_23 = vector.load %arg4[%get3A_21, %get3A_22] : memref<2000x128xf32, #tpu.memory_space<vmem>>, vector<2000x128xf32>
    %add3A_24 = arith.addf %div3A_20, %get3A_23 : vector<2000x128xf32>
    %get3A_25 = arith.constant 0 : index
    %get3A_26 = arith.constant 0 : index
    %get3A_27 = vector.load %arg5[%get3A_25, %get3A_26] : memref<128x128xf32, #tpu.memory_space<vmem>>, vector<128x128xf32>
    %dot_general3A_28 = arith.constant dense<0.000000e+00> : vector<2000x128xf32>
    %dot_general3A_29 = tpu.matmul %add3A_24, %get3A_27, %dot_general3A_28 {dimension_numbers = #tpu.dot_dimension_numbers<[1], [0], [0], [1], [0, 0, 1, 1], [], []>, transpose_lhs_hint = false} : vector<2000x128xf32>, vector<128x128xf32>, vector<2000x128xf32> -> vector<2000x128xf32>
    %swap3A = arith.constant 0 : index
    %swap3A_30 = arith.constant 0 : index
    %swap3A_31 = vector.load %arg8[%swap3A, %swap3A_30] : memref<2000x128xf32, #tpu.memory_space<vmem>>, vector<2000x128xf32>
    tpu.vector_store %arg8[%swap3A, %swap3A_30], %dot_general3A_29 {strides = array<i32>} : memref<2000x128xf32, #tpu.memory_space<vmem>>, vector<2000x128xf32>,
    %get3A_32 = arith.constant 0 : index
    %get3A_33 = arith.constant 0 : index
    %get3A_34 = vector.load %arg6[%get3A_32, %get3A_33] : memref<128x128xf32, #tpu.memory_space<vmem>>, vector<128x128xf32>
    %dot_general3A_35 = arith.constant dense<0.000000e+00> : vector<2000x128xf32>
    %dot_general3A_36 = tpu.matmul %add3A_24, %get3A_34, %dot_general3A_35 {dimension_numbers = #tpu.dot_dimension_numbers<[1], [0], [0], [1], [0, 0, 1, 1], [], []>, transpose_lhs_hint = false} : vector<2000x128xf32>, vector<128x128xf32>, vector<2000x128xf32> -> vector<2000x128xf32>
    %get3A_37 = arith.constant 0 : index
    %get3A_38 = vector.load %arg7[%get3A_37] : memref<128xf32, #tpu.memory_space<vmem>>, vector<128xf32>
    %broadcast_in_dim3A = vector.shape_cast %get3A_38 : vector<128xf32> to vector<1x128xf32>
    %add3A_39 = vector.broadcast %broadcast_in_dim3A : vector<1x128xf32> to vector<2000x128xf32>
    %add3A_40 = arith.addf %dot_general3A_36, %add3A_39 : vector<2000x128xf32>
    %swap3A_41 = arith.constant 0 : index
    %swap3A_42 = arith.constant 0 : index
    %swap3A_43 = vector.load %arg9[%swap3A_41, %swap3A_42] : memref<2000x128xf32, #tpu.memory_space<vmem>>, vector<2000x128xf32>
    tpu.vector_store %arg9[%swap3A_41, %swap3A_42], %add3A_40 {strides = array<i32>} : memref<2000x128xf32, #tpu.memory_space<vmem>>, vector<2000x128xf32>,
    return
  }
  func.func @transform_0(%arg0: i32) -> (i32, i32) {
    %c0_i32 = arith.constant 0 : i32
    %c0_i32_0 = arith.constant 0 : i32
    return %arg0, %c0_i32 : i32, i32
  }
  func.func @transform_1(%arg0: i32) -> (i32, i32) {
    %c0_i32 = arith.constant 0 : i32
    %c0_i32_0 = arith.constant 0 : i32
    return %arg0, %c0_i32 : i32, i32
  }
  func.func @transform_2(%arg0: i32) -> (i32, i32) {
    %c0_i32 = arith.constant 0 : i32
    %c0_i32_0 = arith.constant 0 : i32
    %c0_i32_1 = arith.constant 0 : i32
    return %c0_i32, %c0_i32_0 : i32, i32
  }
  func.func @transform_3(%arg0: i32) -> (i32, i32) {
    %c0_i32 = arith.constant 0 : i32
    %c0_i32_0 = arith.constant 0 : i32
    return %arg0, %c0_i32 : i32, i32
  }
  func.func @transform_4(%arg0: i32) -> (i32, i32) {
    %c0_i32 = arith.constant 0 : i32
    %c0_i32_0 = arith.constant 0 : i32
    %c0_i32_1 = arith.constant 0 : i32
    return %c0_i32, %c0_i32_0 : i32, i32
  }
  func.func @transform_5(%arg0: i32) -> (i32, i32) {
    %c0_i32 = arith.constant 0 : i32
    %c0_i32_0 = arith.constant 0 : i32
    %c0_i32_1 = arith.constant 0 : i32
    return %c0_i32, %c0_i32_0 : i32, i32
  }
  func.func @transform_6(%arg0: i32) -> i32 {
    %c0_i32 = arith.constant 0 : i32
    %c0_i32_0 = arith.constant 0 : i32
    return %c0_i32 : i32
  }
  func.func @transform_7(%arg0: i32) -> (i32, i32) {
    %c0_i32 = arith.constant 0 : i32
    %c0_i32_0 = arith.constant 0 : i32
    return %arg0, %c0_i32 : i32, i32
  }
  func.func @transform_8(%arg0: i32) -> (i32, i32) {
    %c0_i32 = arith.constant 0 : i32
    %c0_i32_0 = arith.constant 0 : i32
    return %arg0, %c0_i32 : i32, i32
  }
}

</mosaic_0001>

<sc_bundles>
// kernel: kernel.11.cloned.1.call-start
scs
__scs_entry_jumppad:
0x0: {  	(pc) =	sbr.rel $0x88, $3  }
0x1: {  	(tag) =	ssettag $0x0;
	lr =	simm.s32 $0x1  }
0x2: {  	[smem:$0x3F86] =	sst lr;
	_ =	strace $0xD0000000  }
0x3: {  	_ = 	snop  }
0x4: {  	_ = 	snop  }
0x5: {  	_ = 	snop  }
0x6: {  	_ = 	snop  }
0x7: {  	_ = 	snop  }
__scs_overlays_trampoline_lowered:
0x8: {  	[smem:$0x3F95] =	sst s0  }
0x9: {  	[smem:$0x3F96] =	sst s1  }
0xa: {  	[smem:$0x3F97] =	sst s2  }
0xb: {  	[smem:$0x3F98] =	sst s3  }
0xc: {  	[smem:$0x3F99] =	sst s4  }
0xd: {  	[smem:$0x3F9A] =	sst s5  }
0xe: {  	[smem:$0x3F9B] =	sst s6  }
0xf: {  	[smem:$0x3F9C] =	sst s7  }
0x10: {  	[smem:$0x3F9D] =	sst s8  }
0x11: {  	[smem:$0x3F9E] =	sst s9;
	s0 =	simm.s32 @!p0 $0x0  }
0x12: {  	s1 =	sld [smem:$0x3F84];
	s0 =	simm.s32 @p0 $0x1  }
0x13: {  	[smem:$0x3F9F] =	sst s0;
	s0 =	simm.s32 @!p1 $0x0  }
0x14: {  	s2 =	sld [smem:$0x3F83];
	s0 =	simm.s32 @p1 $0x1  }
0x15: {  	[smem:$0x3FA0] =	sst s0;
	s0 =	simm.s32 @!p2 $0x0  }
0x16: {  	s3 =	sld [smem:$0x3FDB];
	s0 =	simm.s32 @p2 $0x1  }
0x17: {  	s4 =	simm.s32 $0x1BF5;
	[smem:$0x3FA2] =	sst s0  }
0x18: {  	s0 =	sld [smem:$0x3F85];
	_ =	swait.ge [sflag:s4], $0x0  }
0x19: {  	s7 =	sld [smem:$0x3F86]  }
0x1a: {  	s8 =	sadd.s32 $0xFFFFE003, lr  }
0x1b: {  	s9 =	sadd.s32 $0xFFFFFEF7, lr;
	s5 =	simm.s32 $0xFFFFFFFF;
	p2 =	slt.u32 s8, $0xFFFFF086  }
0x1c: {  	p1 =	slt.u32 s9, $0xF7A;
	s5 =	simm.s32 @!p2 $0x0  }
0x1d: {  	s5 =	simm.s32 @p1 $0x1;
	p0 =	seq.s32 s7, s2  }
0x1e: {  	s7 =	smul.u32 @!p0 $0xF7A, s2;
	p2 =	seq.s32 @!p0 s5, $0x0  }
0x1f: {  	s9 =	smul.u32 $0xF7A, s1;
	s8 =	simm.s32 @!p0 $0x1BF5;
	p2 =	por !p2, p0  }
0x20: {  	[sflag:s8] =	ssyncset.s32 @!p0 $0xFFFFF086;
	s6 =	sadd.s32 @!p0 s3, s7;
	s7 =	simm.s32 @!p0 $0x108  }
0x21: {  	s3 =	sadd.s32 s3, s9;
	s6 =	sadd.s32 @!p0 $0x88, s6;
	s7 =	simm.s32 @p2 $0x1082  }
0x22: {  	[simem:s7], [sflag:s8] =	dma.local @!p0 [hbm:s6], $0xF7A  }
0x23: {  	s9 =	sor.u32 $0xD0000000, s2;
	s6 =	simm.s32 $0x108;
	_ =	swait.ge @!p0 [sflag:s8], $0x0  }
0x24: {  	s3 =	sadd.s32 $0x88, s3;
	s6 =	simm.s32 @!p1 $0x1082;
	[sflag:s4] =	ssyncset.s32 $0xFFFFF086  }
0x25: {  	[simem:s6], [sflag:s4] =	dma.local [hbm:s3], $0xF7A  }
0x26: {  	[smem:$0x3F86] =	sst s1;
	(tag) =	ssettag s2;
	_ =	strace s9  }
0x27: {  	s1 =	sld [smem:$0x3F96]  }
0x28: {  	s2 =	sld [smem:$0x3F97]  }
0x29: {  	s4 =	sld [smem:$0x3F99]  }
0x2a: {  	p0 =	seq.s32 s5, $0x0;
	s5 =	sld [smem:$0x3F9A]  }
0x2b: {  	s6 =	sld [smem:$0x3F9B]  }
0x2c: {  	s7 =	sld [smem:$0x3F9C]  }
0x2d: {  	s3 =	simm.s32 $0x108;
	s8 =	sld [smem:$0x3F9D]  }
0x2e: {  	s3 =	simm.s32 @!p0 $0x1082;
	s9 =	sld [smem:$0x3F9E]  }
0x2f: {  	lr =	sadd.s32 s0, s3;
	s0 =	sld [smem:$0x3F95]  }
0x30: {  	s3 =	sld [smem:$0x3F98]  }
0x31: {  	[smem:$0x3FA1] =	sst s10  }
0x32: {  	s10 =	sld [smem:$0x3F9F];
	_ =	sdelay $0x3  }
0x33: {  	p0 =	seq.s32 s10, $0x1;
	s10 =	sld [smem:$0x3FA1];
	_ =	sdelay $0x3  }
0x34: {  	[smem:$0x3FA1] =	sst s10  }
0x35: {  	s10 =	sld [smem:$0x3FA0];
	_ =	sdelay $0x3  }
0x36: {  	p1 =	seq.s32 s10, $0x1;
	s10 =	sld [smem:$0x3FA1];
	_ =	sdelay $0x3  }
0x37: {  	[smem:$0x3FA1] =	sst s10  }
0x38: {  	s10 =	sld [smem:$0x3FA2]  }
0x39: {  	_ = 	snop;
	(pc) =	sbr.ind lr, $3  }
0x3a: {  	_ = 	snop  }
0x3b: {  	_ = 	snop  }
0x3c: {  	p2 =	seq.s32 s10, $0x1;
	s10 =	sld [smem:$0x3FA1]  }
0x3d: {  	_ =	shalt  }
0x3e: {  	_ =	shalt  }
0x3f: {  	_ =	shalt  }
0x40: {  	_ =	shalt  }
0x41: {  	_ =	shalt  }
0x42: {  	_ =	shalt  }
0x43: {  	_ =	shalt  }
0x44: {  	_ =	shalt  }
0x45: {  	_ =	shalt  }
0x46: {  	_ =	shalt  }
0x47: {  	_ =	shalt  }
0x48: {  	_ =	shalt  }
0x49: {  	_ =	shalt  }
0x4a: {  	_ =	shalt  }
0x4b: {  	_ =	shalt  }
0x4c: {  	_ =	shalt  }
0x4d: {  	_ =	shalt  }
0x4e: {  	_ =	shalt  }
0x4f: {  	_ =	shalt  }
0x50: {  	_ =	shalt  }
0x51: {  	_ =	shalt  }
0x52: {  	_ =	shalt  }
0x53: {  	_ =	shalt  }
0x54: {  	_ =	shalt  }
0x55: {  	_ =	shalt  }
0x56: {  	_ =	shalt  }
0x57: {  	_ =	shalt  }
0x58: {  	_ =	shalt  }
0x59: {  	_ =	shalt  }
0x5a: {  	_ =	shalt  }
0x5b: {  	_ =	shalt  }
0x5c: {  	_ =	shalt  }
0x5d: {  	_ =	shalt  }
0x5e: {  	_ =	shalt  }
0x5f: {  	_ =	shalt  }
0x60: {  	_ =	shalt  }
0x61: {  	_ =	shalt  }
0x62: {  	_ =	shalt  }
0x63: {  	_ =	shalt  }
0x64: {  	_ =	shalt  }
0x65: {  	_ =	shalt  }
0x66: {  	_ =	shalt  }
0x67: {  	_ =	shalt  }
0x68: {  	_ =	shalt  }
0x69: {  	_ =	shalt  }
0x6a: {  	_ =	shalt  }
0x6b: {  	_ =	shalt  }
0x6c: {  	_ =	shalt  }
0x6d: {  	_ =	shalt  }
0x6e: {  	_ =	shalt  }
0x6f: {  	_ =	shalt  }
0x70: {  	_ =	shalt  }
0x71: {  	_ =	shalt  }
0x72: {  	_ =	shalt  }
0x73: {  	_ =	shalt  }
0x74: {  	_ =	shalt  }
0x75: {  	_ =	shalt  }
0x76: {  	_ =	shalt  }
0x77: {  	_ =	shalt  }
0x78: {  	_ =	shalt  }
0x79: {  	_ =	shalt  }
0x7a: {  	_ =	shalt  }
0x7b: {  	_ =	shalt  }
0x7c: {  	_ =	shalt  }
0x7d: {  	_ =	shalt  }
0x7e: {  	_ =	shalt  }
0x7f: {  	_ =	shalt  }
0x80: {  	_ =	shalt  }
0x81: {  	_ =	shalt  }
0x82: {  	_ =	shalt  }
0x83: {  	_ =	shalt  }
0x84: {  	_ =	shalt  }
0x85: {  	_ =	shalt  }
0x86: {  	_ =	shalt  }
0x87: {  	_ =	shalt  }
.Lfunc_end0:
.L_simem_size_0:
called_computation_lowered:
.L_overlay_start_0:
0x88: {  	s2 =	sld [smem:$0x3FD9]  }
0x89: {  	s3 =	sld [smem:$0x3FFE];
	_ =	sdelay $0x1  }
0x8a: {  	s1 =	srdreg.scid  }
0x8b: {  	s0 =	sand.u32 $0x1, s1  }
0x8c: {  	s17 =	sshll.u32 s0, $0xA;
	s2 =	sadd.s32 s3, s2  }
0x8d: {  	s2 =	sadd.s32 s2, s17  }
0x8e: {  	[smem:$0x3FAD] =	sst s2  }
0x8f: {  	_ = 	snop  }
0x90: {  	s2 =	sld [smem:$0x3FD0];
	(tm) =	ssettm $0x1  }
0x91: {  	s18 =	sld [smem:$0x3FFB];
	_ =	sdelay $0x3  }
0x92: {  	_ =	strace s18  }
0x93: {  	s3 =	sld [smem:$0x3FFC];
	_ =	sdelay $0x3  }
0x94: {  	_ =	strace s3  }
0x95: {  	s3 =	sld [smem:$0x3FFD];
	_ =	sdelay $0x3  }
0x96: {  	_ =	strace s3  }
0x97: {  	_ =	strace $0x8FFFFFFF  }
0x98: {  	s19 =	sld [smem:$0x3FDB];
	_ =	sdelay $0x1  }
0x99: {  	s4 =	simm.s32 $_scs_section_size  }
0x9a: {  	s5 =	simm.s32 $_size__tile_overlayer_lowered;
	s6 =	simm.s32 $_tile_overlayer_lowered  }
0x9b: {  	s22 =	simm.s32 $0x1BFF;
	s21 =	sshll.u32 s6, $0x1;
	s3 =	sadd.s32 s4, s19  }
0x9c: {  	s7 =	simm.s32 $0x0;
	s20 =	sshll.u32 s5, $0x1;
	s5 =	sadd.s32 s21, s3  }
0x9d: {  	[timem:s7], [sflag:s22] =	dma.local [hbm:s5], s20  }
0x9e: {  	_ =	swait.ge [sflag:s22], s20  }
0x9f: {  	s4 =	ssub.s32 $0x0, s20;
	[sflag:s22] =	ssyncset.done $0x0  }
0xa0: {  	[sflag:s22] =	ssyncadd.s32 s4;
	_ =	sdelay $0x1  }
0xa1: {  	s23 =	simm.s32 $0x1B8B  }
0xa2: {  	_ =	swait.ge [sflag:s23], $0x1  }
0xa3: {  	[sflag:s23] =	ssyncset.done $0x0  }
0xa4: {  	s25 =	simm.s32 $0x1B8E;
	s24 =	sld [smem:$0x3FFE];
	[sflag:s23] =	ssyncadd.s32 $0xFFFFFFFF  }
0xa5: {  	s26 =	simm.s32 $execute0_lowered;
	[smem:$0x3FD2] =	sst s25  }
0xa6: {  	s5 =	sshll.u32 s26, $0x1;
	_ =	strace $0x80000046;
	[dreg:$0x1] =	wrdreg $0xFFFFFFFF  }
0xa7: {  	s28 =	simm.s32 $_size_execute0_lowered;
	s3 =	sadd.s32 s3, s5;
	[dreg:$0x0] =	wrdreg $0x0  }
0xa8: {  	s5 =	sshll.u32 s28, $0x1;
	[dreg:$0x2] =	wrdreg s3  }
0xa9: {  	[dreg:$0x3] =	wrdreg s5  }
0xaa: {  	[dreg:$0x4] =	wrdreg $0xC0  }
0xab: {  	_ =	task [dreg:s7], $0x5FFFF  }
0xac: {  	[dreg:$0x1] =	wrdreg $0xFFFFFFFF  }
0xad: {  	[dreg:$0x0] =	wrdreg $0x60  }
0xae: {  	[dreg:$0x2] =	wrdreg s24  }
0xaf: {  	[dreg:$0x3] =	wrdreg s2  }
0xb0: {  	[dreg:$0x4] =	wrdreg $0x9  }
0xb1: {  	_ =	task.clear_ibuf [dreg:s7], $0x5FFFF;
	_ =	strace $0x90000046  }
0xb2: {  	s29 =	simm.s32 $0x9;
	_ =	strace $0x80000048  }
0xb3: {  	_ =	swait.ge [sflag:s29], $0x1  }
0xb4: {  	[sflag:s29] =	ssyncadd.s32 $0xFFFFFFFF  }
0xb5: {  	_ =	strace $0x90000048  }
0xb6: {  	_ =	sfence  }
0xb7: {  	s30 =	sld [smem:$0x0];
	_ =	sdelay $0x2  }
0xb8: {  	s31 =	sshll.u32 s1, $0xD;
	s1 =	sshrl.u32 s1, $0x2  }
0xb9: {  	s3 =	sand.u32 $0x4000, s31;
	s1 =	sadd.s32 s1, s30  }
0xba: {  	s0 =	sor.u32 s3, s0;
	s1 =	sshll.u32 s1, $0x11  }
0xbb: {  	s0 =	sor.u32 s1, s0  }
0xbc: {  	s0 =	sadd.s32 $0x8F2B, s0  }
0xbd: {  	[sflag:s0] =	ssyncadd.remote.s32 $0x1  }
0xbe: {  	_ =	sfence.sel $0xFFFF  }
0xbf: {  	[dreg:$0x0] =	wrdreg $0xFFFFFFFF;
	(pc) =	sbr.abs _section_cstart, $3  }
0xc0: {  	[dreg:$0x1] =	wrdreg $0xFFFFFFFF  }
0xc1: {  	_ =	task.clear_ibuf [dreg:s7], $0x2FFFF;
	_ =	strace $0x9FFFFFFF  }
0xc2: {  	(tm) =	ssettm $0x7FFFFFFF  }
0xc3: {  	_ =	shalt  }
tec
execute0_lowered:
.L_overlay_start_1:
0x0: {  	(tag) =	ssettag $0x1  }
0x1: {  	s9 =	rddreg [dreg:$0x0]  }
0x2: {  	s1 =	rddreg [dreg:$0x1]  }
0x3: {  	s0 =	rddreg [dreg:$0x2];
	s2 =	simm.s32 $0x0  }
0x4: {  	s5 =	srdreg.scid;
	s13 =	simm.s32 $0x50;
	s14 =	simm.s32 $0xA0  }
0x5: {  	s15 =	simm.s32 $0x28A0;
	s16 =	simm.s32 $0x50A0;
	s17 =	simm.s32 $0x55A0  }
0x6: {  	s18 =	simm.s32 $0x1;
	s19 =	simm.s32 $0x2;
	s20 =	simm.s32 $0x3  }
0x7: {  	s21 =	simm.s32 $0x5AA0;
	s22 =	simm.s32 $0x0;
	[smem:$0x7FF] =	sst s2  }
0x8: {  	s25 =	simm.s32 $0x0;
	s3 =	sadd.s32 $0x5E6600, s9;
	s4 =	sadd.s32 $0x5BF400, s9  }
0x9: {  	s6 =	sadd.s32 $0x634A00, s9;
	s7 =	sadd.s32 $0x10000, s9;
	s8 =	sand.u32 $0x1, s5  }
0xa: {  	s5 =	stileid.u32;
	_ =	strace $0x80000047;
	s10 =	ssub.s32 $0x2, s8  }
0xb: {  	s11 =	sshll.u32 s8, $0x4;
	s8 =	sadd.s32 $0x6200, s9;
	s12 =	sshrl.u32 s10, $0x1  }
0xc: {  	s9 =	sadd.s32 $0x4FBE00, s9;
	s11 =	sor.u32 s5, s11;
	s12 =	ssub.s32 s10, s12  }
0xd: {  	v0 =	vlaneseq.u32;
	s10 =	smul.u32 $0x2710, s11;
	s11 =	smax.u32 s12, $0x1;
	s12 =	simm.s32 $0x4  }
.LBB2_1:
0xe: {  	s23 =	simm.s32 $0x0  }
.LBB2_2:
0xf: {  	s24 =	smul.u32 $0x50, s23;
	_ =	sdelay $0x1  }
0x10: {  	s26 =	sadd.s32 s10, s24  }
0x11: {  	s24 =	sshrl.u32 s26, $0x3  }
0x12: {  	s28 =	sadd.s32 s7, s24  }
0x13: {  	[tilespmem:s25], [sflag:$0x4] =	stream.linear.gather [hbm4b:s28+s25], $0x50, $0x38;
	[tilespmem:$0x5AF0] =	vst v63  }
0x14: {  	_ =	swait.ge [sflag:s12], $0x50  }
0x15: {  	[sflag:s12] =	ssyncset.done $0x0  }
0x16: {  	s31 =	sadd.s32 s8, s24;
	[sflag:s12] =	ssyncadd.s32 $0xFFFFFFB0  }
0x17: {  	[tilespmem:s13], [sflag:$0x4] =	stream.linear.gather [hbm4b:s31+s25], $0x50, $0x38;
	[tilespmem:$0x5AF0] =	vst v63  }
0x18: {  	_ =	swait.ge [sflag:s12], $0x50  }
0x19: {  	[sflag:s12] =	ssyncset.done $0x0  }
0x1a: {  	[sflag:s12] =	ssyncadd.s32 $0xFFFFFFB0  }
0x1b: {  	[tilespmem:s14], [sflag:$0x1] =	stream.indirect.gather [hbm4b:s3+s13], $0x80, s13, s13, $0xb8;
	[tilespmem:$0x5AF0] =	vst v63  }
0x1c: {  	_ = 	snop  }
0x1d: {  	[tilespmem:s15], [sflag:$0x2] =	stream.indirect.gather [hbm4b:s4+s13], $0x80, s25, s13, $0xb8;
	[tilespmem:$0x5AF0] =	vst v63  }
0x1e: {  	s26 =	sshll.u32 s26, $0x1  }
0x1f: {  	[tilespmem:s16], [sflag:$0x3] =	stream.indirect.gather [hbm4b:s6+s13], $0x10, s13, s13, $0xb8;
	[tilespmem:$0x5AF0] =	vst v63  }
0x20: {  	s26 =	sadd.s32 s9, s26  }
0x21: {  	[tilespmem:s17], [sflag:$0x4] =	stream.linear.gather [hbm4b:s26+s25], $0x500, $0x38;
	[tilespmem:$0x5AF0] =	vst v63  }
0x22: {  	_ =	swait.ge [sflag:s12], $0x500  }
0x23: {  	[sflag:s12] =	ssyncset.done $0x0  }
0x24: {  	[sflag:s12] =	ssyncadd.s32 $0xFFFFFB00  }
0x25: {  	_ =	swait.ge [sflag:s18], $0x2800  }
0x26: {  	[sflag:s18] =	ssyncset.done $0x0  }
0x27: {  	[sflag:s18] =	ssyncadd.s32 $0xFFFFD800  }
0x28: {  	_ =	swait.ge [sflag:s19], $0x2800  }
0x29: {  	[sflag:s19] =	ssyncset.done $0x0  }
0x2a: {  	[sflag:s19] =	ssyncadd.s32 $0xFFFFD800  }
0x2b: {  	_ =	swait.ge [sflag:s20], $0x500  }
0x2c: {  	[sflag:s20] =	ssyncset.done $0x0  }
0x2d: {  	s26 =	simm.s32 $0x0;
	[sflag:s20] =	ssyncadd.s32 $0xFFFFFB00  }
.LBB2_3:
0x2e: {  	v1 =	vmov s25  }
0x2f: {  	v1 =	vshrl.u32 v1, $0x3  }
0x30: {  	s28 =	sshll.u32 s26, $0x4;
	v2 =	vshll.u32 v1, $0x3  }
0x31: {  	v1 =	vor.u32 s28, v0;
	v10 =	vbroadcast v2, $0x0  }
0x32: {  	v9 =	vshll.u32 v1, $0x7  }
0x33: {  	v2 =	vor.u32 v9, v10  }
0x34: {  	v8 =	vor.u32 $0x1, v9  }
0x35: {  	v3 =	vadd.s32 v8, v10  }
0x36: {  	v7 =	vor.u32 $0x2, v9  }
0x37: {  	v14 =	vadd.s32 v7, v10  }
0x38: {  	v5 =	vor.u32 $0x3, v9;
	v17 =	vld.idx.msk [tilespmem:v2+s14+$0x0], $0xffff  }
0x39: {  	v23 =	vadd.s32 v5, v10;
	v19 =	vld.idx.msk [tilespmem:v2+s15+$0x0], $0xffff  }
0x3a: {  	v6 =	vor.u32 $0x4, v9;
	v12 =	vld.idx.msk [tilespmem:v3+s14+$0x0], $0xffff  }
0x3b: {  	s29 =	simm.s32 $0x8;
	v18 =	vadd.s32 v6, v10;
	v13 =	vld.idx.msk [tilespmem:v3+s15+$0x0], $0xffff  }
0x3c: {  	v16 =	vmov s29;
	v4 =	vor.u32 $0x5, v9;
	v11 =	vld.idx.msk [tilespmem:v14+s14+$0x0], $0xffff  }
0x3d: {  	v21 =	vshrl.u32 v16, $0x3;
	v16 =	vadd.s32 v4, v10;
	v15 =	vld.idx.msk [tilespmem:v14+s15+$0x0], $0xffff  }
0x3e: {  	v20 =	vimm.f32 $0.0e+00;
	v21 =	vshll.u32 v21, $0x3;
	v3 =	vor.u32 $0x6, v9;
	v14 =	vld.idx.msk [tilespmem:v23+s14+$0x0], $0xffff  }
0x3f: {  	s29 =	simm.s32 $0x10;
	v2 =	vor.u32 $0x7, v9;
	v22 =	vmul.f32 v19, v17;
	v19 =	vld.idx.msk [tilespmem:v23+s15+$0x0], $0xffff;
	v17 =	vadd.s32 v3, v10  }
.LBB2_4:
0x40: {  	p0 =	sne.s32 s29, $0x78;
	v21 =	vbroadcast v21, $0x0;
	v23 =	vld.idx.msk [tilespmem:v18+s14+$0x0], $0xffff  }
0x41: {  	v12 =	vmul.f32 v13, v12;
	v20 =	vadd.f32 v22, v20;
	v13 =	vld.idx.msk [tilespmem:v18+s15+$0x0], $0xffff;
	v18 =	vadd.s32 v2, v10  }
0x42: {  	v22 =	vld.idx.msk [tilespmem:v16+s14+$0x0], $0xffff;
	v10 =	vmov v21  }
0x43: {  	v11 =	vmul.f32 v15, v11;
	v21 =	vor.u32 v9, v10;
	v12 =	vadd.f32 v12, v20;
	v15 =	vld.idx.msk [tilespmem:v16+s15+$0x0], $0xffff  }
0x44: {  	v16 =	vld.idx.msk [tilespmem:v17+s14+$0x0], $0xffff  }
0x45: {  	v20 =	vadd.s32 v8, v10;
	v11 =	vadd.f32 v11, v12;
	v12 =	vmul.f32 v19, v14;
	v14 =	vld.idx.msk [tilespmem:v17+s15+$0x0], $0xffff  }
0x46: {  	v17 =	vld.idx.msk [tilespmem:v18+s14+$0x0], $0xffff  }
0x47: {  	v19 =	vadd.s32 v7, v10;
	v11 =	vadd.f32 v12, v11;
	v12 =	vmul.f32 v13, v23;
	v23 =	vld.idx.msk [tilespmem:v18+s15+$0x0], $0xffff  }
0x48: {  	v24 =	vld.idx.msk [tilespmem:v21+s14+$0x0], $0xffff  }
0x49: {  	v26 =	vadd.s32 v5, v10;
	v15 =	vmul.f32 v15, v22;
	v25 =	vld.idx.msk [tilespmem:v21+s15+$0x0], $0xffff;
	v11 =	vadd.f32 v12, v11  }
0x4a: {  	v21 =	vmov s29;
	v12 =	vld.idx.msk [tilespmem:v20+s14+$0x0], $0xffff  }
.Ltmp0:
0x4b: {  	v18 =	vadd.s32 v6, v10;
	v14 =	vmul.f32 v14, v16;
	v13 =	vld.idx.msk [tilespmem:v20+s15+$0x0], $0xffff;
	v20 =	vadd.f32 v15, v11;
	(pc) =	sbr.rel @p0 .LBB2_4-.Ltmp0, $4  }
0x4c: {  	v21 =	vshrl.u32 v21, $0x3;
	v11 =	vld.idx.msk [tilespmem:v19+s14+$0x0], $0xffff  }
0x4d: {  	v16 =	vadd.s32 v4, v10;
	v23 =	vmul.f32 v23, v17;
	v15 =	vld.idx.msk [tilespmem:v19+s15+$0x0], $0xffff;
	v20 =	vadd.f32 v14, v20  }
0x4e: {  	v21 =	vshll.u32 v21, $0x3;
	v14 =	vld.idx.msk [tilespmem:v26+s14+$0x0], $0xffff  }
0x4f: {  	s29 =	sadd.s32 $0x8, s29;
	v17 =	vadd.s32 v3, v10;
	v22 =	vmul.f32 v25, v24;
	v19 =	vld.idx.msk [tilespmem:v26+s15+$0x0], $0xffff;
	v20 =	vadd.f32 v23, v20  }
0x50: {  	_ =	sdelay $0x3  }
0x51: {  	v23 =	vld.idx.msk [tilespmem:v18+s14+$0x0], $0xffff;
	v12 =	vmul.f32 v13, v12;
	v20 =	vadd.f32 v22, v20  }
0x52: {  	v50 =	vbroadcast v21, $0x0;
	v51 =	vld.idx.msk [tilespmem:v18+s15+$0x0], $0xffff;
	v10 =	vadd.s32 v2, v10  }
0x53: {  	v52 =	vld.idx.msk [tilespmem:v16+s14+$0x0], $0xffff;
	v11 =	vmul.f32 v15, v11;
	v12 =	vadd.f32 v12, v20  }
0x54: {  	v53 =	vld.idx.msk [tilespmem:v16+s15+$0x0], $0xffff;
	v9 =	vor.u32 v9, v50  }
0x55: {  	v54 =	vld.idx.msk [tilespmem:v17+s14+$0x0], $0xffff;
	v55 =	vmul.f32 v19, v14;
	v11 =	vadd.f32 v11, v12  }
0x56: {  	v56 =	vld.idx.msk [tilespmem:v17+s15+$0x0], $0xffff;
	v8 =	vadd.s32 v8, v50  }
0x57: {  	v57 =	vld.idx.msk [tilespmem:v10+s14+$0x0], $0xffff;
	v58 =	vmul.f32 v51, v23;
	v11 =	vadd.f32 v55, v11  }
0x58: {  	v7 =	vadd.s32 v7, v50;
	v10 =	vld.idx.msk [tilespmem:v10+s15+$0x0], $0xffff  }
0x59: {  	v60 =	vmul.f32 v53, v52;
	v59 =	vld.idx.msk [tilespmem:v9+s14+$0x0], $0xffff;
	v11 =	vadd.f32 v58, v11  }
0x5a: {  	v5 =	vadd.s32 v5, v50;
	v9 =	vld.idx.msk [tilespmem:v9+s15+$0x0], $0xffff  }
0x5b: {  	v62 =	vmul.f32 v56, v54;
	v61 =	vld.idx.msk [tilespmem:v8+s14+$0x0], $0xffff;
	v11 =	vadd.f32 v60, v11  }
0x5c: {  	v6 =	vadd.s32 v6, v50;
	v8 =	vld.idx.msk [tilespmem:v8+s15+$0x0], $0xffff  }
0x5d: {  	v63 =	vld.idx.msk [tilespmem:v7+s14+$0x0], $0xffff;
	v10 =	vmul.f32 v10, v57;
	v11 =	vadd.f32 v62, v11  }
0x5e: {  	v4 =	vadd.s32 v4, v50;
	v7 =	vld.idx.msk [tilespmem:v7+s15+$0x0], $0xffff  }
0x5f: {  	v16 =	vld.idx.msk [tilespmem:v5+s14+$0x0], $0xffff;
	v9 =	vmul.f32 v9, v59;
	v10 =	vadd.f32 v10, v11  }
0x60: {  	v3 =	vadd.s32 v3, v50;
	v5 =	vld.idx.msk [tilespmem:v5+s15+$0x0], $0xffff  }
0x61: {  	v17 =	vld.idx.msk [tilespmem:v6+s14+$0x0], $0xffff;
	v8 =	vmul.f32 v8, v61;
	v9 =	vadd.f32 v9, v10  }
0x62: {  	v2 =	vadd.s32 v2, v50;
	v6 =	vld.idx.msk [tilespmem:v6+s15+$0x0], $0xffff  }
0x63: {  	v18 =	vld.idx.msk [tilespmem:v4+s14+$0x0], $0xffff;
	v7 =	vmul.f32 v7, v63;
	v8 =	vadd.f32 v8, v9  }
0x64: {  	v1 =	vshll.u32 v1, $0x4;
	v4 =	vld.idx.msk [tilespmem:v4+s15+$0x0], $0xffff  }
0x65: {  	v19 =	vld.idx.msk [tilespmem:v3+s14+$0x0], $0xffff;
	v5 =	vmul.f32 v5, v16;
	v7 =	vadd.f32 v7, v8  }
0x66: {  	v20 =	vor.u32 $0x1, v1;
	v3 =	vld.idx.msk [tilespmem:v3+s15+$0x0], $0xffff  }
0x67: {  	v21 =	vld.idx.msk [tilespmem:v2+s14+$0x0], $0xffff;
	v6 =	vmul.f32 v6, v17;
	v5 =	vadd.f32 v5, v7  }
0x68: {  	v22 =	vor.u32 $0x2, v1;
	v2 =	vld.idx.msk [tilespmem:v2+s15+$0x0], $0xffff  }
0x69: {  	v23 =	vld.idx.msk [tilespmem:v1+s16+$0x0], $0xffff;
	v4 =	vmul.f32 v4, v18;
	v5 =	vadd.f32 v6, v5  }
0x6a: {  	v25 =	vor.u32 $0x3, v1;
	v24 =	vld.idx.msk [tilespmem:v1+s17+$0x0], $0xffff  }
0x6b: {  	v26 =	vld.idx.msk [tilespmem:v20+s16+$0x0], $0xffff;
	v3 =	vmul.f32 v3, v19;
	v4 =	vadd.f32 v4, v5  }
0x6c: {  	v27 =	vor.u32 $0x4, v1;
	v8 =	vld.idx.msk [tilespmem:v20+s17+$0x0], $0xffff  }
0x6d: {  	v28 =	vld.idx.msk [tilespmem:v22+s16+$0x0], $0xffff;
	v2 =	vmul.f32 v2, v21;
	v3 =	vadd.f32 v3, v4  }
0x6e: {  	v29 =	vor.u32 $0x5, v1;
	v7 =	vld.idx.msk [tilespmem:v22+s17+$0x0], $0xffff  }
0x6f: {  	v30 =	vld.idx.msk [tilespmem:v25+s16+$0x0], $0xffff;
	v2 =	vadd.f32 v2, v3;
	v3 =	vmul.f32 v24, v23  }
0x70: {  	v32 =	vor.u32 $0x6, v1;
	v31 =	vld.idx.msk [tilespmem:v25+s17+$0x0], $0xffff  }
0x71: {  	v33 =	vld.idx.msk [tilespmem:v27+s16+$0x0], $0xffff;
	v2 =	vadd.f32 v3, v2;
	v3 =	vmul.f32 v8, v26  }
0x72: {  	v35 =	vor.u32 $0x7, v1;
	v34 =	vld.idx.msk [tilespmem:v27+s17+$0x0], $0xffff  }
0x73: {  	v36 =	vld.idx.msk [tilespmem:v29+s16+$0x0], $0xffff;
	v2 =	vadd.f32 v3, v2;
	v3 =	vmul.f32 v7, v28  }
0x74: {  	v38 =	vor.u32 $0x8, v1;
	v37 =	vld.idx.msk [tilespmem:v29+s17+$0x0], $0xffff  }
0x75: {  	v39 =	vld.idx.msk [tilespmem:v32+s16+$0x0], $0xffff;
	v2 =	vadd.f32 v3, v2;
	v3 =	vmul.f32 v31, v30  }
0x76: {  	v41 =	vor.u32 $0x9, v1;
	v40 =	vld.idx.msk [tilespmem:v32+s17+$0x0], $0xffff  }
0x77: {  	v42 =	vld.idx.msk [tilespmem:v35+s16+$0x0], $0xffff;
	v2 =	vadd.f32 v3, v2;
	v3 =	vmul.f32 v34, v33  }
0x78: {  	v44 =	vor.u32 $0xA, v1;
	v43 =	vld.idx.msk [tilespmem:v35+s17+$0x0], $0xffff  }
0x79: {  	v45 =	vld.idx.msk [tilespmem:v38+s16+$0x0], $0xffff;
	v2 =	vadd.f32 v3, v2;
	v3 =	vmul.f32 v37, v36  }
0x7a: {  	v47 =	vor.u32 $0xB, v1;
	v46 =	vld.idx.msk [tilespmem:v38+s17+$0x0], $0xffff  }
0x7b: {  	v48 =	vld.idx.msk [tilespmem:v41+s16+$0x0], $0xffff;
	v2 =	vadd.f32 v3, v2;
	v3 =	vmul.f32 v40, v39  }
0x7c: {  	v50 =	vor.u32 $0xC, v1;
	v49 =	vld.idx.msk [tilespmem:v41+s17+$0x0], $0xffff  }
0x7d: {  	v51 =	vld.idx.msk [tilespmem:v44+s16+$0x0], $0xffff;
	v2 =	vadd.f32 v3, v2;
	v3 =	vmul.f32 v43, v42  }
0x7e: {  	v53 =	vor.u32 $0xD, v1;
	v52 =	vld.idx.msk [tilespmem:v44+s17+$0x0], $0xffff  }
0x7f: {  	v54 =	vld.idx.msk [tilespmem:v47+s16+$0x0], $0xffff;
	v2 =	vadd.f32 v3, v2;
	v3 =	vmul.f32 v46, v45  }
0x80: {  	v56 =	vor.u32 $0xE, v1;
	v55 =	vld.idx.msk [tilespmem:v47+s17+$0x0], $0xffff  }
0x81: {  	v58 =	vld.idx.msk [tilespmem:v50+s17+$0x0], $0xffff;
	v2 =	vadd.f32 v3, v2;
	v3 =	vmul.f32 v49, v48  }
0x82: {  	v1 =	vor.u32 $0xF, v1;
	v57 =	vld.idx.msk [tilespmem:v50+s16+$0x0], $0xffff  }
0x83: {  	v60 =	vld.idx.msk [tilespmem:v53+s17+$0x0], $0xffff;
	v2 =	vadd.f32 v3, v2;
	v3 =	vmul.f32 v52, v51  }
0x84: {  	v59 =	vld.idx.msk [tilespmem:v53+s16+$0x0], $0xffff  }
0x85: {  	v61 =	vld.idx.msk [tilespmem:v56+s16+$0x0], $0xffff;
	v2 =	vadd.f32 v3, v2;
	v3 =	vmul.f32 v55, v54  }
0x86: {  	v62 =	vld.idx.msk [tilespmem:v56+s17+$0x0], $0xffff  }
0x87: {  	v63 =	vld.idx.msk [tilespmem:v1+s16+$0x0], $0xffff;
	v2 =	vadd.f32 v3, v2;
	v3 =	vmul.f32 v58, v57  }
0x88: {  	v1 =	vld.idx.msk [tilespmem:v1+s17+$0x0], $0xffff  }
0x89: {  	v2 =	vadd.f32 v3, v2;
	v3 =	vmul.f32 v60, v59;
	_ =	sdelay $0x1  }
0x8a: {  	v2 =	vadd.f32 v3, v2;
	v3 =	vmul.f32 v62, v61;
	_ =	sdelay $0x1  }
0x8b: {  	v1 =	vmul.f32 v1, v63;
	v2 =	vadd.f32 v3, v2;
	_ =	sdelay $0x1  }
0x8c: {  	v1 =	vadd.f32 v1, v2;
	_ =	sdelay $0x1  }
0x8d: {  	v1 =	vmul.f32 $8.838834610e-02, v1;
	_ =	sdelay $0x1  }
0x8e: {  	v1 =	vmul.f32 $1.442695020e+00, v1;
	_ =	sdelay $0x1  }
0x8f: {  	(erf) = vpow2.f32 v1;
	_ =	sdelay $0x3  }
0x90: {  	s26 =	sadd.s32 $0x1, s26  }
0x91: {  	p0 =	sne.s32 s26, $0x5  }
.Ltmp1:
0x92: {  	_ = 	snop;
	(pc) =	sbr.rel @p0 .LBB2_3-.Ltmp1, $3  }
0x93: {  	_ =	sdelay $0x1  }
0x94: {  	v1 =	vpop (erf)  }
0x95: {  	[tilespmem:s28+$0x5AA0] =	vst v1  }
0x96: {  	s23 =	sadd.s32 $0x1, s23  }
0x97: {  	p0 =	sne.s32 s23, $0x7D  }
.Ltmp2:
0x98: {  	s24 =	sadd.s32 s1, s24;
	(pc) =	sbr.rel @p0 .LBB2_2-.Ltmp2, $4  }
0x99: {  	[hbm4b:s24+s2] =	stream.linear.scatter [tilespmem:s21], [sflag:$0x4], $0x50, $0x38;
	[tilespmem:$0x5AF0] =	vst v63  }
0x9a: {  	_ =	swait.ge [sflag:s12], $0x50  }
0x9b: {  	[sflag:s12] =	ssyncset.done $0x0  }
0x9c: {  	[sflag:s12] =	ssyncadd.s32 $0xFFFFFFB0  }
0x9d: {  	s22 =	sadd.s32 $0x1, s22  }
0x9e: {  	p0 =	sne.s32 s22, s11  }
.Ltmp3:
0x9f: {  	_ = 	snop;
	(pc) =	sbr.rel @p0 .LBB2_1-.Ltmp3, $1  }
0xa0: {  	_ =	sdelay $0x3  }
0xa1: {  	_ =	sfence.sel $0x180000  }
0xa2: {  	[bflag:$0x0] =	sbarrier.arrive $0xFFFF  }
0xa3: {  	p0 =	sne.s32 s5, $0x0;
	_ =	strace $0x90000047  }
0xa4: {  	s0 =	sadd.s32 @!p0 $0x100000, s0;
	[bflag:$0x2] =	sbarrier.arrive $0xFFFF  }
0xa5: {  	[sflag:s0] =	ssyncadd.tile.s32 @!p0 $0x1;
	_ =	shalt  }
.Lfunc_end2:
_tile_overlayer_lowered:
.L_overlay_start_2:
0xa6: {  	(tag) =	ssettag $0x2  }
0xa7: {  	s0 =	rddreg [dreg:$0x0];
	s2 =	stileid.u32  }
0xa8: {  	s1 =	rddreg [dreg:$0x1];
	p0 =	sne.s32 s2, $0x0  }
0xa9: {  	s3 =	rddreg [dreg:$0x2];
	[bflag:$0x3] =	sbarrier.arrive $0xFFFF;
	s2 =	simm.s32 @!p0 $0x1C04  }
0xaa: {  	[timem:s3], [sflag:s2] =	dma.local @!p0 [hbm:s0], s1  }
0xab: {  	s0 =	simm.s32 @!p0 $0x4  }
0xac: {  	_ =	swait.ge @!p0 [sflag:s0], s1  }
0xad: {  	s1 =	ssub.s32 @!p0 $0x0, s1;
	[sflag:s0] =	ssyncset.done @!p0 $0x0  }
0xae: {  	[sflag:s0] =	ssyncadd.s32 @!p0 s1  }
0xaf: {  	[bflag:$0x3] =	sbarrier.arrive $0xFFFF  }
0xb0: {  	_ =	shalt  }

// kernel: kernel.14.cloned.1.call-start
scs
__scs_entry_jumppad:
0x0: {  	(pc) =	sbr.rel $0x88, $3  }
0x1: {  	(tag) =	ssettag $0x0;
	lr =	simm.s32 $0x1  }
0x2: {  	[smem:$0x3F86] =	sst lr;
	_ =	strace $0xD0000000  }
0x3: {  	_ = 	snop  }
0x4: {  	_ = 	snop  }
0x5: {  	_ = 	snop  }
0x6: {  	_ = 	snop  }
0x7: {  	_ = 	snop  }
__scs_overlays_trampoline_lowered:
0x8: {  	[smem:$0x3F95] =	sst s0  }
0x9: {  	[smem:$0x3F96] =	sst s1  }
0xa: {  	[smem:$0x3F97] =	sst s2  }
0xb: {  	[smem:$0x3F98] =	sst s3  }
0xc: {  	[smem:$0x3F99] =	sst s4  }
0xd: {  	[smem:$0x3F9A] =	sst s5  }
0xe: {  	[smem:$0x3F9B] =	sst s6  }
0xf: {  	[smem:$0x3F9C] =	sst s7  }
0x10: {  	[smem:$0x3F9D] =	sst s8  }
0x11: {  	[smem:$0x3F9E] =	sst s9;
	s0 =	simm.s32 @!p0 $0x0  }
0x12: {  	s1 =	sld [smem:$0x3F84];
	s0 =	simm.s32 @p0 $0x1  }
0x13: {  	[smem:$0x3F9F] =	sst s0;
	s0 =	simm.s32 @!p1 $0x0  }
0x14: {  	s2 =	sld [smem:$0x3F83];
	s0 =	simm.s32 @p1 $0x1  }
0x15: {  	[smem:$0x3FA0] =	sst s0;
	s0 =	simm.s32 @!p2 $0x0  }
0x16: {  	s3 =	sld [smem:$0x3FDB];
	s0 =	simm.s32 @p2 $0x1  }
0x17: {  	s4 =	simm.s32 $0x1BF5;
	[smem:$0x3FA2] =	sst s0  }
0x18: {  	s0 =	sld [smem:$0x3F85];
	_ =	swait.ge [sflag:s4], $0x0  }
0x19: {  	s7 =	sld [smem:$0x3F86]  }
0x1a: {  	s8 =	sadd.s32 $0xFFFFE003, lr  }
0x1b: {  	s9 =	sadd.s32 $0xFFFFFEF7, lr;
	s5 =	simm.s32 $0xFFFFFFFF;
	p2 =	slt.u32 s8, $0xFFFFF086  }
0x1c: {  	p1 =	slt.u32 s9, $0xF7A;
	s5 =	simm.s32 @!p2 $0x0  }
0x1d: {  	s5 =	simm.s32 @p1 $0x1;
	p0 =	seq.s32 s7, s2  }
0x1e: {  	s7 =	smul.u32 @!p0 $0xF7A, s2;
	p2 =	seq.s32 @!p0 s5, $0x0  }
0x1f: {  	s9 =	smul.u32 $0xF7A, s1;
	s8 =	simm.s32 @!p0 $0x1BF5;
	p2 =	por !p2, p0  }
0x20: {  	[sflag:s8] =	ssyncset.s32 @!p0 $0xFFFFF086;
	s6 =	sadd.s32 @!p0 s3, s7;
	s7 =	simm.s32 @!p0 $0x108  }
0x21: {  	s3 =	sadd.s32 s3, s9;
	s6 =	sadd.s32 @!p0 $0x88, s6;
	s7 =	simm.s32 @p2 $0x1082  }
0x22: {  	[simem:s7], [sflag:s8] =	dma.local @!p0 [hbm:s6], $0xF7A  }
0x23: {  	s9 =	sor.u32 $0xD0000000, s2;
	s6 =	simm.s32 $0x108;
	_ =	swait.ge @!p0 [sflag:s8], $0x0  }
0x24: {  	s3 =	sadd.s32 $0x88, s3;
	s6 =	simm.s32 @!p1 $0x1082;
	[sflag:s4] =	ssyncset.s32 $0xFFFFF086  }
0x25: {  	[simem:s6], [sflag:s4] =	dma.local [hbm:s3], $0xF7A  }
0x26: {  	[smem:$0x3F86] =	sst s1;
	(tag) =	ssettag s2;
	_ =	strace s9  }
0x27: {  	s1 =	sld [smem:$0x3F96]  }
0x28: {  	s2 =	sld [smem:$0x3F97]  }
0x29: {  	s4 =	sld [smem:$0x3F99]  }
0x2a: {  	p0 =	seq.s32 s5, $0x0;
	s5 =	sld [smem:$0x3F9A]  }
0x2b: {  	s6 =	sld [smem:$0x3F9B]  }
0x2c: {  	s7 =	sld [smem:$0x3F9C]  }
0x2d: {  	s3 =	simm.s32 $0x108;
	s8 =	sld [smem:$0x3F9D]  }
0x2e: {  	s3 =	simm.s32 @!p0 $0x1082;
	s9 =	sld [smem:$0x3F9E]  }
0x2f: {  	lr =	sadd.s32 s0, s3;
	s0 =	sld [smem:$0x3F95]  }
0x30: {  	s3 =	sld [smem:$0x3F98]  }
0x31: {  	[smem:$0x3FA1] =	sst s10  }
0x32: {  	s10 =	sld [smem:$0x3F9F];
	_ =	sdelay $0x3  }
0x33: {  	p0 =	seq.s32 s10, $0x1;
	s10 =	sld [smem:$0x3FA1];
	_ =	sdelay $0x3  }
0x34: {  	[smem:$0x3FA1] =	sst s10  }
0x35: {  	s10 =	sld [smem:$0x3FA0];
	_ =	sdelay $0x3  }
0x36: {  	p1 =	seq.s32 s10, $0x1;
	s10 =	sld [smem:$0x3FA1];
	_ =	sdelay $0x3  }
0x37: {  	[smem:$0x3FA1] =	sst s10  }
0x38: {  	s10 =	sld [smem:$0x3FA2]  }
0x39: {  	_ = 	snop;
	(pc) =	sbr.ind lr, $3  }
0x3a: {  	_ = 	snop  }
0x3b: {  	_ = 	snop  }
0x3c: {  	p2 =	seq.s32 s10, $0x1;
	s10 =	sld [smem:$0x3FA1]  }
0x3d: {  	_ =	shalt  }
0x3e: {  	_ =	shalt  }
0x3f: {  	_ =	shalt  }
0x40: {  	_ =	shalt  }
0x41: {  	_ =	shalt  }
0x42: {  	_ =	shalt  }
0x43: {  	_ =	shalt  }
0x44: {  	_ =	shalt  }
0x45: {  	_ =	shalt  }
0x46: {  	_ =	shalt  }
0x47: {  	_ =	shalt  }
0x48: {  	_ =	shalt  }
0x49: {  	_ =	shalt  }
0x4a: {  	_ =	shalt  }
0x4b: {  	_ =	shalt  }
0x4c: {  	_ =	shalt  }
0x4d: {  	_ =	shalt  }
0x4e: {  	_ =	shalt  }
0x4f: {  	_ =	shalt  }
0x50: {  	_ =	shalt  }
0x51: {  	_ =	shalt  }
0x52: {  	_ =	shalt  }
0x53: {  	_ =	shalt  }
0x54: {  	_ =	shalt  }
0x55: {  	_ =	shalt  }
0x56: {  	_ =	shalt  }
0x57: {  	_ =	shalt  }
0x58: {  	_ =	shalt  }
0x59: {  	_ =	shalt  }
0x5a: {  	_ =	shalt  }
0x5b: {  	_ =	shalt  }
0x5c: {  	_ =	shalt  }
0x5d: {  	_ =	shalt  }
0x5e: {  	_ =	shalt  }
0x5f: {  	_ =	shalt  }
0x60: {  	_ =	shalt  }
0x61: {  	_ =	shalt  }
0x62: {  	_ =	shalt  }
0x63: {  	_ =	shalt  }
0x64: {  	_ =	shalt  }
0x65: {  	_ =	shalt  }
0x66: {  	_ =	shalt  }
0x67: {  	_ =	shalt  }
0x68: {  	_ =	shalt  }
0x69: {  	_ =	shalt  }
0x6a: {  	_ =	shalt  }
0x6b: {  	_ =	shalt  }
0x6c: {  	_ =	shalt  }
0x6d: {  	_ =	shalt  }
0x6e: {  	_ =	shalt  }
0x6f: {  	_ =	shalt  }
0x70: {  	_ =	shalt  }
0x71: {  	_ =	shalt  }
0x72: {  	_ =	shalt  }
0x73: {  	_ =	shalt  }
0x74: {  	_ =	shalt  }
0x75: {  	_ =	shalt  }
0x76: {  	_ =	shalt  }
0x77: {  	_ =	shalt  }
0x78: {  	_ =	shalt  }
0x79: {  	_ =	shalt  }
0x7a: {  	_ =	shalt  }
0x7b: {  	_ =	shalt  }
0x7c: {  	_ =	shalt  }
0x7d: {  	_ =	shalt  }
0x7e: {  	_ =	shalt  }
0x7f: {  	_ =	shalt  }
0x80: {  	_ =	shalt  }
0x81: {  	_ =	shalt  }
0x82: {  	_ =	shalt  }
0x83: {  	_ =	shalt  }
0x84: {  	_ =	shalt  }
0x85: {  	_ =	shalt  }
0x86: {  	_ =	shalt  }
0x87: {  	_ =	shalt  }
.Lfunc_end0:
.L_simem_size_0:
called_computation.1_lowered:
.L_overlay_start_0:
0x88: {  	s2 =	sld [smem:$0x3FD9]  }
0x89: {  	s3 =	sld [smem:$0x3FFE];
	_ =	sdelay $0x1  }
0x8a: {  	s1 =	srdreg.scid  }
0x8b: {  	s0 =	sand.u32 $0x1, s1  }
0x8c: {  	s17 =	sshll.u32 s0, $0xA;
	s2 =	sadd.s32 s3, s2  }
0x8d: {  	s2 =	sadd.s32 s2, s17  }
0x8e: {  	[smem:$0x3FAD] =	sst s2  }
0x8f: {  	_ = 	snop  }
0x90: {  	s2 =	sld [smem:$0x3FD0];
	(tm) =	ssettm $0x1  }
0x91: {  	s18 =	sld [smem:$0x3FFB];
	_ =	sdelay $0x3  }
0x92: {  	_ =	strace s18  }
0x93: {  	s3 =	sld [smem:$0x3FFC];
	_ =	sdelay $0x3  }
0x94: {  	_ =	strace s3  }
0x95: {  	s3 =	sld [smem:$0x3FFD];
	_ =	sdelay $0x3  }
0x96: {  	_ =	strace s3  }
0x97: {  	_ =	strace $0x8FFFFFFF  }
0x98: {  	s19 =	sld [smem:$0x3FDB];
	_ =	sdelay $0x1  }
0x99: {  	s4 =	simm.s32 $_scs_section_size  }
0x9a: {  	s5 =	simm.s32 $_size__tile_overlayer_lowered;
	s6 =	simm.s32 $_tile_overlayer_lowered  }
0x9b: {  	s22 =	simm.s32 $0x1BFF;
	s21 =	sshll.u32 s6, $0x1;
	s3 =	sadd.s32 s4, s19  }
0x9c: {  	s7 =	simm.s32 $0x0;
	s20 =	sshll.u32 s5, $0x1;
	s5 =	sadd.s32 s21, s3  }
0x9d: {  	[timem:s7], [sflag:s22] =	dma.local [hbm:s5], s20  }
0x9e: {  	_ =	swait.ge [sflag:s22], s20  }
0x9f: {  	s4 =	ssub.s32 $0x0, s20;
	[sflag:s22] =	ssyncset.done $0x0  }
0xa0: {  	[sflag:s22] =	ssyncadd.s32 s4;
	_ =	sdelay $0x1  }
0xa1: {  	s23 =	simm.s32 $0x1B8B  }
0xa2: {  	_ =	swait.ge [sflag:s23], $0x1  }
0xa3: {  	[sflag:s23] =	ssyncset.done $0x0  }
0xa4: {  	s25 =	simm.s32 $0x1B8E;
	s24 =	sld [smem:$0x3FFE];
	[sflag:s23] =	ssyncadd.s32 $0xFFFFFFFF  }
0xa5: {  	s26 =	simm.s32 $execute0_lowered;
	[smem:$0x3FD2] =	sst s25  }
0xa6: {  	s5 =	sshll.u32 s26, $0x1;
	_ =	strace $0x80000049;
	[dreg:$0x1] =	wrdreg $0xFFFFFFFF  }
0xa7: {  	s28 =	simm.s32 $_size_execute0_lowered;
	s3 =	sadd.s32 s3, s5;
	[dreg:$0x0] =	wrdreg $0x0  }
0xa8: {  	s5 =	sshll.u32 s28, $0x1;
	[dreg:$0x2] =	wrdreg s3  }
0xa9: {  	[dreg:$0x3] =	wrdreg s5  }
0xaa: {  	[dreg:$0x4] =	wrdreg $0xC0  }
0xab: {  	_ =	task [dreg:s7], $0x5FFFF  }
0xac: {  	[dreg:$0x1] =	wrdreg $0xFFFFFFFF  }
0xad: {  	[dreg:$0x0] =	wrdreg $0x60  }
0xae: {  	[dreg:$0x2] =	wrdreg s24  }
0xaf: {  	[dreg:$0x3] =	wrdreg s2  }
0xb0: {  	[dreg:$0x4] =	wrdreg $0x5D700  }
0xb1: {  	[dreg:$0x5] =	wrdreg $0x9  }
0xb2: {  	_ =	task.clear_ibuf [dreg:s7], $0x6FFFF;
	_ =	strace $0x90000049  }
0xb3: {  	s29 =	simm.s32 $0x9;
	_ =	strace $0x8000004B  }
0xb4: {  	_ =	swait.ge [sflag:s29], $0x1  }
0xb5: {  	[sflag:s29] =	ssyncadd.s32 $0xFFFFFFFF  }
0xb6: {  	_ =	strace $0x9000004B  }
0xb7: {  	_ =	sfence  }
0xb8: {  	s30 =	sld [smem:$0x0];
	_ =	sdelay $0x2  }
0xb9: {  	s31 =	sshll.u32 s1, $0xD;
	s1 =	sshrl.u32 s1, $0x2  }
0xba: {  	s3 =	sand.u32 $0x4000, s31;
	s1 =	sadd.s32 s1, s30  }
0xbb: {  	s0 =	sor.u32 s3, s0;
	s1 =	sshll.u32 s1, $0x11  }
0xbc: {  	s0 =	sor.u32 s1, s0  }
0xbd: {  	s0 =	sadd.s32 $0x8F2B, s0  }
0xbe: {  	[sflag:s0] =	ssyncadd.remote.s32 $0x1  }
0xbf: {  	_ =	sfence.sel $0xFFFF  }
0xc0: {  	[dreg:$0x0] =	wrdreg $0xFFFFFFFF;
	(pc) =	sbr.abs _section_cstart, $3  }
0xc1: {  	[dreg:$0x1] =	wrdreg $0xFFFFFFFF  }
0xc2: {  	_ =	task.clear_ibuf [dreg:s7], $0x2FFFF;
	_ =	strace $0x9FFFFFFF  }
0xc3: {  	(tm) =	ssettm $0x7FFFFFFF  }
tec
execute0_lowered:
.L_overlay_start_1:
0x0: {  	(tag) =	ssettag $0x1  }
0x1: {  	s10 =	rddreg [dreg:$0x0]  }
0x2: {  	s1 =	rddreg [dreg:$0x1]  }
0x3: {  	s3 =	rddreg [dreg:$0x2]  }
0x4: {  	s0 =	rddreg [dreg:$0x3];
	s4 =	simm.s32 $0x0;
	s5 =	srdreg.scid  }
0x5: {  	s2 =	stileid.u32;
	s16 =	simm.s32 $0x50;
	s17 =	simm.s32 $0xA0  }
0x6: {  	s18 =	simm.s32 $0x28A0;
	s19 =	simm.s32 $0x2DA0;
	s20 =	simm.s32 $0x1  }
0x7: {  	s21 =	simm.s32 $0x2DF0;
	[smem:$0x7FF] =	sst s4;
	s11 =	sand.u32 $0x1, s5  }
0x8: {  	s12 =	smul.u32 $0x17C00, s2;
	s5 =	sadd.s32 $0x60D800, s10;
	s6 =	sadd.s32 $0x10000, s10  }
0x9: {  	s7 =	sadd.s32 $0x6200, s10;
	s8 =	sadd.s32 $0x4FBE00, s10;
	s31 =	sshll.u32 s2, $0x6  }
0xa: {  	s9 =	smul.u32 $0x17C000, s11;
	s14 =	ssub.s32 $0x2, s11;
	s29 =	sshll.u32 s11, $0x4  }
0xb: {  	_ =	strace $0x8000004A;
	s15 =	sshrl.u32 s14, $0x1;
	s11 =	sor.u32 s2, s29  }
0xc: {  	s30 =	sadd.s32 s12, s3;
	s13 =	sadd.s32 s12, s9;
	s9 =	sadd.s32 $0x5BF400, s10  }
0xd: {  	s14 =	ssub.s32 s14, s15;
	s11 =	smul.u32 $0x2710, s11;
	s13 =	sshrl.u32 s13, $0x3  }
0xe: {  	s15 =	simm.s32 $0x2;
	s13 =	sadd.s32 s13, s10;
	s10 =	sor.u32 $0x1C02, s31  }
0xf: {  	v0 =	vimm.f32 $0.0e+00;
	v1 =	vlaneseq.u32;
	s12 =	sadd.s32 $0x634A00, s13;
	s13 =	smax.u32 s14, $0x1;
	s14 =	sshrl.u32 s30, $0x3  }
.LBB2_1:
0x10: {  	[spmem:s14], [sflag:s10] =	dma.local [hbm:s9], $0x2F80  }
0x11: {  	_ =	swait.ge [sflag:s15], $0x2F80  }
0x12: {  	[sflag:s15] =	ssyncset.done $0x0  }
0x13: {  	s22 =	simm.s32 $0x480;
	s23 =	simm.s32 $0x88;
	[sflag:s15] =	ssyncadd.s32 $0xFFFFD080  }
.LBB2_2:
0x14: {  	p0 =	sne.s32 s22, $0xBDC0;
	[tilespmem:s23+$0x2DF0] =	vst v0;
	s23 =	smov.u32 s22;
	s22 =	sadd.s32 $0x260, s22  }
.Ltmp0:
0x15: {  	(pc) =	sbr.rel @p0 .LBB2_2-.Ltmp0, $2  }
0x16: {  	_ =	sdelay $0x2  }
0x17: {  	s23 =	sshra.s32 s23, $0x2  }
0x18: {  	[tilespmem:s23+$0x2DF0] =	vst v0  }
0x19: {  	s22 =	simm.s32 $0x0;
	s23 =	simm.s32 $0x0;
	[bflag:$0x0] =	sbarrier.arrive $0xFFFF  }
.LBB2_4:
0x1a: {  	s24 =	smul.u32 $0x50, s23;
	_ =	sdelay $0x1  }
0x1b: {  	s24 =	sadd.s32 s11, s24  }
0x1c: {  	s25 =	sshrl.u32 s24, $0x3  }
0x1d: {  	s26 =	sadd.s32 s6, s25  }
0x1e: {  	[tilespmem:s22], [sflag:$0x2] =	stream.linear.gather [hbm4b:s26+s22], $0x50, $0x38;
	[tilespmem:$0x1D970] =	vst v63  }
0x1f: {  	_ =	swait.ge [sflag:s15], $0x50  }
0x20: {  	[sflag:s15] =	ssyncset.done $0x0  }
0x21: {  	s30 =	sadd.s32 s7, s25;
	[sflag:s15] =	ssyncadd.s32 $0xFFFFFFB0  }
0x22: {  	[tilespmem:s16], [sflag:$0x2] =	stream.linear.gather [hbm4b:s30+s22], $0x50, $0x38;
	[tilespmem:$0x1D970] =	vst v63  }
0x23: {  	_ =	swait.ge [sflag:s15], $0x50  }
0x24: {  	[sflag:s15] =	ssyncset.done $0x0  }
0x25: {  	s24 =	sshll.u32 s24, $0x1;
	[sflag:s15] =	ssyncadd.s32 $0xFFFFFFB0  }
0x26: {  	[tilespmem:s17], [sflag:$0x1] =	stream.indirect.gather [hbm4b:s5+s16], $0x80, s22, s16, $0xb8;
	[tilespmem:$0x1D970] =	vst v63  }
0x27: {  	s24 =	sadd.s32 s8, s24  }
0x28: {  	[tilespmem:s18], [sflag:$0x2] =	stream.linear.gather [hbm4b:s24+s22], $0x500, $0x38;
	[tilespmem:$0x1D970] =	vst v63  }
0x29: {  	_ =	swait.ge [sflag:s15], $0x500  }
0x2a: {  	[sflag:s15] =	ssyncset.done $0x0  }
0x2b: {  	s31 =	sadd.s32 s1, s25;
	[sflag:s15] =	ssyncadd.s32 $0xFFFFFB00  }
0x2c: {  	[tilespmem:s19], [sflag:$0x2] =	stream.linear.gather [hbm4b:s31+s22], $0x50, $0x38;
	[tilespmem:$0x1D970] =	vst v63  }
0x2d: {  	_ =	swait.ge [sflag:s15], $0x50  }
0x2e: {  	[sflag:s15] =	ssyncset.done $0x0  }
0x2f: {  	[sflag:s15] =	ssyncadd.s32 $0xFFFFFFB0  }
0x30: {  	_ =	swait.ge [sflag:s20], $0x2800  }
0x31: {  	[sflag:s20] =	ssyncset.done $0x0  }
0x32: {  	s24 =	simm.s32 $0x0;
	[sflag:s20] =	ssyncadd.s32 $0xFFFFD800  }
.LBB2_5:
0x33: {  	s25 =	simm.s32 $0x0  }
0x34: {  	s26 =	sshll.u32 s24, $0x4;
	v2 =	vmov s25  }
0x35: {  	v4 =	vor.u32 s26, v1;
	v3 =	vshrl.u32 v2, $0x3  }
0x36: {  	v2 =	vmul.u32 $0x98, v4;
	v3 =	vshll.u32 v3, $0x3  }
0x37: {  	v21 =	vbroadcast v3, $0x0  }
0x38: {  	v6 =	vshll.u32 v4, $0x7;
	v3 =	vld [tilespmem:s26+$0x2DA0];
	v5 =	vadd.s32 $0x90, v2  }
0x39: {  	v7 =	vor.u32 v6, v21;
	_ =	sdelay $0x3  }
0x3a: {  	[tilespmem:v5+s21+$0x0] =	vst.idx.msk $0xffff, v3  }
0x3b: {  	v7 =	vld.idx.msk [tilespmem:v7+s17+$0x0], $0xffff;
	_ =	sdelay $0x1  }
0x3c: {  	v8 =	vadd.s32 v2, v21;
	v5 =	vor.u32 $0x1, v6  }
0x3d: {  	v9 =	vadd.s32 v5, v21;
	_ =	sdelay $0x1  }
0x3e: {  	v7 =	vmul.f32 v7, v3;
	_ =	sdelay $0x1  }
0x3f: {  	[tilespmem:v8+s21+$0x0] =	vst.idx.msk $0xffff, v7  }
0x40: {  	v9 =	vld.idx.msk [tilespmem:v9+s17+$0x0], $0xffff  }
0x41: {  	v7 =	vor.u32 $0x1, v2  }
0x42: {  	v8 =	vor.u32 $0x2, v6;
	v10 =	vadd.s32 v7, v21  }
0x43: {  	v11 =	vadd.s32 v8, v21;
	_ =	sdelay $0x1  }
0x44: {  	v9 =	vmul.f32 v9, v3;
	_ =	sdelay $0x1  }
0x45: {  	[tilespmem:v10+s21+$0x0] =	vst.idx.msk $0xffff, v9  }
0x46: {  	v11 =	vld.idx.msk [tilespmem:v11+s17+$0x0], $0xffff  }
0x47: {  	v9 =	vor.u32 $0x2, v2  }
0x48: {  	v10 =	vor.u32 $0x3, v6;
	v12 =	vadd.s32 v9, v21  }
0x49: {  	v13 =	vadd.s32 v10, v21;
	_ =	sdelay $0x1  }
0x4a: {  	v11 =	vmul.f32 v11, v3;
	_ =	sdelay $0x1  }
0x4b: {  	[tilespmem:v12+s21+$0x0] =	vst.idx.msk $0xffff, v11  }
0x4c: {  	v13 =	vld.idx.msk [tilespmem:v13+s17+$0x0], $0xffff  }
0x4d: {  	v11 =	vor.u32 $0x3, v2  }
0x4e: {  	v12 =	vor.u32 $0x4, v6;
	v14 =	vadd.s32 v11, v21  }
0x4f: {  	v15 =	vadd.s32 v12, v21;
	_ =	sdelay $0x1  }
0x50: {  	v13 =	vmul.f32 v13, v3;
	_ =	sdelay $0x1  }
0x51: {  	[tilespmem:v14+s21+$0x0] =	vst.idx.msk $0xffff, v13  }
0x52: {  	v15 =	vld.idx.msk [tilespmem:v15+s17+$0x0], $0xffff  }
0x53: {  	v13 =	vor.u32 $0x4, v2  }
0x54: {  	v14 =	vor.u32 $0x5, v6;
	v16 =	vadd.s32 v13, v21  }
0x55: {  	v17 =	vadd.s32 v14, v21;
	_ =	sdelay $0x1  }
0x56: {  	v15 =	vmul.f32 v15, v3;
	_ =	sdelay $0x1  }
0x57: {  	[tilespmem:v16+s21+$0x0] =	vst.idx.msk $0xffff, v15  }
0x58: {  	v17 =	vld.idx.msk [tilespmem:v17+s17+$0x0], $0xffff  }
0x59: {  	v15 =	vor.u32 $0x5, v2  }
0x5a: {  	v16 =	vor.u32 $0x6, v6;
	v18 =	vadd.s32 v15, v21  }
0x5b: {  	v19 =	vadd.s32 v16, v21;
	_ =	sdelay $0x1  }
0x5c: {  	v17 =	vmul.f32 v17, v3;
	_ =	sdelay $0x1  }
0x5d: {  	[tilespmem:v18+s21+$0x0] =	vst.idx.msk $0xffff, v17  }
0x5e: {  	v19 =	vld.idx.msk [tilespmem:v19+s17+$0x0], $0xffff  }
0x5f: {  	v17 =	vor.u32 $0x6, v2  }
0x60: {  	v20 =	vadd.s32 v17, v21  }
0x61: {  	v18 =	vor.u32 $0x7, v6  }
0x62: {  	v22 =	vadd.s32 v18, v21  }
0x63: {  	v19 =	vmul.f32 v19, v3  }
0x64: {  	s31 =	simm.s32 $0x8  }
0x65: {  	[tilespmem:v20+s21+$0x0] =	vst.idx.msk $0xffff, v19;
	v19 =	vmov s31  }
0x66: {  	v19 =	vshrl.u32 v19, $0x3  }
0x67: {  	v23 =	vld.idx.msk [tilespmem:v22+s17+$0x0], $0xffff;
	v19 =	vshll.u32 v19, $0x3  }
0x68: {  	v20 =	vbroadcast v19, $0x0;
	v19 =	vor.u32 $0x7, v2  }
0x69: {  	v22 =	vadd.s32 v19, v21  }
0x6a: {  	v21 =	vor.u32 v6, v20;
	_ =	sdelay $0x1  }
0x6b: {  	s25 =	simm.s32 $0x10;
	v23 =	vmul.f32 v23, v3  }
.LBB2_6:
0x6c: {  	_ = 	snop  }
0x6d: {  	p0 =	sne.s32 s25, $0x78;
	s26 =	smov.u32 s25;
	s25 =	sadd.s32 $0x8, s25;
	[tilespmem:v22+s21+$0x0] =	vst.idx.msk $0xffff, v23  }
0x6e: {  	v21 =	vld.idx.msk [tilespmem:v21+s17+$0x0], $0xffff;
	_ =	sdelay $0x2  }
0x6f: {  	v22 =	vadd.s32 v2, v20  }
0x70: {  	v23 =	vadd.s32 v5, v20;
	_ =	sdelay $0x1  }
0x71: {  	v21 =	vmul.f32 v21, v3;
	_ =	sdelay $0x1  }
0x72: {  	[tilespmem:v22+s21+$0x0] =	vst.idx.msk $0xffff, v21  }
0x73: {  	v21 =	vld.idx.msk [tilespmem:v23+s17+$0x0], $0xffff;
	_ =	sdelay $0x2  }
0x74: {  	v22 =	vadd.s32 v7, v20  }
0x75: {  	v23 =	vadd.s32 v8, v20;
	_ =	sdelay $0x1  }
0x76: {  	v21 =	vmul.f32 v21, v3;
	_ =	sdelay $0x1  }
0x77: {  	[tilespmem:v22+s21+$0x0] =	vst.idx.msk $0xffff, v21  }
0x78: {  	v21 =	vld.idx.msk [tilespmem:v23+s17+$0x0], $0xffff;
	_ =	sdelay $0x2  }
0x79: {  	v22 =	vadd.s32 v9, v20  }
0x7a: {  	v23 =	vadd.s32 v10, v20;
	_ =	sdelay $0x1  }
0x7b: {  	v21 =	vmul.f32 v21, v3;
	_ =	sdelay $0x1  }
0x7c: {  	[tilespmem:v22+s21+$0x0] =	vst.idx.msk $0xffff, v21  }
0x7d: {  	v21 =	vld.idx.msk [tilespmem:v23+s17+$0x0], $0xffff;
	_ =	sdelay $0x2  }
0x7e: {  	v22 =	vadd.s32 v11, v20  }
0x7f: {  	v23 =	vadd.s32 v12, v20;
	_ =	sdelay $0x1  }
0x80: {  	v21 =	vmul.f32 v21, v3;
	_ =	sdelay $0x1  }
0x81: {  	[tilespmem:v22+s21+$0x0] =	vst.idx.msk $0xffff, v21  }
0x82: {  	v21 =	vld.idx.msk [tilespmem:v23+s17+$0x0], $0xffff;
	_ =	sdelay $0x2  }
0x83: {  	v22 =	vadd.s32 v13, v20  }
0x84: {  	v23 =	vadd.s32 v14, v20;
	_ =	sdelay $0x1  }
0x85: {  	v21 =	vmul.f32 v21, v3;
	_ =	sdelay $0x1  }
0x86: {  	[tilespmem:v22+s21+$0x0] =	vst.idx.msk $0xffff, v21  }
0x87: {  	v21 =	vld.idx.msk [tilespmem:v23+s17+$0x0], $0xffff;
	_ =	sdelay $0x2  }
0x88: {  	v22 =	vadd.s32 v15, v20  }
0x89: {  	v23 =	vadd.s32 v16, v20;
	_ =	sdelay $0x1  }
0x8a: {  	v21 =	vmul.f32 v21, v3;
	_ =	sdelay $0x1  }
0x8b: {  	[tilespmem:v22+s21+$0x0] =	vst.idx.msk $0xffff, v21  }
0x8c: {  	v21 =	vld.idx.msk [tilespmem:v23+s17+$0x0], $0xffff;
	_ =	sdelay $0x2  }
0x8d: {  	v22 =	vadd.s32 v17, v20  }
0x8e: {  	v23 =	vadd.s32 v18, v20;
	_ =	sdelay $0x1  }
0x8f: {  	v21 =	vmul.f32 v21, v3;
	_ =	sdelay $0x1  }
0x90: {  	v24 =	vmov s26;
	[tilespmem:v22+s21+$0x0] =	vst.idx.msk $0xffff, v21  }
0x91: {  	v21 =	vshrl.u32 v24, $0x3;
	v23 =	vld.idx.msk [tilespmem:v23+s17+$0x0], $0xffff  }
0x92: {  	v21 =	vshll.u32 v21, $0x3  }
.Ltmp1:
0x93: {  	v24 =	vbroadcast v21, $0x0;
	(pc) =	sbr.rel @p0 .LBB2_6-.Ltmp1, $3  }
0x94: {  	v22 =	vadd.s32 v19, v20  }
0x95: {  	v21 =	vor.u32 v6, v24;
	v20 =	vmov v24;
	_ =	sdelay $0x1  }
0x96: {  	v23 =	vmul.f32 v23, v3  }
0x97: {  	_ =	sdelay $0x3  }
0x98: {  	[tilespmem:v22+s21+$0x0] =	vst.idx.msk $0xffff, v23  }
0x99: {  	v6 =	vld.idx.msk [tilespmem:v21+s17+$0x0], $0xffff;
	_ =	sdelay $0x1  }
0x9a: {  	v63 =	vadd.s32 v2, v20  }
0x9b: {  	v5 =	vadd.s32 v5, v20;
	_ =	sdelay $0x1  }
0x9c: {  	v6 =	vmul.f32 v6, v3;
	_ =	sdelay $0x1  }
0x9d: {  	[tilespmem:v63+s21+$0x0] =	vst.idx.msk $0xffff, v6  }
0x9e: {  	v5 =	vld.idx.msk [tilespmem:v5+s17+$0x0], $0xffff;
	_ =	sdelay $0x1  }
0x9f: {  	v22 =	vadd.s32 v7, v20  }
0xa0: {  	v23 =	vadd.s32 v8, v20;
	_ =	sdelay $0x1  }
0xa1: {  	v5 =	vmul.f32 v5, v3;
	_ =	sdelay $0x1  }
0xa2: {  	[tilespmem:v22+s21+$0x0] =	vst.idx.msk $0xffff, v5  }
0xa3: {  	v5 =	vld.idx.msk [tilespmem:v23+s17+$0x0], $0xffff;
	_ =	sdelay $0x1  }
0xa4: {  	v24 =	vadd.s32 v9, v20  }
0xa5: {  	v25 =	vadd.s32 v10, v20;
	_ =	sdelay $0x1  }
0xa6: {  	v5 =	vmul.f32 v5, v3;
	_ =	sdelay $0x1  }
0xa7: {  	[tilespmem:v24+s21+$0x0] =	vst.idx.msk $0xffff, v5  }
0xa8: {  	v5 =	vld.idx.msk [tilespmem:v25+s17+$0x0], $0xffff;
	_ =	sdelay $0x1  }
0xa9: {  	v26 =	vadd.s32 v11, v20  }
0xaa: {  	v27 =	vadd.s32 v12, v20;
	_ =	sdelay $0x1  }
0xab: {  	v5 =	vmul.f32 v5, v3;
	_ =	sdelay $0x1  }
0xac: {  	[tilespmem:v26+s21+$0x0] =	vst.idx.msk $0xffff, v5  }
0xad: {  	v5 =	vld.idx.msk [tilespmem:v27+s17+$0x0], $0xffff;
	_ =	sdelay $0x1  }
0xae: {  	v28 =	vadd.s32 v13, v20  }
0xaf: {  	v29 =	vadd.s32 v14, v20;
	_ =	sdelay $0x1  }
0xb0: {  	v5 =	vmul.f32 v5, v3;
	_ =	sdelay $0x1  }
0xb1: {  	[tilespmem:v28+s21+$0x0] =	vst.idx.msk $0xffff, v5  }
0xb2: {  	v5 =	vld.idx.msk [tilespmem:v29+s17+$0x0], $0xffff;
	_ =	sdelay $0x1  }
0xb3: {  	v30 =	vadd.s32 v15, v20  }
0xb4: {  	v31 =	vadd.s32 v16, v20;
	_ =	sdelay $0x1  }
0xb5: {  	v5 =	vmul.f32 v5, v3;
	_ =	sdelay $0x1  }
0xb6: {  	[tilespmem:v30+s21+$0x0] =	vst.idx.msk $0xffff, v5  }
0xb7: {  	v5 =	vld.idx.msk [tilespmem:v31+s17+$0x0], $0xffff;
	_ =	sdelay $0x1  }
0xb8: {  	v32 =	vadd.s32 v17, v20  }
0xb9: {  	v33 =	vadd.s32 v18, v20;
	_ =	sdelay $0x1  }
0xba: {  	v5 =	vmul.f32 v5, v3;
	_ =	sdelay $0x1  }
0xbb: {  	[tilespmem:v32+s21+$0x0] =	vst.idx.msk $0xffff, v5  }
0xbc: {  	v5 =	vld.idx.msk [tilespmem:v33+s17+$0x0], $0xffff;
	_ =	sdelay $0x1  }
0xbd: {  	v34 =	vadd.s32 v19, v20  }
0xbe: {  	v4 =	vshll.u32 v4, $0x4;
	_ =	sdelay $0x1  }
0xbf: {  	v5 =	vmul.f32 v5, v3;
	_ =	sdelay $0x1  }
0xc0: {  	[tilespmem:v34+s21+$0x0] =	vst.idx.msk $0xffff, v5  }
0xc1: {  	v5 =	vld.idx.msk [tilespmem:v4+s18+$0x0], $0xffff;
	_ =	sdelay $0x1  }
0xc2: {  	v35 =	vadd.s32 $0x80, v2  }
0xc3: {  	v36 =	vor.u32 $0x1, v4;
	_ =	sdelay $0x1  }
0xc4: {  	v5 =	vmul.f32 v5, v3;
	_ =	sdelay $0x1  }
0xc5: {  	[tilespmem:v35+s21+$0x0] =	vst.idx.msk $0xffff, v5  }
0xc6: {  	v5 =	vld.idx.msk [tilespmem:v36+s18+$0x0], $0xffff;
	_ =	sdelay $0x1  }
0xc7: {  	v37 =	vadd.s32 $0x81, v2  }
0xc8: {  	v38 =	vor.u32 $0x2, v4;
	_ =	sdelay $0x1  }
0xc9: {  	v5 =	vmul.f32 v5, v3;
	_ =	sdelay $0x1  }
0xca: {  	[tilespmem:v37+s21+$0x0] =	vst.idx.msk $0xffff, v5  }
0xcb: {  	v5 =	vld.idx.msk [tilespmem:v38+s18+$0x0], $0xffff;
	_ =	sdelay $0x1  }
0xcc: {  	v39 =	vadd.s32 $0x82, v2  }
0xcd: {  	v40 =	vor.u32 $0x3, v4;
	_ =	sdelay $0x1  }
0xce: {  	v5 =	vmul.f32 v5, v3;
	_ =	sdelay $0x1  }
0xcf: {  	[tilespmem:v39+s21+$0x0] =	vst.idx.msk $0xffff, v5  }
0xd0: {  	v5 =	vld.idx.msk [tilespmem:v40+s18+$0x0], $0xffff;
	_ =	sdelay $0x1  }
0xd1: {  	v41 =	vadd.s32 $0x83, v2  }
0xd2: {  	v42 =	vor.u32 $0x4, v4;
	_ =	sdelay $0x1  }
0xd3: {  	v5 =	vmul.f32 v5, v3;
	_ =	sdelay $0x1  }
0xd4: {  	[tilespmem:v41+s21+$0x0] =	vst.idx.msk $0xffff, v5  }
0xd5: {  	v5 =	vld.idx.msk [tilespmem:v42+s18+$0x0], $0xffff;
	_ =	sdelay $0x1  }
0xd6: {  	v43 =	vadd.s32 $0x84, v2  }
0xd7: {  	v44 =	vor.u32 $0x5, v4;
	_ =	sdelay $0x1  }
0xd8: {  	v5 =	vmul.f32 v5, v3;
	_ =	sdelay $0x1  }
0xd9: {  	[tilespmem:v43+s21+$0x0] =	vst.idx.msk $0xffff, v5  }
0xda: {  	v5 =	vld.idx.msk [tilespmem:v44+s18+$0x0], $0xffff;
	_ =	sdelay $0x1  }
0xdb: {  	v45 =	vadd.s32 $0x85, v2  }
0xdc: {  	v46 =	vor.u32 $0x6, v4;
	_ =	sdelay $0x1  }
0xdd: {  	v5 =	vmul.f32 v5, v3;
	_ =	sdelay $0x1  }
0xde: {  	[tilespmem:v45+s21+$0x0] =	vst.idx.msk $0xffff, v5  }
0xdf: {  	v5 =	vld.idx.msk [tilespmem:v46+s18+$0x0], $0xffff;
	_ =	sdelay $0x1  }
0xe0: {  	v47 =	vadd.s32 $0x86, v2  }
0xe1: {  	v48 =	vor.u32 $0x7, v4;
	_ =	sdelay $0x1  }
0xe2: {  	v5 =	vmul.f32 v5, v3;
	_ =	sdelay $0x1  }
0xe3: {  	[tilespmem:v47+s21+$0x0] =	vst.idx.msk $0xffff, v5  }
0xe4: {  	v5 =	vld.idx.msk [tilespmem:v48+s18+$0x0], $0xffff;
	_ =	sdelay $0x1  }
0xe5: {  	v49 =	vadd.s32 $0x87, v2  }
0xe6: {  	v50 =	vor.u32 $0x8, v4;
	_ =	sdelay $0x1  }
0xe7: {  	v5 =	vmul.f32 v5, v3;
	_ =	sdelay $0x1  }
0xe8: {  	[tilespmem:v49+s21+$0x0] =	vst.idx.msk $0xffff, v5  }
0xe9: {  	v5 =	vld.idx.msk [tilespmem:v50+s18+$0x0], $0xffff;
	_ =	sdelay $0x1  }
0xea: {  	v51 =	vadd.s32 $0x88, v2  }
0xeb: {  	v52 =	vor.u32 $0x9, v4;
	_ =	sdelay $0x1  }
0xec: {  	v5 =	vmul.f32 v5, v3;
	_ =	sdelay $0x1  }
0xed: {  	[tilespmem:v51+s21+$0x0] =	vst.idx.msk $0xffff, v5  }
0xee: {  	v5 =	vld.idx.msk [tilespmem:v52+s18+$0x0], $0xffff;
	_ =	sdelay $0x1  }
0xef: {  	v53 =	vadd.s32 $0x89, v2  }
0xf0: {  	v54 =	vor.u32 $0xA, v4;
	_ =	sdelay $0x1  }
0xf1: {  	v5 =	vmul.f32 v5, v3;
	_ =	sdelay $0x1  }
0xf2: {  	[tilespmem:v53+s21+$0x0] =	vst.idx.msk $0xffff, v5  }
0xf3: {  	v5 =	vld.idx.msk [tilespmem:v54+s18+$0x0], $0xffff;
	_ =	sdelay $0x1  }
0xf4: {  	v55 =	vadd.s32 $0x8A, v2  }
0xf5: {  	v56 =	vor.u32 $0xB, v4;
	_ =	sdelay $0x1  }
0xf6: {  	v5 =	vmul.f32 v5, v3;
	_ =	sdelay $0x1  }
0xf7: {  	[tilespmem:v55+s21+$0x0] =	vst.idx.msk $0xffff, v5  }
0xf8: {  	v5 =	vld.idx.msk [tilespmem:v56+s18+$0x0], $0xffff;
	_ =	sdelay $0x1  }
0xf9: {  	v57 =	vadd.s32 $0x8B, v2  }
0xfa: {  	v58 =	vor.u32 $0xC, v4;
	_ =	sdelay $0x1  }
0xfb: {  	v5 =	vmul.f32 v5, v3;
	_ =	sdelay $0x1  }
0xfc: {  	[tilespmem:v57+s21+$0x0] =	vst.idx.msk $0xffff, v5  }
0xfd: {  	v5 =	vld.idx.msk [tilespmem:v58+s18+$0x0], $0xffff;
	_ =	sdelay $0x1  }
0xfe: {  	v59 =	vadd.s32 $0x8C, v2  }
0xff: {  	v60 =	vor.u32 $0xD, v4;
	_ =	sdelay $0x1  }
0x100: {  	v5 =	vmul.f32 v5, v3;
	_ =	sdelay $0x1  }
0x101: {  	[tilespmem:v59+s21+$0x0] =	vst.idx.msk $0xffff, v5  }
0x102: {  	v5 =	vld.idx.msk [tilespmem:v60+s18+$0x0], $0xffff;
	_ =	sdelay $0x1  }
0x103: {  	v61 =	vadd.s32 $0x8D, v2  }
0x104: {  	v62 =	vor.u32 $0xE, v4;
	_ =	sdelay $0x1  }
0x105: {  	v5 =	vmul.f32 v5, v3;
	_ =	sdelay $0x1  }
0x106: {  	[tilespmem:v61+s21+$0x0] =	vst.idx.msk $0xffff, v5  }
0x107: {  	v5 =	vld.idx.msk [tilespmem:v62+s18+$0x0], $0xffff;
	_ =	sdelay $0x1  }
0x108: {  	v63 =	vadd.s32 $0x8E, v2  }
0x109: {  	v4 =	vor.u32 $0xF, v4;
	_ =	sdelay $0x1  }
0x10a: {  	v5 =	vmul.f32 v5, v3;
	_ =	sdelay $0x1  }
0x10b: {  	[tilespmem:v63+s21+$0x0] =	vst.idx.msk $0xffff, v5  }
0x10c: {  	v4 =	vld.idx.msk [tilespmem:v4+s18+$0x0], $0xffff  }
0x10d: {  	s24 =	sadd.s32 $0x1, s24  }
0x10e: {  	p0 =	sne.s32 s24, $0x5;
	v2 =	vadd.s32 $0x8F, v2  }
.Ltmp2:
0x10f: {  	_ = 	snop;
	(pc) =	sbr.rel @p0 .LBB2_5-.Ltmp2, $3  }
0x110: {  	_ = 	snop  }
0x111: {  	v3 =	vmul.f32 v4, v3;
	_ =	sdelay $0x1  }
0x112: {  	[tilespmem:v2+s21+$0x0] =	vst.idx.msk $0xffff, v3  }
0x113: {  	s23 =	sadd.s32 $0x1, s23  }
0x114: {  	p0 =	sne.s32 s23, $0x7D  }
.Ltmp3:
0x115: {  	_ = 	snop;
	(pc) =	sbr.rel @p0 .LBB2_4-.Ltmp3, $4  }
0x116: {  	[spmem:s3] =	stream.indirect.scatter.add.f32 [tilespmem:s21], [sflag:$0x2], $0x98, s16, s16, $0xb8;
	[tilespmem:$0x1D970] =	vst v63  }
0x117: {  	_ =	swait.ge [sflag:s15], $0x2F80  }
0x118: {  	[sflag:s15] =	ssyncset.done $0x0  }
0x119: {  	[sflag:s15] =	ssyncadd.s32 $0xFFFFD080  }
0x11a: {  	s4 =	sadd.s32 $0x1, s4  }
0x11b: {  	p0 =	sne.s32 s4, s13  }
.Ltmp4:
0x11c: {  	[bflag:$0x0] =	sbarrier.arrive $0xFFFF;
	(pc) =	sbr.rel @p0 .LBB2_1-.Ltmp4, $4  }
0x11d: {  	[hbm:s12], [sflag:s10] =	dma.local [spmem:s14], $0x2F80  }
0x11e: {  	_ =	swait.ge [sflag:s15], $0x2F80  }
0x11f: {  	[sflag:s15] =	ssyncset.done $0x0  }
0x120: {  	[sflag:s15] =	ssyncadd.s32 $0xFFFFD080  }
0x121: {  	_ =	sfence.sel $0x180000  }
0x122: {  	[bflag:$0x0] =	sbarrier.arrive $0xFFFF  }
0x123: {  	p0 =	sne.s32 s2, $0x0;
	_ =	strace $0x9000004A  }
0x124: {  	s0 =	sadd.s32 @!p0 $0x100000, s0;
	[bflag:$0x2] =	sbarrier.arrive $0xFFFF  }
0x125: {  	[sflag:s0] =	ssyncadd.tile.s32 @!p0 $0x1;
	_ =	shalt  }
.Lfunc_end2:
_tile_overlayer_lowered:
.L_overlay_start_2:
0x126: {  	(tag) =	ssettag $0x2  }
0x127: {  	s0 =	rddreg [dreg:$0x0];
	s2 =	stileid.u32  }
0x128: {  	s1 =	rddreg [dreg:$0x1];
	p0 =	sne.s32 s2, $0x0  }
0x129: {  	s3 =	rddreg [dreg:$0x2];
	[bflag:$0x3] =	sbarrier.arrive $0xFFFF;
	s2 =	simm.s32 @!p0 $0x1C02  }
0x12a: {  	[timem:s3], [sflag:s2] =	dma.local @!p0 [hbm:s0], s1  }
0x12b: {  	s0 =	simm.s32 @!p0 $0x2  }
0x12c: {  	_ =	swait.ge @!p0 [sflag:s0], s1  }
0x12d: {  	s1 =	ssub.s32 @!p0 $0x0, s1;
	[sflag:s0] =	ssyncset.done @!p0 $0x0  }
0x12e: {  	[sflag:s0] =	ssyncadd.s32 @!p0 s1  }
0x12f: {  	[bflag:$0x3] =	sbarrier.arrive $0xFFFF  }
0x130: {  	_ =	shalt  }

// kernel: kernel.17.cloned.1.call-start
scs
__scs_entry_jumppad:
0x0: {  	(pc) =	sbr.rel $0x88, $3  }
0x1: {  	(tag) =	ssettag $0x0;
	lr =	simm.s32 $0x1  }
0x2: {  	[smem:$0x3F86] =	sst lr;
	_ =	strace $0xD0000000  }
0x3: {  	_ = 	snop  }
0x4: {  	_ = 	snop  }
0x5: {  	_ = 	snop  }
0x6: {  	_ = 	snop  }
0x7: {  	_ = 	snop  }
__scs_overlays_trampoline_lowered:
0x8: {  	[smem:$0x3F95] =	sst s0  }
0x9: {  	[smem:$0x3F96] =	sst s1  }
0xa: {  	[smem:$0x3F97] =	sst s2  }
0xb: {  	[smem:$0x3F98] =	sst s3  }
0xc: {  	[smem:$0x3F99] =	sst s4  }
0xd: {  	[smem:$0x3F9A] =	sst s5  }
0xe: {  	[smem:$0x3F9B] =	sst s6  }
0xf: {  	[smem:$0x3F9C] =	sst s7  }
0x10: {  	[smem:$0x3F9D] =	sst s8  }
0x11: {  	[smem:$0x3F9E] =	sst s9;
	s0 =	simm.s32 @!p0 $0x0  }
0x12: {  	s1 =	sld [smem:$0x3F84];
	s0 =	simm.s32 @p0 $0x1  }
0x13: {  	[smem:$0x3F9F] =	sst s0;
	s0 =	simm.s32 @!p1 $0x0  }
0x14: {  	s2 =	sld [smem:$0x3F83];
	s0 =	simm.s32 @p1 $0x1  }
0x15: {  	[smem:$0x3FA0] =	sst s0;
	s0 =	simm.s32 @!p2 $0x0  }
0x16: {  	s3 =	sld [smem:$0x3FDB];
	s0 =	simm.s32 @p2 $0x1  }
0x17: {  	s4 =	simm.s32 $0x1BF5;
	[smem:$0x3FA2] =	sst s0  }
0x18: {  	s0 =	sld [smem:$0x3F85];
	_ =	swait.ge [sflag:s4], $0x0  }
0x19: {  	s7 =	sld [smem:$0x3F86]  }
0x1a: {  	s8 =	sadd.s32 $0xFFFFE003, lr  }
0x1b: {  	s9 =	sadd.s32 $0xFFFFFEF7, lr;
	s5 =	simm.s32 $0xFFFFFFFF;
	p2 =	slt.u32 s8, $0xFFFFF086  }
0x1c: {  	p1 =	slt.u32 s9, $0xF7A;
	s5 =	simm.s32 @!p2 $0x0  }
0x1d: {  	s5 =	simm.s32 @p1 $0x1;
	p0 =	seq.s32 s7, s2  }
0x1e: {  	s7 =	smul.u32 @!p0 $0xF7A, s2;
	p2 =	seq.s32 @!p0 s5, $0x0  }
0x1f: {  	s9 =	smul.u32 $0xF7A, s1;
	s8 =	simm.s32 @!p0 $0x1BF5;
	p2 =	por !p2, p0  }
0x20: {  	[sflag:s8] =	ssyncset.s32 @!p0 $0xFFFFF086;
	s6 =	sadd.s32 @!p0 s3, s7;
	s7 =	simm.s32 @!p0 $0x108  }
0x21: {  	s3 =	sadd.s32 s3, s9;
	s6 =	sadd.s32 @!p0 $0x88, s6;
	s7 =	simm.s32 @p2 $0x1082  }
0x22: {  	[simem:s7], [sflag:s8] =	dma.local @!p0 [hbm:s6], $0xF7A  }
0x23: {  	s9 =	sor.u32 $0xD0000000, s2;
	s6 =	simm.s32 $0x108;
	_ =	swait.ge @!p0 [sflag:s8], $0x0  }
0x24: {  	s3 =	sadd.s32 $0x88, s3;
	s6 =	simm.s32 @!p1 $0x1082;
	[sflag:s4] =	ssyncset.s32 $0xFFFFF086  }
0x25: {  	[simem:s6], [sflag:s4] =	dma.local [hbm:s3], $0xF7A  }
0x26: {  	[smem:$0x3F86] =	sst s1;
	(tag) =	ssettag s2;
	_ =	strace s9  }
0x27: {  	s1 =	sld [smem:$0x3F96]  }
0x28: {  	s2 =	sld [smem:$0x3F97]  }
0x29: {  	s4 =	sld [smem:$0x3F99]  }
0x2a: {  	p0 =	seq.s32 s5, $0x0;
	s5 =	sld [smem:$0x3F9A]  }
0x2b: {  	s6 =	sld [smem:$0x3F9B]  }
0x2c: {  	s7 =	sld [smem:$0x3F9C]  }
0x2d: {  	s3 =	simm.s32 $0x108;
	s8 =	sld [smem:$0x3F9D]  }
0x2e: {  	s3 =	simm.s32 @!p0 $0x1082;
	s9 =	sld [smem:$0x3F9E]  }
0x2f: {  	lr =	sadd.s32 s0, s3;
	s0 =	sld [smem:$0x3F95]  }
0x30: {  	s3 =	sld [smem:$0x3F98]  }
0x31: {  	[smem:$0x3FA1] =	sst s10  }
0x32: {  	s10 =	sld [smem:$0x3F9F];
	_ =	sdelay $0x3  }
0x33: {  	p0 =	seq.s32 s10, $0x1;
	s10 =	sld [smem:$0x3FA1];
	_ =	sdelay $0x3  }
0x34: {  	[smem:$0x3FA1] =	sst s10  }
0x35: {  	s10 =	sld [smem:$0x3FA0];
	_ =	sdelay $0x3  }
0x36: {  	p1 =	seq.s32 s10, $0x1;
	s10 =	sld [smem:$0x3FA1];
	_ =	sdelay $0x3  }
0x37: {  	[smem:$0x3FA1] =	sst s10  }
0x38: {  	s10 =	sld [smem:$0x3FA2]  }
0x39: {  	_ = 	snop;
	(pc) =	sbr.ind lr, $3  }
0x3a: {  	_ = 	snop  }
0x3b: {  	_ = 	snop  }
0x3c: {  	p2 =	seq.s32 s10, $0x1;
	s10 =	sld [smem:$0x3FA1]  }
0x3d: {  	_ =	shalt  }
0x3e: {  	_ =	shalt  }
0x3f: {  	_ =	shalt  }
0x40: {  	_ =	shalt  }
0x41: {  	_ =	shalt  }
0x42: {  	_ =	shalt  }
0x43: {  	_ =	shalt  }
0x44: {  	_ =	shalt  }
0x45: {  	_ =	shalt  }
0x46: {  	_ =	shalt  }
0x47: {  	_ =	shalt  }
0x48: {  	_ =	shalt  }
0x49: {  	_ =	shalt  }
0x4a: {  	_ =	shalt  }
0x4b: {  	_ =	shalt  }
0x4c: {  	_ =	shalt  }
0x4d: {  	_ =	shalt  }
0x4e: {  	_ =	shalt  }
0x4f: {  	_ =	shalt  }
0x50: {  	_ =	shalt  }
0x51: {  	_ =	shalt  }
0x52: {  	_ =	shalt  }
0x53: {  	_ =	shalt  }
0x54: {  	_ =	shalt  }
0x55: {  	_ =	shalt  }
0x56: {  	_ =	shalt  }
0x57: {  	_ =	shalt  }
0x58: {  	_ =	shalt  }
0x59: {  	_ =	shalt  }
0x5a: {  	_ =	shalt  }
0x5b: {  	_ =	shalt  }
0x5c: {  	_ =	shalt  }
0x5d: {  	_ =	shalt  }
0x5e: {  	_ =	shalt  }
0x5f: {  	_ =	shalt  }
0x60: {  	_ =	shalt  }
0x61: {  	_ =	shalt  }
0x62: {  	_ =	shalt  }
0x63: {  	_ =	shalt  }
0x64: {  	_ =	shalt  }
0x65: {  	_ =	shalt  }
0x66: {  	_ =	shalt  }
0x67: {  	_ =	shalt  }
0x68: {  	_ =	shalt  }
0x69: {  	_ =	shalt  }
0x6a: {  	_ =	shalt  }
0x6b: {  	_ =	shalt  }
0x6c: {  	_ =	shalt  }
0x6d: {  	_ =	shalt  }
0x6e: {  	_ =	shalt  }
0x6f: {  	_ =	shalt  }
0x70: {  	_ =	shalt  }
0x71: {  	_ =	shalt  }
0x72: {  	_ =	shalt  }
0x73: {  	_ =	shalt  }
0x74: {  	_ =	shalt  }
0x75: {  	_ =	shalt  }
0x76: {  	_ =	shalt  }
0x77: {  	_ =	shalt  }
0x78: {  	_ =	shalt  }
0x79: {  	_ =	shalt  }
0x7a: {  	_ =	shalt  }
0x7b: {  	_ =	shalt  }
0x7c: {  	_ =	shalt  }
0x7d: {  	_ =	shalt  }
0x7e: {  	_ =	shalt  }
0x7f: {  	_ =	shalt  }
0x80: {  	_ =	shalt  }
0x81: {  	_ =	shalt  }
0x82: {  	_ =	shalt  }
0x83: {  	_ =	shalt  }
0x84: {  	_ =	shalt  }
0x85: {  	_ =	shalt  }
0x86: {  	_ =	shalt  }
0x87: {  	_ =	shalt  }
.Lfunc_end0:
.L_simem_size_0:
called_computation.2_lowered:
.L_overlay_start_0:
0x88: {  	s2 =	sld [smem:$0x3FD9]  }
0x89: {  	s3 =	sld [smem:$0x3FFE];
	_ =	sdelay $0x1  }
0x8a: {  	s1 =	srdreg.scid  }
0x8b: {  	s0 =	sand.u32 $0x1, s1  }
0x8c: {  	s17 =	sshll.u32 s0, $0xA;
	s2 =	sadd.s32 s3, s2  }
0x8d: {  	s2 =	sadd.s32 s2, s17  }
0x8e: {  	[smem:$0x3FAD] =	sst s2  }
0x8f: {  	_ = 	snop  }
0x90: {  	s2 =	sld [smem:$0x3FD0];
	(tm) =	ssettm $0x1  }
0x91: {  	s18 =	sld [smem:$0x3FFB];
	_ =	sdelay $0x3  }
0x92: {  	_ =	strace s18  }
0x93: {  	s3 =	sld [smem:$0x3FFC];
	_ =	sdelay $0x3  }
0x94: {  	_ =	strace s3  }
0x95: {  	s3 =	sld [smem:$0x3FFD];
	_ =	sdelay $0x3  }
0x96: {  	_ =	strace s3  }
0x97: {  	_ =	strace $0x8FFFFFFF  }
0x98: {  	s19 =	sld [smem:$0x3FDB];
	_ =	sdelay $0x1  }
0x99: {  	s4 =	simm.s32 $_scs_section_size  }
0x9a: {  	s5 =	simm.s32 $_size__tile_overlayer_lowered;
	s6 =	simm.s32 $_tile_overlayer_lowered  }
0x9b: {  	s22 =	simm.s32 $0x1BFF;
	s21 =	sshll.u32 s6, $0x1;
	s3 =	sadd.s32 s4, s19  }
0x9c: {  	s7 =	simm.s32 $0x0;
	s20 =	sshll.u32 s5, $0x1;
	s5 =	sadd.s32 s21, s3  }
0x9d: {  	[timem:s7], [sflag:s22] =	dma.local [hbm:s5], s20  }
0x9e: {  	_ =	swait.ge [sflag:s22], s20  }
0x9f: {  	s4 =	ssub.s32 $0x0, s20;
	[sflag:s22] =	ssyncset.done $0x0  }
0xa0: {  	[sflag:s22] =	ssyncadd.s32 s4;
	_ =	sdelay $0x1  }
0xa1: {  	s23 =	simm.s32 $0x1B8B  }
0xa2: {  	_ =	swait.ge [sflag:s23], $0x1  }
0xa3: {  	[sflag:s23] =	ssyncset.done $0x0  }
0xa4: {  	s25 =	simm.s32 $0x1B8E;
	s24 =	sld [smem:$0x3FFE];
	[sflag:s23] =	ssyncadd.s32 $0xFFFFFFFF  }
0xa5: {  	s26 =	simm.s32 $execute0_lowered;
	[smem:$0x3FD2] =	sst s25  }
0xa6: {  	s5 =	sshll.u32 s26, $0x1;
	_ =	strace $0x8000004C;
	[dreg:$0x1] =	wrdreg $0xFFFFFFFF  }
0xa7: {  	s28 =	simm.s32 $_size_execute0_lowered;
	s3 =	sadd.s32 s3, s5;
	[dreg:$0x0] =	wrdreg $0x0  }
0xa8: {  	s5 =	sshll.u32 s28, $0x1;
	[dreg:$0x2] =	wrdreg s3  }
0xa9: {  	[dreg:$0x3] =	wrdreg s5  }
0xaa: {  	[dreg:$0x4] =	wrdreg $0xC0  }
0xab: {  	_ =	task [dreg:s7], $0x5FFFF  }
0xac: {  	[dreg:$0x1] =	wrdreg $0xFFFFFFFF  }
0xad: {  	[dreg:$0x0] =	wrdreg $0x60  }
0xae: {  	[dreg:$0x2] =	wrdreg s24  }
0xaf: {  	[dreg:$0x3] =	wrdreg s2  }
0xb0: {  	[dreg:$0x4] =	wrdreg $0x9  }
0xb1: {  	_ =	task.clear_ibuf [dreg:s7], $0x5FFFF;
	_ =	strace $0x9000004C  }
0xb2: {  	s29 =	simm.s32 $0x9;
	_ =	strace $0x8000004E  }
0xb3: {  	_ =	swait.ge [sflag:s29], $0x1  }
0xb4: {  	[sflag:s29] =	ssyncadd.s32 $0xFFFFFFFF  }
0xb5: {  	_ =	strace $0x9000004E  }
0xb6: {  	_ =	sfence  }
0xb7: {  	s30 =	sld [smem:$0x0];
	_ =	sdelay $0x2  }
0xb8: {  	s31 =	sshll.u32 s1, $0xD;
	s1 =	sshrl.u32 s1, $0x2  }
0xb9: {  	s3 =	sand.u32 $0x4000, s31;
	s1 =	sadd.s32 s1, s30  }
0xba: {  	s0 =	sor.u32 s3, s0;
	s1 =	sshll.u32 s1, $0x11  }
0xbb: {  	s0 =	sor.u32 s1, s0  }
0xbc: {  	s0 =	sadd.s32 $0x8F2B, s0  }
0xbd: {  	[sflag:s0] =	ssyncadd.remote.s32 $0x1  }
0xbe: {  	_ =	sfence.sel $0xFFFF  }
0xbf: {  	[dreg:$0x0] =	wrdreg $0xFFFFFFFF;
	(pc) =	sbr.abs _section_cstart, $3  }
0xc0: {  	[dreg:$0x1] =	wrdreg $0xFFFFFFFF  }
0xc1: {  	_ =	task.clear_ibuf [dreg:s7], $0x2FFFF;
	_ =	strace $0x9FFFFFFF  }
0xc2: {  	(tm) =	ssettm $0x7FFFFFFF  }
0xc3: {  	_ =	shalt  }
tec
execute0_lowered:
.L_overlay_start_1:
0x0: {  	(tag) =	ssettag $0x1  }
0x1: {  	s9 =	rddreg [dreg:$0x0]  }
0x2: {  	s1 =	rddreg [dreg:$0x1]  }
0x3: {  	s0 =	rddreg [dreg:$0x2];
	s2 =	simm.s32 $0x0  }
0x4: {  	s5 =	srdreg.scid;
	s13 =	simm.s32 $0x50;
	s14 =	simm.s32 $0xA0  }
0x5: {  	s15 =	simm.s32 $0x28A0;
	s16 =	simm.s32 $0x50A0;
	s17 =	simm.s32 $0x55A0  }
0x6: {  	s18 =	simm.s32 $0x1;
	s19 =	simm.s32 $0x2;
	s20 =	simm.s32 $0x3  }
0x7: {  	s21 =	simm.s32 $0x5AA0;
	s22 =	simm.s32 $0x0;
	[smem:$0x7FF] =	sst s2  }
0x8: {  	s25 =	simm.s32 $0x0;
	s3 =	sadd.s32 $0x5C2400, s9;
	s4 =	sadd.s32 $0x598200, s9  }
0x9: {  	s6 =	sadd.s32 $0x610800, s9;
	s7 =	sadd.s32 $0x10000, s9;
	s8 =	sand.u32 $0x1, s5  }
0xa: {  	s5 =	stileid.u32;
	_ =	strace $0x8000004D;
	s10 =	ssub.s32 $0x2, s8  }
0xb: {  	s11 =	sshll.u32 s8, $0x4;
	s8 =	sadd.s32 $0x6200, s9;
	s12 =	sshrl.u32 s10, $0x1  }
0xc: {  	s9 =	sadd.s32 $0x4FBE00, s9;
	s11 =	sor.u32 s5, s11;
	s12 =	ssub.s32 s10, s12  }
0xd: {  	v0 =	vlaneseq.u32;
	s10 =	smul.u32 $0x2710, s11;
	s11 =	smax.u32 s12, $0x1;
	s12 =	simm.s32 $0x4  }
.LBB2_1:
0xe: {  	s23 =	simm.s32 $0x0  }
.LBB2_2:
0xf: {  	s24 =	smul.u32 $0x50, s23;
	_ =	sdelay $0x1  }
0x10: {  	s26 =	sadd.s32 s10, s24  }
0x11: {  	s24 =	sshrl.u32 s26, $0x3  }
0x12: {  	s28 =	sadd.s32 s7, s24  }
0x13: {  	[tilespmem:s25], [sflag:$0x4] =	stream.linear.gather [hbm4b:s28+s25], $0x50, $0x38;
	[tilespmem:$0x5AF0] =	vst v63  }
0x14: {  	_ =	swait.ge [sflag:s12], $0x50  }
0x15: {  	[sflag:s12] =	ssyncset.done $0x0  }
0x16: {  	s31 =	sadd.s32 s8, s24;
	[sflag:s12] =	ssyncadd.s32 $0xFFFFFFB0  }
0x17: {  	[tilespmem:s13], [sflag:$0x4] =	stream.linear.gather [hbm4b:s31+s25], $0x50, $0x38;
	[tilespmem:$0x5AF0] =	vst v63  }
0x18: {  	_ =	swait.ge [sflag:s12], $0x50  }
0x19: {  	[sflag:s12] =	ssyncset.done $0x0  }
0x1a: {  	[sflag:s12] =	ssyncadd.s32 $0xFFFFFFB0  }
0x1b: {  	[tilespmem:s14], [sflag:$0x1] =	stream.indirect.gather [hbm4b:s3+s13], $0x80, s13, s13, $0xb8;
	[tilespmem:$0x5AF0] =	vst v63  }
0x1c: {  	_ = 	snop  }
0x1d: {  	[tilespmem:s15], [sflag:$0x2] =	stream.indirect.gather [hbm4b:s4+s13], $0x80, s25, s13, $0xb8;
	[tilespmem:$0x5AF0] =	vst v63  }
0x1e: {  	s26 =	sshll.u32 s26, $0x1  }
0x1f: {  	[tilespmem:s16], [sflag:$0x3] =	stream.indirect.gather [hbm4b:s6+s13], $0x10, s13, s13, $0xb8;
	[tilespmem:$0x5AF0] =	vst v63  }
0x20: {  	s26 =	sadd.s32 s9, s26  }
0x21: {  	[tilespmem:s17], [sflag:$0x4] =	stream.linear.gather [hbm4b:s26+s25], $0x500, $0x38;
	[tilespmem:$0x5AF0] =	vst v63  }
0x22: {  	_ =	swait.ge [sflag:s12], $0x500  }
0x23: {  	[sflag:s12] =	ssyncset.done $0x0  }
0x24: {  	[sflag:s12] =	ssyncadd.s32 $0xFFFFFB00  }
0x25: {  	_ =	swait.ge [sflag:s18], $0x2800  }
0x26: {  	[sflag:s18] =	ssyncset.done $0x0  }
0x27: {  	[sflag:s18] =	ssyncadd.s32 $0xFFFFD800  }
0x28: {  	_ =	swait.ge [sflag:s19], $0x2800  }
0x29: {  	[sflag:s19] =	ssyncset.done $0x0  }
0x2a: {  	[sflag:s19] =	ssyncadd.s32 $0xFFFFD800  }
0x2b: {  	_ =	swait.ge [sflag:s20], $0x500  }
0x2c: {  	[sflag:s20] =	ssyncset.done $0x0  }
0x2d: {  	s26 =	simm.s32 $0x0;
	[sflag:s20] =	ssyncadd.s32 $0xFFFFFB00  }
.LBB2_3:
0x2e: {  	v1 =	vmov s25  }
0x2f: {  	v1 =	vshrl.u32 v1, $0x3  }
0x30: {  	s28 =	sshll.u32 s26, $0x4;
	v2 =	vshll.u32 v1, $0x3  }
0x31: {  	v1 =	vor.u32 s28, v0;
	v10 =	vbroadcast v2, $0x0  }
0x32: {  	v9 =	vshll.u32 v1, $0x7  }
0x33: {  	v2 =	vor.u32 v9, v10  }
0x34: {  	v8 =	vor.u32 $0x1, v9  }
0x35: {  	v3 =	vadd.s32 v8, v10  }
0x36: {  	v7 =	vor.u32 $0x2, v9  }
0x37: {  	v14 =	vadd.s32 v7, v10  }
0x38: {  	v5 =	vor.u32 $0x3, v9;
	v17 =	vld.idx.msk [tilespmem:v2+s14+$0x0], $0xffff  }
0x39: {  	v23 =	vadd.s32 v5, v10;
	v19 =	vld.idx.msk [tilespmem:v2+s15+$0x0], $0xffff  }
0x3a: {  	v6 =	vor.u32 $0x4, v9;
	v12 =	vld.idx.msk [tilespmem:v3+s14+$0x0], $0xffff  }
0x3b: {  	s29 =	simm.s32 $0x8;
	v18 =	vadd.s32 v6, v10;
	v13 =	vld.idx.msk [tilespmem:v3+s15+$0x0], $0xffff  }
0x3c: {  	v16 =	vmov s29;
	v4 =	vor.u32 $0x5, v9;
	v11 =	vld.idx.msk [tilespmem:v14+s14+$0x0], $0xffff  }
0x3d: {  	v21 =	vshrl.u32 v16, $0x3;
	v16 =	vadd.s32 v4, v10;
	v15 =	vld.idx.msk [tilespmem:v14+s15+$0x0], $0xffff  }
0x3e: {  	v20 =	vimm.f32 $0.0e+00;
	v21 =	vshll.u32 v21, $0x3;
	v3 =	vor.u32 $0x6, v9;
	v14 =	vld.idx.msk [tilespmem:v23+s14+$0x0], $0xffff  }
0x3f: {  	s29 =	simm.s32 $0x10;
	v2 =	vor.u32 $0x7, v9;
	v22 =	vmul.f32 v19, v17;
	v19 =	vld.idx.msk [tilespmem:v23+s15+$0x0], $0xffff;
	v17 =	vadd.s32 v3, v10  }
.LBB2_4:
0x40: {  	p0 =	sne.s32 s29, $0x78;
	v21 =	vbroadcast v21, $0x0;
	v23 =	vld.idx.msk [tilespmem:v18+s14+$0x0], $0xffff  }
0x41: {  	v12 =	vmul.f32 v13, v12;
	v20 =	vadd.f32 v22, v20;
	v13 =	vld.idx.msk [tilespmem:v18+s15+$0x0], $0xffff;
	v18 =	vadd.s32 v2, v10  }
0x42: {  	v22 =	vld.idx.msk [tilespmem:v16+s14+$0x0], $0xffff;
	v10 =	vmov v21  }
0x43: {  	v11 =	vmul.f32 v15, v11;
	v21 =	vor.u32 v9, v10;
	v12 =	vadd.f32 v12, v20;
	v15 =	vld.idx.msk [tilespmem:v16+s15+$0x0], $0xffff  }
0x44: {  	v16 =	vld.idx.msk [tilespmem:v17+s14+$0x0], $0xffff  }
0x45: {  	v20 =	vadd.s32 v8, v10;
	v11 =	vadd.f32 v11, v12;
	v12 =	vmul.f32 v19, v14;
	v14 =	vld.idx.msk [tilespmem:v17+s15+$0x0], $0xffff  }
0x46: {  	v17 =	vld.idx.msk [tilespmem:v18+s14+$0x0], $0xffff  }
0x47: {  	v19 =	vadd.s32 v7, v10;
	v11 =	vadd.f32 v12, v11;
	v12 =	vmul.f32 v13, v23;
	v23 =	vld.idx.msk [tilespmem:v18+s15+$0x0], $0xffff  }
0x48: {  	v24 =	vld.idx.msk [tilespmem:v21+s14+$0x0], $0xffff  }
0x49: {  	v26 =	vadd.s32 v5, v10;
	v15 =	vmul.f32 v15, v22;
	v25 =	vld.idx.msk [tilespmem:v21+s15+$0x0], $0xffff;
	v11 =	vadd.f32 v12, v11  }
0x4a: {  	v21 =	vmov s29;
	v12 =	vld.idx.msk [tilespmem:v20+s14+$0x0], $0xffff  }
.Ltmp0:
0x4b: {  	v18 =	vadd.s32 v6, v10;
	v14 =	vmul.f32 v14, v16;
	v13 =	vld.idx.msk [tilespmem:v20+s15+$0x0], $0xffff;
	v20 =	vadd.f32 v15, v11;
	(pc) =	sbr.rel @p0 .LBB2_4-.Ltmp0, $4  }
0x4c: {  	v21 =	vshrl.u32 v21, $0x3;
	v11 =	vld.idx.msk [tilespmem:v19+s14+$0x0], $0xffff  }
0x4d: {  	v16 =	vadd.s32 v4, v10;
	v23 =	vmul.f32 v23, v17;
	v15 =	vld.idx.msk [tilespmem:v19+s15+$0x0], $0xffff;
	v20 =	vadd.f32 v14, v20  }
0x4e: {  	v21 =	vshll.u32 v21, $0x3;
	v14 =	vld.idx.msk [tilespmem:v26+s14+$0x0], $0xffff  }
0x4f: {  	s29 =	sadd.s32 $0x8, s29;
	v17 =	vadd.s32 v3, v10;
	v22 =	vmul.f32 v25, v24;
	v19 =	vld.idx.msk [tilespmem:v26+s15+$0x0], $0xffff;
	v20 =	vadd.f32 v23, v20  }
0x50: {  	_ =	sdelay $0x3  }
0x51: {  	v23 =	vld.idx.msk [tilespmem:v18+s14+$0x0], $0xffff;
	v12 =	vmul.f32 v13, v12;
	v20 =	vadd.f32 v22, v20  }
0x52: {  	v50 =	vbroadcast v21, $0x0;
	v51 =	vld.idx.msk [tilespmem:v18+s15+$0x0], $0xffff;
	v10 =	vadd.s32 v2, v10  }
0x53: {  	v52 =	vld.idx.msk [tilespmem:v16+s14+$0x0], $0xffff;
	v11 =	vmul.f32 v15, v11;
	v12 =	vadd.f32 v12, v20  }
0x54: {  	v53 =	vld.idx.msk [tilespmem:v16+s15+$0x0], $0xffff;
	v9 =	vor.u32 v9, v50  }
0x55: {  	v54 =	vld.idx.msk [tilespmem:v17+s14+$0x0], $0xffff;
	v55 =	vmul.f32 v19, v14;
	v11 =	vadd.f32 v11, v12  }
0x56: {  	v56 =	vld.idx.msk [tilespmem:v17+s15+$0x0], $0xffff;
	v8 =	vadd.s32 v8, v50  }
0x57: {  	v57 =	vld.idx.msk [tilespmem:v10+s14+$0x0], $0xffff;
	v58 =	vmul.f32 v51, v23;
	v11 =	vadd.f32 v55, v11  }
0x58: {  	v7 =	vadd.s32 v7, v50;
	v10 =	vld.idx.msk [tilespmem:v10+s15+$0x0], $0xffff  }
0x59: {  	v60 =	vmul.f32 v53, v52;
	v59 =	vld.idx.msk [tilespmem:v9+s14+$0x0], $0xffff;
	v11 =	vadd.f32 v58, v11  }
0x5a: {  	v5 =	vadd.s32 v5, v50;
	v9 =	vld.idx.msk [tilespmem:v9+s15+$0x0], $0xffff  }
0x5b: {  	v62 =	vmul.f32 v56, v54;
	v61 =	vld.idx.msk [tilespmem:v8+s14+$0x0], $0xffff;
	v11 =	vadd.f32 v60, v11  }
0x5c: {  	v6 =	vadd.s32 v6, v50;
	v8 =	vld.idx.msk [tilespmem:v8+s15+$0x0], $0xffff  }
0x5d: {  	v63 =	vld.idx.msk [tilespmem:v7+s14+$0x0], $0xffff;
	v10 =	vmul.f32 v10, v57;
	v11 =	vadd.f32 v62, v11  }
0x5e: {  	v4 =	vadd.s32 v4, v50;
	v7 =	vld.idx.msk [tilespmem:v7+s15+$0x0], $0xffff  }
0x5f: {  	v16 =	vld.idx.msk [tilespmem:v5+s14+$0x0], $0xffff;
	v9 =	vmul.f32 v9, v59;
	v10 =	vadd.f32 v10, v11  }
0x60: {  	v3 =	vadd.s32 v3, v50;
	v5 =	vld.idx.msk [tilespmem:v5+s15+$0x0], $0xffff  }
0x61: {  	v17 =	vld.idx.msk [tilespmem:v6+s14+$0x0], $0xffff;
	v8 =	vmul.f32 v8, v61;
	v9 =	vadd.f32 v9, v10  }
0x62: {  	v2 =	vadd.s32 v2, v50;
	v6 =	vld.idx.msk [tilespmem:v6+s15+$0x0], $0xffff  }
0x63: {  	v18 =	vld.idx.msk [tilespmem:v4+s14+$0x0], $0xffff;
	v7 =	vmul.f32 v7, v63;
	v8 =	vadd.f32 v8, v9  }
0x64: {  	v1 =	vshll.u32 v1, $0x4;
	v4 =	vld.idx.msk [tilespmem:v4+s15+$0x0], $0xffff  }
0x65: {  	v19 =	vld.idx.msk [tilespmem:v3+s14+$0x0], $0xffff;
	v5 =	vmul.f32 v5, v16;
	v7 =	vadd.f32 v7, v8  }
0x66: {  	v20 =	vor.u32 $0x1, v1;
	v3 =	vld.idx.msk [tilespmem:v3+s15+$0x0], $0xffff  }
0x67: {  	v21 =	vld.idx.msk [tilespmem:v2+s14+$0x0], $0xffff;
	v6 =	vmul.f32 v6, v17;
	v5 =	vadd.f32 v5, v7  }
0x68: {  	v22 =	vor.u32 $0x2, v1;
	v2 =	vld.idx.msk [tilespmem:v2+s15+$0x0], $0xffff  }
0x69: {  	v23 =	vld.idx.msk [tilespmem:v1+s16+$0x0], $0xffff;
	v4 =	vmul.f32 v4, v18;
	v5 =	vadd.f32 v6, v5  }
0x6a: {  	v25 =	vor.u32 $0x3, v1;
	v24 =	vld.idx.msk [tilespmem:v1+s17+$0x0], $0xffff  }
0x6b: {  	v26 =	vld.idx.msk [tilespmem:v20+s16+$0x0], $0xffff;
	v3 =	vmul.f32 v3, v19;
	v4 =	vadd.f32 v4, v5  }
0x6c: {  	v27 =	vor.u32 $0x4, v1;
	v8 =	vld.idx.msk [tilespmem:v20+s17+$0x0], $0xffff  }
0x6d: {  	v28 =	vld.idx.msk [tilespmem:v22+s16+$0x0], $0xffff;
	v2 =	vmul.f32 v2, v21;
	v3 =	vadd.f32 v3, v4  }
0x6e: {  	v29 =	vor.u32 $0x5, v1;
	v7 =	vld.idx.msk [tilespmem:v22+s17+$0x0], $0xffff  }
0x6f: {  	v30 =	vld.idx.msk [tilespmem:v25+s16+$0x0], $0xffff;
	v2 =	vadd.f32 v2, v3;
	v3 =	vmul.f32 v24, v23  }
0x70: {  	v32 =	vor.u32 $0x6, v1;
	v31 =	vld.idx.msk [tilespmem:v25+s17+$0x0], $0xffff  }
0x71: {  	v33 =	vld.idx.msk [tilespmem:v27+s16+$0x0], $0xffff;
	v2 =	vadd.f32 v3, v2;
	v3 =	vmul.f32 v8, v26  }
0x72: {  	v35 =	vor.u32 $0x7, v1;
	v34 =	vld.idx.msk [tilespmem:v27+s17+$0x0], $0xffff  }
0x73: {  	v36 =	vld.idx.msk [tilespmem:v29+s16+$0x0], $0xffff;
	v2 =	vadd.f32 v3, v2;
	v3 =	vmul.f32 v7, v28  }
0x74: {  	v38 =	vor.u32 $0x8, v1;
	v37 =	vld.idx.msk [tilespmem:v29+s17+$0x0], $0xffff  }
0x75: {  	v39 =	vld.idx.msk [tilespmem:v32+s16+$0x0], $0xffff;
	v2 =	vadd.f32 v3, v2;
	v3 =	vmul.f32 v31, v30  }
0x76: {  	v41 =	vor.u32 $0x9, v1;
	v40 =	vld.idx.msk [tilespmem:v32+s17+$0x0], $0xffff  }
0x77: {  	v42 =	vld.idx.msk [tilespmem:v35+s16+$0x0], $0xffff;
	v2 =	vadd.f32 v3, v2;
	v3 =	vmul.f32 v34, v33  }
0x78: {  	v44 =	vor.u32 $0xA, v1;
	v43 =	vld.idx.msk [tilespmem:v35+s17+$0x0], $0xffff  }
0x79: {  	v45 =	vld.idx.msk [tilespmem:v38+s16+$0x0], $0xffff;
	v2 =	vadd.f32 v3, v2;
	v3 =	vmul.f32 v37, v36  }
0x7a: {  	v47 =	vor.u32 $0xB, v1;
	v46 =	vld.idx.msk [tilespmem:v38+s17+$0x0], $0xffff  }
0x7b: {  	v48 =	vld.idx.msk [tilespmem:v41+s16+$0x0], $0xffff;
	v2 =	vadd.f32 v3, v2;
	v3 =	vmul.f32 v40, v39  }
0x7c: {  	v50 =	vor.u32 $0xC, v1;
	v49 =	vld.idx.msk [tilespmem:v41+s17+$0x0], $0xffff  }
0x7d: {  	v51 =	vld.idx.msk [tilespmem:v44+s16+$0x0], $0xffff;
	v2 =	vadd.f32 v3, v2;
	v3 =	vmul.f32 v43, v42  }
0x7e: {  	v53 =	vor.u32 $0xD, v1;
	v52 =	vld.idx.msk [tilespmem:v44+s17+$0x0], $0xffff  }
0x7f: {  	v54 =	vld.idx.msk [tilespmem:v47+s16+$0x0], $0xffff;
	v2 =	vadd.f32 v3, v2;
	v3 =	vmul.f32 v46, v45  }
0x80: {  	v56 =	vor.u32 $0xE, v1;
	v55 =	vld.idx.msk [tilespmem:v47+s17+$0x0], $0xffff  }
0x81: {  	v58 =	vld.idx.msk [tilespmem:v50+s17+$0x0], $0xffff;
	v2 =	vadd.f32 v3, v2;
	v3 =	vmul.f32 v49, v48  }
0x82: {  	v1 =	vor.u32 $0xF, v1;
	v57 =	vld.idx.msk [tilespmem:v50+s16+$0x0], $0xffff  }
0x83: {  	v60 =	vld.idx.msk [tilespmem:v53+s17+$0x0], $0xffff;
	v2 =	vadd.f32 v3, v2;
	v3 =	vmul.f32 v52, v51  }
0x84: {  	v59 =	vld.idx.msk [tilespmem:v53+s16+$0x0], $0xffff  }
0x85: {  	v61 =	vld.idx.msk [tilespmem:v56+s16+$0x0], $0xffff;
	v2 =	vadd.f32 v3, v2;
	v3 =	vmul.f32 v55, v54  }
0x86: {  	v62 =	vld.idx.msk [tilespmem:v56+s17+$0x0], $0xffff  }
0x87: {  	v63 =	vld.idx.msk [tilespmem:v1+s16+$0x0], $0xffff;
	v2 =	vadd.f32 v3, v2;
	v3 =	vmul.f32 v58, v57  }
0x88: {  	v1 =	vld.idx.msk [tilespmem:v1+s17+$0x0], $0xffff  }
0x89: {  	v2 =	vadd.f32 v3, v2;
	v3 =	vmul.f32 v60, v59;
	_ =	sdelay $0x1  }
0x8a: {  	v2 =	vadd.f32 v3, v2;
	v3 =	vmul.f32 v62, v61;
	_ =	sdelay $0x1  }
0x8b: {  	v1 =	vmul.f32 v1, v63;
	v2 =	vadd.f32 v3, v2;
	_ =	sdelay $0x1  }
0x8c: {  	v1 =	vadd.f32 v1, v2;
	_ =	sdelay $0x1  }
0x8d: {  	v1 =	vmul.f32 $8.838834610e-02, v1;
	_ =	sdelay $0x1  }
0x8e: {  	v1 =	vmul.f32 $1.442695020e+00, v1;
	_ =	sdelay $0x1  }
0x8f: {  	(erf) = vpow2.f32 v1;
	_ =	sdelay $0x3  }
0x90: {  	s26 =	sadd.s32 $0x1, s26  }
0x91: {  	p0 =	sne.s32 s26, $0x5  }
.Ltmp1:
0x92: {  	_ = 	snop;
	(pc) =	sbr.rel @p0 .LBB2_3-.Ltmp1, $3  }
0x93: {  	_ =	sdelay $0x1  }
0x94: {  	v1 =	vpop (erf)  }
0x95: {  	[tilespmem:s28+$0x5AA0] =	vst v1  }
0x96: {  	s23 =	sadd.s32 $0x1, s23  }
0x97: {  	p0 =	sne.s32 s23, $0x7D  }
.Ltmp2:
0x98: {  	s24 =	sadd.s32 s1, s24;
	(pc) =	sbr.rel @p0 .LBB2_2-.Ltmp2, $4  }
0x99: {  	[hbm4b:s24+s2] =	stream.linear.scatter [tilespmem:s21], [sflag:$0x4], $0x50, $0x38;
	[tilespmem:$0x5AF0] =	vst v63  }
0x9a: {  	_ =	swait.ge [sflag:s12], $0x50  }
0x9b: {  	[sflag:s12] =	ssyncset.done $0x0  }
0x9c: {  	[sflag:s12] =	ssyncadd.s32 $0xFFFFFFB0  }
0x9d: {  	s22 =	sadd.s32 $0x1, s22  }
0x9e: {  	p0 =	sne.s32 s22, s11  }
.Ltmp3:
0x9f: {  	_ = 	snop;
	(pc) =	sbr.rel @p0 .LBB2_1-.Ltmp3, $1  }
0xa0: {  	_ =	sdelay $0x3  }
0xa1: {  	_ =	sfence.sel $0x180000  }
0xa2: {  	[bflag:$0x0] =	sbarrier.arrive $0xFFFF  }
0xa3: {  	p0 =	sne.s32 s5, $0x0;
	_ =	strace $0x9000004D  }
0xa4: {  	s0 =	sadd.s32 @!p0 $0x100000, s0;
	[bflag:$0x2] =	sbarrier.arrive $0xFFFF  }
0xa5: {  	[sflag:s0] =	ssyncadd.tile.s32 @!p0 $0x1;
	_ =	shalt  }
.Lfunc_end2:
_tile_overlayer_lowered:
.L_overlay_start_2:
0xa6: {  	(tag) =	ssettag $0x2  }
0xa7: {  	s0 =	rddreg [dreg:$0x0];
	s2 =	stileid.u32  }
0xa8: {  	s1 =	rddreg [dreg:$0x1];
	p0 =	sne.s32 s2, $0x0  }
0xa9: {  	s3 =	rddreg [dreg:$0x2];
	[bflag:$0x3] =	sbarrier.arrive $0xFFFF;
	s2 =	simm.s32 @!p0 $0x1C04  }
0xaa: {  	[timem:s3], [sflag:s2] =	dma.local @!p0 [hbm:s0], s1  }
0xab: {  	s0 =	simm.s32 @!p0 $0x4  }
0xac: {  	_ =	swait.ge @!p0 [sflag:s0], s1  }
0xad: {  	s1 =	ssub.s32 @!p0 $0x0, s1;
	[sflag:s0] =	ssyncset.done @!p0 $0x0  }
0xae: {  	[sflag:s0] =	ssyncadd.s32 @!p0 s1  }
0xaf: {  	[bflag:$0x3] =	sbarrier.arrive $0xFFFF  }
0xb0: {  	_ =	shalt  }

// kernel: kernel.20.cloned.1.call-start
scs
__scs_entry_jumppad:
0x0: {  	(pc) =	sbr.rel $0x88, $3  }
0x1: {  	(tag) =	ssettag $0x0;
	lr =	simm.s32 $0x1  }
0x2: {  	[smem:$0x3F86] =	sst lr;
	_ =	strace $0xD0000000  }
0x3: {  	_ = 	snop  }
0x4: {  	_ = 	snop  }
0x5: {  	_ = 	snop  }
0x6: {  	_ = 	snop  }
0x7: {  	_ = 	snop  }
__scs_overlays_trampoline_lowered:
0x8: {  	[smem:$0x3F95] =	sst s0  }
0x9: {  	[smem:$0x3F96] =	sst s1  }
0xa: {  	[smem:$0x3F97] =	sst s2  }
0xb: {  	[smem:$0x3F98] =	sst s3  }
0xc: {  	[smem:$0x3F99] =	sst s4  }
0xd: {  	[smem:$0x3F9A] =	sst s5  }
0xe: {  	[smem:$0x3F9B] =	sst s6  }
0xf: {  	[smem:$0x3F9C] =	sst s7  }
0x10: {  	[smem:$0x3F9D] =	sst s8  }
0x11: {  	[smem:$0x3F9E] =	sst s9;
	s0 =	simm.s32 @!p0 $0x0  }
0x12: {  	s1 =	sld [smem:$0x3F84];
	s0 =	simm.s32 @p0 $0x1  }
0x13: {  	[smem:$0x3F9F] =	sst s0;
	s0 =	simm.s32 @!p1 $0x0  }
0x14: {  	s2 =	sld [smem:$0x3F83];
	s0 =	simm.s32 @p1 $0x1  }
0x15: {  	[smem:$0x3FA0] =	sst s0;
	s0 =	simm.s32 @!p2 $0x0  }
0x16: {  	s3 =	sld [smem:$0x3FDB];
	s0 =	simm.s32 @p2 $0x1  }
0x17: {  	s4 =	simm.s32 $0x1BF5;
	[smem:$0x3FA2] =	sst s0  }
0x18: {  	s0 =	sld [smem:$0x3F85];
	_ =	swait.ge [sflag:s4], $0x0  }
0x19: {  	s7 =	sld [smem:$0x3F86]  }
0x1a: {  	s8 =	sadd.s32 $0xFFFFE003, lr  }
0x1b: {  	s9 =	sadd.s32 $0xFFFFFEF7, lr;
	s5 =	simm.s32 $0xFFFFFFFF;
	p2 =	slt.u32 s8, $0xFFFFF086  }
0x1c: {  	p1 =	slt.u32 s9, $0xF7A;
	s5 =	simm.s32 @!p2 $0x0  }
0x1d: {  	s5 =	simm.s32 @p1 $0x1;
	p0 =	seq.s32 s7, s2  }
0x1e: {  	s7 =	smul.u32 @!p0 $0xF7A, s2;
	p2 =	seq.s32 @!p0 s5, $0x0  }
0x1f: {  	s9 =	smul.u32 $0xF7A, s1;
	s8 =	simm.s32 @!p0 $0x1BF5;
	p2 =	por !p2, p0  }
0x20: {  	[sflag:s8] =	ssyncset.s32 @!p0 $0xFFFFF086;
	s6 =	sadd.s32 @!p0 s3, s7;
	s7 =	simm.s32 @!p0 $0x108  }
0x21: {  	s3 =	sadd.s32 s3, s9;
	s6 =	sadd.s32 @!p0 $0x88, s6;
	s7 =	simm.s32 @p2 $0x1082  }
0x22: {  	[simem:s7], [sflag:s8] =	dma.local @!p0 [hbm:s6], $0xF7A  }
0x23: {  	s9 =	sor.u32 $0xD0000000, s2;
	s6 =	simm.s32 $0x108;
	_ =	swait.ge @!p0 [sflag:s8], $0x0  }
0x24: {  	s3 =	sadd.s32 $0x88, s3;
	s6 =	simm.s32 @!p1 $0x1082;
	[sflag:s4] =	ssyncset.s32 $0xFFFFF086  }
0x25: {  	[simem:s6], [sflag:s4] =	dma.local [hbm:s3], $0xF7A  }
0x26: {  	[smem:$0x3F86] =	sst s1;
	(tag) =	ssettag s2;
	_ =	strace s9  }
0x27: {  	s1 =	sld [smem:$0x3F96]  }
0x28: {  	s2 =	sld [smem:$0x3F97]  }
0x29: {  	s4 =	sld [smem:$0x3F99]  }
0x2a: {  	p0 =	seq.s32 s5, $0x0;
	s5 =	sld [smem:$0x3F9A]  }
0x2b: {  	s6 =	sld [smem:$0x3F9B]  }
0x2c: {  	s7 =	sld [smem:$0x3F9C]  }
0x2d: {  	s3 =	simm.s32 $0x108;
	s8 =	sld [smem:$0x3F9D]  }
0x2e: {  	s3 =	simm.s32 @!p0 $0x1082;
	s9 =	sld [smem:$0x3F9E]  }
0x2f: {  	lr =	sadd.s32 s0, s3;
	s0 =	sld [smem:$0x3F95]  }
0x30: {  	s3 =	sld [smem:$0x3F98]  }
0x31: {  	[smem:$0x3FA1] =	sst s10  }
0x32: {  	s10 =	sld [smem:$0x3F9F];
	_ =	sdelay $0x3  }
0x33: {  	p0 =	seq.s32 s10, $0x1;
	s10 =	sld [smem:$0x3FA1];
	_ =	sdelay $0x3  }
0x34: {  	[smem:$0x3FA1] =	sst s10  }
0x35: {  	s10 =	sld [smem:$0x3FA0];
	_ =	sdelay $0x3  }
0x36: {  	p1 =	seq.s32 s10, $0x1;
	s10 =	sld [smem:$0x3FA1];
	_ =	sdelay $0x3  }
0x37: {  	[smem:$0x3FA1] =	sst s10  }
0x38: {  	s10 =	sld [smem:$0x3FA2]  }
0x39: {  	_ = 	snop;
	(pc) =	sbr.ind lr, $3  }
0x3a: {  	_ = 	snop  }
0x3b: {  	_ = 	snop  }
0x3c: {  	p2 =	seq.s32 s10, $0x1;
	s10 =	sld [smem:$0x3FA1]  }
0x3d: {  	_ =	shalt  }
0x3e: {  	_ =	shalt  }
0x3f: {  	_ =	shalt  }
0x40: {  	_ =	shalt  }
0x41: {  	_ =	shalt  }
0x42: {  	_ =	shalt  }
0x43: {  	_ =	shalt  }
0x44: {  	_ =	shalt  }
0x45: {  	_ =	shalt  }
0x46: {  	_ =	shalt  }
0x47: {  	_ =	shalt  }
0x48: {  	_ =	shalt  }
0x49: {  	_ =	shalt  }
0x4a: {  	_ =	shalt  }
0x4b: {  	_ =	shalt  }
0x4c: {  	_ =	shalt  }
0x4d: {  	_ =	shalt  }
0x4e: {  	_ =	shalt  }
0x4f: {  	_ =	shalt  }
0x50: {  	_ =	shalt  }
0x51: {  	_ =	shalt  }
0x52: {  	_ =	shalt  }
0x53: {  	_ =	shalt  }
0x54: {  	_ =	shalt  }
0x55: {  	_ =	shalt  }
0x56: {  	_ =	shalt  }
0x57: {  	_ =	shalt  }
0x58: {  	_ =	shalt  }
0x59: {  	_ =	shalt  }
0x5a: {  	_ =	shalt  }
0x5b: {  	_ =	shalt  }
0x5c: {  	_ =	shalt  }
0x5d: {  	_ =	shalt  }
0x5e: {  	_ =	shalt  }
0x5f: {  	_ =	shalt  }
0x60: {  	_ =	shalt  }
0x61: {  	_ =	shalt  }
0x62: {  	_ =	shalt  }
0x63: {  	_ =	shalt  }
0x64: {  	_ =	shalt  }
0x65: {  	_ =	shalt  }
0x66: {  	_ =	shalt  }
0x67: {  	_ =	shalt  }
0x68: {  	_ =	shalt  }
0x69: {  	_ =	shalt  }
0x6a: {  	_ =	shalt  }
0x6b: {  	_ =	shalt  }
0x6c: {  	_ =	shalt  }
0x6d: {  	_ =	shalt  }
0x6e: {  	_ =	shalt  }
0x6f: {  	_ =	shalt  }
0x70: {  	_ =	shalt  }
0x71: {  	_ =	shalt  }
0x72: {  	_ =	shalt  }
0x73: {  	_ =	shalt  }
0x74: {  	_ =	shalt  }
0x75: {  	_ =	shalt  }
0x76: {  	_ =	shalt  }
0x77: {  	_ =	shalt  }
0x78: {  	_ =	shalt  }
0x79: {  	_ =	shalt  }
0x7a: {  	_ =	shalt  }
0x7b: {  	_ =	shalt  }
0x7c: {  	_ =	shalt  }
0x7d: {  	_ =	shalt  }
0x7e: {  	_ =	shalt  }
0x7f: {  	_ =	shalt  }
0x80: {  	_ =	shalt  }
0x81: {  	_ =	shalt  }
0x82: {  	_ =	shalt  }
0x83: {  	_ =	shalt  }
0x84: {  	_ =	shalt  }
0x85: {  	_ =	shalt  }
0x86: {  	_ =	shalt  }
0x87: {  	_ =	shalt  }
.Lfunc_end0:
.L_simem_size_0:
called_computation.3_lowered:
.L_overlay_start_0:
0x88: {  	s2 =	sld [smem:$0x3FD9]  }
0x89: {  	s3 =	sld [smem:$0x3FFE];
	_ =	sdelay $0x1  }
0x8a: {  	s1 =	srdreg.scid  }
0x8b: {  	s0 =	sand.u32 $0x1, s1  }
0x8c: {  	s17 =	sshll.u32 s0, $0xA;
	s2 =	sadd.s32 s3, s2  }
0x8d: {  	s2 =	sadd.s32 s2, s17  }
0x8e: {  	[smem:$0x3FAD] =	sst s2  }
0x8f: {  	_ = 	snop  }
0x90: {  	s2 =	sld [smem:$0x3FD0];
	(tm) =	ssettm $0x1  }
0x91: {  	s18 =	sld [smem:$0x3FFB];
	_ =	sdelay $0x3  }
0x92: {  	_ =	strace s18  }
0x93: {  	s3 =	sld [smem:$0x3FFC];
	_ =	sdelay $0x3  }
0x94: {  	_ =	strace s3  }
0x95: {  	s3 =	sld [smem:$0x3FFD];
	_ =	sdelay $0x3  }
0x96: {  	_ =	strace s3  }
0x97: {  	_ =	strace $0x8FFFFFFF  }
0x98: {  	s19 =	sld [smem:$0x3FDB];
	_ =	sdelay $0x1  }
0x99: {  	s4 =	simm.s32 $_scs_section_size  }
0x9a: {  	s5 =	simm.s32 $_size__tile_overlayer_lowered;
	s6 =	simm.s32 $_tile_overlayer_lowered  }
0x9b: {  	s22 =	simm.s32 $0x1BFF;
	s21 =	sshll.u32 s6, $0x1;
	s3 =	sadd.s32 s4, s19  }
0x9c: {  	s7 =	simm.s32 $0x0;
	s20 =	sshll.u32 s5, $0x1;
	s5 =	sadd.s32 s21, s3  }
0x9d: {  	[timem:s7], [sflag:s22] =	dma.local [hbm:s5], s20  }
0x9e: {  	_ =	swait.ge [sflag:s22], s20  }
0x9f: {  	s4 =	ssub.s32 $0x0, s20;
	[sflag:s22] =	ssyncset.done $0x0  }
0xa0: {  	[sflag:s22] =	ssyncadd.s32 s4;
	_ =	sdelay $0x1  }
0xa1: {  	s23 =	simm.s32 $0x1B8B  }
0xa2: {  	_ =	swait.ge [sflag:s23], $0x1  }
0xa3: {  	[sflag:s23] =	ssyncset.done $0x0  }
0xa4: {  	s25 =	simm.s32 $0x1B8E;
	s24 =	sld [smem:$0x3FFE];
	[sflag:s23] =	ssyncadd.s32 $0xFFFFFFFF  }
0xa5: {  	s26 =	simm.s32 $execute0_lowered;
	[smem:$0x3FD2] =	sst s25  }
0xa6: {  	s5 =	sshll.u32 s26, $0x1;
	_ =	strace $0x8000004F;
	[dreg:$0x1] =	wrdreg $0xFFFFFFFF  }
0xa7: {  	s28 =	simm.s32 $_size_execute0_lowered;
	s3 =	sadd.s32 s3, s5;
	[dreg:$0x0] =	wrdreg $0x0  }
0xa8: {  	s5 =	sshll.u32 s28, $0x1;
	[dreg:$0x2] =	wrdreg s3  }
0xa9: {  	[dreg:$0x3] =	wrdreg s5  }
0xaa: {  	[dreg:$0x4] =	wrdreg $0xC0  }
0xab: {  	_ =	task [dreg:s7], $0x5FFFF  }
0xac: {  	[dreg:$0x1] =	wrdreg $0xFFFFFFFF  }
0xad: {  	[dreg:$0x0] =	wrdreg $0x60  }
0xae: {  	[dreg:$0x2] =	wrdreg s24  }
0xaf: {  	[dreg:$0x3] =	wrdreg s2  }
0xb0: {  	[dreg:$0x4] =	wrdreg $0x5D700  }
0xb1: {  	[dreg:$0x5] =	wrdreg $0x9  }
0xb2: {  	_ =	task.clear_ibuf [dreg:s7], $0x6FFFF;
	_ =	strace $0x9000004F  }
0xb3: {  	s29 =	simm.s32 $0x9;
	_ =	strace $0x80000051  }
0xb4: {  	_ =	swait.ge [sflag:s29], $0x1  }
0xb5: {  	[sflag:s29] =	ssyncadd.s32 $0xFFFFFFFF  }
0xb6: {  	_ =	strace $0x90000051  }
0xb7: {  	_ =	sfence  }
0xb8: {  	s30 =	sld [smem:$0x0];
	_ =	sdelay $0x2  }
0xb9: {  	s31 =	sshll.u32 s1, $0xD;
	s1 =	sshrl.u32 s1, $0x2  }
0xba: {  	s3 =	sand.u32 $0x4000, s31;
	s1 =	sadd.s32 s1, s30  }
0xbb: {  	s0 =	sor.u32 s3, s0;
	s1 =	sshll.u32 s1, $0x11  }
0xbc: {  	s0 =	sor.u32 s1, s0  }
0xbd: {  	s0 =	sadd.s32 $0x8F2B, s0  }
0xbe: {  	[sflag:s0] =	ssyncadd.remote.s32 $0x1  }
0xbf: {  	_ =	sfence.sel $0xFFFF  }
0xc0: {  	[dreg:$0x0] =	wrdreg $0xFFFFFFFF;
	(pc) =	sbr.abs _section_cstart, $3  }
0xc1: {  	[dreg:$0x1] =	wrdreg $0xFFFFFFFF  }
0xc2: {  	_ =	task.clear_ibuf [dreg:s7], $0x2FFFF;
	_ =	strace $0x9FFFFFFF  }
0xc3: {  	(tm) =	ssettm $0x7FFFFFFF  }
tec
execute0_lowered:
.L_overlay_start_1:
0x0: {  	(tag) =	ssettag $0x1  }
0x1: {  	s10 =	rddreg [dreg:$0x0]  }
0x2: {  	s1 =	rddreg [dreg:$0x1]  }
0x3: {  	s3 =	rddreg [dreg:$0x2]  }
0x4: {  	s0 =	rddreg [dreg:$0x3];
	s4 =	simm.s32 $0x0;
	s5 =	srdreg.scid  }
0x5: {  	s2 =	stileid.u32;
	s16 =	simm.s32 $0x50;
	s17 =	simm.s32 $0xA0  }
0x6: {  	s18 =	simm.s32 $0x28A0;
	s19 =	simm.s32 $0x2DA0;
	s20 =	simm.s32 $0x1  }
0x7: {  	s21 =	simm.s32 $0x2DF0;
	[smem:$0x7FF] =	sst s4;
	s11 =	sand.u32 $0x1, s5  }
0x8: {  	s12 =	smul.u32 $0x17C00, s2;
	s5 =	sadd.s32 $0x5E9600, s10;
	s6 =	sadd.s32 $0x10000, s10  }
0x9: {  	s7 =	sadd.s32 $0x6200, s10;
	s8 =	sadd.s32 $0x4FBE00, s10;
	s31 =	sshll.u32 s2, $0x6  }
0xa: {  	s9 =	smul.u32 $0x17C000, s11;
	s14 =	ssub.s32 $0x2, s11;
	s29 =	sshll.u32 s11, $0x4  }
0xb: {  	_ =	strace $0x80000050;
	s15 =	sshrl.u32 s14, $0x1;
	s11 =	sor.u32 s2, s29  }
0xc: {  	s30 =	sadd.s32 s12, s3;
	s13 =	sadd.s32 s12, s9;
	s9 =	sadd.s32 $0x5BF400, s10  }
0xd: {  	s14 =	ssub.s32 s14, s15;
	s11 =	smul.u32 $0x2710, s11;
	s13 =	sshrl.u32 s13, $0x3  }
0xe: {  	s15 =	simm.s32 $0x2;
	s13 =	sadd.s32 s13, s10;
	s10 =	sor.u32 $0x1C02, s31  }
0xf: {  	v0 =	vimm.f32 $0.0e+00;
	v1 =	vlaneseq.u32;
	s12 =	sadd.s32 $0x689600, s13;
	s13 =	smax.u32 s14, $0x1;
	s14 =	sshrl.u32 s30, $0x3  }
.LBB2_1:
0x10: {  	[spmem:s14], [sflag:s10] =	dma.local [hbm:s9], $0x2F80  }
0x11: {  	_ =	swait.ge [sflag:s15], $0x2F80  }
0x12: {  	[sflag:s15] =	ssyncset.done $0x0  }
0x13: {  	s22 =	simm.s32 $0x480;
	s23 =	simm.s32 $0x88;
	[sflag:s15] =	ssyncadd.s32 $0xFFFFD080  }
.LBB2_2:
0x14: {  	p0 =	sne.s32 s22, $0xBDC0;
	[tilespmem:s23+$0x2DF0] =	vst v0;
	s23 =	smov.u32 s22;
	s22 =	sadd.s32 $0x260, s22  }
.Ltmp0:
0x15: {  	(pc) =	sbr.rel @p0 .LBB2_2-.Ltmp0, $2  }
0x16: {  	_ =	sdelay $0x2  }
0x17: {  	s23 =	sshra.s32 s23, $0x2  }
0x18: {  	[tilespmem:s23+$0x2DF0] =	vst v0  }
0x19: {  	s22 =	simm.s32 $0x0;
	s23 =	simm.s32 $0x0;
	[bflag:$0x0] =	sbarrier.arrive $0xFFFF  }
.LBB2_4:
0x1a: {  	s24 =	smul.u32 $0x50, s23;
	_ =	sdelay $0x1  }
0x1b: {  	s24 =	sadd.s32 s11, s24  }
0x1c: {  	s25 =	sshrl.u32 s24, $0x3  }
0x1d: {  	s26 =	sadd.s32 s6, s25  }
0x1e: {  	[tilespmem:s22], [sflag:$0x2] =	stream.linear.gather [hbm4b:s26+s22], $0x50, $0x38;
	[tilespmem:$0x1D970] =	vst v63  }
0x1f: {  	_ =	swait.ge [sflag:s15], $0x50  }
0x20: {  	[sflag:s15] =	ssyncset.done $0x0  }
0x21: {  	s30 =	sadd.s32 s7, s25;
	[sflag:s15] =	ssyncadd.s32 $0xFFFFFFB0  }
0x22: {  	[tilespmem:s16], [sflag:$0x2] =	stream.linear.gather [hbm4b:s30+s22], $0x50, $0x38;
	[tilespmem:$0x1D970] =	vst v63  }
0x23: {  	_ =	swait.ge [sflag:s15], $0x50  }
0x24: {  	[sflag:s15] =	ssyncset.done $0x0  }
0x25: {  	s24 =	sshll.u32 s24, $0x1;
	[sflag:s15] =	ssyncadd.s32 $0xFFFFFFB0  }
0x26: {  	[tilespmem:s17], [sflag:$0x1] =	stream.indirect.gather [hbm4b:s5+s16], $0x80, s22, s16, $0xb8;
	[tilespmem:$0x1D970] =	vst v63  }
0x27: {  	s24 =	sadd.s32 s8, s24  }
0x28: {  	[tilespmem:s18], [sflag:$0x2] =	stream.linear.gather [hbm4b:s24+s22], $0x500, $0x38;
	[tilespmem:$0x1D970] =	vst v63  }
0x29: {  	_ =	swait.ge [sflag:s15], $0x500  }
0x2a: {  	[sflag:s15] =	ssyncset.done $0x0  }
0x2b: {  	s31 =	sadd.s32 s1, s25;
	[sflag:s15] =	ssyncadd.s32 $0xFFFFFB00  }
0x2c: {  	[tilespmem:s19], [sflag:$0x2] =	stream.linear.gather [hbm4b:s31+s22], $0x50, $0x38;
	[tilespmem:$0x1D970] =	vst v63  }
0x2d: {  	_ =	swait.ge [sflag:s15], $0x50  }
0x2e: {  	[sflag:s15] =	ssyncset.done $0x0  }
0x2f: {  	[sflag:s15] =	ssyncadd.s32 $0xFFFFFFB0  }
0x30: {  	_ =	swait.ge [sflag:s20], $0x2800  }
0x31: {  	[sflag:s20] =	ssyncset.done $0x0  }
0x32: {  	s24 =	simm.s32 $0x0;
	[sflag:s20] =	ssyncadd.s32 $0xFFFFD800  }
.LBB2_5:
0x33: {  	s25 =	simm.s32 $0x0  }
0x34: {  	s26 =	sshll.u32 s24, $0x4;
	v2 =	vmov s25  }
0x35: {  	v4 =	vor.u32 s26, v1;
	v3 =	vshrl.u32 v2, $0x3  }
0x36: {  	v2 =	vmul.u32 $0x98, v4;
	v3 =	vshll.u32 v3, $0x3  }
0x37: {  	v21 =	vbroadcast v3, $0x0  }
0x38: {  	v6 =	vshll.u32 v4, $0x7;
	v3 =	vld [tilespmem:s26+$0x2DA0];
	v5 =	vadd.s32 $0x90, v2  }
0x39: {  	v7 =	vor.u32 v6, v21;
	_ =	sdelay $0x3  }
0x3a: {  	[tilespmem:v5+s21+$0x0] =	vst.idx.msk $0xffff, v3  }
0x3b: {  	v7 =	vld.idx.msk [tilespmem:v7+s17+$0x0], $0xffff;
	_ =	sdelay $0x1  }
0x3c: {  	v8 =	vadd.s32 v2, v21;
	v5 =	vor.u32 $0x1, v6  }
0x3d: {  	v9 =	vadd.s32 v5, v21;
	_ =	sdelay $0x1  }
0x3e: {  	v7 =	vmul.f32 v7, v3;
	_ =	sdelay $0x1  }
0x3f: {  	[tilespmem:v8+s21+$0x0] =	vst.idx.msk $0xffff, v7  }
0x40: {  	v9 =	vld.idx.msk [tilespmem:v9+s17+$0x0], $0xffff  }
0x41: {  	v7 =	vor.u32 $0x1, v2  }
0x42: {  	v8 =	vor.u32 $0x2, v6;
	v10 =	vadd.s32 v7, v21  }
0x43: {  	v11 =	vadd.s32 v8, v21;
	_ =	sdelay $0x1  }
0x44: {  	v9 =	vmul.f32 v9, v3;
	_ =	sdelay $0x1  }
0x45: {  	[tilespmem:v10+s21+$0x0] =	vst.idx.msk $0xffff, v9  }
0x46: {  	v11 =	vld.idx.msk [tilespmem:v11+s17+$0x0], $0xffff  }
0x47: {  	v9 =	vor.u32 $0x2, v2  }
0x48: {  	v10 =	vor.u32 $0x3, v6;
	v12 =	vadd.s32 v9, v21  }
0x49: {  	v13 =	vadd.s32 v10, v21;
	_ =	sdelay $0x1  }
0x4a: {  	v11 =	vmul.f32 v11, v3;
	_ =	sdelay $0x1  }
0x4b: {  	[tilespmem:v12+s21+$0x0] =	vst.idx.msk $0xffff, v11  }
0x4c: {  	v13 =	vld.idx.msk [tilespmem:v13+s17+$0x0], $0xffff  }
0x4d: {  	v11 =	vor.u32 $0x3, v2  }
0x4e: {  	v12 =	vor.u32 $0x4, v6;
	v14 =	vadd.s32 v11, v21  }
0x4f: {  	v15 =	vadd.s32 v12, v21;
	_ =	sdelay $0x1  }
0x50: {  	v13 =	vmul.f32 v13, v3;
	_ =	sdelay $0x1  }
0x51: {  	[tilespmem:v14+s21+$0x0] =	vst.idx.msk $0xffff, v13  }
0x52: {  	v15 =	vld.idx.msk [tilespmem:v15+s17+$0x0], $0xffff  }
0x53: {  	v13 =	vor.u32 $0x4, v2  }
0x54: {  	v14 =	vor.u32 $0x5, v6;
	v16 =	vadd.s32 v13, v21  }
0x55: {  	v17 =	vadd.s32 v14, v21;
	_ =	sdelay $0x1  }
0x56: {  	v15 =	vmul.f32 v15, v3;
	_ =	sdelay $0x1  }
0x57: {  	[tilespmem:v16+s21+$0x0] =	vst.idx.msk $0xffff, v15  }
0x58: {  	v17 =	vld.idx.msk [tilespmem:v17+s17+$0x0], $0xffff  }
0x59: {  	v15 =	vor.u32 $0x5, v2  }
0x5a: {  	v16 =	vor.u32 $0x6, v6;
	v18 =	vadd.s32 v15, v21  }
0x5b: {  	v19 =	vadd.s32 v16, v21;
	_ =	sdelay $0x1  }
0x5c: {  	v17 =	vmul.f32 v17, v3;
	_ =	sdelay $0x1  }
0x5d: {  	[tilespmem:v18+s21+$0x0] =	vst.idx.msk $0xffff, v17  }
0x5e: {  	v19 =	vld.idx.msk [tilespmem:v19+s17+$0x0], $0xffff  }
0x5f: {  	v17 =	vor.u32 $0x6, v2  }
0x60: {  	v20 =	vadd.s32 v17, v21  }
0x61: {  	v18 =	vor.u32 $0x7, v6  }
0x62: {  	v22 =	vadd.s32 v18, v21  }
0x63: {  	v19 =	vmul.f32 v19, v3  }
0x64: {  	s31 =	simm.s32 $0x8  }
0x65: {  	[tilespmem:v20+s21+$0x0] =	vst.idx.msk $0xffff, v19;
	v19 =	vmov s31  }
0x66: {  	v19 =	vshrl.u32 v19, $0x3  }
0x67: {  	v23 =	vld.idx.msk [tilespmem:v22+s17+$0x0], $0xffff;
	v19 =	vshll.u32 v19, $0x3  }
0x68: {  	v20 =	vbroadcast v19, $0x0;
	v19 =	vor.u32 $0x7, v2  }
0x69: {  	v22 =	vadd.s32 v19, v21  }
0x6a: {  	v21 =	vor.u32 v6, v20;
	_ =	sdelay $0x1  }
0x6b: {  	s25 =	simm.s32 $0x10;
	v23 =	vmul.f32 v23, v3  }
.LBB2_6:
0x6c: {  	_ = 	snop  }
0x6d: {  	p0 =	sne.s32 s25, $0x78;
	s26 =	smov.u32 s25;
	s25 =	sadd.s32 $0x8, s25;
	[tilespmem:v22+s21+$0x0] =	vst.idx.msk $0xffff, v23  }
0x6e: {  	v21 =	vld.idx.msk [tilespmem:v21+s17+$0x0], $0xffff;
	_ =	sdelay $0x2  }
0x6f: {  	v22 =	vadd.s32 v2, v20  }
0x70: {  	v23 =	vadd.s32 v5, v20;
	_ =	sdelay $0x1  }
0x71: {  	v21 =	vmul.f32 v21, v3;
	_ =	sdelay $0x1  }
0x72: {  	[tilespmem:v22+s21+$0x0] =	vst.idx.msk $0xffff, v21  }
0x73: {  	v21 =	vld.idx.msk [tilespmem:v23+s17+$0x0], $0xffff;
	_ =	sdelay $0x2  }
0x74: {  	v22 =	vadd.s32 v7, v20  }
0x75: {  	v23 =	vadd.s32 v8, v20;
	_ =	sdelay $0x1  }
0x76: {  	v21 =	vmul.f32 v21, v3;
	_ =	sdelay $0x1  }
0x77: {  	[tilespmem:v22+s21+$0x0] =	vst.idx.msk $0xffff, v21  }
0x78: {  	v21 =	vld.idx.msk [tilespmem:v23+s17+$0x0], $0xffff;
	_ =	sdelay $0x2  }
0x79: {  	v22 =	vadd.s32 v9, v20  }
0x7a: {  	v23 =	vadd.s32 v10, v20;
	_ =	sdelay $0x1  }
0x7b: {  	v21 =	vmul.f32 v21, v3;
	_ =	sdelay $0x1  }
0x7c: {  	[tilespmem:v22+s21+$0x0] =	vst.idx.msk $0xffff, v21  }
0x7d: {  	v21 =	vld.idx.msk [tilespmem:v23+s17+$0x0], $0xffff;
	_ =	sdelay $0x2  }
0x7e: {  	v22 =	vadd.s32 v11, v20  }
0x7f: {  	v23 =	vadd.s32 v12, v20;
	_ =	sdelay $0x1  }
0x80: {  	v21 =	vmul.f32 v21, v3;
	_ =	sdelay $0x1  }
0x81: {  	[tilespmem:v22+s21+$0x0] =	vst.idx.msk $0xffff, v21  }
0x82: {  	v21 =	vld.idx.msk [tilespmem:v23+s17+$0x0], $0xffff;
	_ =	sdelay $0x2  }
0x83: {  	v22 =	vadd.s32 v13, v20  }
0x84: {  	v23 =	vadd.s32 v14, v20;
	_ =	sdelay $0x1  }
0x85: {  	v21 =	vmul.f32 v21, v3;
	_ =	sdelay $0x1  }
0x86: {  	[tilespmem:v22+s21+$0x0] =	vst.idx.msk $0xffff, v21  }
0x87: {  	v21 =	vld.idx.msk [tilespmem:v23+s17+$0x0], $0xffff;
	_ =	sdelay $0x2  }
0x88: {  	v22 =	vadd.s32 v15, v20  }
0x89: {  	v23 =	vadd.s32 v16, v20;
	_ =	sdelay $0x1  }
0x8a: {  	v21 =	vmul.f32 v21, v3;
	_ =	sdelay $0x1  }
0x8b: {  	[tilespmem:v22+s21+$0x0] =	vst.idx.msk $0xffff, v21  }
0x8c: {  	v21 =	vld.idx.msk [tilespmem:v23+s17+$0x0], $0xffff;
	_ =	sdelay $0x2  }
0x8d: {  	v22 =	vadd.s32 v17, v20  }
0x8e: {  	v23 =	vadd.s32 v18, v20;
	_ =	sdelay $0x1  }
0x8f: {  	v21 =	vmul.f32 v21, v3;
	_ =	sdelay $0x1  }
0x90: {  	v24 =	vmov s26;
	[tilespmem:v22+s21+$0x0] =	vst.idx.msk $0xffff, v21  }
0x91: {  	v21 =	vshrl.u32 v24, $0x3;
	v23 =	vld.idx.msk [tilespmem:v23+s17+$0x0], $0xffff  }
0x92: {  	v21 =	vshll.u32 v21, $0x3  }
.Ltmp1:
0x93: {  	v24 =	vbroadcast v21, $0x0;
	(pc) =	sbr.rel @p0 .LBB2_6-.Ltmp1, $3  }
0x94: {  	v22 =	vadd.s32 v19, v20  }
0x95: {  	v21 =	vor.u32 v6, v24;
	v20 =	vmov v24;
	_ =	sdelay $0x1  }
0x96: {  	v23 =	vmul.f32 v23, v3  }
0x97: {  	_ =	sdelay $0x3  }
0x98: {  	[tilespmem:v22+s21+$0x0] =	vst.idx.msk $0xffff, v23  }
0x99: {  	v6 =	vld.idx.msk [tilespmem:v21+s17+$0x0], $0xffff;
	_ =	sdelay $0x1  }
0x9a: {  	v63 =	vadd.s32 v2, v20  }
0x9b: {  	v5 =	vadd.s32 v5, v20;
	_ =	sdelay $0x1  }
0x9c: {  	v6 =	vmul.f32 v6, v3;
	_ =	sdelay $0x1  }
0x9d: {  	[tilespmem:v63+s21+$0x0] =	vst.idx.msk $0xffff, v6  }
0x9e: {  	v5 =	vld.idx.msk [tilespmem:v5+s17+$0x0], $0xffff;
	_ =	sdelay $0x1  }
0x9f: {  	v22 =	vadd.s32 v7, v20  }
0xa0: {  	v23 =	vadd.s32 v8, v20;
	_ =	sdelay $0x1  }
0xa1: {  	v5 =	vmul.f32 v5, v3;
	_ =	sdelay $0x1  }
0xa2: {  	[tilespmem:v22+s21+$0x0] =	vst.idx.msk $0xffff, v5  }
0xa3: {  	v5 =	vld.idx.msk [tilespmem:v23+s17+$0x0], $0xffff;
	_ =	sdelay $0x1  }
0xa4: {  	v24 =	vadd.s32 v9, v20  }
0xa5: {  	v25 =	vadd.s32 v10, v20;
	_ =	sdelay $0x1  }
0xa6: {  	v5 =	vmul.f32 v5, v3;
	_ =	sdelay $0x1  }
0xa7: {  	[tilespmem:v24+s21+$0x0] =	vst.idx.msk $0xffff, v5  }
0xa8: {  	v5 =	vld.idx.msk [tilespmem:v25+s17+$0x0], $0xffff;
	_ =	sdelay $0x1  }
0xa9: {  	v26 =	vadd.s32 v11, v20  }
0xaa: {  	v27 =	vadd.s32 v12, v20;
	_ =	sdelay $0x1  }
0xab: {  	v5 =	vmul.f32 v5, v3;
	_ =	sdelay $0x1  }
0xac: {  	[tilespmem:v26+s21+$0x0] =	vst.idx.msk $0xffff, v5  }
0xad: {  	v5 =	vld.idx.msk [tilespmem:v27+s17+$0x0], $0xffff;
	_ =	sdelay $0x1  }
0xae: {  	v28 =	vadd.s32 v13, v20  }
0xaf: {  	v29 =	vadd.s32 v14, v20;
	_ =	sdelay $0x1  }
0xb0: {  	v5 =	vmul.f32 v5, v3;
	_ =	sdelay $0x1  }
0xb1: {  	[tilespmem:v28+s21+$0x0] =	vst.idx.msk $0xffff, v5  }
0xb2: {  	v5 =	vld.idx.msk [tilespmem:v29+s17+$0x0], $0xffff;
	_ =	sdelay $0x1  }
0xb3: {  	v30 =	vadd.s32 v15, v20  }
0xb4: {  	v31 =	vadd.s32 v16, v20;
	_ =	sdelay $0x1  }
0xb5: {  	v5 =	vmul.f32 v5, v3;
	_ =	sdelay $0x1  }
0xb6: {  	[tilespmem:v30+s21+$0x0] =	vst.idx.msk $0xffff, v5  }
0xb7: {  	v5 =	vld.idx.msk [tilespmem:v31+s17+$0x0], $0xffff;
	_ =	sdelay $0x1  }
0xb8: {  	v32 =	vadd.s32 v17, v20  }
0xb9: {  	v33 =	vadd.s32 v18, v20;
	_ =	sdelay $0x1  }
0xba: {  	v5 =	vmul.f32 v5, v3;
	_ =	sdelay $0x1  }
0xbb: {  	[tilespmem:v32+s21+$0x0] =	vst.idx.msk $0xffff, v5  }
0xbc: {  	v5 =	vld.idx.msk [tilespmem:v33+s17+$0x0], $0xffff;
	_ =	sdelay $0x1  }
0xbd: {  	v34 =	vadd.s32 v19, v20  }
0xbe: {  	v4 =	vshll.u32 v4, $0x4;
	_ =	sdelay $0x1  }
0xbf: {  	v5 =	vmul.f32 v5, v3;
	_ =	sdelay $0x1  }
0xc0: {  	[tilespmem:v34+s21+$0x0] =	vst.idx.msk $0xffff, v5  }
0xc1: {  	v5 =	vld.idx.msk [tilespmem:v4+s18+$0x0], $0xffff;
	_ =	sdelay $0x1  }
0xc2: {  	v35 =	vadd.s32 $0x80, v2  }
0xc3: {  	v36 =	vor.u32 $0x1, v4;
	_ =	sdelay $0x1  }
0xc4: {  	v5 =	vmul.f32 v5, v3;
	_ =	sdelay $0x1  }
0xc5: {  	[tilespmem:v35+s21+$0x0] =	vst.idx.msk $0xffff, v5  }
0xc6: {  	v5 =	vld.idx.msk [tilespmem:v36+s18+$0x0], $0xffff;
	_ =	sdelay $0x1  }
0xc7: {  	v37 =	vadd.s32 $0x81, v2  }
0xc8: {  	v38 =	vor.u32 $0x2, v4;
	_ =	sdelay $0x1  }
0xc9: {  	v5 =	vmul.f32 v5, v3;
	_ =	sdelay $0x1  }
0xca: {  	[tilespmem:v37+s21+$0x0] =	vst.idx.msk $0xffff, v5  }
0xcb: {  	v5 =	vld.idx.msk [tilespmem:v38+s18+$0x0], $0xffff;
	_ =	sdelay $0x1  }
0xcc: {  	v39 =	vadd.s32 $0x82, v2  }
0xcd: {  	v40 =	vor.u32 $0x3, v4;
	_ =	sdelay $0x1  }
0xce: {  	v5 =	vmul.f32 v5, v3;
	_ =	sdelay $0x1  }
0xcf: {  	[tilespmem:v39+s21+$0x0] =	vst.idx.msk $0xffff, v5  }
0xd0: {  	v5 =	vld.idx.msk [tilespmem:v40+s18+$0x0], $0xffff;
	_ =	sdelay $0x1  }
0xd1: {  	v41 =	vadd.s32 $0x83, v2  }
0xd2: {  	v42 =	vor.u32 $0x4, v4;
	_ =	sdelay $0x1  }
0xd3: {  	v5 =	vmul.f32 v5, v3;
	_ =	sdelay $0x1  }
0xd4: {  	[tilespmem:v41+s21+$0x0] =	vst.idx.msk $0xffff, v5  }
0xd5: {  	v5 =	vld.idx.msk [tilespmem:v42+s18+$0x0], $0xffff;
	_ =	sdelay $0x1  }
0xd6: {  	v43 =	vadd.s32 $0x84, v2  }
0xd7: {  	v44 =	vor.u32 $0x5, v4;
	_ =	sdelay $0x1  }
0xd8: {  	v5 =	vmul.f32 v5, v3;
	_ =	sdelay $0x1  }
0xd9: {  	[tilespmem:v43+s21+$0x0] =	vst.idx.msk $0xffff, v5  }
0xda: {  	v5 =	vld.idx.msk [tilespmem:v44+s18+$0x0], $0xffff;
	_ =	sdelay $0x1  }
0xdb: {  	v45 =	vadd.s32 $0x85, v2  }
0xdc: {  	v46 =	vor.u32 $0x6, v4;
	_ =	sdelay $0x1  }
0xdd: {  	v5 =	vmul.f32 v5, v3;
	_ =	sdelay $0x1  }
0xde: {  	[tilespmem:v45+s21+$0x0] =	vst.idx.msk $0xffff, v5  }
0xdf: {  	v5 =	vld.idx.msk [tilespmem:v46+s18+$0x0], $0xffff;
	_ =	sdelay $0x1  }
0xe0: {  	v47 =	vadd.s32 $0x86, v2  }
0xe1: {  	v48 =	vor.u32 $0x7, v4;
	_ =	sdelay $0x1  }
0xe2: {  	v5 =	vmul.f32 v5, v3;
	_ =	sdelay $0x1  }
0xe3: {  	[tilespmem:v47+s21+$0x0] =	vst.idx.msk $0xffff, v5  }
0xe4: {  	v5 =	vld.idx.msk [tilespmem:v48+s18+$0x0], $0xffff;
	_ =	sdelay $0x1  }
0xe5: {  	v49 =	vadd.s32 $0x87, v2  }
0xe6: {  	v50 =	vor.u32 $0x8, v4;
	_ =	sdelay $0x1  }
0xe7: {  	v5 =	vmul.f32 v5, v3;
	_ =	sdelay $0x1  }
0xe8: {  	[tilespmem:v49+s21+$0x0] =	vst.idx.msk $0xffff, v5  }
0xe9: {  	v5 =	vld.idx.msk [tilespmem:v50+s18+$0x0], $0xffff;
	_ =	sdelay $0x1  }
0xea: {  	v51 =	vadd.s32 $0x88, v2  }
0xeb: {  	v52 =	vor.u32 $0x9, v4;
	_ =	sdelay $0x1  }
0xec: {  	v5 =	vmul.f32 v5, v3;
	_ =	sdelay $0x1  }
0xed: {  	[tilespmem:v51+s21+$0x0] =	vst.idx.msk $0xffff, v5  }
0xee: {  	v5 =	vld.idx.msk [tilespmem:v52+s18+$0x0], $0xffff;
	_ =	sdelay $0x1  }
0xef: {  	v53 =	vadd.s32 $0x89, v2  }
0xf0: {  	v54 =	vor.u32 $0xA, v4;
	_ =	sdelay $0x1  }
0xf1: {  	v5 =	vmul.f32 v5, v3;
	_ =	sdelay $0x1  }
0xf2: {  	[tilespmem:v53+s21+$0x0] =	vst.idx.msk $0xffff, v5  }
0xf3: {  	v5 =	vld.idx.msk [tilespmem:v54+s18+$0x0], $0xffff;
	_ =	sdelay $0x1  }
0xf4: {  	v55 =	vadd.s32 $0x8A, v2  }
0xf5: {  	v56 =	vor.u32 $0xB, v4;
	_ =	sdelay $0x1  }
0xf6: {  	v5 =	vmul.f32 v5, v3;
	_ =	sdelay $0x1  }
0xf7: {  	[tilespmem:v55+s21+$0x0] =	vst.idx.msk $0xffff, v5  }
0xf8: {  	v5 =	vld.idx.msk [tilespmem:v56+s18+$0x0], $0xffff;
	_ =	sdelay $0x1  }
0xf9: {  	v57 =	vadd.s32 $0x8B, v2  }
0xfa: {  	v58 =	vor.u32 $0xC, v4;
	_ =	sdelay $0x1  }
0xfb: {  	v5 =	vmul.f32 v5, v3;
	_ =	sdelay $0x1  }
0xfc: {  	[tilespmem:v57+s21+$0x0] =	vst.idx.msk $0xffff, v5  }
0xfd: {  	v5 =	vld.idx.msk [tilespmem:v58+s18+$0x0], $0xffff;
	_ =	sdelay $0x1  }
0xfe: {  	v59 =	vadd.s32 $0x8C, v2  }
0xff: {  	v60 =	vor.u32 $0xD, v4;
	_ =	sdelay $0x1  }
0x100: {  	v5 =	vmul.f32 v5, v3;
	_ =	sdelay $0x1  }
0x101: {  	[tilespmem:v59+s21+$0x0] =	vst.idx.msk $0xffff, v5  }
0x102: {  	v5 =	vld.idx.msk [tilespmem:v60+s18+$0x0], $0xffff;
	_ =	sdelay $0x1  }
0x103: {  	v61 =	vadd.s32 $0x8D, v2  }
0x104: {  	v62 =	vor.u32 $0xE, v4;
	_ =	sdelay $0x1  }
0x105: {  	v5 =	vmul.f32 v5, v3;
	_ =	sdelay $0x1  }
0x106: {  	[tilespmem:v61+s21+$0x0] =	vst.idx.msk $0xffff, v5  }
0x107: {  	v5 =	vld.idx.msk [tilespmem:v62+s18+$0x0], $0xffff;
	_ =	sdelay $0x1  }
0x108: {  	v63 =	vadd.s32 $0x8E, v2  }
0x109: {  	v4 =	vor.u32 $0xF, v4;
	_ =	sdelay $0x1  }
0x10a: {  	v5 =	vmul.f32 v5, v3;
	_ =	sdelay $0x1  }
0x10b: {  	[tilespmem:v63+s21+$0x0] =	vst.idx.msk $0xffff, v5  }
0x10c: {  	v4 =	vld.idx.msk [tilespmem:v4+s18+$0x0], $0xffff  }
0x10d: {  	s24 =	sadd.s32 $0x1, s24  }
0x10e: {  	p0 =	sne.s32 s24, $0x5;
	v2 =	vadd.s32 $0x8F, v2  }
.Ltmp2:
0x10f: {  	_ = 	snop;
	(pc) =	sbr.rel @p0 .LBB2_5-.Ltmp2, $3  }
0x110: {  	_ = 	snop  }
0x111: {  	v3 =	vmul.f32 v4, v3;
	_ =	sdelay $0x1  }
0x112: {  	[tilespmem:v2+s21+$0x0] =	vst.idx.msk $0xffff, v3  }
0x113: {  	s23 =	sadd.s32 $0x1, s23  }
0x114: {  	p0 =	sne.s32 s23, $0x7D  }
.Ltmp3:
0x115: {  	_ = 	snop;
	(pc) =	sbr.rel @p0 .LBB2_4-.Ltmp3, $4  }
0x116: {  	[spmem:s3] =	stream.indirect.scatter.add.f32 [tilespmem:s21], [sflag:$0x2], $0x98, s16, s16, $0xb8;
	[tilespmem:$0x1D970] =	vst v63  }
0x117: {  	_ =	swait.ge [sflag:s15], $0x2F80  }
0x118: {  	[sflag:s15] =	ssyncset.done $0x0  }
0x119: {  	[sflag:s15] =	ssyncadd.s32 $0xFFFFD080  }
0x11a: {  	s4 =	sadd.s32 $0x1, s4  }
0x11b: {  	p0 =	sne.s32 s4, s13  }
.Ltmp4:
0x11c: {  	[bflag:$0x0] =	sbarrier.arrive $0xFFFF;
	(pc) =	sbr.rel @p0 .LBB2_1-.Ltmp4, $4  }
0x11d: {  	[hbm:s12], [sflag:s10] =	dma.local [spmem:s14], $0x2F80  }
0x11e: {  	_ =	swait.ge [sflag:s15], $0x2F80  }
0x11f: {  	[sflag:s15] =	ssyncset.done $0x0  }
0x120: {  	[sflag:s15] =	ssyncadd.s32 $0xFFFFD080  }
0x121: {  	_ =	sfence.sel $0x180000  }
0x122: {  	[bflag:$0x0] =	sbarrier.arrive $0xFFFF  }
0x123: {  	p0 =	sne.s32 s2, $0x0;
	_ =	strace $0x90000050  }
0x124: {  	s0 =	sadd.s32 @!p0 $0x100000, s0;
	[bflag:$0x2] =	sbarrier.arrive $0xFFFF  }
0x125: {  	[sflag:s0] =	ssyncadd.tile.s32 @!p0 $0x1;
	_ =	shalt  }
.Lfunc_end2:
_tile_overlayer_lowered:
.L_overlay_start_2:
0x126: {  	(tag) =	ssettag $0x2  }
0x127: {  	s0 =	rddreg [dreg:$0x0];
	s2 =	stileid.u32  }
0x128: {  	s1 =	rddreg [dreg:$0x1];
	p0 =	sne.s32 s2, $0x0  }
0x129: {  	s3 =	rddreg [dreg:$0x2];
	[bflag:$0x3] =	sbarrier.arrive $0xFFFF;
	s2 =	simm.s32 @!p0 $0x1C02  }
0x12a: {  	[timem:s3], [sflag:s2] =	dma.local @!p0 [hbm:s0], s1  }
0x12b: {  	s0 =	simm.s32 @!p0 $0x2  }
0x12c: {  	_ =	swait.ge @!p0 [sflag:s0], s1  }
0x12d: {  	s1 =	ssub.s32 @!p0 $0x0, s1;
	[sflag:s0] =	ssyncset.done @!p0 $0x0  }
0x12e: {  	[sflag:s0] =	ssyncadd.s32 @!p0 s1  }
0x12f: {  	[bflag:$0x3] =	sbarrier.arrive $0xFFFF  }
0x130: {  	_ =	shalt  }

// kernel: kernel.23.cloned.1.call-start
scs
__scs_entry_jumppad:
0x0: {  	(pc) =	sbr.rel $0x88, $3  }
0x1: {  	(tag) =	ssettag $0x0;
	lr =	simm.s32 $0x1  }
0x2: {  	[smem:$0x3F86] =	sst lr;
	_ =	strace $0xD0000000  }
0x3: {  	_ = 	snop  }
0x4: {  	_ = 	snop  }
0x5: {  	_ = 	snop  }
0x6: {  	_ = 	snop  }
0x7: {  	_ = 	snop  }
__scs_overlays_trampoline_lowered:
0x8: {  	[smem:$0x3F95] =	sst s0  }
0x9: {  	[smem:$0x3F96] =	sst s1  }
0xa: {  	[smem:$0x3F97] =	sst s2  }
0xb: {  	[smem:$0x3F98] =	sst s3  }
0xc: {  	[smem:$0x3F99] =	sst s4  }
0xd: {  	[smem:$0x3F9A] =	sst s5  }
0xe: {  	[smem:$0x3F9B] =	sst s6  }
0xf: {  	[smem:$0x3F9C] =	sst s7  }
0x10: {  	[smem:$0x3F9D] =	sst s8  }
0x11: {  	[smem:$0x3F9E] =	sst s9;
	s0 =	simm.s32 @!p0 $0x0  }
0x12: {  	s1 =	sld [smem:$0x3F84];
	s0 =	simm.s32 @p0 $0x1  }
0x13: {  	[smem:$0x3F9F] =	sst s0;
	s0 =	simm.s32 @!p1 $0x0  }
0x14: {  	s2 =	sld [smem:$0x3F83];
	s0 =	simm.s32 @p1 $0x1  }
0x15: {  	[smem:$0x3FA0] =	sst s0;
	s0 =	simm.s32 @!p2 $0x0  }
0x16: {  	s3 =	sld [smem:$0x3FDB];
	s0 =	simm.s32 @p2 $0x1  }
0x17: {  	s4 =	simm.s32 $0x1BF5;
	[smem:$0x3FA2] =	sst s0  }
0x18: {  	s0 =	sld [smem:$0x3F85];
	_ =	swait.ge [sflag:s4], $0x0  }
0x19: {  	s7 =	sld [smem:$0x3F86]  }
0x1a: {  	s8 =	sadd.s32 $0xFFFFE003, lr  }
0x1b: {  	s9 =	sadd.s32 $0xFFFFFEF7, lr;
	s5 =	simm.s32 $0xFFFFFFFF;
	p2 =	slt.u32 s8, $0xFFFFF086  }
0x1c: {  	p1 =	slt.u32 s9, $0xF7A;
	s5 =	simm.s32 @!p2 $0x0  }
0x1d: {  	s5 =	simm.s32 @p1 $0x1;
	p0 =	seq.s32 s7, s2  }
0x1e: {  	s7 =	smul.u32 @!p0 $0xF7A, s2;
	p2 =	seq.s32 @!p0 s5, $0x0  }
0x1f: {  	s9 =	smul.u32 $0xF7A, s1;
	s8 =	simm.s32 @!p0 $0x1BF5;
	p2 =	por !p2, p0  }
0x20: {  	[sflag:s8] =	ssyncset.s32 @!p0 $0xFFFFF086;
	s6 =	sadd.s32 @!p0 s3, s7;
	s7 =	simm.s32 @!p0 $0x108  }
0x21: {  	s3 =	sadd.s32 s3, s9;
	s6 =	sadd.s32 @!p0 $0x88, s6;
	s7 =	simm.s32 @p2 $0x1082  }
0x22: {  	[simem:s7], [sflag:s8] =	dma.local @!p0 [hbm:s6], $0xF7A  }
0x23: {  	s9 =	sor.u32 $0xD0000000, s2;
	s6 =	simm.s32 $0x108;
	_ =	swait.ge @!p0 [sflag:s8], $0x0  }
0x24: {  	s3 =	sadd.s32 $0x88, s3;
	s6 =	simm.s32 @!p1 $0x1082;
	[sflag:s4] =	ssyncset.s32 $0xFFFFF086  }
0x25: {  	[simem:s6], [sflag:s4] =	dma.local [hbm:s3], $0xF7A  }
0x26: {  	[smem:$0x3F86] =	sst s1;
	(tag) =	ssettag s2;
	_ =	strace s9  }
0x27: {  	s1 =	sld [smem:$0x3F96]  }
0x28: {  	s2 =	sld [smem:$0x3F97]  }
0x29: {  	s4 =	sld [smem:$0x3F99]  }
0x2a: {  	p0 =	seq.s32 s5, $0x0;
	s5 =	sld [smem:$0x3F9A]  }
0x2b: {  	s6 =	sld [smem:$0x3F9B]  }
0x2c: {  	s7 =	sld [smem:$0x3F9C]  }
0x2d: {  	s3 =	simm.s32 $0x108;
	s8 =	sld [smem:$0x3F9D]  }
0x2e: {  	s3 =	simm.s32 @!p0 $0x1082;
	s9 =	sld [smem:$0x3F9E]  }
0x2f: {  	lr =	sadd.s32 s0, s3;
	s0 =	sld [smem:$0x3F95]  }
0x30: {  	s3 =	sld [smem:$0x3F98]  }
0x31: {  	[smem:$0x3FA1] =	sst s10  }
0x32: {  	s10 =	sld [smem:$0x3F9F];
	_ =	sdelay $0x3  }
0x33: {  	p0 =	seq.s32 s10, $0x1;
	s10 =	sld [smem:$0x3FA1];
	_ =	sdelay $0x3  }
0x34: {  	[smem:$0x3FA1] =	sst s10  }
0x35: {  	s10 =	sld [smem:$0x3FA0];
	_ =	sdelay $0x3  }
0x36: {  	p1 =	seq.s32 s10, $0x1;
	s10 =	sld [smem:$0x3FA1];
	_ =	sdelay $0x3  }
0x37: {  	[smem:$0x3FA1] =	sst s10  }
0x38: {  	s10 =	sld [smem:$0x3FA2]  }
0x39: {  	_ = 	snop;
	(pc) =	sbr.ind lr, $3  }
0x3a: {  	_ = 	snop  }
0x3b: {  	_ = 	snop  }
0x3c: {  	p2 =	seq.s32 s10, $0x1;
	s10 =	sld [smem:$0x3FA1]  }
0x3d: {  	_ =	shalt  }
0x3e: {  	_ =	shalt  }
0x3f: {  	_ =	shalt  }
0x40: {  	_ =	shalt  }
0x41: {  	_ =	shalt  }
0x42: {  	_ =	shalt  }
0x43: {  	_ =	shalt  }
0x44: {  	_ =	shalt  }
0x45: {  	_ =	shalt  }
0x46: {  	_ =	shalt  }
0x47: {  	_ =	shalt  }
0x48: {  	_ =	shalt  }
0x49: {  	_ =	shalt  }
0x4a: {  	_ =	shalt  }
0x4b: {  	_ =	shalt  }
0x4c: {  	_ =	shalt  }
0x4d: {  	_ =	shalt  }
0x4e: {  	_ =	shalt  }
0x4f: {  	_ =	shalt  }
0x50: {  	_ =	shalt  }
0x51: {  	_ =	shalt  }
0x52: {  	_ =	shalt  }
0x53: {  	_ =	shalt  }
0x54: {  	_ =	shalt  }
0x55: {  	_ =	shalt  }
0x56: {  	_ =	shalt  }
0x57: {  	_ =	shalt  }
0x58: {  	_ =	shalt  }
0x59: {  	_ =	shalt  }
0x5a: {  	_ =	shalt  }
0x5b: {  	_ =	shalt  }
0x5c: {  	_ =	shalt  }
0x5d: {  	_ =	shalt  }
0x5e: {  	_ =	shalt  }
0x5f: {  	_ =	shalt  }
0x60: {  	_ =	shalt  }
0x61: {  	_ =	shalt  }
0x62: {  	_ =	shalt  }
0x63: {  	_ =	shalt  }
0x64: {  	_ =	shalt  }
0x65: {  	_ =	shalt  }
0x66: {  	_ =	shalt  }
0x67: {  	_ =	shalt  }
0x68: {  	_ =	shalt  }
0x69: {  	_ =	shalt  }
0x6a: {  	_ =	shalt  }
0x6b: {  	_ =	shalt  }
0x6c: {  	_ =	shalt  }
0x6d: {  	_ =	shalt  }
0x6e: {  	_ =	shalt  }
0x6f: {  	_ =	shalt  }
0x70: {  	_ =	shalt  }
0x71: {  	_ =	shalt  }
0x72: {  	_ =	shalt  }
0x73: {  	_ =	shalt  }
0x74: {  	_ =	shalt  }
0x75: {  	_ =	shalt  }
0x76: {  	_ =	shalt  }
0x77: {  	_ =	shalt  }
0x78: {  	_ =	shalt  }
0x79: {  	_ =	shalt  }
0x7a: {  	_ =	shalt  }
0x7b: {  	_ =	shalt  }
0x7c: {  	_ =	shalt  }
0x7d: {  	_ =	shalt  }
0x7e: {  	_ =	shalt  }
0x7f: {  	_ =	shalt  }
0x80: {  	_ =	shalt  }
0x81: {  	_ =	shalt  }
0x82: {  	_ =	shalt  }
0x83: {  	_ =	shalt  }
0x84: {  	_ =	shalt  }
0x85: {  	_ =	shalt  }
0x86: {  	_ =	shalt  }
0x87: {  	_ =	shalt  }
.Lfunc_end0:
.L_simem_size_0:
called_computation.4_lowered:
.L_overlay_start_0:
0x88: {  	s2 =	sld [smem:$0x3FD9]  }
0x89: {  	s3 =	sld [smem:$0x3FFE];
	_ =	sdelay $0x1  }
0x8a: {  	s1 =	srdreg.scid  }
0x8b: {  	s0 =	sand.u32 $0x1, s1  }
0x8c: {  	s17 =	sshll.u32 s0, $0xA;
	s2 =	sadd.s32 s3, s2  }
0x8d: {  	s2 =	sadd.s32 s2, s17  }
0x8e: {  	[smem:$0x3FAD] =	sst s2  }
0x8f: {  	_ = 	snop  }
0x90: {  	s2 =	sld [smem:$0x3FD0];
	(tm) =	ssettm $0x1  }
0x91: {  	s18 =	sld [smem:$0x3FFB];
	_ =	sdelay $0x3  }
0x92: {  	_ =	strace s18  }
0x93: {  	s3 =	sld [smem:$0x3FFC];
	_ =	sdelay $0x3  }
0x94: {  	_ =	strace s3  }
0x95: {  	s3 =	sld [smem:$0x3FFD];
	_ =	sdelay $0x3  }
0x96: {  	_ =	strace s3  }
0x97: {  	_ =	strace $0x8FFFFFFF  }
0x98: {  	s19 =	sld [smem:$0x3FDB];
	_ =	sdelay $0x1  }
0x99: {  	s4 =	simm.s32 $_scs_section_size  }
0x9a: {  	s5 =	simm.s32 $_size__tile_overlayer_lowered;
	s6 =	simm.s32 $_tile_overlayer_lowered  }
0x9b: {  	s22 =	simm.s32 $0x1BFF;
	s21 =	sshll.u32 s6, $0x1;
	s3 =	sadd.s32 s4, s19  }
0x9c: {  	s7 =	simm.s32 $0x0;
	s20 =	sshll.u32 s5, $0x1;
	s5 =	sadd.s32 s21, s3  }
0x9d: {  	[timem:s7], [sflag:s22] =	dma.local [hbm:s5], s20  }
0x9e: {  	_ =	swait.ge [sflag:s22], s20  }
0x9f: {  	s4 =	ssub.s32 $0x0, s20;
	[sflag:s22] =	ssyncset.done $0x0  }
0xa0: {  	[sflag:s22] =	ssyncadd.s32 s4;
	_ =	sdelay $0x1  }
0xa1: {  	s23 =	simm.s32 $0x1B8B  }
0xa2: {  	_ =	swait.ge [sflag:s23], $0x1  }
0xa3: {  	[sflag:s23] =	ssyncset.done $0x0  }
0xa4: {  	s25 =	simm.s32 $0x1B8E;
	s24 =	sld [smem:$0x3FFE];
	[sflag:s23] =	ssyncadd.s32 $0xFFFFFFFF  }
0xa5: {  	s26 =	simm.s32 $execute0_lowered;
	[smem:$0x3FD2] =	sst s25  }
0xa6: {  	s5 =	sshll.u32 s26, $0x1;
	_ =	strace $0x80000052;
	[dreg:$0x1] =	wrdreg $0xFFFFFFFF  }
0xa7: {  	s28 =	simm.s32 $_size_execute0_lowered;
	s3 =	sadd.s32 s3, s5;
	[dreg:$0x0] =	wrdreg $0x0  }
0xa8: {  	s5 =	sshll.u32 s28, $0x1;
	[dreg:$0x2] =	wrdreg s3  }
0xa9: {  	[dreg:$0x3] =	wrdreg s5  }
0xaa: {  	[dreg:$0x4] =	wrdreg $0xC0  }
0xab: {  	_ =	task [dreg:s7], $0x5FFFF  }
0xac: {  	[dreg:$0x1] =	wrdreg $0xFFFFFFFF  }
0xad: {  	[dreg:$0x0] =	wrdreg $0x60  }
0xae: {  	[dreg:$0x2] =	wrdreg s24  }
0xaf: {  	[dreg:$0x3] =	wrdreg s2  }
0xb0: {  	[dreg:$0x4] =	wrdreg $0x9  }
0xb1: {  	_ =	task.clear_ibuf [dreg:s7], $0x5FFFF;
	_ =	strace $0x90000052  }
0xb2: {  	s29 =	simm.s32 $0x9;
	_ =	strace $0x80000054  }
0xb3: {  	_ =	swait.ge [sflag:s29], $0x1  }
0xb4: {  	[sflag:s29] =	ssyncadd.s32 $0xFFFFFFFF  }
0xb5: {  	_ =	strace $0x90000054  }
0xb6: {  	_ =	sfence  }
0xb7: {  	s30 =	sld [smem:$0x0];
	_ =	sdelay $0x2  }
0xb8: {  	s31 =	sshll.u32 s1, $0xD;
	s1 =	sshrl.u32 s1, $0x2  }
0xb9: {  	s3 =	sand.u32 $0x4000, s31;
	s1 =	sadd.s32 s1, s30  }
0xba: {  	s0 =	sor.u32 s3, s0;
	s1 =	sshll.u32 s1, $0x11  }
0xbb: {  	s0 =	sor.u32 s1, s0  }
0xbc: {  	s0 =	sadd.s32 $0x8F2B, s0  }
0xbd: {  	[sflag:s0] =	ssyncadd.remote.s32 $0x1  }
0xbe: {  	_ =	sfence.sel $0xFFFF  }
0xbf: {  	[dreg:$0x0] =	wrdreg $0xFFFFFFFF;
	(pc) =	sbr.abs _section_cstart, $3  }
0xc0: {  	[dreg:$0x1] =	wrdreg $0xFFFFFFFF  }
0xc1: {  	_ =	task.clear_ibuf [dreg:s7], $0x2FFFF;
	_ =	strace $0x9FFFFFFF  }
0xc2: {  	(tm) =	ssettm $0x7FFFFFFF  }
0xc3: {  	_ =	shalt  }
tec
execute0_lowered:
.L_overlay_start_1:
0x0: {  	(tag) =	ssettag $0x1  }
0x1: {  	s9 =	rddreg [dreg:$0x0]  }
0x2: {  	s1 =	rddreg [dreg:$0x1]  }
0x3: {  	s0 =	rddreg [dreg:$0x2]  }
0x4: {  	s2 =	simm.s32 $0x0;
	s6 =	srdreg.scid;
	s13 =	simm.s32 $0x3  }
0x5: {  	s14 =	simm.s32 $0x50;
	s15 =	simm.s32 $0xA0;
	s16 =	simm.s32 $0x28A0  }
0x6: {  	s17 =	simm.s32 $0x50A0;
	s18 =	simm.s32 $0x1;
	s19 =	simm.s32 $0x2  }
0x7: {  	s20 =	simm.s32 $0x7930;
	s21 =	simm.s32 $0x0;
	[smem:$0x7FF] =	sst s2  }
0x8: {  	s24 =	simm.s32 $0x0;
	s3 =	sadd.s32 $0x598400, s9;
	s4 =	sadd.s32 $0x5BF600, s9  }
0x9: {  	s5 =	sadd.s32 $0x6E8600, s9;
	s10 =	sand.u32 $0x1, s6;
	s7 =	sadd.s32 $0x10000, s9  }
0xa: {  	s8 =	sadd.s32 $0x6200, s9;
	s6 =	stileid.u32;
	s11 =	ssub.s32 $0x2, s10  }
0xb: {  	s9 =	sadd.s32 $0x598200, s9;
	s10 =	sshll.u32 s10, $0x4;
	s12 =	sshrl.u32 s11, $0x1  }
0xc: {  	v0 =	vlaneseq.u32;
	_ =	strace $0x80000053;
	s10 =	sor.u32 s6, s10;
	s11 =	ssub.s32 s11, s12  }
0xd: {  	v0 =	vmul.u32 $0x80, v0;
	s10 =	smul.u32 $0x2710, s10;
	s12 =	simm.s32 $0x78A0;
	s11 =	smax.u32 s11, $0x1  }
.LBB2_1:
0xe: {  	[tilespmem:s12], [sflag:$0x3] =	stream.linear.gather [hbm4b:s9+s2], $0x90, $0x38;
	[tilespmem:$0x7980] =	vst v63  }
0xf: {  	_ =	swait.ge [sflag:s13], $0x90  }
0x10: {  	[sflag:s13] =	ssyncset.done $0x0  }
0x11: {  	s22 =	simm.s32 $0x0;
	[sflag:s13] =	ssyncadd.s32 $0xFFFFFF70  }
.LBB2_2:
0x12: {  	s23 =	smul.u32 $0x50, s22;
	_ =	sdelay $0x1  }
0x13: {  	s25 =	sadd.s32 s10, s23  }
0x14: {  	s23 =	sshrl.u32 s25, $0x3  }
0x15: {  	s26 =	sadd.s32 s7, s23  }
0x16: {  	[tilespmem:s24], [sflag:$0x3] =	stream.linear.gather [hbm4b:s26+s24], $0x50, $0x38;
	[tilespmem:$0x7980] =	vst v63  }
0x17: {  	_ =	swait.ge [sflag:s13], $0x50  }
0x18: {  	[sflag:s13] =	ssyncset.done $0x0  }
0x19: {  	s31 =	sadd.s32 s8, s23;
	[sflag:s13] =	ssyncadd.s32 $0xFFFFFFB0  }
0x1a: {  	[tilespmem:s14], [sflag:$0x3] =	stream.linear.gather [hbm4b:s31+s24], $0x50, $0x38;
	[tilespmem:$0x7980] =	vst v63  }
0x1b: {  	_ =	swait.ge [sflag:s13], $0x50  }
0x1c: {  	[sflag:s13] =	ssyncset.done $0x0  }
0x1d: {  	[sflag:s13] =	ssyncadd.s32 $0xFFFFFFB0  }
0x1e: {  	[tilespmem:s15], [sflag:$0x1] =	stream.indirect.gather [hbm4b:s3+s14], $0x80, s24, s14, $0xb8;
	[tilespmem:$0x7980] =	vst v63  }
0x1f: {  	s25 =	sshll.u32 s25, $0x4  }
0x20: {  	[tilespmem:s16], [sflag:$0x2] =	stream.indirect.gather [hbm4b:s4+s14], $0x80, s14, s14, $0xb8;
	[tilespmem:$0x7980] =	vst v63  }
0x21: {  	s25 =	sadd.s32 s5, s25  }
0x22: {  	[tilespmem:s17], [sflag:$0x3] =	stream.linear.gather [hbm4b:s25+s24], $0x2800, $0x38;
	[tilespmem:$0x7980] =	vst v63  }
0x23: {  	_ =	swait.ge [sflag:s13], $0x2800  }
0x24: {  	[sflag:s13] =	ssyncset.done $0x0  }
0x25: {  	[sflag:s13] =	ssyncadd.s32 $0xFFFFD800  }
0x26: {  	_ =	swait.ge [sflag:s18], $0x2800  }
0x27: {  	[sflag:s18] =	ssyncset.done $0x0  }
0x28: {  	[sflag:s18] =	ssyncadd.s32 $0xFFFFD800  }
0x29: {  	_ =	swait.ge [sflag:s19], $0x2800  }
0x2a: {  	[sflag:s19] =	ssyncset.done $0x0  }
0x2b: {  	s25 =	simm.s32 $0x0;
	[sflag:s19] =	ssyncadd.s32 $0xFFFFD800  }
.LBB2_3:
0x2c: {  	s26 =	sshll.u32 s25, $0x4;
	v1 =	vmov s24  }
0x2d: {  	v2 =	vmov s26;
	v1 =	vshrl.u32 v1, $0x3  }
0x2e: {  	v2 =	vshll.u32 v2, $0x7;
	v1 =	vshll.u32 v1, $0x3  }
0x2f: {  	v5 =	vor.u32 v0, v2;
	v2 =	vbroadcast v1, $0x0  }
0x30: {  	v6 =	vor.u32 $0x6, v5  }
0x31: {  	v7 =	vor.u32 $0x5, v5;
	v20 =	vadd.s32 v6, v2  }
0x32: {  	v11 =	vor.u32 $0x4, v5;
	v21 =	vadd.s32 v7, v2  }
0x33: {  	v12 =	vor.u32 $0x3, v5;
	v18 =	vadd.s32 v11, v2  }
0x34: {  	s28 =	simm.s32 $0x78A0;
	v14 =	vor.u32 $0x2, v5;
	v4 =	vadd.s32 v12, v2  }
0x35: {  	v1 =	vld [tilespmem:s28+$0x0];
	v16 =	vor.u32 $0x1, v5;
	v3 =	vadd.s32 v14, v2  }
0x36: {  	v8 =	vadd.s32 v16, v2;
	v13 =	vld.idx.msk [tilespmem:v20+s17+$0x0], $0xffff  }
0x37: {  	v10 =	vor.u32 v5, v2;
	v9 =	vld.idx.msk [tilespmem:v21+s17+$0x0], $0xffff  }
0x38: {  	v17 =	vld.idx.msk [tilespmem:v18+s17+$0x0], $0xffff  }
0x39: {  	v26 =	vld.idx.msk [tilespmem:v4+s17+$0x0], $0xffff  }
0x3a: {  	v23 =	vld.idx.msk [tilespmem:v3+s17+$0x0], $0xffff  }
0x3b: {  	v25 =	vld.idx.msk [tilespmem:v8+s17+$0x0], $0xffff  }
0x3c: {  	v19 =	vld.idx.msk [tilespmem:v10+s17+$0x0], $0xffff  }
0x3d: {  	v15 =	vld.idx.msk [tilespmem:v10+s15+$0x0], $0xffff  }
0x3e: {  	v10 =	vld.idx.msk [tilespmem:v10+s16+$0x0], $0xffff  }
0x3f: {  	v24 =	vld.idx.msk [tilespmem:v8+s15+$0x0], $0xffff  }
0x40: {  	s28 =	simm.s32 $0x8;
	v27 =	vld.idx.msk [tilespmem:v8+s16+$0x0], $0xffff  }
0x41: {  	v22 =	vmov s28;
	v28 =	vld.idx.msk [tilespmem:v3+s15+$0x0], $0xffff  }
0x42: {  	v8 =	vshrl.u32 v22, $0x3;
	v29 =	vld.idx.msk [tilespmem:v3+s16+$0x0], $0xffff  }
0x43: {  	v31 =	vimm.f32 $0.0e+00;
	v36 =	vbroadcast v1, $0x0;
	v30 =	vld.idx.msk [tilespmem:v4+s15+$0x0], $0xffff;
	v8 =	vshll.u32 v8, $0x3  }
0x44: {  	v3 =	vor.u32 $0x7, v5;
	v33 =	vld.idx.msk [tilespmem:v4+s16+$0x0], $0xffff;
	v8 =	vbroadcast v8, $0x0;
	v32 =	vadd.f32 v10, v15  }
0x45: {  	v59 =	vbroadcast v1, $0x1;
	v62 =	vbroadcast v1, $0x2;
	v34 =	vld.idx.msk [tilespmem:v18+s15+$0x0], $0xffff;
	v22 =	vadd.s32 v3, v2  }
0x46: {  	v35 =	vld.idx.msk [tilespmem:v18+s16+$0x0], $0xffff;
	v4 =	vadd.s32 v7, v8;
	v27 =	vadd.f32 v27, v24;
	v32 =	vadd.f32 v19, v32  }
0x47: {  	v2 =	vadd.s32 v6, v8;
	v18 =	vadd.s32 v14, v8;
	v10 =	vadd.s32 v11, v8;
	v24 =	vld.idx.msk [tilespmem:v21+s15+$0x0], $0xffff  }
0x48: {  	v28 =	vadd.f32 v29, v28;
	v37 =	vadd.f32 v25, v27;
	v27 =	vld.idx.msk [tilespmem:v21+s16+$0x0], $0xffff;
	v32 =	vmax.f32 v32, $0.0e+00  }
0x49: {  	v15 =	vadd.s32 v12, v8;
	v30 =	vadd.f32 v33, v30;
	v25 =	vld.idx.msk [tilespmem:v20+s15+$0x0], $0xffff;
	v29 =	vmul.f32 v32, v36  }
0x4a: {  	v33 =	vbroadcast v1, $0x3;
	v61 =	vadd.f32 v23, v28;
	v28 =	vld.idx.msk [tilespmem:v20+s16+$0x0], $0xffff;
	v60 =	vmax.f32 v37, $0.0e+00  }
0x4b: {  	s28 =	simm.s32 $0x78A8;
	v19 =	vadd.s32 v16, v8;
	v23 =	vld.idx.msk [tilespmem:v22+s15+$0x0], $0xffff;
	v32 =	vmul.f32 v60, v59;
	v31 =	vadd.f32 v29, v31  }
0x4c: {  	v20 =	vld [tilespmem:s28+$0x0];
	v63 =	vmax.f32 v61, $0.0e+00;
	v29 =	vadd.f32 v26, v30;
	v30 =	vadd.f32 v35, v34  }
0x4d: {  	s29 =	simm.s32 $0x10;
	v21 =	vor.u32 v5, v8;
	v26 =	vld.idx.msk [tilespmem:v22+s16+$0x0], $0xffff;
	v31 =	vadd.f32 v32, v31;
	v32 =	vmul.f32 v63, v62  }
.LBB2_4:
0x4e: {  	p0 =	sne.s32 s29, $0x78;
	v29 =	vmax.f32 v29, $0.0e+00;
	v17 =	vadd.f32 v17, v30;
	v24 =	vadd.f32 v27, v24;
	v22 =	vld.idx.msk [tilespmem:v22+s17+$0x0], $0xffff  }
0x4f: {  	v27 =	vld.idx.msk [tilespmem:v2+s17+$0x0], $0xffff;
	v30 =	vadd.f32 v32, v31;
	v29 =	vmul.f32 v29, v33;
	v31 =	vbroadcast v1, $0x4  }
0x50: {  	v25 =	vadd.f32 v28, v25;
	v32 =	vmax.f32 v17, $0.0e+00;
	v24 =	vadd.f32 v9, v24;
	v9 =	vld.idx.msk [tilespmem:v4+s17+$0x0], $0xffff  }
0x51: {  	v17 =	vld.idx.msk [tilespmem:v10+s17+$0x0], $0xffff;
	v28 =	vadd.f32 v29, v30;
	v29 =	vmul.f32 v32, v31;
	v30 =	vbroadcast v1, $0x5  }
0x52: {  	v32 =	vadd.f32 v13, v25;
	v23 =	vadd.f32 v26, v23;
	v31 =	vld.idx.msk [tilespmem:v15+s17+$0x0], $0xffff;
	v24 =	vmax.f32 v24, $0.0e+00  }
0x53: {  	v26 =	vld.idx.msk [tilespmem:v18+s17+$0x0], $0xffff;
	v25 =	vadd.f32 v29, v28;
	v24 =	vmul.f32 v24, v30;
	v28 =	vbroadcast v1, $0x6  }
0x54: {  	v30 =	vmax.f32 v32, $0.0e+00;
	v22 =	vadd.f32 v22, v23;
	v29 =	vld.idx.msk [tilespmem:v19+s17+$0x0], $0xffff  }
0x55: {  	v13 =	vmovc v27;
	v23 =	vld.idx.msk [tilespmem:v21+s17+$0x0], $0xffff;
	v24 =	vadd.f32 v24, v25;
	v25 =	vmul.f32 v30, v28;
	v28 =	vbroadcast v1, $0x7  }
0x56: {  	v22 =	vmax.f32 v22, $0.0e+00;
	v1 =	vmov v20;
	v27 =	vld.idx.msk [tilespmem:v21+s15+$0x0], $0xffff  }
0x57: {  	v20 =	vld.idx.msk [tilespmem:v21+s16+$0x0], $0xffff;
	v21 =	vadd.f32 v25, v24;
	v22 =	vmul.f32 v22, v28  }
0x58: {  	v24 =	vld.idx.msk [tilespmem:v19+s15+$0x0], $0xffff  }
0x59: {  	v25 =	vmov s29;
	v19 =	vld.idx.msk [tilespmem:v19+s16+$0x0], $0xffff;
	v30 =	vadd.f32 v22, v21  }
0x5a: {  	v21 =	vshrl.u32 v25, $0x3;
	v25 =	vld.idx.msk [tilespmem:v18+s15+$0x0], $0xffff  }
0x5b: {  	v21 =	vshll.u32 v21, $0x3;
	v28 =	vld.idx.msk [tilespmem:v18+s16+$0x0], $0xffff  }
0x5c: {  	v21 =	vbroadcast v21, $0x0;
	v32 =	vld.idx.msk [tilespmem:v15+s15+$0x0], $0xffff  }
0x5d: {  	v22 =	vadd.s32 v3, v8;
	v18 =	vadd.f32 v20, v27;
	v20 =	vld.idx.msk [tilespmem:v15+s16+$0x0], $0xffff  }
0x5e: {  	v33 =	vadd.s32 v11, v21;
	v34 =	vadd.s32 v7, v21;
	v35 =	vadd.s32 v6, v21;
	v36 =	vld.idx.msk [tilespmem:v10+s15+$0x0], $0xffff  }
0x5f: {  	v15 =	vadd.s32 v12, v21;
	v23 =	vadd.f32 v23, v18;
	v27 =	vadd.f32 v19, v24;
	v37 =	vld.idx.msk [tilespmem:v10+s16+$0x0], $0xffff  }
0x60: {  	v38 =	vbroadcast v1, $0x0;
	v8 =	vmovc v21;
	v19 =	vadd.s32 v16, v21;
	v18 =	vadd.s32 v14, v21;
	v24 =	vld.idx.msk [tilespmem:v4+s15+$0x0], $0xffff  }
0x61: {  	v10 =	vmovc v33;
	v23 =	vmax.f32 v23, $0.0e+00;
	v29 =	vadd.f32 v29, v27;
	v28 =	vadd.f32 v28, v25;
	v27 =	vld.idx.msk [tilespmem:v4+s16+$0x0], $0xffff  }
.Ltmp0:
0x62: {  	v21 =	vor.u32 v5, v8;
	v33 =	vbroadcast v1, $0x1;
	v23 =	vmul.f32 v23, v38;
	v4 =	vmovc v34;
	v25 =	vld.idx.msk [tilespmem:v2+s15+$0x0], $0xffff;
	(pc) =	sbr.rel @p0 .LBB2_4-.Ltmp0, $4  }
0x63: {  	v29 =	vmax.f32 v29, $0.0e+00;
	v26 =	vadd.f32 v26, v28;
	v20 =	vadd.f32 v20, v32;
	v28 =	vld.idx.msk [tilespmem:v2+s16+$0x0], $0xffff;
	v2 =	vmovc v35  }
0x64: {  	v34 =	vbroadcast v1, $0x2;
	v32 =	vadd.f32 v23, v30;
	v33 =	vmul.f32 v29, v33;
	v23 =	vld.idx.msk [tilespmem:v22+s15+$0x0], $0xffff  }
0x65: {  	s28 =	sadd.s32 $0x8, s28;
	v35 =	vmax.f32 v26, $0.0e+00;
	v29 =	vadd.f32 v31, v20;
	v30 =	vadd.f32 v37, v36;
	v26 =	vld.idx.msk [tilespmem:v22+s16+$0x0], $0xffff  }
0x66: {  	s29 =	sadd.s32 $0x8, s29;
	v31 =	vadd.f32 v33, v32;
	v32 =	vmul.f32 v35, v34;
	v33 =	vbroadcast v1, $0x3;
	v20 =	vld [tilespmem:s28+$0x0]  }
0x67: {  	_ =	sdelay $0x3  }
0x68: {  	v5 =	vld.idx.msk [tilespmem:v22+s17+$0x0], $0xffff  }
0x69: {  	v6 =	vld.idx.msk [tilespmem:v2+s17+$0x0], $0xffff  }
0x6a: {  	v7 =	vld.idx.msk [tilespmem:v4+s17+$0x0], $0xffff  }
0x6b: {  	v11 =	vld.idx.msk [tilespmem:v10+s17+$0x0], $0xffff  }
0x6c: {  	v12 =	vld.idx.msk [tilespmem:v15+s17+$0x0], $0xffff  }
0x6d: {  	v14 =	vld.idx.msk [tilespmem:v18+s17+$0x0], $0xffff  }
0x6e: {  	v60 =	vld.idx.msk [tilespmem:v19+s17+$0x0], $0xffff  }
0x6f: {  	v16 =	vadd.f32 v17, v30;
	v63 =	vld.idx.msk [tilespmem:v21+s17+$0x0], $0xffff  }
0x70: {  	v58 =	vmax.f32 v29, $0.0e+00;
	v59 =	vadd.f32 v27, v24;
	v62 =	vbroadcast v1, $0x4;
	v35 =	vld.idx.msk [tilespmem:v21+s16+$0x0], $0xffff  }
0x71: {  	v34 =	vbroadcast v1, $0x5;
	v61 =	vadd.f32 v32, v31;
	v17 =	vmul.f32 v58, v33;
	v33 =	vld.idx.msk [tilespmem:v21+s15+$0x0], $0xffff  }
0x72: {  	v36 =	vld.idx.msk [tilespmem:v19+s15+$0x0], $0xffff;
	v32 =	vadd.f32 v28, v25;
	v9 =	vadd.f32 v9, v59;
	v16 =	vmax.f32 v16, $0.0e+00  }
0x73: {  	v37 =	vbroadcast v1, $0x6;
	v38 =	vld.idx.msk [tilespmem:v19+s16+$0x0], $0xffff;
	v17 =	vadd.f32 v17, v61;
	v16 =	vmul.f32 v16, v62  }
0x74: {  	v39 =	vld.idx.msk [tilespmem:v18+s15+$0x0], $0xffff;
	v13 =	vadd.f32 v13, v32;
	v23 =	vadd.f32 v26, v23;
	v9 =	vmax.f32 v9, $0.0e+00  }
0x75: {  	v40 =	vld.idx.msk [tilespmem:v18+s16+$0x0], $0xffff;
	v1 =	vbroadcast v1, $0x7;
	v16 =	vadd.f32 v16, v17;
	v9 =	vmul.f32 v9, v34  }
0x76: {  	v41 =	vld.idx.msk [tilespmem:v15+s15+$0x0], $0xffff;
	v13 =	vmax.f32 v13, $0.0e+00;
	v5 =	vadd.f32 v5, v23;
	v42 =	vadd.f32 v35, v33  }
0x77: {  	v43 =	vld.idx.msk [tilespmem:v15+s16+$0x0], $0xffff;
	v3 =	vadd.s32 v3, v8;
	v13 =	vmul.f32 v13, v37;
	v9 =	vadd.f32 v9, v16  }
0x78: {  	v44 =	vld.idx.msk [tilespmem:v10+s15+$0x0], $0xffff;
	v19 =	vadd.f32 v38, v36;
	v5 =	vmax.f32 v5, $0.0e+00;
	v18 =	vadd.f32 v63, v42  }
0x79: {  	v45 =	vld.idx.msk [tilespmem:v10+s16+$0x0], $0xffff;
	v46 =	vbroadcast v20, $0x0;
	v1 =	vmul.f32 v5, v1;
	v9 =	vadd.f32 v13, v9  }
0x7a: {  	v47 =	vld.idx.msk [tilespmem:v4+s15+$0x0], $0xffff;
	v19 =	vadd.f32 v60, v19;
	v16 =	vadd.f32 v40, v39;
	v18 =	vmax.f32 v18, $0.0e+00  }
0x7b: {  	v48 =	vld.idx.msk [tilespmem:v4+s16+$0x0], $0xffff;
	v49 =	vbroadcast v20, $0x1;
	v1 =	vadd.f32 v1, v9;
	v8 =	vmul.f32 v18, v46  }
0x7c: {  	v50 =	vld.idx.msk [tilespmem:v2+s15+$0x0], $0xffff;
	v19 =	vmax.f32 v19, $0.0e+00;
	v14 =	vadd.f32 v14, v16;
	v13 =	vadd.f32 v43, v41  }
0x7d: {  	v2 =	vld.idx.msk [tilespmem:v2+s16+$0x0], $0xffff;
	v52 =	vbroadcast v20, $0x2;
	v51 =	vmul.f32 v19, v49;
	v1 =	vadd.f32 v8, v1  }
0x7e: {  	v53 =	vld.idx.msk [tilespmem:v3+s15+$0x0], $0xffff;
	v5 =	vadd.f32 v45, v44;
	v14 =	vmax.f32 v14, $0.0e+00;
	v12 =	vadd.f32 v12, v13  }
0x7f: {  	v56 =	vbroadcast v20, $0x3;
	v54 =	vld.idx.msk [tilespmem:v3+s16+$0x0], $0xffff;
	v55 =	vmul.f32 v14, v52;
	v1 =	vadd.f32 v51, v1  }
0x80: {  	v4 =	vadd.f32 v48, v47;
	v5 =	vadd.f32 v11, v5;
	v12 =	vmax.f32 v12, $0.0e+00  }
0x81: {  	v58 =	vbroadcast v20, $0x4;
	v3 =	vld.idx.msk [tilespmem:v3+s17+$0x0], $0xffff;
	v57 =	vmul.f32 v12, v56;
	v1 =	vadd.f32 v55, v1  }
0x82: {  	v2 =	vadd.f32 v2, v50;
	v4 =	vadd.f32 v7, v4;
	v5 =	vmax.f32 v5, $0.0e+00  }
0x83: {  	v59 =	vbroadcast v20, $0x5;
	v5 =	vmul.f32 v5, v58;
	v1 =	vadd.f32 v57, v1  }
0x84: {  	v2 =	vadd.f32 v6, v2;
	v4 =	vmax.f32 v4, $0.0e+00;
	v60 =	vadd.f32 v54, v53  }
0x85: {  	v61 =	vbroadcast v20, $0x6;
	v4 =	vmul.f32 v4, v59;
	v1 =	vadd.f32 v5, v1  }
0x86: {  	v2 =	vmax.f32 v2, $0.0e+00;
	v3 =	vadd.f32 v3, v60  }
0x87: {  	v62 =	vbroadcast v20, $0x7;
	v2 =	vmul.f32 v2, v61;
	v1 =	vadd.f32 v4, v1  }
0x88: {  	v63 =	vld.msk [tilespmem:$0x7920 ss:$0x0], $0xffff;
	v3 =	vmax.f32 v3, $0.0e+00  }
0x89: {  	s25 =	sadd.s32 $0x1, s25;
	v1 =	vadd.f32 v2, v1;
	v2 =	vmul.f32 v3, v62  }
0x8a: {  	p0 =	sne.s32 s25, $0x5  }
.Ltmp1:
0x8b: {  	v1 =	vadd.f32 v2, v1;
	(pc) =	sbr.rel @p0 .LBB2_3-.Ltmp1, $3  }
0x8c: {  	_ = 	snop  }
0x8d: {  	v1 =	vadd.f32 v63, v1;
	_ =	sdelay $0x1  }
0x8e: {  	[tilespmem:s26+$0x7930] =	vst v1  }
0x8f: {  	s22 =	sadd.s32 $0x1, s22  }
0x90: {  	p0 =	sne.s32 s22, $0x7D  }
.Ltmp2:
0x91: {  	s23 =	sadd.s32 s1, s23;
	(pc) =	sbr.rel @p0 .LBB2_2-.Ltmp2, $4  }
0x92: {  	[hbm4b:s23+s2] =	stream.linear.scatter [tilespmem:s20], [sflag:$0x3], $0x50, $0x38;
	[tilespmem:$0x7980] =	vst v63  }
0x93: {  	_ =	swait.ge [sflag:s13], $0x50  }
0x94: {  	[sflag:s13] =	ssyncset.done $0x0  }
0x95: {  	[sflag:s13] =	ssyncadd.s32 $0xFFFFFFB0  }
0x96: {  	s21 =	sadd.s32 $0x1, s21  }
0x97: {  	p0 =	sne.s32 s21, s11  }
.Ltmp3:
0x98: {  	_ = 	snop;
	(pc) =	sbr.rel @p0 .LBB2_1-.Ltmp3, $1  }
0x99: {  	_ =	sdelay $0x3  }
0x9a: {  	_ =	sfence.sel $0x180000  }
0x9b: {  	[bflag:$0x0] =	sbarrier.arrive $0xFFFF  }
0x9c: {  	p0 =	sne.s32 s6, $0x0;
	_ =	strace $0x90000053  }
0x9d: {  	s0 =	sadd.s32 @!p0 $0x100000, s0;
	[bflag:$0x2] =	sbarrier.arrive $0xFFFF  }
0x9e: {  	[sflag:s0] =	ssyncadd.tile.s32 @!p0 $0x1;
	_ =	shalt  }
.Lfunc_end2:
_tile_overlayer_lowered:
.L_overlay_start_2:
0x9f: {  	(tag) =	ssettag $0x2  }
0xa0: {  	s0 =	rddreg [dreg:$0x0];
	s2 =	stileid.u32  }
0xa1: {  	s1 =	rddreg [dreg:$0x1];
	p0 =	sne.s32 s2, $0x0  }
0xa2: {  	s3 =	rddreg [dreg:$0x2];
	[bflag:$0x3] =	sbarrier.arrive $0xFFFF;
	s2 =	simm.s32 @!p0 $0x1C03  }
0xa3: {  	[timem:s3], [sflag:s2] =	dma.local @!p0 [hbm:s0], s1  }
0xa4: {  	s0 =	simm.s32 @!p0 $0x3  }
0xa5: {  	_ =	swait.ge @!p0 [sflag:s0], s1  }
0xa6: {  	s1 =	ssub.s32 @!p0 $0x0, s1;
	[sflag:s0] =	ssyncset.done @!p0 $0x0  }
0xa7: {  	[sflag:s0] =	ssyncadd.s32 @!p0 s1  }
0xa8: {  	[bflag:$0x3] =	sbarrier.arrive $0xFFFF  }
0xa9: {  	_ =	shalt  }

</sc_bundles>
